<compile_context>
chip_gen: v7x
topology: tpu7x:2x2x1
jax: 0.10.2.dev20260603
libtpu: 0.0.44.dev20260713+nightly
codegen_flags: <defaults>
</compile_context>

<pallas_src>
import functools

import jax
import jax.numpy as jnp
from jax import lax
from jax.experimental import pallas as pl
from jax.experimental.pallas import tpu as pltpu
from jax.experimental.pallas import tpu_sc as plsc

_B, _S, _D = 4, 4096, 1024
_NW = 32
_RPW = _S // _NW
_PCH = 16
_NCH = _RPW // _PCH
_RING = 5
_AHEAD = 3


def _sc_body(x_hbm, p_hbm, o_hbm, pos_v, in_v, psem, isem, osem):
    wid = lax.axis_index("s") * 2 + lax.axis_index("c")
    base = wid * _RPW

    def pos_copy(c, pb):
        return pltpu.async_copy(
            p_hbm.at[pl.ds(base + c * _PCH, _PCH), :], pos_v.at[pb], psem)

    def in_copy(c, b, ib):
        row = b * _S + base + c * _PCH
        return pltpu.async_copy(
            x_hbm.at[pl.ds(row, _PCH), :], in_v.at[ib], isem)

    def out_copy(c, b, ib):
        row = b * _S + base + c * _PCH
        return pltpu.async_copy(
            in_v.at[ib], o_hbm.at[pl.ds(row, _PCH), :], osem)

    iters = [(c, b) for c in range(_NCH) for b in range(_B)]
    n = len(iters)
    pos_h, in_h, out_h = {}, {}, {}
    pos_h[0] = pos_copy(0, 0)
    if _NCH > 1:
        pos_h[1] = pos_copy(1, 1)
    for k in range(_AHEAD):
        in_h[k] = in_copy(*iters[k], k % _RING)

    for g, (c, b) in enumerate(iters):
        ib = g % _RING
        pb = c % 2
        in_h[g].wait()
        if b == 0:
            pos_h[c].wait()
        nxt = g + _AHEAD
        if nxt < n:
            reuse = nxt - _RING
            if reuse >= 0:
                out_h[reuse].wait()
            in_h[nxt] = in_copy(*iters[nxt], nxt % _RING)

        @plsc.parallel_loop(0, _PCH * _D, step=16, unroll=8)
        def add_grp(i):
            r = i >> 10
            col = pl.multiple_of(i & (_D - 1), 16)
            in_v[ib, r, pl.ds(col, 16)] = (
                in_v[ib, r, pl.ds(col, 16)] + pos_v[pb, r, pl.ds(col, 16)]
            )

        out_h[g] = out_copy(c, b, ib)
        if b == _B - 1 and c + 2 < _NCH:
            pos_h[c + 2] = pos_copy(c + 2, pb)

    for g in range(max(0, n - _RING), n):
        out_h[g].wait()


def kernel(inputs, pos_encoding):
    B, S, D = inputs.shape
    assert (B, S, D) == (_B, _S, _D), "kernel is specialized to the fixed shapes"
    pos = pos_encoding[:S]
    mesh = plsc.VectorSubcoreMesh(core_axis_name="c", subcore_axis_name="s")
    run = functools.partial(
        pl.kernel,
        mesh=mesh,
        out_type=jax.ShapeDtypeStruct((B * S, D), jnp.float32),
        scratch_types=[
            pltpu.VMEM((2, _PCH, _D), jnp.float32),
            pltpu.VMEM((_RING, _PCH, _D), jnp.float32),
            pltpu.SemaphoreType.DMA,
            pltpu.SemaphoreType.DMA,
            pltpu.SemaphoreType.DMA,
        ],
    )(_sc_body)
    out = run(inputs.reshape(B * S, D), pos)
    return out.reshape(B, S, D)

# --- scband reference (transcript-rebuilt; emitter-appended) ---
"""Pipeline reference for scband-positional-encoding-15848429323134 (READ-ONLY COPY).

The authoritative reference and input builder live on the scoring server;
editing this copy changes nothing except your own understanding.
"""

import jax, jax.numpy as jnp
import numpy as np

MAXLEN = 4096
EMBED_DIM = 1024

def setup_inputs(seed: int = 0) -> dict:
    key = jax.random.key(seed)
    k1, k2 = jax.random.split(key)
    inputs = jax.random.normal(k1, (4, 4096, 1024), dtype=jnp.float32)
    # keras 'uniform' initializer -> RandomUniform(-0.05, 0.05)
    pos_encoding = jax.random.uniform(k2, (MAXLEN, EMBED_DIM), dtype=jnp.float32, minval=-0.05, maxval=0.05)
    return {"inputs": inputs, "pos_encoding": pos_encoding}

def reference(inputs, pos_encoding):
    length = inputs.shape[1]
    positions = jnp.arange(0, length, 1)
    pos = jnp.take(pos_encoding, positions, axis=0)
    return inputs + pos

if __name__ == "__main__":
    import jax
    _d = setup_inputs()
    print(jax.jit(kernel)(*tuple(_d.values())))

</pallas_src>

<mosaic_0001>
#map = affine_map<(d0, d1) -> (0, 0)>
module attributes {stable_mosaic.version = 14 : i64} {
  func.func @_sc_body(%arg0: i32, %arg1: i32, %arg2: memref<16384x1024xf32, #tpu.memory_space<hbm>>, %arg3: memref<4096x1024xf32, #tpu.memory_space<hbm>>, %arg4: memref<16384x1024xf32, #tpu.memory_space<hbm>>, %arg5: memref<2x16x1024xf32, #tpu.memory_space<vmem>>, %arg6: memref<5x16x1024xf32, #tpu.memory_space<vmem>>, %arg7: memref<!tpu.dma_semaphore, #tpu.memory_space<semaphore_mem>>, %arg8: memref<!tpu.dma_semaphore, #tpu.memory_space<semaphore_mem>>, %arg9: memref<!tpu.dma_semaphore, #tpu.memory_space<semaphore_mem>>) attributes {dimension_semantics = [#tpu.dimension_semantics<core_parallel>, #tpu.dimension_semantics<subcore_parallel>], iteration_bounds = array<i64: 2, 16>, scalar_prefetch = 0 : i64, scratch_operands = 5 : i64, tpu.core_type = #tpu.core_type<sc_vector_subcore>, window_params = [{transform_indices = #map}, {transform_indices = #map}, {transform_indices = #map}]} {
    %mul3A = arith.constant 2 : i32
    %mul3A_0 = arith.muli %arg1, %mul3A : i32
    %add3A = arith.addi %mul3A_0, %arg0 : i32
    %mul3A_1 = arith.constant 128 : i32
    %mul3A_2 = arith.muli %add3A, %mul3A_1 : i32
    %add3A_3 = arith.constant 0 : i32
    %add3A_4 = arith.addi %mul3A_2, %add3A_3 : i32
    %dma_start3A = arith.constant 0 : i32
    %dma_start3A_5 = arith.constant 0 : i32
    %dma_start3A_6 = arith.constant 0 : i32
    %dma_start3A_7 = tpu.memref_slice %arg5[%dma_start3A, %dma_start3A_5, %dma_start3A_6] : memref<2x16x1024xf32, #tpu.memory_space<vmem>> -> memref<1x16x1024xf32, #tpu.memory_space<vmem>>
    %dma_start3A_8 = tpu.memref_squeeze %dma_start3A_7 : memref<1x16x1024xf32, #tpu.memory_space<vmem>> -> memref<16x1024xf32, #tpu.memory_space<vmem>>
    %dma_start3A_9 = arith.constant 0 : i32
    %dma_start3A_10 = tpu.memref_slice %arg3[%add3A_4, %dma_start3A_9] : memref<4096x1024xf32, #tpu.memory_space<hbm>> -> memref<16x1024xf32, #tpu.memory_space<hbm>>
    %dma_start3A_11 = arith.constant 0 : i32
    %dma_start3A_12 = arith.constant 0 : i32
    %dma_start3A_13 = tpu.memref_slice %arg5[%dma_start3A, %dma_start3A_11, %dma_start3A_12] : memref<2x16x1024xf32, #tpu.memory_space<vmem>> -> memref<1x16x1024xf32, #tpu.memory_space<vmem>>
    %dma_start3A_14 = tpu.memref_squeeze %dma_start3A_13 : memref<1x16x1024xf32, #tpu.memory_space<vmem>> -> memref<16x1024xf32, #tpu.memory_space<vmem>>
    %dma_start3A_15 = arith.constant 0 : i32
    %dma_start3A_16 = tpu.memref_slice %arg3[%add3A_4, %dma_start3A_15] : memref<4096x1024xf32, #tpu.memory_space<hbm>> -> memref<16x1024xf32, #tpu.memory_space<hbm>>
    tpu.enqueue_dma source(%dma_start3A_16 : memref<16x1024xf32, #tpu.memory_space<hbm>>) target(%dma_start3A_14 : memref<16x1024xf32, #tpu.memory_space<vmem>>) target_semaphore(%arg7 : memref<!tpu.dma_semaphore, #tpu.memory_space<semaphore_mem>>)
    %add3A_17 = arith.constant 16 : i32
    %add3A_18 = arith.addi %mul3A_2, %add3A_17 : i32
    %dma_start3A_19 = arith.constant 1 : i32
    %dma_start3A_20 = arith.constant 0 : i32
    %dma_start3A_21 = arith.constant 0 : i32
    %dma_start3A_22 = tpu.memref_slice %arg5[%dma_start3A_19, %dma_start3A_20, %dma_start3A_21] : memref<2x16x1024xf32, #tpu.memory_space<vmem>> -> memref<1x16x1024xf32, #tpu.memory_space<vmem>>
    %dma_start3A_23 = tpu.memref_squeeze %dma_start3A_22 : memref<1x16x1024xf32, #tpu.memory_space<vmem>> -> memref<16x1024xf32, #tpu.memory_space<vmem>>
    %dma_start3A_24 = arith.constant 0 : i32
    %dma_start3A_25 = tpu.memref_slice %arg3[%add3A_18, %dma_start3A_24] : memref<4096x1024xf32, #tpu.memory_space<hbm>> -> memref<16x1024xf32, #tpu.memory_space<hbm>>
    %dma_start3A_26 = arith.constant 0 : i32
    %dma_start3A_27 = arith.constant 0 : i32
    %dma_start3A_28 = tpu.memref_slice %arg5[%dma_start3A_19, %dma_start3A_26, %dma_start3A_27] : memref<2x16x1024xf32, #tpu.memory_space<vmem>> -> memref<1x16x1024xf32, #tpu.memory_space<vmem>>
    %dma_start3A_29 = tpu.memref_squeeze %dma_start3A_28 : memref<1x16x1024xf32, #tpu.memory_space<vmem>> -> memref<16x1024xf32, #tpu.memory_space<vmem>>
    %dma_start3A_30 = arith.constant 0 : i32
    %dma_start3A_31 = tpu.memref_slice %arg3[%add3A_18, %dma_start3A_30] : memref<4096x1024xf32, #tpu.memory_space<hbm>> -> memref<16x1024xf32, #tpu.memory_space<hbm>>
    tpu.enqueue_dma source(%dma_start3A_31 : memref<16x1024xf32, #tpu.memory_space<hbm>>) target(%dma_start3A_29 : memref<16x1024xf32, #tpu.memory_space<vmem>>) target_semaphore(%arg7 : memref<!tpu.dma_semaphore, #tpu.memory_space<semaphore_mem>>)
    %add3A_32 = arith.constant 0 : i32
    %add3A_33 = arith.addi %add3A_32, %mul3A_2 : i32
    %add3A_34 = arith.constant 0 : i32
    %add3A_35 = arith.addi %add3A_33, %add3A_34 : i32
    %dma_start3A_36 = arith.constant 0 : i32
    %dma_start3A_37 = arith.constant 0 : i32
    %dma_start3A_38 = arith.constant 0 : i32
    %dma_start3A_39 = tpu.memref_slice %arg6[%dma_start3A_36, %dma_start3A_37, %dma_start3A_38] : memref<5x16x1024xf32, #tpu.memory_space<vmem>> -> memref<1x16x1024xf32, #tpu.memory_space<vmem>>
    %dma_start3A_40 = tpu.memref_squeeze %dma_start3A_39 : memref<1x16x1024xf32, #tpu.memory_space<vmem>> -> memref<16x1024xf32, #tpu.memory_space<vmem>>
    %dma_start3A_41 = arith.constant 0 : i32
    %dma_start3A_42 = tpu.memref_slice %arg2[%add3A_35, %dma_start3A_41] : memref<16384x1024xf32, #tpu.memory_space<hbm>> -> memref<16x1024xf32, #tpu.memory_space<hbm>>
    %dma_start3A_43 = arith.constant 0 : i32
    %dma_start3A_44 = arith.constant 0 : i32
    %dma_start3A_45 = tpu.memref_slice %arg6[%dma_start3A_36, %dma_start3A_43, %dma_start3A_44] : memref<5x16x1024xf32, #tpu.memory_space<vmem>> -> memref<1x16x1024xf32, #tpu.memory_space<vmem>>
    %dma_start3A_46 = tpu.memref_squeeze %dma_start3A_45 : memref<1x16x1024xf32, #tpu.memory_space<vmem>> -> memref<16x1024xf32, #tpu.memory_space<vmem>>
    %dma_start3A_47 = arith.constant 0 : i32
    %dma_start3A_48 = tpu.memref_slice %arg2[%add3A_35, %dma_start3A_47] : memref<16384x1024xf32, #tpu.memory_space<hbm>> -> memref<16x1024xf32, #tpu.memory_space<hbm>>
    tpu.enqueue_dma source(%dma_start3A_48 : memref<16x1024xf32, #tpu.memory_space<hbm>>) target(%dma_start3A_46 : memref<16x1024xf32, #tpu.memory_space<vmem>>) target_semaphore(%arg8 : memref<!tpu.dma_semaphore, #tpu.memory_space<semaphore_mem>>)
    %add3A_49 = arith.constant 4096 : i32
    %add3A_50 = arith.addi %add3A_49, %mul3A_2 : i32
    %add3A_51 = arith.constant 0 : i32
    %add3A_52 = arith.addi %add3A_50, %add3A_51 : i32
    %dma_start3A_53 = arith.constant 1 : i32
    %dma_start3A_54 = arith.constant 0 : i32
    %dma_start3A_55 = arith.constant 0 : i32
    %dma_start3A_56 = tpu.memref_slice %arg6[%dma_start3A_53, %dma_start3A_54, %dma_start3A_55] : memref<5x16x1024xf32, #tpu.memory_space<vmem>> -> memref<1x16x1024xf32, #tpu.memory_space<vmem>>
    %dma_start3A_57 = tpu.memref_squeeze %dma_start3A_56 : memref<1x16x1024xf32, #tpu.memory_space<vmem>> -> memref<16x1024xf32, #tpu.memory_space<vmem>>
    %dma_start3A_58 = arith.constant 0 : i32
    %dma_start3A_59 = tpu.memref_slice %arg2[%add3A_52, %dma_start3A_58] : memref<16384x1024xf32, #tpu.memory_space<hbm>> -> memref<16x1024xf32, #tpu.memory_space<hbm>>
    %dma_start3A_60 = arith.constant 0 : i32
    %dma_start3A_61 = arith.constant 0 : i32
    %dma_start3A_62 = tpu.memref_slice %arg6[%dma_start3A_53, %dma_start3A_60, %dma_start3A_61] : memref<5x16x1024xf32, #tpu.memory_space<vmem>> -> memref<1x16x1024xf32, #tpu.memory_space<vmem>>
    %dma_start3A_63 = tpu.memref_squeeze %dma_start3A_62 : memref<1x16x1024xf32, #tpu.memory_space<vmem>> -> memref<16x1024xf32, #tpu.memory_space<vmem>>
    %dma_start3A_64 = arith.constant 0 : i32
    %dma_start3A_65 = tpu.memref_slice %arg2[%add3A_52, %dma_start3A_64] : memref<16384x1024xf32, #tpu.memory_space<hbm>> -> memref<16x1024xf32, #tpu.memory_space<hbm>>
    tpu.enqueue_dma source(%dma_start3A_65 : memref<16x1024xf32, #tpu.memory_space<hbm>>) target(%dma_start3A_63 : memref<16x1024xf32, #tpu.memory_space<vmem>>) target_semaphore(%arg8 : memref<!tpu.dma_semaphore, #tpu.memory_space<semaphore_mem>>)
    %add3A_66 = arith.constant 8192 : i32
    %add3A_67 = arith.addi %add3A_66, %mul3A_2 : i32
    %add3A_68 = arith.constant 0 : i32
    %add3A_69 = arith.addi %add3A_67, %add3A_68 : i32
    %dma_start3A_70 = arith.constant 2 : i32
    %dma_start3A_71 = arith.constant 0 : i32
    %dma_start3A_72 = arith.constant 0 : i32
    %dma_start3A_73 = tpu.memref_slice %arg6[%dma_start3A_70, %dma_start3A_71, %dma_start3A_72] : memref<5x16x1024xf32, #tpu.memory_space<vmem>> -> memref<1x16x1024xf32, #tpu.memory_space<vmem>>
    %dma_start3A_74 = tpu.memref_squeeze %dma_start3A_73 : memref<1x16x1024xf32, #tpu.memory_space<vmem>> -> memref<16x1024xf32, #tpu.memory_space<vmem>>
    %dma_start3A_75 = arith.constant 0 : i32
    %dma_start3A_76 = tpu.memref_slice %arg2[%add3A_69, %dma_start3A_75] : memref<16384x1024xf32, #tpu.memory_space<hbm>> -> memref<16x1024xf32, #tpu.memory_space<hbm>>
    %dma_start3A_77 = arith.constant 0 : i32
    %dma_start3A_78 = arith.constant 0 : i32
    %dma_start3A_79 = tpu.memref_slice %arg6[%dma_start3A_70, %dma_start3A_77, %dma_start3A_78] : memref<5x16x1024xf32, #tpu.memory_space<vmem>> -> memref<1x16x1024xf32, #tpu.memory_space<vmem>>
    %dma_start3A_80 = tpu.memref_squeeze %dma_start3A_79 : memref<1x16x1024xf32, #tpu.memory_space<vmem>> -> memref<16x1024xf32, #tpu.memory_space<vmem>>
    %dma_start3A_81 = arith.constant 0 : i32
    %dma_start3A_82 = tpu.memref_slice %arg2[%add3A_69, %dma_start3A_81] : memref<16384x1024xf32, #tpu.memory_space<hbm>> -> memref<16x1024xf32, #tpu.memory_space<hbm>>
    tpu.enqueue_dma source(%dma_start3A_82 : memref<16x1024xf32, #tpu.memory_space<hbm>>) target(%dma_start3A_80 : memref<16x1024xf32, #tpu.memory_space<vmem>>) target_semaphore(%arg8 : memref<!tpu.dma_semaphore, #tpu.memory_space<semaphore_mem>>)
    %dma_wait3A = arith.constant 0 : i32
    %dma_wait3A_83 = arith.constant 0 : i32
    %dma_wait3A_84 = arith.constant 0 : i32
    %dma_wait3A_85 = tpu.memref_slice %arg6[%dma_wait3A, %dma_wait3A_83, %dma_wait3A_84] : memref<5x16x1024xf32, #tpu.memory_space<vmem>> -> memref<1x16x1024xf32, #tpu.memory_space<vmem>>
    %dma_wait3A_86 = tpu.memref_squeeze %dma_wait3A_85 : memref<1x16x1024xf32, #tpu.memory_space<vmem>> -> memref<16x1024xf32, #tpu.memory_space<vmem>>
    %dma_wait3A_87 = arith.constant 0 : i32
    %dma_wait3A_88 = tpu.memref_slice %arg2[%add3A_35, %dma_wait3A_87] : memref<16384x1024xf32, #tpu.memory_space<hbm>> -> memref<16x1024xf32, #tpu.memory_space<hbm>>
    %dma_wait3A_89 = arith.constant 0 : i32
    %dma_wait3A_90 = arith.constant 0 : i32
    %dma_wait3A_91 = tpu.memref_slice %arg6[%dma_wait3A, %dma_wait3A_89, %dma_wait3A_90] : memref<5x16x1024xf32, #tpu.memory_space<vmem>> -> memref<1x16x1024xf32, #tpu.memory_space<vmem>>
    %dma_wait3A_92 = tpu.memref_squeeze %dma_wait3A_91 : memref<1x16x1024xf32, #tpu.memory_space<vmem>> -> memref<16x1024xf32, #tpu.memory_space<vmem>>
    %dma_wait3A_93 = arith.constant 0 : i32
    %dma_wait3A_94 = tpu.memref_slice %arg2[%add3A_35, %dma_wait3A_93] : memref<16384x1024xf32, #tpu.memory_space<hbm>> -> memref<16x1024xf32, #tpu.memory_space<hbm>>
    tpu.wait_dma2 semaphore(%arg8 : memref<!tpu.dma_semaphore, #tpu.memory_space<semaphore_mem>>) src(%dma_wait3A_94 : memref<16x1024xf32, #tpu.memory_space<hbm>>) dst(%dma_wait3A_92 : memref<16x1024xf32, #tpu.memory_space<vmem>>)
    %dma_wait3A_95 = arith.constant 0 : i32
    %dma_wait3A_96 = arith.constant 0 : i32
    %dma_wait3A_97 = arith.constant 0 : i32
    %dma_wait3A_98 = tpu.memref_slice %arg5[%dma_wait3A_95, %dma_wait3A_96, %dma_wait3A_97] : memref<2x16x1024xf32, #tpu.memory_space<vmem>> -> memref<1x16x1024xf32, #tpu.memory_space<vmem>>
    %dma_wait3A_99 = tpu.memref_squeeze %dma_wait3A_98 : memref<1x16x1024xf32, #tpu.memory_space<vmem>> -> memref<16x1024xf32, #tpu.memory_space<vmem>>
    %dma_wait3A_100 = arith.constant 0 : i32
    %dma_wait3A_101 = tpu.memref_slice %arg3[%add3A_4, %dma_wait3A_100] : memref<4096x1024xf32, #tpu.memory_space<hbm>> -> memref<16x1024xf32, #tpu.memory_space<hbm>>
    %dma_wait3A_102 = arith.constant 0 : i32
    %dma_wait3A_103 = arith.constant 0 : i32
    %dma_wait3A_104 = tpu.memref_slice %arg5[%dma_wait3A_95, %dma_wait3A_102, %dma_wait3A_103] : memref<2x16x1024xf32, #tpu.memory_space<vmem>> -> memref<1x16x1024xf32, #tpu.memory_space<vmem>>
    %dma_wait3A_105 = tpu.memref_squeeze %dma_wait3A_104 : memref<1x16x1024xf32, #tpu.memory_space<vmem>> -> memref<16x1024xf32, #tpu.memory_space<vmem>>
    %dma_wait3A_106 = arith.constant 0 : i32
    %dma_wait3A_107 = tpu.memref_slice %arg3[%add3A_4, %dma_wait3A_106] : memref<4096x1024xf32, #tpu.memory_space<hbm>> -> memref<16x1024xf32, #tpu.memory_space<hbm>>
    tpu.wait_dma2 semaphore(%arg7 : memref<!tpu.dma_semaphore, #tpu.memory_space<semaphore_mem>>) src(%dma_wait3A_107 : memref<16x1024xf32, #tpu.memory_space<hbm>>) dst(%dma_wait3A_105 : memref<16x1024xf32, #tpu.memory_space<vmem>>)
    %add3A_108 = arith.constant 12288 : i32
    %add3A_109 = arith.addi %add3A_108, %mul3A_2 : i32
    %add3A_110 = arith.constant 0 : i32
    %add3A_111 = arith.addi %add3A_109, %add3A_110 : i32
    %dma_start3A_112 = arith.constant 3 : i32
    %dma_start3A_113 = arith.constant 0 : i32
    %dma_start3A_114 = arith.constant 0 : i32
    %dma_start3A_115 = tpu.memref_slice %arg6[%dma_start3A_112, %dma_start3A_113, %dma_start3A_114] : memref<5x16x1024xf32, #tpu.memory_space<vmem>> -> memref<1x16x1024xf32, #tpu.memory_space<vmem>>
    %dma_start3A_116 = tpu.memref_squeeze %dma_start3A_115 : memref<1x16x1024xf32, #tpu.memory_space<vmem>> -> memref<16x1024xf32, #tpu.memory_space<vmem>>
    %dma_start3A_117 = arith.constant 0 : i32
    %dma_start3A_118 = tpu.memref_slice %arg2[%add3A_111, %dma_start3A_117] : memref<16384x1024xf32, #tpu.memory_space<hbm>> -> memref<16x1024xf32, #tpu.memory_space<hbm>>
    %dma_start3A_119 = arith.constant 0 : i32
    %dma_start3A_120 = arith.constant 0 : i32
    %dma_start3A_121 = tpu.memref_slice %arg6[%dma_start3A_112, %dma_start3A_119, %dma_start3A_120] : memref<5x16x1024xf32, #tpu.memory_space<vmem>> -> memref<1x16x1024xf32, #tpu.memory_space<vmem>>
    %dma_start3A_122 = tpu.memref_squeeze %dma_start3A_121 : memref<1x16x1024xf32, #tpu.memory_space<vmem>> -> memref<16x1024xf32, #tpu.memory_space<vmem>>
    %dma_start3A_123 = arith.constant 0 : i32
    %dma_start3A_124 = tpu.memref_slice %arg2[%add3A_111, %dma_start3A_123] : memref<16384x1024xf32, #tpu.memory_space<hbm>> -> memref<16x1024xf32, #tpu.memory_space<hbm>>
    tpu.enqueue_dma source(%dma_start3A_124 : memref<16x1024xf32, #tpu.memory_space<hbm>>) target(%dma_start3A_122 : memref<16x1024xf32, #tpu.memory_space<vmem>>) target_semaphore(%arg8 : memref<!tpu.dma_semaphore, #tpu.memory_space<semaphore_mem>>)
    %parallel_loop3A = arith.constant 0 : i32
    %parallel_loop3A_125 = arith.constant 16384 : i32
    %parallel_loop3A_126 = arith.constant 16 : i32
    scf.for %parallel_loop3A_2240 = %parallel_loop3A to %parallel_loop3A_125 step %parallel_loop3A_126  : i32 {
      %parallel_loop3A_2241 = arith.constant 10 : i32
      %parallel_loop3A_2242 = arith.shrsi %parallel_loop3A_2240, %parallel_loop3A_2241 : i32
      %parallel_loop3A_2243 = arith.constant 1023 : i32
      %parallel_loop3A_2244 = arith.andi %parallel_loop3A_2240, %parallel_loop3A_2243 : i32
      %parallel_loop3A_2245 = tpu.assume_multiple %parallel_loop3A_2244, 16 : i32
      %parallel_loop3A_2246 = arith.constant 0 : i32
      %parallel_loop3A_2247 = arith.index_cast %parallel_loop3A_2246 : i32 to index
      %parallel_loop3A_2248 = arith.index_cast %parallel_loop3A_2242 : i32 to index
      %parallel_loop3A_2249 = arith.index_cast %parallel_loop3A_2245 : i32 to index
      %parallel_loop3A_2250 = tpu.vector_load %arg6[%parallel_loop3A_2247, %parallel_loop3A_2248, %parallel_loop3A_2249] {strides = array<i32>} : memref<5x16x1024xf32, #tpu.memory_space<vmem>>, vector<1x1x16xf32>,
      %parallel_loop3A_2251 = vector.shape_cast %parallel_loop3A_2250 : vector<1x1x16xf32> to vector<16xf32>
      %parallel_loop3A_2252 = arith.constant 0 : i32
      %parallel_loop3A_2253 = arith.index_cast %parallel_loop3A_2252 : i32 to index
      %parallel_loop3A_2254 = arith.index_cast %parallel_loop3A_2242 : i32 to index
      %parallel_loop3A_2255 = arith.index_cast %parallel_loop3A_2245 : i32 to index
      %parallel_loop3A_2256 = tpu.vector_load %arg5[%parallel_loop3A_2253, %parallel_loop3A_2254, %parallel_loop3A_2255] {strides = array<i32>} : memref<2x16x1024xf32, #tpu.memory_space<vmem>>, vector<1x1x16xf32>,
      %parallel_loop3A_2257 = vector.shape_cast %parallel_loop3A_2256 : vector<1x1x16xf32> to vector<16xf32>
      %parallel_loop3A_2258 = arith.addf %parallel_loop3A_2251, %parallel_loop3A_2257 : vector<16xf32>
      %parallel_loop3A_2259 = arith.constant 0 : i32
      %parallel_loop3A_2260 = arith.index_cast %parallel_loop3A_2259 : i32 to index
      %parallel_loop3A_2261 = arith.index_cast %parallel_loop3A_2242 : i32 to index
      %parallel_loop3A_2262 = arith.index_cast %parallel_loop3A_2245 : i32 to index
      %parallel_loop3A_2263 = tpu.vector_load %arg6[%parallel_loop3A_2260, %parallel_loop3A_2261, %parallel_loop3A_2262] {strides = array<i32>} : memref<5x16x1024xf32, #tpu.memory_space<vmem>>, vector<1x1x16xf32>,
      %parallel_loop3A_2264 = vector.shape_cast %parallel_loop3A_2263 : vector<1x1x16xf32> to vector<16xf32>
      %parallel_loop3A_2265 = vector.shape_cast %parallel_loop3A_2258 : vector<16xf32> to vector<1x1x16xf32>
      tpu.vector_store %arg6[%parallel_loop3A_2260, %parallel_loop3A_2261, %parallel_loop3A_2262], %parallel_loop3A_2265 {strides = array<i32>} : memref<5x16x1024xf32, #tpu.memory_space<vmem>>, vector<1x1x16xf32>,
    } {sc.loop_unroll_factor = 8 : i64, sc.parallel_access}
    %add3A_127 = arith.constant 0 : i32
    %add3A_128 = arith.addi %add3A_127, %mul3A_2 : i32
    %add3A_129 = arith.constant 0 : i32
    %add3A_130 = arith.addi %add3A_128, %add3A_129 : i32
    %dma_start3A_131 = arith.constant 0 : i32
    %dma_start3A_132 = arith.constant 0 : i32
    %dma_start3A_133 = arith.constant 0 : i32
    %dma_start3A_134 = tpu.memref_slice %arg6[%dma_start3A_131, %dma_start3A_132, %dma_start3A_133] : memref<5x16x1024xf32, #tpu.memory_space<vmem>> -> memref<1x16x1024xf32, #tpu.memory_space<vmem>>
    %dma_start3A_135 = tpu.memref_squeeze %dma_start3A_134 : memref<1x16x1024xf32, #tpu.memory_space<vmem>> -> memref<16x1024xf32, #tpu.memory_space<vmem>>
    %dma_start3A_136 = arith.constant 0 : i32
    %dma_start3A_137 = tpu.memref_slice %arg4[%add3A_130, %dma_start3A_136] : memref<16384x1024xf32, #tpu.memory_space<hbm>> -> memref<16x1024xf32, #tpu.memory_space<hbm>>
    %dma_start3A_138 = arith.constant 0 : i32
    %dma_start3A_139 = tpu.memref_slice %arg4[%add3A_130, %dma_start3A_138] : memref<16384x1024xf32, #tpu.memory_space<hbm>> -> memref<16x1024xf32, #tpu.memory_space<hbm>>
    %dma_start3A_140 = arith.constant 0 : i32
    %dma_start3A_141 = arith.constant 0 : i32
    %dma_start3A_142 = tpu.memref_slice %arg6[%dma_start3A_131, %dma_start3A_140, %dma_start3A_141] : memref<5x16x1024xf32, #tpu.memory_space<vmem>> -> memref<1x16x1024xf32, #tpu.memory_space<vmem>>
    %dma_start3A_143 = tpu.memref_squeeze %dma_start3A_142 : memref<1x16x1024xf32, #tpu.memory_space<vmem>> -> memref<16x1024xf32, #tpu.memory_space<vmem>>
    tpu.enqueue_dma source(%dma_start3A_143 : memref<16x1024xf32, #tpu.memory_space<vmem>>) target(%dma_start3A_139 : memref<16x1024xf32, #tpu.memory_space<hbm>>) target_semaphore(%arg9 : memref<!tpu.dma_semaphore, #tpu.memory_space<semaphore_mem>>)
    %dma_wait3A_144 = arith.constant 1 : i32
    %dma_wait3A_145 = arith.constant 0 : i32
    %dma_wait3A_146 = arith.constant 0 : i32
    %dma_wait3A_147 = tpu.memref_slice %arg6[%dma_wait3A_144, %dma_wait3A_145, %dma_wait3A_146] : memref<5x16x1024xf32, #tpu.memory_space<vmem>> -> memref<1x16x1024xf32, #tpu.memory_space<vmem>>
    %dma_wait3A_148 = tpu.memref_squeeze %dma_wait3A_147 : memref<1x16x1024xf32, #tpu.memory_space<vmem>> -> memref<16x1024xf32, #tpu.memory_space<vmem>>
    %dma_wait3A_149 = arith.constant 0 : i32
    %dma_wait3A_150 = tpu.memref_slice %arg2[%add3A_52, %dma_wait3A_149] : memref<16384x1024xf32, #tpu.memory_space<hbm>> -> memref<16x1024xf32, #tpu.memory_space<hbm>>
    %dma_wait3A_151 = arith.constant 0 : i32
    %dma_wait3A_152 = arith.constant 0 : i32
    %dma_wait3A_153 = tpu.memref_slice %arg6[%dma_wait3A_144, %dma_wait3A_151, %dma_wait3A_152] : memref<5x16x1024xf32, #tpu.memory_space<vmem>> -> memref<1x16x1024xf32, #tpu.memory_space<vmem>>
    %dma_wait3A_154 = tpu.memref_squeeze %dma_wait3A_153 : memref<1x16x1024xf32, #tpu.memory_space<vmem>> -> memref<16x1024xf32, #tpu.memory_space<vmem>>
    %dma_wait3A_155 = arith.constant 0 : i32
    %dma_wait3A_156 = tpu.memref_slice %arg2[%add3A_52, %dma_wait3A_155] : memref<16384x1024xf32, #tpu.memory_space<hbm>> -> memref<16x1024xf32, #tpu.memory_space<hbm>>
    tpu.wait_dma2 semaphore(%arg8 : memref<!tpu.dma_semaphore, #tpu.memory_space<semaphore_mem>>) src(%dma_wait3A_156 : memref<16x1024xf32, #tpu.memory_space<hbm>>) dst(%dma_wait3A_154 : memref<16x1024xf32, #tpu.memory_space<vmem>>)
    %add3A_157 = arith.constant 0 : i32
    %add3A_158 = arith.addi %add3A_157, %mul3A_2 : i32
    %add3A_159 = arith.constant 16 : i32
    %add3A_160 = arith.addi %add3A_158, %add3A_159 : i32
    %dma_start3A_161 = arith.constant 4 : i32
    %dma_start3A_162 = arith.constant 0 : i32
    %dma_start3A_163 = arith.constant 0 : i32
    %dma_start3A_164 = tpu.memref_slice %arg6[%dma_start3A_161, %dma_start3A_162, %dma_start3A_163] : memref<5x16x1024xf32, #tpu.memory_space<vmem>> -> memref<1x16x1024xf32, #tpu.memory_space<vmem>>
    %dma_start3A_165 = tpu.memref_squeeze %dma_start3A_164 : memref<1x16x1024xf32, #tpu.memory_space<vmem>> -> memref<16x1024xf32, #tpu.memory_space<vmem>>
    %dma_start3A_166 = arith.constant 0 : i32
    %dma_start3A_167 = tpu.memref_slice %arg2[%add3A_160, %dma_start3A_166] : memref<16384x1024xf32, #tpu.memory_space<hbm>> -> memref<16x1024xf32, #tpu.memory_space<hbm>>
    %dma_start3A_168 = arith.constant 0 : i32
    %dma_start3A_169 = arith.constant 0 : i32
    %dma_start3A_170 = tpu.memref_slice %arg6[%dma_start3A_161, %dma_start3A_168, %dma_start3A_169] : memref<5x16x1024xf32, #tpu.memory_space<vmem>> -> memref<1x16x1024xf32, #tpu.memory_space<vmem>>
    %dma_start3A_171 = tpu.memref_squeeze %dma_start3A_170 : memref<1x16x1024xf32, #tpu.memory_space<vmem>> -> memref<16x1024xf32, #tpu.memory_space<vmem>>
    %dma_start3A_172 = arith.constant 0 : i32
    %dma_start3A_173 = tpu.memref_slice %arg2[%add3A_160, %dma_start3A_172] : memref<16384x1024xf32, #tpu.memory_space<hbm>> -> memref<16x1024xf32, #tpu.memory_space<hbm>>
    tpu.enqueue_dma source(%dma_start3A_173 : memref<16x1024xf32, #tpu.memory_space<hbm>>) target(%dma_start3A_171 : memref<16x1024xf32, #tpu.memory_space<vmem>>) target_semaphore(%arg8 : memref<!tpu.dma_semaphore, #tpu.memory_space<semaphore_mem>>)
    %parallel_loop3A_174 = arith.constant 0 : i32
    %parallel_loop3A_175 = arith.constant 16384 : i32
    %parallel_loop3A_176 = arith.constant 16 : i32
    scf.for %parallel_loop3A_2240 = %parallel_loop3A_174 to %parallel_loop3A_175 step %parallel_loop3A_176  : i32 {
      %parallel_loop3A_2241 = arith.constant 10 : i32
      %parallel_loop3A_2242 = arith.shrsi %parallel_loop3A_2240, %parallel_loop3A_2241 : i32
      %parallel_loop3A_2243 = arith.constant 1023 : i32
      %parallel_loop3A_2244 = arith.andi %parallel_loop3A_2240, %parallel_loop3A_2243 : i32
      %parallel_loop3A_2245 = tpu.assume_multiple %parallel_loop3A_2244, 16 : i32
      %parallel_loop3A_2246 = arith.constant 1 : i32
      %parallel_loop3A_2247 = arith.index_cast %parallel_loop3A_2246 : i32 to index
      %parallel_loop3A_2248 = arith.index_cast %parallel_loop3A_2242 : i32 to index
      %parallel_loop3A_2249 = arith.index_cast %parallel_loop3A_2245 : i32 to index
      %parallel_loop3A_2250 = tpu.vector_load %arg6[%parallel_loop3A_2247, %parallel_loop3A_2248, %parallel_loop3A_2249] {strides = array<i32>} : memref<5x16x1024xf32, #tpu.memory_space<vmem>>, vector<1x1x16xf32>,
      %parallel_loop3A_2251 = vector.shape_cast %parallel_loop3A_2250 : vector<1x1x16xf32> to vector<16xf32>
      %parallel_loop3A_2252 = arith.constant 0 : i32
      %parallel_loop3A_2253 = arith.index_cast %parallel_loop3A_2252 : i32 to index
      %parallel_loop3A_2254 = arith.index_cast %parallel_loop3A_2242 : i32 to index
      %parallel_loop3A_2255 = arith.index_cast %parallel_loop3A_2245 : i32 to index
      %parallel_loop3A_2256 = tpu.vector_load %arg5[%parallel_loop3A_2253, %parallel_loop3A_2254, %parallel_loop3A_2255] {strides = array<i32>} : memref<2x16x1024xf32, #tpu.memory_space<vmem>>, vector<1x1x16xf32>,
      %parallel_loop3A_2257 = vector.shape_cast %parallel_loop3A_2256 : vector<1x1x16xf32> to vector<16xf32>
      %parallel_loop3A_2258 = arith.addf %parallel_loop3A_2251, %parallel_loop3A_2257 : vector<16xf32>
      %parallel_loop3A_2259 = arith.constant 1 : i32
      %parallel_loop3A_2260 = arith.index_cast %parallel_loop3A_2259 : i32 to index
      %parallel_loop3A_2261 = arith.index_cast %parallel_loop3A_2242 : i32 to index
      %parallel_loop3A_2262 = arith.index_cast %parallel_loop3A_2245 : i32 to index
      %parallel_loop3A_2263 = tpu.vector_load %arg6[%parallel_loop3A_2260, %parallel_loop3A_2261, %parallel_loop3A_2262] {strides = array<i32>} : memref<5x16x1024xf32, #tpu.memory_space<vmem>>, vector<1x1x16xf32>,
      %parallel_loop3A_2264 = vector.shape_cast %parallel_loop3A_2263 : vector<1x1x16xf32> to vector<16xf32>
      %parallel_loop3A_2265 = vector.shape_cast %parallel_loop3A_2258 : vector<16xf32> to vector<1x1x16xf32>
      tpu.vector_store %arg6[%parallel_loop3A_2260, %parallel_loop3A_2261, %parallel_loop3A_2262], %parallel_loop3A_2265 {strides = array<i32>} : memref<5x16x1024xf32, #tpu.memory_space<vmem>>, vector<1x1x16xf32>,
    } {sc.loop_unroll_factor = 8 : i64, sc.parallel_access}
    %add3A_177 = arith.constant 4096 : i32
    %add3A_178 = arith.addi %add3A_177, %mul3A_2 : i32
    %add3A_179 = arith.constant 0 : i32
    %add3A_180 = arith.addi %add3A_178, %add3A_179 : i32
    %dma_start3A_181 = arith.constant 1 : i32
    %dma_start3A_182 = arith.constant 0 : i32
    %dma_start3A_183 = arith.constant 0 : i32
    %dma_start3A_184 = tpu.memref_slice %arg6[%dma_start3A_181, %dma_start3A_182, %dma_start3A_183] : memref<5x16x1024xf32, #tpu.memory_space<vmem>> -> memref<1x16x1024xf32, #tpu.memory_space<vmem>>
    %dma_start3A_185 = tpu.memref_squeeze %dma_start3A_184 : memref<1x16x1024xf32, #tpu.memory_space<vmem>> -> memref<16x1024xf32, #tpu.memory_space<vmem>>
    %dma_start3A_186 = arith.constant 0 : i32
    %dma_start3A_187 = tpu.memref_slice %arg4[%add3A_180, %dma_start3A_186] : memref<16384x1024xf32, #tpu.memory_space<hbm>> -> memref<16x1024xf32, #tpu.memory_space<hbm>>
    %dma_start3A_188 = arith.constant 0 : i32
    %dma_start3A_189 = tpu.memref_slice %arg4[%add3A_180, %dma_start3A_188] : memref<16384x1024xf32, #tpu.memory_space<hbm>> -> memref<16x1024xf32, #tpu.memory_space<hbm>>
    %dma_start3A_190 = arith.constant 0 : i32
    %dma_start3A_191 = arith.constant 0 : i32
    %dma_start3A_192 = tpu.memref_slice %arg6[%dma_start3A_181, %dma_start3A_190, %dma_start3A_191] : memref<5x16x1024xf32, #tpu.memory_space<vmem>> -> memref<1x16x1024xf32, #tpu.memory_space<vmem>>
    %dma_start3A_193 = tpu.memref_squeeze %dma_start3A_192 : memref<1x16x1024xf32, #tpu.memory_space<vmem>> -> memref<16x1024xf32, #tpu.memory_space<vmem>>
    tpu.enqueue_dma source(%dma_start3A_193 : memref<16x1024xf32, #tpu.memory_space<vmem>>) target(%dma_start3A_189 : memref<16x1024xf32, #tpu.memory_space<hbm>>) target_semaphore(%arg9 : memref<!tpu.dma_semaphore, #tpu.memory_space<semaphore_mem>>)
    %dma_wait3A_194 = arith.constant 2 : i32
    %dma_wait3A_195 = arith.constant 0 : i32
    %dma_wait3A_196 = arith.constant 0 : i32
    %dma_wait3A_197 = tpu.memref_slice %arg6[%dma_wait3A_194, %dma_wait3A_195, %dma_wait3A_196] : memref<5x16x1024xf32, #tpu.memory_space<vmem>> -> memref<1x16x1024xf32, #tpu.memory_space<vmem>>
    %dma_wait3A_198 = tpu.memref_squeeze %dma_wait3A_197 : memref<1x16x1024xf32, #tpu.memory_space<vmem>> -> memref<16x1024xf32, #tpu.memory_space<vmem>>
    %dma_wait3A_199 = arith.constant 0 : i32
    %dma_wait3A_200 = tpu.memref_slice %arg2[%add3A_69, %dma_wait3A_199] : memref<16384x1024xf32, #tpu.memory_space<hbm>> -> memref<16x1024xf32, #tpu.memory_space<hbm>>
    %dma_wait3A_201 = arith.constant 0 : i32
    %dma_wait3A_202 = arith.constant 0 : i32
    %dma_wait3A_203 = tpu.memref_slice %arg6[%dma_wait3A_194, %dma_wait3A_201, %dma_wait3A_202] : memref<5x16x1024xf32, #tpu.memory_space<vmem>> -> memref<1x16x1024xf32, #tpu.memory_space<vmem>>
    %dma_wait3A_204 = tpu.memref_squeeze %dma_wait3A_203 : memref<1x16x1024xf32, #tpu.memory_space<vmem>> -> memref<16x1024xf32, #tpu.memory_space<vmem>>
    %dma_wait3A_205 = arith.constant 0 : i32
    %dma_wait3A_206 = tpu.memref_slice %arg2[%add3A_69, %dma_wait3A_205] : memref<16384x1024xf32, #tpu.memory_space<hbm>> -> memref<16x1024xf32, #tpu.memory_space<hbm>>
    tpu.wait_dma2 semaphore(%arg8 : memref<!tpu.dma_semaphore, #tpu.memory_space<semaphore_mem>>) src(%dma_wait3A_206 : memref<16x1024xf32, #tpu.memory_space<hbm>>) dst(%dma_wait3A_204 : memref<16x1024xf32, #tpu.memory_space<vmem>>)
    %dma_wait3A_207 = arith.constant 0 : i32
    %dma_wait3A_208 = arith.constant 0 : i32
    %dma_wait3A_209 = arith.constant 0 : i32
    %dma_wait3A_210 = tpu.memref_slice %arg6[%dma_wait3A_207, %dma_wait3A_208, %dma_wait3A_209] : memref<5x16x1024xf32, #tpu.memory_space<vmem>> -> memref<1x16x1024xf32, #tpu.memory_space<vmem>>
    %dma_wait3A_211 = tpu.memref_squeeze %dma_wait3A_210 : memref<1x16x1024xf32, #tpu.memory_space<vmem>> -> memref<16x1024xf32, #tpu.memory_space<vmem>>
    %dma_wait3A_212 = arith.constant 0 : i32
    %dma_wait3A_213 = tpu.memref_slice %arg4[%add3A_130, %dma_wait3A_212] : memref<16384x1024xf32, #tpu.memory_space<hbm>> -> memref<16x1024xf32, #tpu.memory_space<hbm>>
    %dma_wait3A_214 = arith.constant 0 : i32
    %dma_wait3A_215 = tpu.memref_slice %arg4[%add3A_130, %dma_wait3A_214] : memref<16384x1024xf32, #tpu.memory_space<hbm>> -> memref<16x1024xf32, #tpu.memory_space<hbm>>
    %dma_wait3A_216 = arith.constant 0 : i32
    %dma_wait3A_217 = arith.constant 0 : i32
    %dma_wait3A_218 = tpu.memref_slice %arg6[%dma_wait3A_207, %dma_wait3A_216, %dma_wait3A_217] : memref<5x16x1024xf32, #tpu.memory_space<vmem>> -> memref<1x16x1024xf32, #tpu.memory_space<vmem>>
    %dma_wait3A_219 = tpu.memref_squeeze %dma_wait3A_218 : memref<1x16x1024xf32, #tpu.memory_space<vmem>> -> memref<16x1024xf32, #tpu.memory_space<vmem>>
    tpu.wait_dma2 semaphore(%arg9 : memref<!tpu.dma_semaphore, #tpu.memory_space<semaphore_mem>>) src(%dma_wait3A_219 : memref<16x1024xf32, #tpu.memory_space<vmem>>) dst(%dma_wait3A_215 : memref<16x1024xf32, #tpu.memory_space<hbm>>)
    %add3A_220 = arith.constant 4096 : i32
    %add3A_221 = arith.addi %add3A_220, %mul3A_2 : i32
    %add3A_222 = arith.constant 16 : i32
    %add3A_223 = arith.addi %add3A_221, %add3A_222 : i32
    %dma_start3A_224 = arith.constant 0 : i32
    %dma_start3A_225 = arith.constant 0 : i32
    %dma_start3A_226 = arith.constant 0 : i32
    %dma_start3A_227 = tpu.memref_slice %arg6[%dma_start3A_224, %dma_start3A_225, %dma_start3A_226] : memref<5x16x1024xf32, #tpu.memory_space<vmem>> -> memref<1x16x1024xf32, #tpu.memory_space<vmem>>
    %dma_start3A_228 = tpu.memref_squeeze %dma_start3A_227 : memref<1x16x1024xf32, #tpu.memory_space<vmem>> -> memref<16x1024xf32, #tpu.memory_space<vmem>>
    %dma_start3A_229 = arith.constant 0 : i32
    %dma_start3A_230 = tpu.memref_slice %arg2[%add3A_223, %dma_start3A_229] : memref<16384x1024xf32, #tpu.memory_space<hbm>> -> memref<16x1024xf32, #tpu.memory_space<hbm>>
    %dma_start3A_231 = arith.constant 0 : i32
    %dma_start3A_232 = arith.constant 0 : i32
    %dma_start3A_233 = tpu.memref_slice %arg6[%dma_start3A_224, %dma_start3A_231, %dma_start3A_232] : memref<5x16x1024xf32, #tpu.memory_space<vmem>> -> memref<1x16x1024xf32, #tpu.memory_space<vmem>>
    %dma_start3A_234 = tpu.memref_squeeze %dma_start3A_233 : memref<1x16x1024xf32, #tpu.memory_space<vmem>> -> memref<16x1024xf32, #tpu.memory_space<vmem>>
    %dma_start3A_235 = arith.constant 0 : i32
    %dma_start3A_236 = tpu.memref_slice %arg2[%add3A_223, %dma_start3A_235] : memref<16384x1024xf32, #tpu.memory_space<hbm>> -> memref<16x1024xf32, #tpu.memory_space<hbm>>
    tpu.enqueue_dma source(%dma_start3A_236 : memref<16x1024xf32, #tpu.memory_space<hbm>>) target(%dma_start3A_234 : memref<16x1024xf32, #tpu.memory_space<vmem>>) target_semaphore(%arg8 : memref<!tpu.dma_semaphore, #tpu.memory_space<semaphore_mem>>)
    %parallel_loop3A_237 = arith.constant 0 : i32
    %parallel_loop3A_238 = arith.constant 16384 : i32
    %parallel_loop3A_239 = arith.constant 16 : i32
    scf.for %parallel_loop3A_2240 = %parallel_loop3A_237 to %parallel_loop3A_238 step %parallel_loop3A_239  : i32 {
      %parallel_loop3A_2241 = arith.constant 10 : i32
      %parallel_loop3A_2242 = arith.shrsi %parallel_loop3A_2240, %parallel_loop3A_2241 : i32
      %parallel_loop3A_2243 = arith.constant 1023 : i32
      %parallel_loop3A_2244 = arith.andi %parallel_loop3A_2240, %parallel_loop3A_2243 : i32
      %parallel_loop3A_2245 = tpu.assume_multiple %parallel_loop3A_2244, 16 : i32
      %parallel_loop3A_2246 = arith.constant 2 : i32
      %parallel_loop3A_2247 = arith.index_cast %parallel_loop3A_2246 : i32 to index
      %parallel_loop3A_2248 = arith.index_cast %parallel_loop3A_2242 : i32 to index
      %parallel_loop3A_2249 = arith.index_cast %parallel_loop3A_2245 : i32 to index
      %parallel_loop3A_2250 = tpu.vector_load %arg6[%parallel_loop3A_2247, %parallel_loop3A_2248, %parallel_loop3A_2249] {strides = array<i32>} : memref<5x16x1024xf32, #tpu.memory_space<vmem>>, vector<1x1x16xf32>,
      %parallel_loop3A_2251 = vector.shape_cast %parallel_loop3A_2250 : vector<1x1x16xf32> to vector<16xf32>
      %parallel_loop3A_2252 = arith.constant 0 : i32
      %parallel_loop3A_2253 = arith.index_cast %parallel_loop3A_2252 : i32 to index
      %parallel_loop3A_2254 = arith.index_cast %parallel_loop3A_2242 : i32 to index
      %parallel_loop3A_2255 = arith.index_cast %parallel_loop3A_2245 : i32 to index
      %parallel_loop3A_2256 = tpu.vector_load %arg5[%parallel_loop3A_2253, %parallel_loop3A_2254, %parallel_loop3A_2255] {strides = array<i32>} : memref<2x16x1024xf32, #tpu.memory_space<vmem>>, vector<1x1x16xf32>,
      %parallel_loop3A_2257 = vector.shape_cast %parallel_loop3A_2256 : vector<1x1x16xf32> to vector<16xf32>
      %parallel_loop3A_2258 = arith.addf %parallel_loop3A_2251, %parallel_loop3A_2257 : vector<16xf32>
      %parallel_loop3A_2259 = arith.constant 2 : i32
      %parallel_loop3A_2260 = arith.index_cast %parallel_loop3A_2259 : i32 to index
      %parallel_loop3A_2261 = arith.index_cast %parallel_loop3A_2242 : i32 to index
      %parallel_loop3A_2262 = arith.index_cast %parallel_loop3A_2245 : i32 to index
      %parallel_loop3A_2263 = tpu.vector_load %arg6[%parallel_loop3A_2260, %parallel_loop3A_2261, %parallel_loop3A_2262] {strides = array<i32>} : memref<5x16x1024xf32, #tpu.memory_space<vmem>>, vector<1x1x16xf32>,
      %parallel_loop3A_2264 = vector.shape_cast %parallel_loop3A_2263 : vector<1x1x16xf32> to vector<16xf32>
      %parallel_loop3A_2265 = vector.shape_cast %parallel_loop3A_2258 : vector<16xf32> to vector<1x1x16xf32>
      tpu.vector_store %arg6[%parallel_loop3A_2260, %parallel_loop3A_2261, %parallel_loop3A_2262], %parallel_loop3A_2265 {strides = array<i32>} : memref<5x16x1024xf32, #tpu.memory_space<vmem>>, vector<1x1x16xf32>,
    } {sc.loop_unroll_factor = 8 : i64, sc.parallel_access}
    %add3A_240 = arith.constant 8192 : i32
    %add3A_241 = arith.addi %add3A_240, %mul3A_2 : i32
    %add3A_242 = arith.constant 0 : i32
    %add3A_243 = arith.addi %add3A_241, %add3A_242 : i32
    %dma_start3A_244 = arith.constant 2 : i32
    %dma_start3A_245 = arith.constant 0 : i32
    %dma_start3A_246 = arith.constant 0 : i32
    %dma_start3A_247 = tpu.memref_slice %arg6[%dma_start3A_244, %dma_start3A_245, %dma_start3A_246] : memref<5x16x1024xf32, #tpu.memory_space<vmem>> -> memref<1x16x1024xf32, #tpu.memory_space<vmem>>
    %dma_start3A_248 = tpu.memref_squeeze %dma_start3A_247 : memref<1x16x1024xf32, #tpu.memory_space<vmem>> -> memref<16x1024xf32, #tpu.memory_space<vmem>>
    %dma_start3A_249 = arith.constant 0 : i32
    %dma_start3A_250 = tpu.memref_slice %arg4[%add3A_243, %dma_start3A_249] : memref<16384x1024xf32, #tpu.memory_space<hbm>> -> memref<16x1024xf32, #tpu.memory_space<hbm>>
    %dma_start3A_251 = arith.constant 0 : i32
    %dma_start3A_252 = tpu.memref_slice %arg4[%add3A_243, %dma_start3A_251] : memref<16384x1024xf32, #tpu.memory_space<hbm>> -> memref<16x1024xf32, #tpu.memory_space<hbm>>
    %dma_start3A_253 = arith.constant 0 : i32
    %dma_start3A_254 = arith.constant 0 : i32
    %dma_start3A_255 = tpu.memref_slice %arg6[%dma_start3A_244, %dma_start3A_253, %dma_start3A_254] : memref<5x16x1024xf32, #tpu.memory_space<vmem>> -> memref<1x16x1024xf32, #tpu.memory_space<vmem>>
    %dma_start3A_256 = tpu.memref_squeeze %dma_start3A_255 : memref<1x16x1024xf32, #tpu.memory_space<vmem>> -> memref<16x1024xf32, #tpu.memory_space<vmem>>
    tpu.enqueue_dma source(%dma_start3A_256 : memref<16x1024xf32, #tpu.memory_space<vmem>>) target(%dma_start3A_252 : memref<16x1024xf32, #tpu.memory_space<hbm>>) target_semaphore(%arg9 : memref<!tpu.dma_semaphore, #tpu.memory_space<semaphore_mem>>)
    %dma_wait3A_257 = arith.constant 3 : i32
    %dma_wait3A_258 = arith.constant 0 : i32
    %dma_wait3A_259 = arith.constant 0 : i32
    %dma_wait3A_260 = tpu.memref_slice %arg6[%dma_wait3A_257, %dma_wait3A_258, %dma_wait3A_259] : memref<5x16x1024xf32, #tpu.memory_space<vmem>> -> memref<1x16x1024xf32, #tpu.memory_space<vmem>>
    %dma_wait3A_261 = tpu.memref_squeeze %dma_wait3A_260 : memref<1x16x1024xf32, #tpu.memory_space<vmem>> -> memref<16x1024xf32, #tpu.memory_space<vmem>>
    %dma_wait3A_262 = arith.constant 0 : i32
    %dma_wait3A_263 = tpu.memref_slice %arg2[%add3A_111, %dma_wait3A_262] : memref<16384x1024xf32, #tpu.memory_space<hbm>> -> memref<16x1024xf32, #tpu.memory_space<hbm>>
    %dma_wait3A_264 = arith.constant 0 : i32
    %dma_wait3A_265 = arith.constant 0 : i32
    %dma_wait3A_266 = tpu.memref_slice %arg6[%dma_wait3A_257, %dma_wait3A_264, %dma_wait3A_265] : memref<5x16x1024xf32, #tpu.memory_space<vmem>> -> memref<1x16x1024xf32, #tpu.memory_space<vmem>>
    %dma_wait3A_267 = tpu.memref_squeeze %dma_wait3A_266 : memref<1x16x1024xf32, #tpu.memory_space<vmem>> -> memref<16x1024xf32, #tpu.memory_space<vmem>>
    %dma_wait3A_268 = arith.constant 0 : i32
    %dma_wait3A_269 = tpu.memref_slice %arg2[%add3A_111, %dma_wait3A_268] : memref<16384x1024xf32, #tpu.memory_space<hbm>> -> memref<16x1024xf32, #tpu.memory_space<hbm>>
    tpu.wait_dma2 semaphore(%arg8 : memref<!tpu.dma_semaphore, #tpu.memory_space<semaphore_mem>>) src(%dma_wait3A_269 : memref<16x1024xf32, #tpu.memory_space<hbm>>) dst(%dma_wait3A_267 : memref<16x1024xf32, #tpu.memory_space<vmem>>)
    %dma_wait3A_270 = arith.constant 1 : i32
    %dma_wait3A_271 = arith.constant 0 : i32
    %dma_wait3A_272 = arith.constant 0 : i32
    %dma_wait3A_273 = tpu.memref_slice %arg6[%dma_wait3A_270, %dma_wait3A_271, %dma_wait3A_272] : memref<5x16x1024xf32, #tpu.memory_space<vmem>> -> memref<1x16x1024xf32, #tpu.memory_space<vmem>>
    %dma_wait3A_274 = tpu.memref_squeeze %dma_wait3A_273 : memref<1x16x1024xf32, #tpu.memory_space<vmem>> -> memref<16x1024xf32, #tpu.memory_space<vmem>>
    %dma_wait3A_275 = arith.constant 0 : i32
    %dma_wait3A_276 = tpu.memref_slice %arg4[%add3A_180, %dma_wait3A_275] : memref<16384x1024xf32, #tpu.memory_space<hbm>> -> memref<16x1024xf32, #tpu.memory_space<hbm>>
    %dma_wait3A_277 = arith.constant 0 : i32
    %dma_wait3A_278 = tpu.memref_slice %arg4[%add3A_180, %dma_wait3A_277] : memref<16384x1024xf32, #tpu.memory_space<hbm>> -> memref<16x1024xf32, #tpu.memory_space<hbm>>
    %dma_wait3A_279 = arith.constant 0 : i32
    %dma_wait3A_280 = arith.constant 0 : i32
    %dma_wait3A_281 = tpu.memref_slice %arg6[%dma_wait3A_270, %dma_wait3A_279, %dma_wait3A_280] : memref<5x16x1024xf32, #tpu.memory_space<vmem>> -> memref<1x16x1024xf32, #tpu.memory_space<vmem>>
    %dma_wait3A_282 = tpu.memref_squeeze %dma_wait3A_281 : memref<1x16x1024xf32, #tpu.memory_space<vmem>> -> memref<16x1024xf32, #tpu.memory_space<vmem>>
    tpu.wait_dma2 semaphore(%arg9 : memref<!tpu.dma_semaphore, #tpu.memory_space<semaphore_mem>>) src(%dma_wait3A_282 : memref<16x1024xf32, #tpu.memory_space<vmem>>) dst(%dma_wait3A_278 : memref<16x1024xf32, #tpu.memory_space<hbm>>)
    %add3A_283 = arith.constant 8192 : i32
    %add3A_284 = arith.addi %add3A_283, %mul3A_2 : i32
    %add3A_285 = arith.constant 16 : i32
    %add3A_286 = arith.addi %add3A_284, %add3A_285 : i32
    %dma_start3A_287 = arith.constant 1 : i32
    %dma_start3A_288 = arith.constant 0 : i32
    %dma_start3A_289 = arith.constant 0 : i32
    %dma_start3A_290 = tpu.memref_slice %arg6[%dma_start3A_287, %dma_start3A_288, %dma_start3A_289] : memref<5x16x1024xf32, #tpu.memory_space<vmem>> -> memref<1x16x1024xf32, #tpu.memory_space<vmem>>
    %dma_start3A_291 = tpu.memref_squeeze %dma_start3A_290 : memref<1x16x1024xf32, #tpu.memory_space<vmem>> -> memref<16x1024xf32, #tpu.memory_space<vmem>>
    %dma_start3A_292 = arith.constant 0 : i32
    %dma_start3A_293 = tpu.memref_slice %arg2[%add3A_286, %dma_start3A_292] : memref<16384x1024xf32, #tpu.memory_space<hbm>> -> memref<16x1024xf32, #tpu.memory_space<hbm>>
    %dma_start3A_294 = arith.constant 0 : i32
    %dma_start3A_295 = arith.constant 0 : i32
    %dma_start3A_296 = tpu.memref_slice %arg6[%dma_start3A_287, %dma_start3A_294, %dma_start3A_295] : memref<5x16x1024xf32, #tpu.memory_space<vmem>> -> memref<1x16x1024xf32, #tpu.memory_space<vmem>>
    %dma_start3A_297 = tpu.memref_squeeze %dma_start3A_296 : memref<1x16x1024xf32, #tpu.memory_space<vmem>> -> memref<16x1024xf32, #tpu.memory_space<vmem>>
    %dma_start3A_298 = arith.constant 0 : i32
    %dma_start3A_299 = tpu.memref_slice %arg2[%add3A_286, %dma_start3A_298] : memref<16384x1024xf32, #tpu.memory_space<hbm>> -> memref<16x1024xf32, #tpu.memory_space<hbm>>
    tpu.enqueue_dma source(%dma_start3A_299 : memref<16x1024xf32, #tpu.memory_space<hbm>>) target(%dma_start3A_297 : memref<16x1024xf32, #tpu.memory_space<vmem>>) target_semaphore(%arg8 : memref<!tpu.dma_semaphore, #tpu.memory_space<semaphore_mem>>)
    %parallel_loop3A_300 = arith.constant 0 : i32
    %parallel_loop3A_301 = arith.constant 16384 : i32
    %parallel_loop3A_302 = arith.constant 16 : i32
    scf.for %parallel_loop3A_2240 = %parallel_loop3A_300 to %parallel_loop3A_301 step %parallel_loop3A_302  : i32 {
      %parallel_loop3A_2241 = arith.constant 10 : i32
      %parallel_loop3A_2242 = arith.shrsi %parallel_loop3A_2240, %parallel_loop3A_2241 : i32
      %parallel_loop3A_2243 = arith.constant 1023 : i32
      %parallel_loop3A_2244 = arith.andi %parallel_loop3A_2240, %parallel_loop3A_2243 : i32
      %parallel_loop3A_2245 = tpu.assume_multiple %parallel_loop3A_2244, 16 : i32
      %parallel_loop3A_2246 = arith.constant 3 : i32
      %parallel_loop3A_2247 = arith.index_cast %parallel_loop3A_2246 : i32 to index
      %parallel_loop3A_2248 = arith.index_cast %parallel_loop3A_2242 : i32 to index
      %parallel_loop3A_2249 = arith.index_cast %parallel_loop3A_2245 : i32 to index
      %parallel_loop3A_2250 = tpu.vector_load %arg6[%parallel_loop3A_2247, %parallel_loop3A_2248, %parallel_loop3A_2249] {strides = array<i32>} : memref<5x16x1024xf32, #tpu.memory_space<vmem>>, vector<1x1x16xf32>,
      %parallel_loop3A_2251 = vector.shape_cast %parallel_loop3A_2250 : vector<1x1x16xf32> to vector<16xf32>
      %parallel_loop3A_2252 = arith.constant 0 : i32
      %parallel_loop3A_2253 = arith.index_cast %parallel_loop3A_2252 : i32 to index
      %parallel_loop3A_2254 = arith.index_cast %parallel_loop3A_2242 : i32 to index
      %parallel_loop3A_2255 = arith.index_cast %parallel_loop3A_2245 : i32 to index
      %parallel_loop3A_2256 = tpu.vector_load %arg5[%parallel_loop3A_2253, %parallel_loop3A_2254, %parallel_loop3A_2255] {strides = array<i32>} : memref<2x16x1024xf32, #tpu.memory_space<vmem>>, vector<1x1x16xf32>,
      %parallel_loop3A_2257 = vector.shape_cast %parallel_loop3A_2256 : vector<1x1x16xf32> to vector<16xf32>
      %parallel_loop3A_2258 = arith.addf %parallel_loop3A_2251, %parallel_loop3A_2257 : vector<16xf32>
      %parallel_loop3A_2259 = arith.constant 3 : i32
      %parallel_loop3A_2260 = arith.index_cast %parallel_loop3A_2259 : i32 to index
      %parallel_loop3A_2261 = arith.index_cast %parallel_loop3A_2242 : i32 to index
      %parallel_loop3A_2262 = arith.index_cast %parallel_loop3A_2245 : i32 to index
      %parallel_loop3A_2263 = tpu.vector_load %arg6[%parallel_loop3A_2260, %parallel_loop3A_2261, %parallel_loop3A_2262] {strides = array<i32>} : memref<5x16x1024xf32, #tpu.memory_space<vmem>>, vector<1x1x16xf32>,
      %parallel_loop3A_2264 = vector.shape_cast %parallel_loop3A_2263 : vector<1x1x16xf32> to vector<16xf32>
      %parallel_loop3A_2265 = vector.shape_cast %parallel_loop3A_2258 : vector<16xf32> to vector<1x1x16xf32>
      tpu.vector_store %arg6[%parallel_loop3A_2260, %parallel_loop3A_2261, %parallel_loop3A_2262], %parallel_loop3A_2265 {strides = array<i32>} : memref<5x16x1024xf32, #tpu.memory_space<vmem>>, vector<1x1x16xf32>,
    } {sc.loop_unroll_factor = 8 : i64, sc.parallel_access}
    %add3A_303 = arith.constant 12288 : i32
    %add3A_304 = arith.addi %add3A_303, %mul3A_2 : i32
    %add3A_305 = arith.constant 0 : i32
    %add3A_306 = arith.addi %add3A_304, %add3A_305 : i32
    %dma_start3A_307 = arith.constant 3 : i32
    %dma_start3A_308 = arith.constant 0 : i32
    %dma_start3A_309 = arith.constant 0 : i32
    %dma_start3A_310 = tpu.memref_slice %arg6[%dma_start3A_307, %dma_start3A_308, %dma_start3A_309] : memref<5x16x1024xf32, #tpu.memory_space<vmem>> -> memref<1x16x1024xf32, #tpu.memory_space<vmem>>
    %dma_start3A_311 = tpu.memref_squeeze %dma_start3A_310 : memref<1x16x1024xf32, #tpu.memory_space<vmem>> -> memref<16x1024xf32, #tpu.memory_space<vmem>>
    %dma_start3A_312 = arith.constant 0 : i32
    %dma_start3A_313 = tpu.memref_slice %arg4[%add3A_306, %dma_start3A_312] : memref<16384x1024xf32, #tpu.memory_space<hbm>> -> memref<16x1024xf32, #tpu.memory_space<hbm>>
    %dma_start3A_314 = arith.constant 0 : i32
    %dma_start3A_315 = tpu.memref_slice %arg4[%add3A_306, %dma_start3A_314] : memref<16384x1024xf32, #tpu.memory_space<hbm>> -> memref<16x1024xf32, #tpu.memory_space<hbm>>
    %dma_start3A_316 = arith.constant 0 : i32
    %dma_start3A_317 = arith.constant 0 : i32
    %dma_start3A_318 = tpu.memref_slice %arg6[%dma_start3A_307, %dma_start3A_316, %dma_start3A_317] : memref<5x16x1024xf32, #tpu.memory_space<vmem>> -> memref<1x16x1024xf32, #tpu.memory_space<vmem>>
    %dma_start3A_319 = tpu.memref_squeeze %dma_start3A_318 : memref<1x16x1024xf32, #tpu.memory_space<vmem>> -> memref<16x1024xf32, #tpu.memory_space<vmem>>
    tpu.enqueue_dma source(%dma_start3A_319 : memref<16x1024xf32, #tpu.memory_space<vmem>>) target(%dma_start3A_315 : memref<16x1024xf32, #tpu.memory_space<hbm>>) target_semaphore(%arg9 : memref<!tpu.dma_semaphore, #tpu.memory_space<semaphore_mem>>)
    %add3A_320 = arith.constant 32 : i32
    %add3A_321 = arith.addi %mul3A_2, %add3A_320 : i32
    %dma_start3A_322 = arith.constant 0 : i32
    %dma_start3A_323 = arith.constant 0 : i32
    %dma_start3A_324 = arith.constant 0 : i32
    %dma_start3A_325 = tpu.memref_slice %arg5[%dma_start3A_322, %dma_start3A_323, %dma_start3A_324] : memref<2x16x1024xf32, #tpu.memory_space<vmem>> -> memref<1x16x1024xf32, #tpu.memory_space<vmem>>
    %dma_start3A_326 = tpu.memref_squeeze %dma_start3A_325 : memref<1x16x1024xf32, #tpu.memory_space<vmem>> -> memref<16x1024xf32, #tpu.memory_space<vmem>>
    %dma_start3A_327 = arith.constant 0 : i32
    %dma_start3A_328 = tpu.memref_slice %arg3[%add3A_321, %dma_start3A_327] : memref<4096x1024xf32, #tpu.memory_space<hbm>> -> memref<16x1024xf32, #tpu.memory_space<hbm>>
    %dma_start3A_329 = arith.constant 0 : i32
    %dma_start3A_330 = arith.constant 0 : i32
    %dma_start3A_331 = tpu.memref_slice %arg5[%dma_start3A_322, %dma_start3A_329, %dma_start3A_330] : memref<2x16x1024xf32, #tpu.memory_space<vmem>> -> memref<1x16x1024xf32, #tpu.memory_space<vmem>>
    %dma_start3A_332 = tpu.memref_squeeze %dma_start3A_331 : memref<1x16x1024xf32, #tpu.memory_space<vmem>> -> memref<16x1024xf32, #tpu.memory_space<vmem>>
    %dma_start3A_333 = arith.constant 0 : i32
    %dma_start3A_334 = tpu.memref_slice %arg3[%add3A_321, %dma_start3A_333] : memref<4096x1024xf32, #tpu.memory_space<hbm>> -> memref<16x1024xf32, #tpu.memory_space<hbm>>
    tpu.enqueue_dma source(%dma_start3A_334 : memref<16x1024xf32, #tpu.memory_space<hbm>>) target(%dma_start3A_332 : memref<16x1024xf32, #tpu.memory_space<vmem>>) target_semaphore(%arg7 : memref<!tpu.dma_semaphore, #tpu.memory_space<semaphore_mem>>)
    %dma_wait3A_335 = arith.constant 4 : i32
    %dma_wait3A_336 = arith.constant 0 : i32
    %dma_wait3A_337 = arith.constant 0 : i32
    %dma_wait3A_338 = tpu.memref_slice %arg6[%dma_wait3A_335, %dma_wait3A_336, %dma_wait3A_337] : memref<5x16x1024xf32, #tpu.memory_space<vmem>> -> memref<1x16x1024xf32, #tpu.memory_space<vmem>>
    %dma_wait3A_339 = tpu.memref_squeeze %dma_wait3A_338 : memref<1x16x1024xf32, #tpu.memory_space<vmem>> -> memref<16x1024xf32, #tpu.memory_space<vmem>>
    %dma_wait3A_340 = arith.constant 0 : i32
    %dma_wait3A_341 = tpu.memref_slice %arg2[%add3A_160, %dma_wait3A_340] : memref<16384x1024xf32, #tpu.memory_space<hbm>> -> memref<16x1024xf32, #tpu.memory_space<hbm>>
    %dma_wait3A_342 = arith.constant 0 : i32
    %dma_wait3A_343 = arith.constant 0 : i32
    %dma_wait3A_344 = tpu.memref_slice %arg6[%dma_wait3A_335, %dma_wait3A_342, %dma_wait3A_343] : memref<5x16x1024xf32, #tpu.memory_space<vmem>> -> memref<1x16x1024xf32, #tpu.memory_space<vmem>>
    %dma_wait3A_345 = tpu.memref_squeeze %dma_wait3A_344 : memref<1x16x1024xf32, #tpu.memory_space<vmem>> -> memref<16x1024xf32, #tpu.memory_space<vmem>>
    %dma_wait3A_346 = arith.constant 0 : i32
    %dma_wait3A_347 = tpu.memref_slice %arg2[%add3A_160, %dma_wait3A_346] : memref<16384x1024xf32, #tpu.memory_space<hbm>> -> memref<16x1024xf32, #tpu.memory_space<hbm>>
    tpu.wait_dma2 semaphore(%arg8 : memref<!tpu.dma_semaphore, #tpu.memory_space<semaphore_mem>>) src(%dma_wait3A_347 : memref<16x1024xf32, #tpu.memory_space<hbm>>) dst(%dma_wait3A_345 : memref<16x1024xf32, #tpu.memory_space<vmem>>)
    %dma_wait3A_348 = arith.constant 1 : i32
    %dma_wait3A_349 = arith.constant 0 : i32
    %dma_wait3A_350 = arith.constant 0 : i32
    %dma_wait3A_351 = tpu.memref_slice %arg5[%dma_wait3A_348, %dma_wait3A_349, %dma_wait3A_350] : memref<2x16x1024xf32, #tpu.memory_space<vmem>> -> memref<1x16x1024xf32, #tpu.memory_space<vmem>>
    %dma_wait3A_352 = tpu.memref_squeeze %dma_wait3A_351 : memref<1x16x1024xf32, #tpu.memory_space<vmem>> -> memref<16x1024xf32, #tpu.memory_space<vmem>>
    %dma_wait3A_353 = arith.constant 0 : i32
    %dma_wait3A_354 = tpu.memref_slice %arg3[%add3A_18, %dma_wait3A_353] : memref<4096x1024xf32, #tpu.memory_space<hbm>> -> memref<16x1024xf32, #tpu.memory_space<hbm>>
    %dma_wait3A_355 = arith.constant 0 : i32
    %dma_wait3A_356 = arith.constant 0 : i32
    %dma_wait3A_357 = tpu.memref_slice %arg5[%dma_wait3A_348, %dma_wait3A_355, %dma_wait3A_356] : memref<2x16x1024xf32, #tpu.memory_space<vmem>> -> memref<1x16x1024xf32, #tpu.memory_space<vmem>>
    %dma_wait3A_358 = tpu.memref_squeeze %dma_wait3A_357 : memref<1x16x1024xf32, #tpu.memory_space<vmem>> -> memref<16x1024xf32, #tpu.memory_space<vmem>>
    %dma_wait3A_359 = arith.constant 0 : i32
    %dma_wait3A_360 = tpu.memref_slice %arg3[%add3A_18, %dma_wait3A_359] : memref<4096x1024xf32, #tpu.memory_space<hbm>> -> memref<16x1024xf32, #tpu.memory_space<hbm>>
    tpu.wait_dma2 semaphore(%arg7 : memref<!tpu.dma_semaphore, #tpu.memory_space<semaphore_mem>>) src(%dma_wait3A_360 : memref<16x1024xf32, #tpu.memory_space<hbm>>) dst(%dma_wait3A_358 : memref<16x1024xf32, #tpu.memory_space<vmem>>)
    %dma_wait3A_361 = arith.constant 2 : i32
    %dma_wait3A_362 = arith.constant 0 : i32
    %dma_wait3A_363 = arith.constant 0 : i32
    %dma_wait3A_364 = tpu.memref_slice %arg6[%dma_wait3A_361, %dma_wait3A_362, %dma_wait3A_363] : memref<5x16x1024xf32, #tpu.memory_space<vmem>> -> memref<1x16x1024xf32, #tpu.memory_space<vmem>>
    %dma_wait3A_365 = tpu.memref_squeeze %dma_wait3A_364 : memref<1x16x1024xf32, #tpu.memory_space<vmem>> -> memref<16x1024xf32, #tpu.memory_space<vmem>>
    %dma_wait3A_366 = arith.constant 0 : i32
    %dma_wait3A_367 = tpu.memref_slice %arg4[%add3A_243, %dma_wait3A_366] : memref<16384x1024xf32, #tpu.memory_space<hbm>> -> memref<16x1024xf32, #tpu.memory_space<hbm>>
    %dma_wait3A_368 = arith.constant 0 : i32
    %dma_wait3A_369 = tpu.memref_slice %arg4[%add3A_243, %dma_wait3A_368] : memref<16384x1024xf32, #tpu.memory_space<hbm>> -> memref<16x1024xf32, #tpu.memory_space<hbm>>
    %dma_wait3A_370 = arith.constant 0 : i32
    %dma_wait3A_371 = arith.constant 0 : i32
    %dma_wait3A_372 = tpu.memref_slice %arg6[%dma_wait3A_361, %dma_wait3A_370, %dma_wait3A_371] : memref<5x16x1024xf32, #tpu.memory_space<vmem>> -> memref<1x16x1024xf32, #tpu.memory_space<vmem>>
    %dma_wait3A_373 = tpu.memref_squeeze %dma_wait3A_372 : memref<1x16x1024xf32, #tpu.memory_space<vmem>> -> memref<16x1024xf32, #tpu.memory_space<vmem>>
    tpu.wait_dma2 semaphore(%arg9 : memref<!tpu.dma_semaphore, #tpu.memory_space<semaphore_mem>>) src(%dma_wait3A_373 : memref<16x1024xf32, #tpu.memory_space<vmem>>) dst(%dma_wait3A_369 : memref<16x1024xf32, #tpu.memory_space<hbm>>)
    %add3A_374 = arith.constant 12288 : i32
    %add3A_375 = arith.addi %add3A_374, %mul3A_2 : i32
    %add3A_376 = arith.constant 16 : i32
    %add3A_377 = arith.addi %add3A_375, %add3A_376 : i32
    %dma_start3A_378 = arith.constant 2 : i32
    %dma_start3A_379 = arith.constant 0 : i32
    %dma_start3A_380 = arith.constant 0 : i32
    %dma_start3A_381 = tpu.memref_slice %arg6[%dma_start3A_378, %dma_start3A_379, %dma_start3A_380] : memref<5x16x1024xf32, #tpu.memory_space<vmem>> -> memref<1x16x1024xf32, #tpu.memory_space<vmem>>
    %dma_start3A_382 = tpu.memref_squeeze %dma_start3A_381 : memref<1x16x1024xf32, #tpu.memory_space<vmem>> -> memref<16x1024xf32, #tpu.memory_space<vmem>>
    %dma_start3A_383 = arith.constant 0 : i32
    %dma_start3A_384 = tpu.memref_slice %arg2[%add3A_377, %dma_start3A_383] : memref<16384x1024xf32, #tpu.memory_space<hbm>> -> memref<16x1024xf32, #tpu.memory_space<hbm>>
    %dma_start3A_385 = arith.constant 0 : i32
    %dma_start3A_386 = arith.constant 0 : i32
    %dma_start3A_387 = tpu.memref_slice %arg6[%dma_start3A_378, %dma_start3A_385, %dma_start3A_386] : memref<5x16x1024xf32, #tpu.memory_space<vmem>> -> memref<1x16x1024xf32, #tpu.memory_space<vmem>>
    %dma_start3A_388 = tpu.memref_squeeze %dma_start3A_387 : memref<1x16x1024xf32, #tpu.memory_space<vmem>> -> memref<16x1024xf32, #tpu.memory_space<vmem>>
    %dma_start3A_389 = arith.constant 0 : i32
    %dma_start3A_390 = tpu.memref_slice %arg2[%add3A_377, %dma_start3A_389] : memref<16384x1024xf32, #tpu.memory_space<hbm>> -> memref<16x1024xf32, #tpu.memory_space<hbm>>
    tpu.enqueue_dma source(%dma_start3A_390 : memref<16x1024xf32, #tpu.memory_space<hbm>>) target(%dma_start3A_388 : memref<16x1024xf32, #tpu.memory_space<vmem>>) target_semaphore(%arg8 : memref<!tpu.dma_semaphore, #tpu.memory_space<semaphore_mem>>)
    %parallel_loop3A_391 = arith.constant 0 : i32
    %parallel_loop3A_392 = arith.constant 16384 : i32
    %parallel_loop3A_393 = arith.constant 16 : i32
    scf.for %parallel_loop3A_2240 = %parallel_loop3A_391 to %parallel_loop3A_392 step %parallel_loop3A_393  : i32 {
      %parallel_loop3A_2241 = arith.constant 10 : i32
      %parallel_loop3A_2242 = arith.shrsi %parallel_loop3A_2240, %parallel_loop3A_2241 : i32
      %parallel_loop3A_2243 = arith.constant 1023 : i32
      %parallel_loop3A_2244 = arith.andi %parallel_loop3A_2240, %parallel_loop3A_2243 : i32
      %parallel_loop3A_2245 = tpu.assume_multiple %parallel_loop3A_2244, 16 : i32
      %parallel_loop3A_2246 = arith.constant 4 : i32
      %parallel_loop3A_2247 = arith.index_cast %parallel_loop3A_2246 : i32 to index
      %parallel_loop3A_2248 = arith.index_cast %parallel_loop3A_2242 : i32 to index
      %parallel_loop3A_2249 = arith.index_cast %parallel_loop3A_2245 : i32 to index
      %parallel_loop3A_2250 = tpu.vector_load %arg6[%parallel_loop3A_2247, %parallel_loop3A_2248, %parallel_loop3A_2249] {strides = array<i32>} : memref<5x16x1024xf32, #tpu.memory_space<vmem>>, vector<1x1x16xf32>,
      %parallel_loop3A_2251 = vector.shape_cast %parallel_loop3A_2250 : vector<1x1x16xf32> to vector<16xf32>
      %parallel_loop3A_2252 = arith.constant 1 : i32
      %parallel_loop3A_2253 = arith.index_cast %parallel_loop3A_2252 : i32 to index
      %parallel_loop3A_2254 = arith.index_cast %parallel_loop3A_2242 : i32 to index
      %parallel_loop3A_2255 = arith.index_cast %parallel_loop3A_2245 : i32 to index
      %parallel_loop3A_2256 = tpu.vector_load %arg5[%parallel_loop3A_2253, %parallel_loop3A_2254, %parallel_loop3A_2255] {strides = array<i32>} : memref<2x16x1024xf32, #tpu.memory_space<vmem>>, vector<1x1x16xf32>,
      %parallel_loop3A_2257 = vector.shape_cast %parallel_loop3A_2256 : vector<1x1x16xf32> to vector<16xf32>
      %parallel_loop3A_2258 = arith.addf %parallel_loop3A_2251, %parallel_loop3A_2257 : vector<16xf32>
      %parallel_loop3A_2259 = arith.constant 4 : i32
      %parallel_loop3A_2260 = arith.index_cast %parallel_loop3A_2259 : i32 to index
      %parallel_loop3A_2261 = arith.index_cast %parallel_loop3A_2242 : i32 to index
      %parallel_loop3A_2262 = arith.index_cast %parallel_loop3A_2245 : i32 to index
      %parallel_loop3A_2263 = tpu.vector_load %arg6[%parallel_loop3A_2260, %parallel_loop3A_2261, %parallel_loop3A_2262] {strides = array<i32>} : memref<5x16x1024xf32, #tpu.memory_space<vmem>>, vector<1x1x16xf32>,
      %parallel_loop3A_2264 = vector.shape_cast %parallel_loop3A_2263 : vector<1x1x16xf32> to vector<16xf32>
      %parallel_loop3A_2265 = vector.shape_cast %parallel_loop3A_2258 : vector<16xf32> to vector<1x1x16xf32>
      tpu.vector_store %arg6[%parallel_loop3A_2260, %parallel_loop3A_2261, %parallel_loop3A_2262], %parallel_loop3A_2265 {strides = array<i32>} : memref<5x16x1024xf32, #tpu.memory_space<vmem>>, vector<1x1x16xf32>,
    } {sc.loop_unroll_factor = 8 : i64, sc.parallel_access}
    %add3A_394 = arith.constant 0 : i32
    %add3A_395 = arith.addi %add3A_394, %mul3A_2 : i32
    %add3A_396 = arith.constant 16 : i32
    %add3A_397 = arith.addi %add3A_395, %add3A_396 : i32
    %dma_start3A_398 = arith.constant 4 : i32
    %dma_start3A_399 = arith.constant 0 : i32
    %dma_start3A_400 = arith.constant 0 : i32
    %dma_start3A_401 = tpu.memref_slice %arg6[%dma_start3A_398, %dma_start3A_399, %dma_start3A_400] : memref<5x16x1024xf32, #tpu.memory_space<vmem>> -> memref<1x16x1024xf32, #tpu.memory_space<vmem>>
    %dma_start3A_402 = tpu.memref_squeeze %dma_start3A_401 : memref<1x16x1024xf32, #tpu.memory_space<vmem>> -> memref<16x1024xf32, #tpu.memory_space<vmem>>
    %dma_start3A_403 = arith.constant 0 : i32
    %dma_start3A_404 = tpu.memref_slice %arg4[%add3A_397, %dma_start3A_403] : memref<16384x1024xf32, #tpu.memory_space<hbm>> -> memref<16x1024xf32, #tpu.memory_space<hbm>>
    %dma_start3A_405 = arith.constant 0 : i32
    %dma_start3A_406 = tpu.memref_slice %arg4[%add3A_397, %dma_start3A_405] : memref<16384x1024xf32, #tpu.memory_space<hbm>> -> memref<16x1024xf32, #tpu.memory_space<hbm>>
    %dma_start3A_407 = arith.constant 0 : i32
    %dma_start3A_408 = arith.constant 0 : i32
    %dma_start3A_409 = tpu.memref_slice %arg6[%dma_start3A_398, %dma_start3A_407, %dma_start3A_408] : memref<5x16x1024xf32, #tpu.memory_space<vmem>> -> memref<1x16x1024xf32, #tpu.memory_space<vmem>>
    %dma_start3A_410 = tpu.memref_squeeze %dma_start3A_409 : memref<1x16x1024xf32, #tpu.memory_space<vmem>> -> memref<16x1024xf32, #tpu.memory_space<vmem>>
    tpu.enqueue_dma source(%dma_start3A_410 : memref<16x1024xf32, #tpu.memory_space<vmem>>) target(%dma_start3A_406 : memref<16x1024xf32, #tpu.memory_space<hbm>>) target_semaphore(%arg9 : memref<!tpu.dma_semaphore, #tpu.memory_space<semaphore_mem>>)
    %dma_wait3A_411 = arith.constant 0 : i32
    %dma_wait3A_412 = arith.constant 0 : i32
    %dma_wait3A_413 = arith.constant 0 : i32
    %dma_wait3A_414 = tpu.memref_slice %arg6[%dma_wait3A_411, %dma_wait3A_412, %dma_wait3A_413] : memref<5x16x1024xf32, #tpu.memory_space<vmem>> -> memref<1x16x1024xf32, #tpu.memory_space<vmem>>
    %dma_wait3A_415 = tpu.memref_squeeze %dma_wait3A_414 : memref<1x16x1024xf32, #tpu.memory_space<vmem>> -> memref<16x1024xf32, #tpu.memory_space<vmem>>
    %dma_wait3A_416 = arith.constant 0 : i32
    %dma_wait3A_417 = tpu.memref_slice %arg2[%add3A_223, %dma_wait3A_416] : memref<16384x1024xf32, #tpu.memory_space<hbm>> -> memref<16x1024xf32, #tpu.memory_space<hbm>>
    %dma_wait3A_418 = arith.constant 0 : i32
    %dma_wait3A_419 = arith.constant 0 : i32
    %dma_wait3A_420 = tpu.memref_slice %arg6[%dma_wait3A_411, %dma_wait3A_418, %dma_wait3A_419] : memref<5x16x1024xf32, #tpu.memory_space<vmem>> -> memref<1x16x1024xf32, #tpu.memory_space<vmem>>
    %dma_wait3A_421 = tpu.memref_squeeze %dma_wait3A_420 : memref<1x16x1024xf32, #tpu.memory_space<vmem>> -> memref<16x1024xf32, #tpu.memory_space<vmem>>
    %dma_wait3A_422 = arith.constant 0 : i32
    %dma_wait3A_423 = tpu.memref_slice %arg2[%add3A_223, %dma_wait3A_422] : memref<16384x1024xf32, #tpu.memory_space<hbm>> -> memref<16x1024xf32, #tpu.memory_space<hbm>>
    tpu.wait_dma2 semaphore(%arg8 : memref<!tpu.dma_semaphore, #tpu.memory_space<semaphore_mem>>) src(%dma_wait3A_423 : memref<16x1024xf32, #tpu.memory_space<hbm>>) dst(%dma_wait3A_421 : memref<16x1024xf32, #tpu.memory_space<vmem>>)
    %dma_wait3A_424 = arith.constant 3 : i32
    %dma_wait3A_425 = arith.constant 0 : i32
    %dma_wait3A_426 = arith.constant 0 : i32
    %dma_wait3A_427 = tpu.memref_slice %arg6[%dma_wait3A_424, %dma_wait3A_425, %dma_wait3A_426] : memref<5x16x1024xf32, #tpu.memory_space<vmem>> -> memref<1x16x1024xf32, #tpu.memory_space<vmem>>
    %dma_wait3A_428 = tpu.memref_squeeze %dma_wait3A_427 : memref<1x16x1024xf32, #tpu.memory_space<vmem>> -> memref<16x1024xf32, #tpu.memory_space<vmem>>
    %dma_wait3A_429 = arith.constant 0 : i32
    %dma_wait3A_430 = tpu.memref_slice %arg4[%add3A_306, %dma_wait3A_429] : memref<16384x1024xf32, #tpu.memory_space<hbm>> -> memref<16x1024xf32, #tpu.memory_space<hbm>>
    %dma_wait3A_431 = arith.constant 0 : i32
    %dma_wait3A_432 = tpu.memref_slice %arg4[%add3A_306, %dma_wait3A_431] : memref<16384x1024xf32, #tpu.memory_space<hbm>> -> memref<16x1024xf32, #tpu.memory_space<hbm>>
    %dma_wait3A_433 = arith.constant 0 : i32
    %dma_wait3A_434 = arith.constant 0 : i32
    %dma_wait3A_435 = tpu.memref_slice %arg6[%dma_wait3A_424, %dma_wait3A_433, %dma_wait3A_434] : memref<5x16x1024xf32, #tpu.memory_space<vmem>> -> memref<1x16x1024xf32, #tpu.memory_space<vmem>>
    %dma_wait3A_436 = tpu.memref_squeeze %dma_wait3A_435 : memref<1x16x1024xf32, #tpu.memory_space<vmem>> -> memref<16x1024xf32, #tpu.memory_space<vmem>>
    tpu.wait_dma2 semaphore(%arg9 : memref<!tpu.dma_semaphore, #tpu.memory_space<semaphore_mem>>) src(%dma_wait3A_436 : memref<16x1024xf32, #tpu.memory_space<vmem>>) dst(%dma_wait3A_432 : memref<16x1024xf32, #tpu.memory_space<hbm>>)
    %add3A_437 = arith.constant 0 : i32
    %add3A_438 = arith.addi %add3A_437, %mul3A_2 : i32
    %add3A_439 = arith.constant 32 : i32
    %add3A_440 = arith.addi %add3A_438, %add3A_439 : i32
    %dma_start3A_441 = arith.constant 3 : i32
    %dma_start3A_442 = arith.constant 0 : i32
    %dma_start3A_443 = arith.constant 0 : i32
    %dma_start3A_444 = tpu.memref_slice %arg6[%dma_start3A_441, %dma_start3A_442, %dma_start3A_443] : memref<5x16x1024xf32, #tpu.memory_space<vmem>> -> memref<1x16x1024xf32, #tpu.memory_space<vmem>>
    %dma_start3A_445 = tpu.memref_squeeze %dma_start3A_444 : memref<1x16x1024xf32, #tpu.memory_space<vmem>> -> memref<16x1024xf32, #tpu.memory_space<vmem>>
    %dma_start3A_446 = arith.constant 0 : i32
    %dma_start3A_447 = tpu.memref_slice %arg2[%add3A_440, %dma_start3A_446] : memref<16384x1024xf32, #tpu.memory_space<hbm>> -> memref<16x1024xf32, #tpu.memory_space<hbm>>
    %dma_start3A_448 = arith.constant 0 : i32
    %dma_start3A_449 = arith.constant 0 : i32
    %dma_start3A_450 = tpu.memref_slice %arg6[%dma_start3A_441, %dma_start3A_448, %dma_start3A_449] : memref<5x16x1024xf32, #tpu.memory_space<vmem>> -> memref<1x16x1024xf32, #tpu.memory_space<vmem>>
    %dma_start3A_451 = tpu.memref_squeeze %dma_start3A_450 : memref<1x16x1024xf32, #tpu.memory_space<vmem>> -> memref<16x1024xf32, #tpu.memory_space<vmem>>
    %dma_start3A_452 = arith.constant 0 : i32
    %dma_start3A_453 = tpu.memref_slice %arg2[%add3A_440, %dma_start3A_452] : memref<16384x1024xf32, #tpu.memory_space<hbm>> -> memref<16x1024xf32, #tpu.memory_space<hbm>>
    tpu.enqueue_dma source(%dma_start3A_453 : memref<16x1024xf32, #tpu.memory_space<hbm>>) target(%dma_start3A_451 : memref<16x1024xf32, #tpu.memory_space<vmem>>) target_semaphore(%arg8 : memref<!tpu.dma_semaphore, #tpu.memory_space<semaphore_mem>>)
    %parallel_loop3A_454 = arith.constant 0 : i32
    %parallel_loop3A_455 = arith.constant 16384 : i32
    %parallel_loop3A_456 = arith.constant 16 : i32
    scf.for %parallel_loop3A_2240 = %parallel_loop3A_454 to %parallel_loop3A_455 step %parallel_loop3A_456  : i32 {
      %parallel_loop3A_2241 = arith.constant 10 : i32
      %parallel_loop3A_2242 = arith.shrsi %parallel_loop3A_2240, %parallel_loop3A_2241 : i32
      %parallel_loop3A_2243 = arith.constant 1023 : i32
      %parallel_loop3A_2244 = arith.andi %parallel_loop3A_2240, %parallel_loop3A_2243 : i32
      %parallel_loop3A_2245 = tpu.assume_multiple %parallel_loop3A_2244, 16 : i32
      %parallel_loop3A_2246 = arith.constant 0 : i32
      %parallel_loop3A_2247 = arith.index_cast %parallel_loop3A_2246 : i32 to index
      %parallel_loop3A_2248 = arith.index_cast %parallel_loop3A_2242 : i32 to index
      %parallel_loop3A_2249 = arith.index_cast %parallel_loop3A_2245 : i32 to index
      %parallel_loop3A_2250 = tpu.vector_load %arg6[%parallel_loop3A_2247, %parallel_loop3A_2248, %parallel_loop3A_2249] {strides = array<i32>} : memref<5x16x1024xf32, #tpu.memory_space<vmem>>, vector<1x1x16xf32>,
      %parallel_loop3A_2251 = vector.shape_cast %parallel_loop3A_2250 : vector<1x1x16xf32> to vector<16xf32>
      %parallel_loop3A_2252 = arith.constant 1 : i32
      %parallel_loop3A_2253 = arith.index_cast %parallel_loop3A_2252 : i32 to index
      %parallel_loop3A_2254 = arith.index_cast %parallel_loop3A_2242 : i32 to index
      %parallel_loop3A_2255 = arith.index_cast %parallel_loop3A_2245 : i32 to index
      %parallel_loop3A_2256 = tpu.vector_load %arg5[%parallel_loop3A_2253, %parallel_loop3A_2254, %parallel_loop3A_2255] {strides = array<i32>} : memref<2x16x1024xf32, #tpu.memory_space<vmem>>, vector<1x1x16xf32>,
      %parallel_loop3A_2257 = vector.shape_cast %parallel_loop3A_2256 : vector<1x1x16xf32> to vector<16xf32>
      %parallel_loop3A_2258 = arith.addf %parallel_loop3A_2251, %parallel_loop3A_2257 : vector<16xf32>
      %parallel_loop3A_2259 = arith.constant 0 : i32
      %parallel_loop3A_2260 = arith.index_cast %parallel_loop3A_2259 : i32 to index
      %parallel_loop3A_2261 = arith.index_cast %parallel_loop3A_2242 : i32 to index
      %parallel_loop3A_2262 = arith.index_cast %parallel_loop3A_2245 : i32 to index
      %parallel_loop3A_2263 = tpu.vector_load %arg6[%parallel_loop3A_2260, %parallel_loop3A_2261, %parallel_loop3A_2262] {strides = array<i32>} : memref<5x16x1024xf32, #tpu.memory_space<vmem>>, vector<1x1x16xf32>,
      %parallel_loop3A_2264 = vector.shape_cast %parallel_loop3A_2263 : vector<1x1x16xf32> to vector<16xf32>
      %parallel_loop3A_2265 = vector.shape_cast %parallel_loop3A_2258 : vector<16xf32> to vector<1x1x16xf32>
      tpu.vector_store %arg6[%parallel_loop3A_2260, %parallel_loop3A_2261, %parallel_loop3A_2262], %parallel_loop3A_2265 {strides = array<i32>} : memref<5x16x1024xf32, #tpu.memory_space<vmem>>, vector<1x1x16xf32>,
    } {sc.loop_unroll_factor = 8 : i64, sc.parallel_access}
    %add3A_457 = arith.constant 4096 : i32
    %add3A_458 = arith.addi %add3A_457, %mul3A_2 : i32
    %add3A_459 = arith.constant 16 : i32
    %add3A_460 = arith.addi %add3A_458, %add3A_459 : i32
    %dma_start3A_461 = arith.constant 0 : i32
    %dma_start3A_462 = arith.constant 0 : i32
    %dma_start3A_463 = arith.constant 0 : i32
    %dma_start3A_464 = tpu.memref_slice %arg6[%dma_start3A_461, %dma_start3A_462, %dma_start3A_463] : memref<5x16x1024xf32, #tpu.memory_space<vmem>> -> memref<1x16x1024xf32, #tpu.memory_space<vmem>>
    %dma_start3A_465 = tpu.memref_squeeze %dma_start3A_464 : memref<1x16x1024xf32, #tpu.memory_space<vmem>> -> memref<16x1024xf32, #tpu.memory_space<vmem>>
    %dma_start3A_466 = arith.constant 0 : i32
    %dma_start3A_467 = tpu.memref_slice %arg4[%add3A_460, %dma_start3A_466] : memref<16384x1024xf32, #tpu.memory_space<hbm>> -> memref<16x1024xf32, #tpu.memory_space<hbm>>
    %dma_start3A_468 = arith.constant 0 : i32
    %dma_start3A_469 = tpu.memref_slice %arg4[%add3A_460, %dma_start3A_468] : memref<16384x1024xf32, #tpu.memory_space<hbm>> -> memref<16x1024xf32, #tpu.memory_space<hbm>>
    %dma_start3A_470 = arith.constant 0 : i32
    %dma_start3A_471 = arith.constant 0 : i32
    %dma_start3A_472 = tpu.memref_slice %arg6[%dma_start3A_461, %dma_start3A_470, %dma_start3A_471] : memref<5x16x1024xf32, #tpu.memory_space<vmem>> -> memref<1x16x1024xf32, #tpu.memory_space<vmem>>
    %dma_start3A_473 = tpu.memref_squeeze %dma_start3A_472 : memref<1x16x1024xf32, #tpu.memory_space<vmem>> -> memref<16x1024xf32, #tpu.memory_space<vmem>>
    tpu.enqueue_dma source(%dma_start3A_473 : memref<16x1024xf32, #tpu.memory_space<vmem>>) target(%dma_start3A_469 : memref<16x1024xf32, #tpu.memory_space<hbm>>) target_semaphore(%arg9 : memref<!tpu.dma_semaphore, #tpu.memory_space<semaphore_mem>>)
    %dma_wait3A_474 = arith.constant 1 : i32
    %dma_wait3A_475 = arith.constant 0 : i32
    %dma_wait3A_476 = arith.constant 0 : i32
    %dma_wait3A_477 = tpu.memref_slice %arg6[%dma_wait3A_474, %dma_wait3A_475, %dma_wait3A_476] : memref<5x16x1024xf32, #tpu.memory_space<vmem>> -> memref<1x16x1024xf32, #tpu.memory_space<vmem>>
    %dma_wait3A_478 = tpu.memref_squeeze %dma_wait3A_477 : memref<1x16x1024xf32, #tpu.memory_space<vmem>> -> memref<16x1024xf32, #tpu.memory_space<vmem>>
    %dma_wait3A_479 = arith.constant 0 : i32
    %dma_wait3A_480 = tpu.memref_slice %arg2[%add3A_286, %dma_wait3A_479] : memref<16384x1024xf32, #tpu.memory_space<hbm>> -> memref<16x1024xf32, #tpu.memory_space<hbm>>
    %dma_wait3A_481 = arith.constant 0 : i32
    %dma_wait3A_482 = arith.constant 0 : i32
    %dma_wait3A_483 = tpu.memref_slice %arg6[%dma_wait3A_474, %dma_wait3A_481, %dma_wait3A_482] : memref<5x16x1024xf32, #tpu.memory_space<vmem>> -> memref<1x16x1024xf32, #tpu.memory_space<vmem>>
    %dma_wait3A_484 = tpu.memref_squeeze %dma_wait3A_483 : memref<1x16x1024xf32, #tpu.memory_space<vmem>> -> memref<16x1024xf32, #tpu.memory_space<vmem>>
    %dma_wait3A_485 = arith.constant 0 : i32
    %dma_wait3A_486 = tpu.memref_slice %arg2[%add3A_286, %dma_wait3A_485] : memref<16384x1024xf32, #tpu.memory_space<hbm>> -> memref<16x1024xf32, #tpu.memory_space<hbm>>
    tpu.wait_dma2 semaphore(%arg8 : memref<!tpu.dma_semaphore, #tpu.memory_space<semaphore_mem>>) src(%dma_wait3A_486 : memref<16x1024xf32, #tpu.memory_space<hbm>>) dst(%dma_wait3A_484 : memref<16x1024xf32, #tpu.memory_space<vmem>>)
    %dma_wait3A_487 = arith.constant 4 : i32
    %dma_wait3A_488 = arith.constant 0 : i32
    %dma_wait3A_489 = arith.constant 0 : i32
    %dma_wait3A_490 = tpu.memref_slice %arg6[%dma_wait3A_487, %dma_wait3A_488, %dma_wait3A_489] : memref<5x16x1024xf32, #tpu.memory_space<vmem>> -> memref<1x16x1024xf32, #tpu.memory_space<vmem>>
    %dma_wait3A_491 = tpu.memref_squeeze %dma_wait3A_490 : memref<1x16x1024xf32, #tpu.memory_space<vmem>> -> memref<16x1024xf32, #tpu.memory_space<vmem>>
    %dma_wait3A_492 = arith.constant 0 : i32
    %dma_wait3A_493 = tpu.memref_slice %arg4[%add3A_397, %dma_wait3A_492] : memref<16384x1024xf32, #tpu.memory_space<hbm>> -> memref<16x1024xf32, #tpu.memory_space<hbm>>
    %dma_wait3A_494 = arith.constant 0 : i32
    %dma_wait3A_495 = tpu.memref_slice %arg4[%add3A_397, %dma_wait3A_494] : memref<16384x1024xf32, #tpu.memory_space<hbm>> -> memref<16x1024xf32, #tpu.memory_space<hbm>>
    %dma_wait3A_496 = arith.constant 0 : i32
    %dma_wait3A_497 = arith.constant 0 : i32
    %dma_wait3A_498 = tpu.memref_slice %arg6[%dma_wait3A_487, %dma_wait3A_496, %dma_wait3A_497] : memref<5x16x1024xf32, #tpu.memory_space<vmem>> -> memref<1x16x1024xf32, #tpu.memory_space<vmem>>
    %dma_wait3A_499 = tpu.memref_squeeze %dma_wait3A_498 : memref<1x16x1024xf32, #tpu.memory_space<vmem>> -> memref<16x1024xf32, #tpu.memory_space<vmem>>
    tpu.wait_dma2 semaphore(%arg9 : memref<!tpu.dma_semaphore, #tpu.memory_space<semaphore_mem>>) src(%dma_wait3A_499 : memref<16x1024xf32, #tpu.memory_space<vmem>>) dst(%dma_wait3A_495 : memref<16x1024xf32, #tpu.memory_space<hbm>>)
    %add3A_500 = arith.constant 4096 : i32
    %add3A_501 = arith.addi %add3A_500, %mul3A_2 : i32
    %add3A_502 = arith.constant 32 : i32
    %add3A_503 = arith.addi %add3A_501, %add3A_502 : i32
    %dma_start3A_504 = arith.constant 4 : i32
    %dma_start3A_505 = arith.constant 0 : i32
    %dma_start3A_506 = arith.constant 0 : i32
    %dma_start3A_507 = tpu.memref_slice %arg6[%dma_start3A_504, %dma_start3A_505, %dma_start3A_506] : memref<5x16x1024xf32, #tpu.memory_space<vmem>> -> memref<1x16x1024xf32, #tpu.memory_space<vmem>>
    %dma_start3A_508 = tpu.memref_squeeze %dma_start3A_507 : memref<1x16x1024xf32, #tpu.memory_space<vmem>> -> memref<16x1024xf32, #tpu.memory_space<vmem>>
    %dma_start3A_509 = arith.constant 0 : i32
    %dma_start3A_510 = tpu.memref_slice %arg2[%add3A_503, %dma_start3A_509] : memref<16384x1024xf32, #tpu.memory_space<hbm>> -> memref<16x1024xf32, #tpu.memory_space<hbm>>
    %dma_start3A_511 = arith.constant 0 : i32
    %dma_start3A_512 = arith.constant 0 : i32
    %dma_start3A_513 = tpu.memref_slice %arg6[%dma_start3A_504, %dma_start3A_511, %dma_start3A_512] : memref<5x16x1024xf32, #tpu.memory_space<vmem>> -> memref<1x16x1024xf32, #tpu.memory_space<vmem>>
    %dma_start3A_514 = tpu.memref_squeeze %dma_start3A_513 : memref<1x16x1024xf32, #tpu.memory_space<vmem>> -> memref<16x1024xf32, #tpu.memory_space<vmem>>
    %dma_start3A_515 = arith.constant 0 : i32
    %dma_start3A_516 = tpu.memref_slice %arg2[%add3A_503, %dma_start3A_515] : memref<16384x1024xf32, #tpu.memory_space<hbm>> -> memref<16x1024xf32, #tpu.memory_space<hbm>>
    tpu.enqueue_dma source(%dma_start3A_516 : memref<16x1024xf32, #tpu.memory_space<hbm>>) target(%dma_start3A_514 : memref<16x1024xf32, #tpu.memory_space<vmem>>) target_semaphore(%arg8 : memref<!tpu.dma_semaphore, #tpu.memory_space<semaphore_mem>>)
    %parallel_loop3A_517 = arith.constant 0 : i32
    %parallel_loop3A_518 = arith.constant 16384 : i32
    %parallel_loop3A_519 = arith.constant 16 : i32
    scf.for %parallel_loop3A_2240 = %parallel_loop3A_517 to %parallel_loop3A_518 step %parallel_loop3A_519  : i32 {
      %parallel_loop3A_2241 = arith.constant 10 : i32
      %parallel_loop3A_2242 = arith.shrsi %parallel_loop3A_2240, %parallel_loop3A_2241 : i32
      %parallel_loop3A_2243 = arith.constant 1023 : i32
      %parallel_loop3A_2244 = arith.andi %parallel_loop3A_2240, %parallel_loop3A_2243 : i32
      %parallel_loop3A_2245 = tpu.assume_multiple %parallel_loop3A_2244, 16 : i32
      %parallel_loop3A_2246 = arith.constant 1 : i32
      %parallel_loop3A_2247 = arith.index_cast %parallel_loop3A_2246 : i32 to index
      %parallel_loop3A_2248 = arith.index_cast %parallel_loop3A_2242 : i32 to index
      %parallel_loop3A_2249 = arith.index_cast %parallel_loop3A_2245 : i32 to index
      %parallel_loop3A_2250 = tpu.vector_load %arg6[%parallel_loop3A_2247, %parallel_loop3A_2248, %parallel_loop3A_2249] {strides = array<i32>} : memref<5x16x1024xf32, #tpu.memory_space<vmem>>, vector<1x1x16xf32>,
      %parallel_loop3A_2251 = vector.shape_cast %parallel_loop3A_2250 : vector<1x1x16xf32> to vector<16xf32>
      %parallel_loop3A_2252 = arith.constant 1 : i32
      %parallel_loop3A_2253 = arith.index_cast %parallel_loop3A_2252 : i32 to index
      %parallel_loop3A_2254 = arith.index_cast %parallel_loop3A_2242 : i32 to index
      %parallel_loop3A_2255 = arith.index_cast %parallel_loop3A_2245 : i32 to index
      %parallel_loop3A_2256 = tpu.vector_load %arg5[%parallel_loop3A_2253, %parallel_loop3A_2254, %parallel_loop3A_2255] {strides = array<i32>} : memref<2x16x1024xf32, #tpu.memory_space<vmem>>, vector<1x1x16xf32>,
      %parallel_loop3A_2257 = vector.shape_cast %parallel_loop3A_2256 : vector<1x1x16xf32> to vector<16xf32>
      %parallel_loop3A_2258 = arith.addf %parallel_loop3A_2251, %parallel_loop3A_2257 : vector<16xf32>
      %parallel_loop3A_2259 = arith.constant 1 : i32
      %parallel_loop3A_2260 = arith.index_cast %parallel_loop3A_2259 : i32 to index
      %parallel_loop3A_2261 = arith.index_cast %parallel_loop3A_2242 : i32 to index
      %parallel_loop3A_2262 = arith.index_cast %parallel_loop3A_2245 : i32 to index
      %parallel_loop3A_2263 = tpu.vector_load %arg6[%parallel_loop3A_2260, %parallel_loop3A_2261, %parallel_loop3A_2262] {strides = array<i32>} : memref<5x16x1024xf32, #tpu.memory_space<vmem>>, vector<1x1x16xf32>,
      %parallel_loop3A_2264 = vector.shape_cast %parallel_loop3A_2263 : vector<1x1x16xf32> to vector<16xf32>
      %parallel_loop3A_2265 = vector.shape_cast %parallel_loop3A_2258 : vector<16xf32> to vector<1x1x16xf32>
      tpu.vector_store %arg6[%parallel_loop3A_2260, %parallel_loop3A_2261, %parallel_loop3A_2262], %parallel_loop3A_2265 {strides = array<i32>} : memref<5x16x1024xf32, #tpu.memory_space<vmem>>, vector<1x1x16xf32>,
    } {sc.loop_unroll_factor = 8 : i64, sc.parallel_access}
    %add3A_520 = arith.constant 8192 : i32
    %add3A_521 = arith.addi %add3A_520, %mul3A_2 : i32
    %add3A_522 = arith.constant 16 : i32
    %add3A_523 = arith.addi %add3A_521, %add3A_522 : i32
    %dma_start3A_524 = arith.constant 1 : i32
    %dma_start3A_525 = arith.constant 0 : i32
    %dma_start3A_526 = arith.constant 0 : i32
    %dma_start3A_527 = tpu.memref_slice %arg6[%dma_start3A_524, %dma_start3A_525, %dma_start3A_526] : memref<5x16x1024xf32, #tpu.memory_space<vmem>> -> memref<1x16x1024xf32, #tpu.memory_space<vmem>>
    %dma_start3A_528 = tpu.memref_squeeze %dma_start3A_527 : memref<1x16x1024xf32, #tpu.memory_space<vmem>> -> memref<16x1024xf32, #tpu.memory_space<vmem>>
    %dma_start3A_529 = arith.constant 0 : i32
    %dma_start3A_530 = tpu.memref_slice %arg4[%add3A_523, %dma_start3A_529] : memref<16384x1024xf32, #tpu.memory_space<hbm>> -> memref<16x1024xf32, #tpu.memory_space<hbm>>
    %dma_start3A_531 = arith.constant 0 : i32
    %dma_start3A_532 = tpu.memref_slice %arg4[%add3A_523, %dma_start3A_531] : memref<16384x1024xf32, #tpu.memory_space<hbm>> -> memref<16x1024xf32, #tpu.memory_space<hbm>>
    %dma_start3A_533 = arith.constant 0 : i32
    %dma_start3A_534 = arith.constant 0 : i32
    %dma_start3A_535 = tpu.memref_slice %arg6[%dma_start3A_524, %dma_start3A_533, %dma_start3A_534] : memref<5x16x1024xf32, #tpu.memory_space<vmem>> -> memref<1x16x1024xf32, #tpu.memory_space<vmem>>
    %dma_start3A_536 = tpu.memref_squeeze %dma_start3A_535 : memref<1x16x1024xf32, #tpu.memory_space<vmem>> -> memref<16x1024xf32, #tpu.memory_space<vmem>>
    tpu.enqueue_dma source(%dma_start3A_536 : memref<16x1024xf32, #tpu.memory_space<vmem>>) target(%dma_start3A_532 : memref<16x1024xf32, #tpu.memory_space<hbm>>) target_semaphore(%arg9 : memref<!tpu.dma_semaphore, #tpu.memory_space<semaphore_mem>>)
    %dma_wait3A_537 = arith.constant 2 : i32
    %dma_wait3A_538 = arith.constant 0 : i32
    %dma_wait3A_539 = arith.constant 0 : i32
    %dma_wait3A_540 = tpu.memref_slice %arg6[%dma_wait3A_537, %dma_wait3A_538, %dma_wait3A_539] : memref<5x16x1024xf32, #tpu.memory_space<vmem>> -> memref<1x16x1024xf32, #tpu.memory_space<vmem>>
    %dma_wait3A_541 = tpu.memref_squeeze %dma_wait3A_540 : memref<1x16x1024xf32, #tpu.memory_space<vmem>> -> memref<16x1024xf32, #tpu.memory_space<vmem>>
    %dma_wait3A_542 = arith.constant 0 : i32
    %dma_wait3A_543 = tpu.memref_slice %arg2[%add3A_377, %dma_wait3A_542] : memref<16384x1024xf32, #tpu.memory_space<hbm>> -> memref<16x1024xf32, #tpu.memory_space<hbm>>
    %dma_wait3A_544 = arith.constant 0 : i32
    %dma_wait3A_545 = arith.constant 0 : i32
    %dma_wait3A_546 = tpu.memref_slice %arg6[%dma_wait3A_537, %dma_wait3A_544, %dma_wait3A_545] : memref<5x16x1024xf32, #tpu.memory_space<vmem>> -> memref<1x16x1024xf32, #tpu.memory_space<vmem>>
    %dma_wait3A_547 = tpu.memref_squeeze %dma_wait3A_546 : memref<1x16x1024xf32, #tpu.memory_space<vmem>> -> memref<16x1024xf32, #tpu.memory_space<vmem>>
    %dma_wait3A_548 = arith.constant 0 : i32
    %dma_wait3A_549 = tpu.memref_slice %arg2[%add3A_377, %dma_wait3A_548] : memref<16384x1024xf32, #tpu.memory_space<hbm>> -> memref<16x1024xf32, #tpu.memory_space<hbm>>
    tpu.wait_dma2 semaphore(%arg8 : memref<!tpu.dma_semaphore, #tpu.memory_space<semaphore_mem>>) src(%dma_wait3A_549 : memref<16x1024xf32, #tpu.memory_space<hbm>>) dst(%dma_wait3A_547 : memref<16x1024xf32, #tpu.memory_space<vmem>>)
    %dma_wait3A_550 = arith.constant 0 : i32
    %dma_wait3A_551 = arith.constant 0 : i32
    %dma_wait3A_552 = arith.constant 0 : i32
    %dma_wait3A_553 = tpu.memref_slice %arg6[%dma_wait3A_550, %dma_wait3A_551, %dma_wait3A_552] : memref<5x16x1024xf32, #tpu.memory_space<vmem>> -> memref<1x16x1024xf32, #tpu.memory_space<vmem>>
    %dma_wait3A_554 = tpu.memref_squeeze %dma_wait3A_553 : memref<1x16x1024xf32, #tpu.memory_space<vmem>> -> memref<16x1024xf32, #tpu.memory_space<vmem>>
    %dma_wait3A_555 = arith.constant 0 : i32
    %dma_wait3A_556 = tpu.memref_slice %arg4[%add3A_460, %dma_wait3A_555] : memref<16384x1024xf32, #tpu.memory_space<hbm>> -> memref<16x1024xf32, #tpu.memory_space<hbm>>
    %dma_wait3A_557 = arith.constant 0 : i32
    %dma_wait3A_558 = tpu.memref_slice %arg4[%add3A_460, %dma_wait3A_557] : memref<16384x1024xf32, #tpu.memory_space<hbm>> -> memref<16x1024xf32, #tpu.memory_space<hbm>>
    %dma_wait3A_559 = arith.constant 0 : i32
    %dma_wait3A_560 = arith.constant 0 : i32
    %dma_wait3A_561 = tpu.memref_slice %arg6[%dma_wait3A_550, %dma_wait3A_559, %dma_wait3A_560] : memref<5x16x1024xf32, #tpu.memory_space<vmem>> -> memref<1x16x1024xf32, #tpu.memory_space<vmem>>
    %dma_wait3A_562 = tpu.memref_squeeze %dma_wait3A_561 : memref<1x16x1024xf32, #tpu.memory_space<vmem>> -> memref<16x1024xf32, #tpu.memory_space<vmem>>
    tpu.wait_dma2 semaphore(%arg9 : memref<!tpu.dma_semaphore, #tpu.memory_space<semaphore_mem>>) src(%dma_wait3A_562 : memref<16x1024xf32, #tpu.memory_space<vmem>>) dst(%dma_wait3A_558 : memref<16x1024xf32, #tpu.memory_space<hbm>>)
    %add3A_563 = arith.constant 8192 : i32
    %add3A_564 = arith.addi %add3A_563, %mul3A_2 : i32
    %add3A_565 = arith.constant 32 : i32
    %add3A_566 = arith.addi %add3A_564, %add3A_565 : i32
    %dma_start3A_567 = arith.constant 0 : i32
    %dma_start3A_568 = arith.constant 0 : i32
    %dma_start3A_569 = arith.constant 0 : i32
    %dma_start3A_570 = tpu.memref_slice %arg6[%dma_start3A_567, %dma_start3A_568, %dma_start3A_569] : memref<5x16x1024xf32, #tpu.memory_space<vmem>> -> memref<1x16x1024xf32, #tpu.memory_space<vmem>>
    %dma_start3A_571 = tpu.memref_squeeze %dma_start3A_570 : memref<1x16x1024xf32, #tpu.memory_space<vmem>> -> memref<16x1024xf32, #tpu.memory_space<vmem>>
    %dma_start3A_572 = arith.constant 0 : i32
    %dma_start3A_573 = tpu.memref_slice %arg2[%add3A_566, %dma_start3A_572] : memref<16384x1024xf32, #tpu.memory_space<hbm>> -> memref<16x1024xf32, #tpu.memory_space<hbm>>
    %dma_start3A_574 = arith.constant 0 : i32
    %dma_start3A_575 = arith.constant 0 : i32
    %dma_start3A_576 = tpu.memref_slice %arg6[%dma_start3A_567, %dma_start3A_574, %dma_start3A_575] : memref<5x16x1024xf32, #tpu.memory_space<vmem>> -> memref<1x16x1024xf32, #tpu.memory_space<vmem>>
    %dma_start3A_577 = tpu.memref_squeeze %dma_start3A_576 : memref<1x16x1024xf32, #tpu.memory_space<vmem>> -> memref<16x1024xf32, #tpu.memory_space<vmem>>
    %dma_start3A_578 = arith.constant 0 : i32
    %dma_start3A_579 = tpu.memref_slice %arg2[%add3A_566, %dma_start3A_578] : memref<16384x1024xf32, #tpu.memory_space<hbm>> -> memref<16x1024xf32, #tpu.memory_space<hbm>>
    tpu.enqueue_dma source(%dma_start3A_579 : memref<16x1024xf32, #tpu.memory_space<hbm>>) target(%dma_start3A_577 : memref<16x1024xf32, #tpu.memory_space<vmem>>) target_semaphore(%arg8 : memref<!tpu.dma_semaphore, #tpu.memory_space<semaphore_mem>>)
    %parallel_loop3A_580 = arith.constant 0 : i32
    %parallel_loop3A_581 = arith.constant 16384 : i32
    %parallel_loop3A_582 = arith.constant 16 : i32
    scf.for %parallel_loop3A_2240 = %parallel_loop3A_580 to %parallel_loop3A_581 step %parallel_loop3A_582  : i32 {
      %parallel_loop3A_2241 = arith.constant 10 : i32
      %parallel_loop3A_2242 = arith.shrsi %parallel_loop3A_2240, %parallel_loop3A_2241 : i32
      %parallel_loop3A_2243 = arith.constant 1023 : i32
      %parallel_loop3A_2244 = arith.andi %parallel_loop3A_2240, %parallel_loop3A_2243 : i32
      %parallel_loop3A_2245 = tpu.assume_multiple %parallel_loop3A_2244, 16 : i32
      %parallel_loop3A_2246 = arith.constant 2 : i32
      %parallel_loop3A_2247 = arith.index_cast %parallel_loop3A_2246 : i32 to index
      %parallel_loop3A_2248 = arith.index_cast %parallel_loop3A_2242 : i32 to index
      %parallel_loop3A_2249 = arith.index_cast %parallel_loop3A_2245 : i32 to index
      %parallel_loop3A_2250 = tpu.vector_load %arg6[%parallel_loop3A_2247, %parallel_loop3A_2248, %parallel_loop3A_2249] {strides = array<i32>} : memref<5x16x1024xf32, #tpu.memory_space<vmem>>, vector<1x1x16xf32>,
      %parallel_loop3A_2251 = vector.shape_cast %parallel_loop3A_2250 : vector<1x1x16xf32> to vector<16xf32>
      %parallel_loop3A_2252 = arith.constant 1 : i32
      %parallel_loop3A_2253 = arith.index_cast %parallel_loop3A_2252 : i32 to index
      %parallel_loop3A_2254 = arith.index_cast %parallel_loop3A_2242 : i32 to index
      %parallel_loop3A_2255 = arith.index_cast %parallel_loop3A_2245 : i32 to index
      %parallel_loop3A_2256 = tpu.vector_load %arg5[%parallel_loop3A_2253, %parallel_loop3A_2254, %parallel_loop3A_2255] {strides = array<i32>} : memref<2x16x1024xf32, #tpu.memory_space<vmem>>, vector<1x1x16xf32>,
      %parallel_loop3A_2257 = vector.shape_cast %parallel_loop3A_2256 : vector<1x1x16xf32> to vector<16xf32>
      %parallel_loop3A_2258 = arith.addf %parallel_loop3A_2251, %parallel_loop3A_2257 : vector<16xf32>
      %parallel_loop3A_2259 = arith.constant 2 : i32
      %parallel_loop3A_2260 = arith.index_cast %parallel_loop3A_2259 : i32 to index
      %parallel_loop3A_2261 = arith.index_cast %parallel_loop3A_2242 : i32 to index
      %parallel_loop3A_2262 = arith.index_cast %parallel_loop3A_2245 : i32 to index
      %parallel_loop3A_2263 = tpu.vector_load %arg6[%parallel_loop3A_2260, %parallel_loop3A_2261, %parallel_loop3A_2262] {strides = array<i32>} : memref<5x16x1024xf32, #tpu.memory_space<vmem>>, vector<1x1x16xf32>,
      %parallel_loop3A_2264 = vector.shape_cast %parallel_loop3A_2263 : vector<1x1x16xf32> to vector<16xf32>
      %parallel_loop3A_2265 = vector.shape_cast %parallel_loop3A_2258 : vector<16xf32> to vector<1x1x16xf32>
      tpu.vector_store %arg6[%parallel_loop3A_2260, %parallel_loop3A_2261, %parallel_loop3A_2262], %parallel_loop3A_2265 {strides = array<i32>} : memref<5x16x1024xf32, #tpu.memory_space<vmem>>, vector<1x1x16xf32>,
    } {sc.loop_unroll_factor = 8 : i64, sc.parallel_access}
    %add3A_583 = arith.constant 12288 : i32
    %add3A_584 = arith.addi %add3A_583, %mul3A_2 : i32
    %add3A_585 = arith.constant 16 : i32
    %add3A_586 = arith.addi %add3A_584, %add3A_585 : i32
    %dma_start3A_587 = arith.constant 2 : i32
    %dma_start3A_588 = arith.constant 0 : i32
    %dma_start3A_589 = arith.constant 0 : i32
    %dma_start3A_590 = tpu.memref_slice %arg6[%dma_start3A_587, %dma_start3A_588, %dma_start3A_589] : memref<5x16x1024xf32, #tpu.memory_space<vmem>> -> memref<1x16x1024xf32, #tpu.memory_space<vmem>>
    %dma_start3A_591 = tpu.memref_squeeze %dma_start3A_590 : memref<1x16x1024xf32, #tpu.memory_space<vmem>> -> memref<16x1024xf32, #tpu.memory_space<vmem>>
    %dma_start3A_592 = arith.constant 0 : i32
    %dma_start3A_593 = tpu.memref_slice %arg4[%add3A_586, %dma_start3A_592] : memref<16384x1024xf32, #tpu.memory_space<hbm>> -> memref<16x1024xf32, #tpu.memory_space<hbm>>
    %dma_start3A_594 = arith.constant 0 : i32
    %dma_start3A_595 = tpu.memref_slice %arg4[%add3A_586, %dma_start3A_594] : memref<16384x1024xf32, #tpu.memory_space<hbm>> -> memref<16x1024xf32, #tpu.memory_space<hbm>>
    %dma_start3A_596 = arith.constant 0 : i32
    %dma_start3A_597 = arith.constant 0 : i32
    %dma_start3A_598 = tpu.memref_slice %arg6[%dma_start3A_587, %dma_start3A_596, %dma_start3A_597] : memref<5x16x1024xf32, #tpu.memory_space<vmem>> -> memref<1x16x1024xf32, #tpu.memory_space<vmem>>
    %dma_start3A_599 = tpu.memref_squeeze %dma_start3A_598 : memref<1x16x1024xf32, #tpu.memory_space<vmem>> -> memref<16x1024xf32, #tpu.memory_space<vmem>>
    tpu.enqueue_dma source(%dma_start3A_599 : memref<16x1024xf32, #tpu.memory_space<vmem>>) target(%dma_start3A_595 : memref<16x1024xf32, #tpu.memory_space<hbm>>) target_semaphore(%arg9 : memref<!tpu.dma_semaphore, #tpu.memory_space<semaphore_mem>>)
    %add3A_600 = arith.constant 48 : i32
    %add3A_601 = arith.addi %mul3A_2, %add3A_600 : i32
    %dma_start3A_602 = arith.constant 1 : i32
    %dma_start3A_603 = arith.constant 0 : i32
    %dma_start3A_604 = arith.constant 0 : i32
    %dma_start3A_605 = tpu.memref_slice %arg5[%dma_start3A_602, %dma_start3A_603, %dma_start3A_604] : memref<2x16x1024xf32, #tpu.memory_space<vmem>> -> memref<1x16x1024xf32, #tpu.memory_space<vmem>>
    %dma_start3A_606 = tpu.memref_squeeze %dma_start3A_605 : memref<1x16x1024xf32, #tpu.memory_space<vmem>> -> memref<16x1024xf32, #tpu.memory_space<vmem>>
    %dma_start3A_607 = arith.constant 0 : i32
    %dma_start3A_608 = tpu.memref_slice %arg3[%add3A_601, %dma_start3A_607] : memref<4096x1024xf32, #tpu.memory_space<hbm>> -> memref<16x1024xf32, #tpu.memory_space<hbm>>
    %dma_start3A_609 = arith.constant 0 : i32
    %dma_start3A_610 = arith.constant 0 : i32
    %dma_start3A_611 = tpu.memref_slice %arg5[%dma_start3A_602, %dma_start3A_609, %dma_start3A_610] : memref<2x16x1024xf32, #tpu.memory_space<vmem>> -> memref<1x16x1024xf32, #tpu.memory_space<vmem>>
    %dma_start3A_612 = tpu.memref_squeeze %dma_start3A_611 : memref<1x16x1024xf32, #tpu.memory_space<vmem>> -> memref<16x1024xf32, #tpu.memory_space<vmem>>
    %dma_start3A_613 = arith.constant 0 : i32
    %dma_start3A_614 = tpu.memref_slice %arg3[%add3A_601, %dma_start3A_613] : memref<4096x1024xf32, #tpu.memory_space<hbm>> -> memref<16x1024xf32, #tpu.memory_space<hbm>>
    tpu.enqueue_dma source(%dma_start3A_614 : memref<16x1024xf32, #tpu.memory_space<hbm>>) target(%dma_start3A_612 : memref<16x1024xf32, #tpu.memory_space<vmem>>) target_semaphore(%arg7 : memref<!tpu.dma_semaphore, #tpu.memory_space<semaphore_mem>>)
    %dma_wait3A_615 = arith.constant 3 : i32
    %dma_wait3A_616 = arith.constant 0 : i32
    %dma_wait3A_617 = arith.constant 0 : i32
    %dma_wait3A_618 = tpu.memref_slice %arg6[%dma_wait3A_615, %dma_wait3A_616, %dma_wait3A_617] : memref<5x16x1024xf32, #tpu.memory_space<vmem>> -> memref<1x16x1024xf32, #tpu.memory_space<vmem>>
    %dma_wait3A_619 = tpu.memref_squeeze %dma_wait3A_618 : memref<1x16x1024xf32, #tpu.memory_space<vmem>> -> memref<16x1024xf32, #tpu.memory_space<vmem>>
    %dma_wait3A_620 = arith.constant 0 : i32
    %dma_wait3A_621 = tpu.memref_slice %arg2[%add3A_440, %dma_wait3A_620] : memref<16384x1024xf32, #tpu.memory_space<hbm>> -> memref<16x1024xf32, #tpu.memory_space<hbm>>
    %dma_wait3A_622 = arith.constant 0 : i32
    %dma_wait3A_623 = arith.constant 0 : i32
    %dma_wait3A_624 = tpu.memref_slice %arg6[%dma_wait3A_615, %dma_wait3A_622, %dma_wait3A_623] : memref<5x16x1024xf32, #tpu.memory_space<vmem>> -> memref<1x16x1024xf32, #tpu.memory_space<vmem>>
    %dma_wait3A_625 = tpu.memref_squeeze %dma_wait3A_624 : memref<1x16x1024xf32, #tpu.memory_space<vmem>> -> memref<16x1024xf32, #tpu.memory_space<vmem>>
    %dma_wait3A_626 = arith.constant 0 : i32
    %dma_wait3A_627 = tpu.memref_slice %arg2[%add3A_440, %dma_wait3A_626] : memref<16384x1024xf32, #tpu.memory_space<hbm>> -> memref<16x1024xf32, #tpu.memory_space<hbm>>
    tpu.wait_dma2 semaphore(%arg8 : memref<!tpu.dma_semaphore, #tpu.memory_space<semaphore_mem>>) src(%dma_wait3A_627 : memref<16x1024xf32, #tpu.memory_space<hbm>>) dst(%dma_wait3A_625 : memref<16x1024xf32, #tpu.memory_space<vmem>>)
    %dma_wait3A_628 = arith.constant 0 : i32
    %dma_wait3A_629 = arith.constant 0 : i32
    %dma_wait3A_630 = arith.constant 0 : i32
    %dma_wait3A_631 = tpu.memref_slice %arg5[%dma_wait3A_628, %dma_wait3A_629, %dma_wait3A_630] : memref<2x16x1024xf32, #tpu.memory_space<vmem>> -> memref<1x16x1024xf32, #tpu.memory_space<vmem>>
    %dma_wait3A_632 = tpu.memref_squeeze %dma_wait3A_631 : memref<1x16x1024xf32, #tpu.memory_space<vmem>> -> memref<16x1024xf32, #tpu.memory_space<vmem>>
    %dma_wait3A_633 = arith.constant 0 : i32
    %dma_wait3A_634 = tpu.memref_slice %arg3[%add3A_321, %dma_wait3A_633] : memref<4096x1024xf32, #tpu.memory_space<hbm>> -> memref<16x1024xf32, #tpu.memory_space<hbm>>
    %dma_wait3A_635 = arith.constant 0 : i32
    %dma_wait3A_636 = arith.constant 0 : i32
    %dma_wait3A_637 = tpu.memref_slice %arg5[%dma_wait3A_628, %dma_wait3A_635, %dma_wait3A_636] : memref<2x16x1024xf32, #tpu.memory_space<vmem>> -> memref<1x16x1024xf32, #tpu.memory_space<vmem>>
    %dma_wait3A_638 = tpu.memref_squeeze %dma_wait3A_637 : memref<1x16x1024xf32, #tpu.memory_space<vmem>> -> memref<16x1024xf32, #tpu.memory_space<vmem>>
    %dma_wait3A_639 = arith.constant 0 : i32
    %dma_wait3A_640 = tpu.memref_slice %arg3[%add3A_321, %dma_wait3A_639] : memref<4096x1024xf32, #tpu.memory_space<hbm>> -> memref<16x1024xf32, #tpu.memory_space<hbm>>
    tpu.wait_dma2 semaphore(%arg7 : memref<!tpu.dma_semaphore, #tpu.memory_space<semaphore_mem>>) src(%dma_wait3A_640 : memref<16x1024xf32, #tpu.memory_space<hbm>>) dst(%dma_wait3A_638 : memref<16x1024xf32, #tpu.memory_space<vmem>>)
    %dma_wait3A_641 = arith.constant 1 : i32
    %dma_wait3A_642 = arith.constant 0 : i32
    %dma_wait3A_643 = arith.constant 0 : i32
    %dma_wait3A_644 = tpu.memref_slice %arg6[%dma_wait3A_641, %dma_wait3A_642, %dma_wait3A_643] : memref<5x16x1024xf32, #tpu.memory_space<vmem>> -> memref<1x16x1024xf32, #tpu.memory_space<vmem>>
    %dma_wait3A_645 = tpu.memref_squeeze %dma_wait3A_644 : memref<1x16x1024xf32, #tpu.memory_space<vmem>> -> memref<16x1024xf32, #tpu.memory_space<vmem>>
    %dma_wait3A_646 = arith.constant 0 : i32
    %dma_wait3A_647 = tpu.memref_slice %arg4[%add3A_523, %dma_wait3A_646] : memref<16384x1024xf32, #tpu.memory_space<hbm>> -> memref<16x1024xf32, #tpu.memory_space<hbm>>
    %dma_wait3A_648 = arith.constant 0 : i32
    %dma_wait3A_649 = tpu.memref_slice %arg4[%add3A_523, %dma_wait3A_648] : memref<16384x1024xf32, #tpu.memory_space<hbm>> -> memref<16x1024xf32, #tpu.memory_space<hbm>>
    %dma_wait3A_650 = arith.constant 0 : i32
    %dma_wait3A_651 = arith.constant 0 : i32
    %dma_wait3A_652 = tpu.memref_slice %arg6[%dma_wait3A_641, %dma_wait3A_650, %dma_wait3A_651] : memref<5x16x1024xf32, #tpu.memory_space<vmem>> -> memref<1x16x1024xf32, #tpu.memory_space<vmem>>
    %dma_wait3A_653 = tpu.memref_squeeze %dma_wait3A_652 : memref<1x16x1024xf32, #tpu.memory_space<vmem>> -> memref<16x1024xf32, #tpu.memory_space<vmem>>
    tpu.wait_dma2 semaphore(%arg9 : memref<!tpu.dma_semaphore, #tpu.memory_space<semaphore_mem>>) src(%dma_wait3A_653 : memref<16x1024xf32, #tpu.memory_space<vmem>>) dst(%dma_wait3A_649 : memref<16x1024xf32, #tpu.memory_space<hbm>>)
    %add3A_654 = arith.constant 12288 : i32
    %add3A_655 = arith.addi %add3A_654, %mul3A_2 : i32
    %add3A_656 = arith.constant 32 : i32
    %add3A_657 = arith.addi %add3A_655, %add3A_656 : i32
    %dma_start3A_658 = arith.constant 1 : i32
    %dma_start3A_659 = arith.constant 0 : i32
    %dma_start3A_660 = arith.constant 0 : i32
    %dma_start3A_661 = tpu.memref_slice %arg6[%dma_start3A_658, %dma_start3A_659, %dma_start3A_660] : memref<5x16x1024xf32, #tpu.memory_space<vmem>> -> memref<1x16x1024xf32, #tpu.memory_space<vmem>>
    %dma_start3A_662 = tpu.memref_squeeze %dma_start3A_661 : memref<1x16x1024xf32, #tpu.memory_space<vmem>> -> memref<16x1024xf32, #tpu.memory_space<vmem>>
    %dma_start3A_663 = arith.constant 0 : i32
    %dma_start3A_664 = tpu.memref_slice %arg2[%add3A_657, %dma_start3A_663] : memref<16384x1024xf32, #tpu.memory_space<hbm>> -> memref<16x1024xf32, #tpu.memory_space<hbm>>
    %dma_start3A_665 = arith.constant 0 : i32
    %dma_start3A_666 = arith.constant 0 : i32
    %dma_start3A_667 = tpu.memref_slice %arg6[%dma_start3A_658, %dma_start3A_665, %dma_start3A_666] : memref<5x16x1024xf32, #tpu.memory_space<vmem>> -> memref<1x16x1024xf32, #tpu.memory_space<vmem>>
    %dma_start3A_668 = tpu.memref_squeeze %dma_start3A_667 : memref<1x16x1024xf32, #tpu.memory_space<vmem>> -> memref<16x1024xf32, #tpu.memory_space<vmem>>
    %dma_start3A_669 = arith.constant 0 : i32
    %dma_start3A_670 = tpu.memref_slice %arg2[%add3A_657, %dma_start3A_669] : memref<16384x1024xf32, #tpu.memory_space<hbm>> -> memref<16x1024xf32, #tpu.memory_space<hbm>>
    tpu.enqueue_dma source(%dma_start3A_670 : memref<16x1024xf32, #tpu.memory_space<hbm>>) target(%dma_start3A_668 : memref<16x1024xf32, #tpu.memory_space<vmem>>) target_semaphore(%arg8 : memref<!tpu.dma_semaphore, #tpu.memory_space<semaphore_mem>>)
    %parallel_loop3A_671 = arith.constant 0 : i32
    %parallel_loop3A_672 = arith.constant 16384 : i32
    %parallel_loop3A_673 = arith.constant 16 : i32
    scf.for %parallel_loop3A_2240 = %parallel_loop3A_671 to %parallel_loop3A_672 step %parallel_loop3A_673  : i32 {
      %parallel_loop3A_2241 = arith.constant 10 : i32
      %parallel_loop3A_2242 = arith.shrsi %parallel_loop3A_2240, %parallel_loop3A_2241 : i32
      %parallel_loop3A_2243 = arith.constant 1023 : i32
      %parallel_loop3A_2244 = arith.andi %parallel_loop3A_2240, %parallel_loop3A_2243 : i32
      %parallel_loop3A_2245 = tpu.assume_multiple %parallel_loop3A_2244, 16 : i32
      %parallel_loop3A_2246 = arith.constant 3 : i32
      %parallel_loop3A_2247 = arith.index_cast %parallel_loop3A_2246 : i32 to index
      %parallel_loop3A_2248 = arith.index_cast %parallel_loop3A_2242 : i32 to index
      %parallel_loop3A_2249 = arith.index_cast %parallel_loop3A_2245 : i32 to index
      %parallel_loop3A_2250 = tpu.vector_load %arg6[%parallel_loop3A_2247, %parallel_loop3A_2248, %parallel_loop3A_2249] {strides = array<i32>} : memref<5x16x1024xf32, #tpu.memory_space<vmem>>, vector<1x1x16xf32>,
      %parallel_loop3A_2251 = vector.shape_cast %parallel_loop3A_2250 : vector<1x1x16xf32> to vector<16xf32>
      %parallel_loop3A_2252 = arith.constant 0 : i32
      %parallel_loop3A_2253 = arith.index_cast %parallel_loop3A_2252 : i32 to index
      %parallel_loop3A_2254 = arith.index_cast %parallel_loop3A_2242 : i32 to index
      %parallel_loop3A_2255 = arith.index_cast %parallel_loop3A_2245 : i32 to index
      %parallel_loop3A_2256 = tpu.vector_load %arg5[%parallel_loop3A_2253, %parallel_loop3A_2254, %parallel_loop3A_2255] {strides = array<i32>} : memref<2x16x1024xf32, #tpu.memory_space<vmem>>, vector<1x1x16xf32>,
      %parallel_loop3A_2257 = vector.shape_cast %parallel_loop3A_2256 : vector<1x1x16xf32> to vector<16xf32>
      %parallel_loop3A_2258 = arith.addf %parallel_loop3A_2251, %parallel_loop3A_2257 : vector<16xf32>
      %parallel_loop3A_2259 = arith.constant 3 : i32
      %parallel_loop3A_2260 = arith.index_cast %parallel_loop3A_2259 : i32 to index
      %parallel_loop3A_2261 = arith.index_cast %parallel_loop3A_2242 : i32 to index
      %parallel_loop3A_2262 = arith.index_cast %parallel_loop3A_2245 : i32 to index
      %parallel_loop3A_2263 = tpu.vector_load %arg6[%parallel_loop3A_2260, %parallel_loop3A_2261, %parallel_loop3A_2262] {strides = array<i32>} : memref<5x16x1024xf32, #tpu.memory_space<vmem>>, vector<1x1x16xf32>,
      %parallel_loop3A_2264 = vector.shape_cast %parallel_loop3A_2263 : vector<1x1x16xf32> to vector<16xf32>
      %parallel_loop3A_2265 = vector.shape_cast %parallel_loop3A_2258 : vector<16xf32> to vector<1x1x16xf32>
      tpu.vector_store %arg6[%parallel_loop3A_2260, %parallel_loop3A_2261, %parallel_loop3A_2262], %parallel_loop3A_2265 {strides = array<i32>} : memref<5x16x1024xf32, #tpu.memory_space<vmem>>, vector<1x1x16xf32>,
    } {sc.loop_unroll_factor = 8 : i64, sc.parallel_access}
    %add3A_674 = arith.constant 0 : i32
    %add3A_675 = arith.addi %add3A_674, %mul3A_2 : i32
    %add3A_676 = arith.constant 32 : i32
    %add3A_677 = arith.addi %add3A_675, %add3A_676 : i32
    %dma_start3A_678 = arith.constant 3 : i32
    %dma_start3A_679 = arith.constant 0 : i32
    %dma_start3A_680 = arith.constant 0 : i32
    %dma_start3A_681 = tpu.memref_slice %arg6[%dma_start3A_678, %dma_start3A_679, %dma_start3A_680] : memref<5x16x1024xf32, #tpu.memory_space<vmem>> -> memref<1x16x1024xf32, #tpu.memory_space<vmem>>
    %dma_start3A_682 = tpu.memref_squeeze %dma_start3A_681 : memref<1x16x1024xf32, #tpu.memory_space<vmem>> -> memref<16x1024xf32, #tpu.memory_space<vmem>>
    %dma_start3A_683 = arith.constant 0 : i32
    %dma_start3A_684 = tpu.memref_slice %arg4[%add3A_677, %dma_start3A_683] : memref<16384x1024xf32, #tpu.memory_space<hbm>> -> memref<16x1024xf32, #tpu.memory_space<hbm>>
    %dma_start3A_685 = arith.constant 0 : i32
    %dma_start3A_686 = tpu.memref_slice %arg4[%add3A_677, %dma_start3A_685] : memref<16384x1024xf32, #tpu.memory_space<hbm>> -> memref<16x1024xf32, #tpu.memory_space<hbm>>
    %dma_start3A_687 = arith.constant 0 : i32
    %dma_start3A_688 = arith.constant 0 : i32
    %dma_start3A_689 = tpu.memref_slice %arg6[%dma_start3A_678, %dma_start3A_687, %dma_start3A_688] : memref<5x16x1024xf32, #tpu.memory_space<vmem>> -> memref<1x16x1024xf32, #tpu.memory_space<vmem>>
    %dma_start3A_690 = tpu.memref_squeeze %dma_start3A_689 : memref<1x16x1024xf32, #tpu.memory_space<vmem>> -> memref<16x1024xf32, #tpu.memory_space<vmem>>
    tpu.enqueue_dma source(%dma_start3A_690 : memref<16x1024xf32, #tpu.memory_space<vmem>>) target(%dma_start3A_686 : memref<16x1024xf32, #tpu.memory_space<hbm>>) target_semaphore(%arg9 : memref<!tpu.dma_semaphore, #tpu.memory_space<semaphore_mem>>)
    %dma_wait3A_691 = arith.constant 4 : i32
    %dma_wait3A_692 = arith.constant 0 : i32
    %dma_wait3A_693 = arith.constant 0 : i32
    %dma_wait3A_694 = tpu.memref_slice %arg6[%dma_wait3A_691, %dma_wait3A_692, %dma_wait3A_693] : memref<5x16x1024xf32, #tpu.memory_space<vmem>> -> memref<1x16x1024xf32, #tpu.memory_space<vmem>>
    %dma_wait3A_695 = tpu.memref_squeeze %dma_wait3A_694 : memref<1x16x1024xf32, #tpu.memory_space<vmem>> -> memref<16x1024xf32, #tpu.memory_space<vmem>>
    %dma_wait3A_696 = arith.constant 0 : i32
    %dma_wait3A_697 = tpu.memref_slice %arg2[%add3A_503, %dma_wait3A_696] : memref<16384x1024xf32, #tpu.memory_space<hbm>> -> memref<16x1024xf32, #tpu.memory_space<hbm>>
    %dma_wait3A_698 = arith.constant 0 : i32
    %dma_wait3A_699 = arith.constant 0 : i32
    %dma_wait3A_700 = tpu.memref_slice %arg6[%dma_wait3A_691, %dma_wait3A_698, %dma_wait3A_699] : memref<5x16x1024xf32, #tpu.memory_space<vmem>> -> memref<1x16x1024xf32, #tpu.memory_space<vmem>>
    %dma_wait3A_701 = tpu.memref_squeeze %dma_wait3A_700 : memref<1x16x1024xf32, #tpu.memory_space<vmem>> -> memref<16x1024xf32, #tpu.memory_space<vmem>>
    %dma_wait3A_702 = arith.constant 0 : i32
    %dma_wait3A_703 = tpu.memref_slice %arg2[%add3A_503, %dma_wait3A_702] : memref<16384x1024xf32, #tpu.memory_space<hbm>> -> memref<16x1024xf32, #tpu.memory_space<hbm>>
    tpu.wait_dma2 semaphore(%arg8 : memref<!tpu.dma_semaphore, #tpu.memory_space<semaphore_mem>>) src(%dma_wait3A_703 : memref<16x1024xf32, #tpu.memory_space<hbm>>) dst(%dma_wait3A_701 : memref<16x1024xf32, #tpu.memory_space<vmem>>)
    %dma_wait3A_704 = arith.constant 2 : i32
    %dma_wait3A_705 = arith.constant 0 : i32
    %dma_wait3A_706 = arith.constant 0 : i32
    %dma_wait3A_707 = tpu.memref_slice %arg6[%dma_wait3A_704, %dma_wait3A_705, %dma_wait3A_706] : memref<5x16x1024xf32, #tpu.memory_space<vmem>> -> memref<1x16x1024xf32, #tpu.memory_space<vmem>>
    %dma_wait3A_708 = tpu.memref_squeeze %dma_wait3A_707 : memref<1x16x1024xf32, #tpu.memory_space<vmem>> -> memref<16x1024xf32, #tpu.memory_space<vmem>>
    %dma_wait3A_709 = arith.constant 0 : i32
    %dma_wait3A_710 = tpu.memref_slice %arg4[%add3A_586, %dma_wait3A_709] : memref<16384x1024xf32, #tpu.memory_space<hbm>> -> memref<16x1024xf32, #tpu.memory_space<hbm>>
    %dma_wait3A_711 = arith.constant 0 : i32
    %dma_wait3A_712 = tpu.memref_slice %arg4[%add3A_586, %dma_wait3A_711] : memref<16384x1024xf32, #tpu.memory_space<hbm>> -> memref<16x1024xf32, #tpu.memory_space<hbm>>
    %dma_wait3A_713 = arith.constant 0 : i32
    %dma_wait3A_714 = arith.constant 0 : i32
    %dma_wait3A_715 = tpu.memref_slice %arg6[%dma_wait3A_704, %dma_wait3A_713, %dma_wait3A_714] : memref<5x16x1024xf32, #tpu.memory_space<vmem>> -> memref<1x16x1024xf32, #tpu.memory_space<vmem>>
    %dma_wait3A_716 = tpu.memref_squeeze %dma_wait3A_715 : memref<1x16x1024xf32, #tpu.memory_space<vmem>> -> memref<16x1024xf32, #tpu.memory_space<vmem>>
    tpu.wait_dma2 semaphore(%arg9 : memref<!tpu.dma_semaphore, #tpu.memory_space<semaphore_mem>>) src(%dma_wait3A_716 : memref<16x1024xf32, #tpu.memory_space<vmem>>) dst(%dma_wait3A_712 : memref<16x1024xf32, #tpu.memory_space<hbm>>)
    %add3A_717 = arith.constant 0 : i32
    %add3A_718 = arith.addi %add3A_717, %mul3A_2 : i32
    %add3A_719 = arith.constant 48 : i32
    %add3A_720 = arith.addi %add3A_718, %add3A_719 : i32
    %dma_start3A_721 = arith.constant 2 : i32
    %dma_start3A_722 = arith.constant 0 : i32
    %dma_start3A_723 = arith.constant 0 : i32
    %dma_start3A_724 = tpu.memref_slice %arg6[%dma_start3A_721, %dma_start3A_722, %dma_start3A_723] : memref<5x16x1024xf32, #tpu.memory_space<vmem>> -> memref<1x16x1024xf32, #tpu.memory_space<vmem>>
    %dma_start3A_725 = tpu.memref_squeeze %dma_start3A_724 : memref<1x16x1024xf32, #tpu.memory_space<vmem>> -> memref<16x1024xf32, #tpu.memory_space<vmem>>
    %dma_start3A_726 = arith.constant 0 : i32
    %dma_start3A_727 = tpu.memref_slice %arg2[%add3A_720, %dma_start3A_726] : memref<16384x1024xf32, #tpu.memory_space<hbm>> -> memref<16x1024xf32, #tpu.memory_space<hbm>>
    %dma_start3A_728 = arith.constant 0 : i32
    %dma_start3A_729 = arith.constant 0 : i32
    %dma_start3A_730 = tpu.memref_slice %arg6[%dma_start3A_721, %dma_start3A_728, %dma_start3A_729] : memref<5x16x1024xf32, #tpu.memory_space<vmem>> -> memref<1x16x1024xf32, #tpu.memory_space<vmem>>
    %dma_start3A_731 = tpu.memref_squeeze %dma_start3A_730 : memref<1x16x1024xf32, #tpu.memory_space<vmem>> -> memref<16x1024xf32, #tpu.memory_space<vmem>>
    %dma_start3A_732 = arith.constant 0 : i32
    %dma_start3A_733 = tpu.memref_slice %arg2[%add3A_720, %dma_start3A_732] : memref<16384x1024xf32, #tpu.memory_space<hbm>> -> memref<16x1024xf32, #tpu.memory_space<hbm>>
    tpu.enqueue_dma source(%dma_start3A_733 : memref<16x1024xf32, #tpu.memory_space<hbm>>) target(%dma_start3A_731 : memref<16x1024xf32, #tpu.memory_space<vmem>>) target_semaphore(%arg8 : memref<!tpu.dma_semaphore, #tpu.memory_space<semaphore_mem>>)
    %parallel_loop3A_734 = arith.constant 0 : i32
    %parallel_loop3A_735 = arith.constant 16384 : i32
    %parallel_loop3A_736 = arith.constant 16 : i32
    scf.for %parallel_loop3A_2240 = %parallel_loop3A_734 to %parallel_loop3A_735 step %parallel_loop3A_736  : i32 {
      %parallel_loop3A_2241 = arith.constant 10 : i32
      %parallel_loop3A_2242 = arith.shrsi %parallel_loop3A_2240, %parallel_loop3A_2241 : i32
      %parallel_loop3A_2243 = arith.constant 1023 : i32
      %parallel_loop3A_2244 = arith.andi %parallel_loop3A_2240, %parallel_loop3A_2243 : i32
      %parallel_loop3A_2245 = tpu.assume_multiple %parallel_loop3A_2244, 16 : i32
      %parallel_loop3A_2246 = arith.constant 4 : i32
      %parallel_loop3A_2247 = arith.index_cast %parallel_loop3A_2246 : i32 to index
      %parallel_loop3A_2248 = arith.index_cast %parallel_loop3A_2242 : i32 to index
      %parallel_loop3A_2249 = arith.index_cast %parallel_loop3A_2245 : i32 to index
      %parallel_loop3A_2250 = tpu.vector_load %arg6[%parallel_loop3A_2247, %parallel_loop3A_2248, %parallel_loop3A_2249] {strides = array<i32>} : memref<5x16x1024xf32, #tpu.memory_space<vmem>>, vector<1x1x16xf32>,
      %parallel_loop3A_2251 = vector.shape_cast %parallel_loop3A_2250 : vector<1x1x16xf32> to vector<16xf32>
      %parallel_loop3A_2252 = arith.constant 0 : i32
      %parallel_loop3A_2253 = arith.index_cast %parallel_loop3A_2252 : i32 to index
      %parallel_loop3A_2254 = arith.index_cast %parallel_loop3A_2242 : i32 to index
      %parallel_loop3A_2255 = arith.index_cast %parallel_loop3A_2245 : i32 to index
      %parallel_loop3A_2256 = tpu.vector_load %arg5[%parallel_loop3A_2253, %parallel_loop3A_2254, %parallel_loop3A_2255] {strides = array<i32>} : memref<2x16x1024xf32, #tpu.memory_space<vmem>>, vector<1x1x16xf32>,
      %parallel_loop3A_2257 = vector.shape_cast %parallel_loop3A_2256 : vector<1x1x16xf32> to vector<16xf32>
      %parallel_loop3A_2258 = arith.addf %parallel_loop3A_2251, %parallel_loop3A_2257 : vector<16xf32>
      %parallel_loop3A_2259 = arith.constant 4 : i32
      %parallel_loop3A_2260 = arith.index_cast %parallel_loop3A_2259 : i32 to index
      %parallel_loop3A_2261 = arith.index_cast %parallel_loop3A_2242 : i32 to index
      %parallel_loop3A_2262 = arith.index_cast %parallel_loop3A_2245 : i32 to index
      %parallel_loop3A_2263 = tpu.vector_load %arg6[%parallel_loop3A_2260, %parallel_loop3A_2261, %parallel_loop3A_2262] {strides = array<i32>} : memref<5x16x1024xf32, #tpu.memory_space<vmem>>, vector<1x1x16xf32>,
      %parallel_loop3A_2264 = vector.shape_cast %parallel_loop3A_2263 : vector<1x1x16xf32> to vector<16xf32>
      %parallel_loop3A_2265 = vector.shape_cast %parallel_loop3A_2258 : vector<16xf32> to vector<1x1x16xf32>
      tpu.vector_store %arg6[%parallel_loop3A_2260, %parallel_loop3A_2261, %parallel_loop3A_2262], %parallel_loop3A_2265 {strides = array<i32>} : memref<5x16x1024xf32, #tpu.memory_space<vmem>>, vector<1x1x16xf32>,
    } {sc.loop_unroll_factor = 8 : i64, sc.parallel_access}
    %add3A_737 = arith.constant 4096 : i32
    %add3A_738 = arith.addi %add3A_737, %mul3A_2 : i32
    %add3A_739 = arith.constant 32 : i32
    %add3A_740 = arith.addi %add3A_738, %add3A_739 : i32
    %dma_start3A_741 = arith.constant 4 : i32
    %dma_start3A_742 = arith.constant 0 : i32
    %dma_start3A_743 = arith.constant 0 : i32
    %dma_start3A_744 = tpu.memref_slice %arg6[%dma_start3A_741, %dma_start3A_742, %dma_start3A_743] : memref<5x16x1024xf32, #tpu.memory_space<vmem>> -> memref<1x16x1024xf32, #tpu.memory_space<vmem>>
    %dma_start3A_745 = tpu.memref_squeeze %dma_start3A_744 : memref<1x16x1024xf32, #tpu.memory_space<vmem>> -> memref<16x1024xf32, #tpu.memory_space<vmem>>
    %dma_start3A_746 = arith.constant 0 : i32
    %dma_start3A_747 = tpu.memref_slice %arg4[%add3A_740, %dma_start3A_746] : memref<16384x1024xf32, #tpu.memory_space<hbm>> -> memref<16x1024xf32, #tpu.memory_space<hbm>>
    %dma_start3A_748 = arith.constant 0 : i32
    %dma_start3A_749 = tpu.memref_slice %arg4[%add3A_740, %dma_start3A_748] : memref<16384x1024xf32, #tpu.memory_space<hbm>> -> memref<16x1024xf32, #tpu.memory_space<hbm>>
    %dma_start3A_750 = arith.constant 0 : i32
    %dma_start3A_751 = arith.constant 0 : i32
    %dma_start3A_752 = tpu.memref_slice %arg6[%dma_start3A_741, %dma_start3A_750, %dma_start3A_751] : memref<5x16x1024xf32, #tpu.memory_space<vmem>> -> memref<1x16x1024xf32, #tpu.memory_space<vmem>>
    %dma_start3A_753 = tpu.memref_squeeze %dma_start3A_752 : memref<1x16x1024xf32, #tpu.memory_space<vmem>> -> memref<16x1024xf32, #tpu.memory_space<vmem>>
    tpu.enqueue_dma source(%dma_start3A_753 : memref<16x1024xf32, #tpu.memory_space<vmem>>) target(%dma_start3A_749 : memref<16x1024xf32, #tpu.memory_space<hbm>>) target_semaphore(%arg9 : memref<!tpu.dma_semaphore, #tpu.memory_space<semaphore_mem>>)
    %dma_wait3A_754 = arith.constant 0 : i32
    %dma_wait3A_755 = arith.constant 0 : i32
    %dma_wait3A_756 = arith.constant 0 : i32
    %dma_wait3A_757 = tpu.memref_slice %arg6[%dma_wait3A_754, %dma_wait3A_755, %dma_wait3A_756] : memref<5x16x1024xf32, #tpu.memory_space<vmem>> -> memref<1x16x1024xf32, #tpu.memory_space<vmem>>
    %dma_wait3A_758 = tpu.memref_squeeze %dma_wait3A_757 : memref<1x16x1024xf32, #tpu.memory_space<vmem>> -> memref<16x1024xf32, #tpu.memory_space<vmem>>
    %dma_wait3A_759 = arith.constant 0 : i32
    %dma_wait3A_760 = tpu.memref_slice %arg2[%add3A_566, %dma_wait3A_759] : memref<16384x1024xf32, #tpu.memory_space<hbm>> -> memref<16x1024xf32, #tpu.memory_space<hbm>>
    %dma_wait3A_761 = arith.constant 0 : i32
    %dma_wait3A_762 = arith.constant 0 : i32
    %dma_wait3A_763 = tpu.memref_slice %arg6[%dma_wait3A_754, %dma_wait3A_761, %dma_wait3A_762] : memref<5x16x1024xf32, #tpu.memory_space<vmem>> -> memref<1x16x1024xf32, #tpu.memory_space<vmem>>
    %dma_wait3A_764 = tpu.memref_squeeze %dma_wait3A_763 : memref<1x16x1024xf32, #tpu.memory_space<vmem>> -> memref<16x1024xf32, #tpu.memory_space<vmem>>
    %dma_wait3A_765 = arith.constant 0 : i32
    %dma_wait3A_766 = tpu.memref_slice %arg2[%add3A_566, %dma_wait3A_765] : memref<16384x1024xf32, #tpu.memory_space<hbm>> -> memref<16x1024xf32, #tpu.memory_space<hbm>>
    tpu.wait_dma2 semaphore(%arg8 : memref<!tpu.dma_semaphore, #tpu.memory_space<semaphore_mem>>) src(%dma_wait3A_766 : memref<16x1024xf32, #tpu.memory_space<hbm>>) dst(%dma_wait3A_764 : memref<16x1024xf32, #tpu.memory_space<vmem>>)
    %dma_wait3A_767 = arith.constant 3 : i32
    %dma_wait3A_768 = arith.constant 0 : i32
    %dma_wait3A_769 = arith.constant 0 : i32
    %dma_wait3A_770 = tpu.memref_slice %arg6[%dma_wait3A_767, %dma_wait3A_768, %dma_wait3A_769] : memref<5x16x1024xf32, #tpu.memory_space<vmem>> -> memref<1x16x1024xf32, #tpu.memory_space<vmem>>
    %dma_wait3A_771 = tpu.memref_squeeze %dma_wait3A_770 : memref<1x16x1024xf32, #tpu.memory_space<vmem>> -> memref<16x1024xf32, #tpu.memory_space<vmem>>
    %dma_wait3A_772 = arith.constant 0 : i32
    %dma_wait3A_773 = tpu.memref_slice %arg4[%add3A_677, %dma_wait3A_772] : memref<16384x1024xf32, #tpu.memory_space<hbm>> -> memref<16x1024xf32, #tpu.memory_space<hbm>>
    %dma_wait3A_774 = arith.constant 0 : i32
    %dma_wait3A_775 = tpu.memref_slice %arg4[%add3A_677, %dma_wait3A_774] : memref<16384x1024xf32, #tpu.memory_space<hbm>> -> memref<16x1024xf32, #tpu.memory_space<hbm>>
    %dma_wait3A_776 = arith.constant 0 : i32
    %dma_wait3A_777 = arith.constant 0 : i32
    %dma_wait3A_778 = tpu.memref_slice %arg6[%dma_wait3A_767, %dma_wait3A_776, %dma_wait3A_777] : memref<5x16x1024xf32, #tpu.memory_space<vmem>> -> memref<1x16x1024xf32, #tpu.memory_space<vmem>>
    %dma_wait3A_779 = tpu.memref_squeeze %dma_wait3A_778 : memref<1x16x1024xf32, #tpu.memory_space<vmem>> -> memref<16x1024xf32, #tpu.memory_space<vmem>>
    tpu.wait_dma2 semaphore(%arg9 : memref<!tpu.dma_semaphore, #tpu.memory_space<semaphore_mem>>) src(%dma_wait3A_779 : memref<16x1024xf32, #tpu.memory_space<vmem>>) dst(%dma_wait3A_775 : memref<16x1024xf32, #tpu.memory_space<hbm>>)
    %add3A_780 = arith.constant 4096 : i32
    %add3A_781 = arith.addi %add3A_780, %mul3A_2 : i32
    %add3A_782 = arith.constant 48 : i32
    %add3A_783 = arith.addi %add3A_781, %add3A_782 : i32
    %dma_start3A_784 = arith.constant 3 : i32
    %dma_start3A_785 = arith.constant 0 : i32
    %dma_start3A_786 = arith.constant 0 : i32
    %dma_start3A_787 = tpu.memref_slice %arg6[%dma_start3A_784, %dma_start3A_785, %dma_start3A_786] : memref<5x16x1024xf32, #tpu.memory_space<vmem>> -> memref<1x16x1024xf32, #tpu.memory_space<vmem>>
    %dma_start3A_788 = tpu.memref_squeeze %dma_start3A_787 : memref<1x16x1024xf32, #tpu.memory_space<vmem>> -> memref<16x1024xf32, #tpu.memory_space<vmem>>
    %dma_start3A_789 = arith.constant 0 : i32
    %dma_start3A_790 = tpu.memref_slice %arg2[%add3A_783, %dma_start3A_789] : memref<16384x1024xf32, #tpu.memory_space<hbm>> -> memref<16x1024xf32, #tpu.memory_space<hbm>>
    %dma_start3A_791 = arith.constant 0 : i32
    %dma_start3A_792 = arith.constant 0 : i32
    %dma_start3A_793 = tpu.memref_slice %arg6[%dma_start3A_784, %dma_start3A_791, %dma_start3A_792] : memref<5x16x1024xf32, #tpu.memory_space<vmem>> -> memref<1x16x1024xf32, #tpu.memory_space<vmem>>
    %dma_start3A_794 = tpu.memref_squeeze %dma_start3A_793 : memref<1x16x1024xf32, #tpu.memory_space<vmem>> -> memref<16x1024xf32, #tpu.memory_space<vmem>>
    %dma_start3A_795 = arith.constant 0 : i32
    %dma_start3A_796 = tpu.memref_slice %arg2[%add3A_783, %dma_start3A_795] : memref<16384x1024xf32, #tpu.memory_space<hbm>> -> memref<16x1024xf32, #tpu.memory_space<hbm>>
    tpu.enqueue_dma source(%dma_start3A_796 : memref<16x1024xf32, #tpu.memory_space<hbm>>) target(%dma_start3A_794 : memref<16x1024xf32, #tpu.memory_space<vmem>>) target_semaphore(%arg8 : memref<!tpu.dma_semaphore, #tpu.memory_space<semaphore_mem>>)
    %parallel_loop3A_797 = arith.constant 0 : i32
    %parallel_loop3A_798 = arith.constant 16384 : i32
    %parallel_loop3A_799 = arith.constant 16 : i32
    scf.for %parallel_loop3A_2240 = %parallel_loop3A_797 to %parallel_loop3A_798 step %parallel_loop3A_799  : i32 {
      %parallel_loop3A_2241 = arith.constant 10 : i32
      %parallel_loop3A_2242 = arith.shrsi %parallel_loop3A_2240, %parallel_loop3A_2241 : i32
      %parallel_loop3A_2243 = arith.constant 1023 : i32
      %parallel_loop3A_2244 = arith.andi %parallel_loop3A_2240, %parallel_loop3A_2243 : i32
      %parallel_loop3A_2245 = tpu.assume_multiple %parallel_loop3A_2244, 16 : i32
      %parallel_loop3A_2246 = arith.constant 0 : i32
      %parallel_loop3A_2247 = arith.index_cast %parallel_loop3A_2246 : i32 to index
      %parallel_loop3A_2248 = arith.index_cast %parallel_loop3A_2242 : i32 to index
      %parallel_loop3A_2249 = arith.index_cast %parallel_loop3A_2245 : i32 to index
      %parallel_loop3A_2250 = tpu.vector_load %arg6[%parallel_loop3A_2247, %parallel_loop3A_2248, %parallel_loop3A_2249] {strides = array<i32>} : memref<5x16x1024xf32, #tpu.memory_space<vmem>>, vector<1x1x16xf32>,
      %parallel_loop3A_2251 = vector.shape_cast %parallel_loop3A_2250 : vector<1x1x16xf32> to vector<16xf32>
      %parallel_loop3A_2252 = arith.constant 0 : i32
      %parallel_loop3A_2253 = arith.index_cast %parallel_loop3A_2252 : i32 to index
      %parallel_loop3A_2254 = arith.index_cast %parallel_loop3A_2242 : i32 to index
      %parallel_loop3A_2255 = arith.index_cast %parallel_loop3A_2245 : i32 to index
      %parallel_loop3A_2256 = tpu.vector_load %arg5[%parallel_loop3A_2253, %parallel_loop3A_2254, %parallel_loop3A_2255] {strides = array<i32>} : memref<2x16x1024xf32, #tpu.memory_space<vmem>>, vector<1x1x16xf32>,
      %parallel_loop3A_2257 = vector.shape_cast %parallel_loop3A_2256 : vector<1x1x16xf32> to vector<16xf32>
      %parallel_loop3A_2258 = arith.addf %parallel_loop3A_2251, %parallel_loop3A_2257 : vector<16xf32>
      %parallel_loop3A_2259 = arith.constant 0 : i32
      %parallel_loop3A_2260 = arith.index_cast %parallel_loop3A_2259 : i32 to index
      %parallel_loop3A_2261 = arith.index_cast %parallel_loop3A_2242 : i32 to index
      %parallel_loop3A_2262 = arith.index_cast %parallel_loop3A_2245 : i32 to index
      %parallel_loop3A_2263 = tpu.vector_load %arg6[%parallel_loop3A_2260, %parallel_loop3A_2261, %parallel_loop3A_2262] {strides = array<i32>} : memref<5x16x1024xf32, #tpu.memory_space<vmem>>, vector<1x1x16xf32>,
      %parallel_loop3A_2264 = vector.shape_cast %parallel_loop3A_2263 : vector<1x1x16xf32> to vector<16xf32>
      %parallel_loop3A_2265 = vector.shape_cast %parallel_loop3A_2258 : vector<16xf32> to vector<1x1x16xf32>
      tpu.vector_store %arg6[%parallel_loop3A_2260, %parallel_loop3A_2261, %parallel_loop3A_2262], %parallel_loop3A_2265 {strides = array<i32>} : memref<5x16x1024xf32, #tpu.memory_space<vmem>>, vector<1x1x16xf32>,
    } {sc.loop_unroll_factor = 8 : i64, sc.parallel_access}
    %add3A_800 = arith.constant 8192 : i32
    %add3A_801 = arith.addi %add3A_800, %mul3A_2 : i32
    %add3A_802 = arith.constant 32 : i32
    %add3A_803 = arith.addi %add3A_801, %add3A_802 : i32
    %dma_start3A_804 = arith.constant 0 : i32
    %dma_start3A_805 = arith.constant 0 : i32
    %dma_start3A_806 = arith.constant 0 : i32
    %dma_start3A_807 = tpu.memref_slice %arg6[%dma_start3A_804, %dma_start3A_805, %dma_start3A_806] : memref<5x16x1024xf32, #tpu.memory_space<vmem>> -> memref<1x16x1024xf32, #tpu.memory_space<vmem>>
    %dma_start3A_808 = tpu.memref_squeeze %dma_start3A_807 : memref<1x16x1024xf32, #tpu.memory_space<vmem>> -> memref<16x1024xf32, #tpu.memory_space<vmem>>
    %dma_start3A_809 = arith.constant 0 : i32
    %dma_start3A_810 = tpu.memref_slice %arg4[%add3A_803, %dma_start3A_809] : memref<16384x1024xf32, #tpu.memory_space<hbm>> -> memref<16x1024xf32, #tpu.memory_space<hbm>>
    %dma_start3A_811 = arith.constant 0 : i32
    %dma_start3A_812 = tpu.memref_slice %arg4[%add3A_803, %dma_start3A_811] : memref<16384x1024xf32, #tpu.memory_space<hbm>> -> memref<16x1024xf32, #tpu.memory_space<hbm>>
    %dma_start3A_813 = arith.constant 0 : i32
    %dma_start3A_814 = arith.constant 0 : i32
    %dma_start3A_815 = tpu.memref_slice %arg6[%dma_start3A_804, %dma_start3A_813, %dma_start3A_814] : memref<5x16x1024xf32, #tpu.memory_space<vmem>> -> memref<1x16x1024xf32, #tpu.memory_space<vmem>>
    %dma_start3A_816 = tpu.memref_squeeze %dma_start3A_815 : memref<1x16x1024xf32, #tpu.memory_space<vmem>> -> memref<16x1024xf32, #tpu.memory_space<vmem>>
    tpu.enqueue_dma source(%dma_start3A_816 : memref<16x1024xf32, #tpu.memory_space<vmem>>) target(%dma_start3A_812 : memref<16x1024xf32, #tpu.memory_space<hbm>>) target_semaphore(%arg9 : memref<!tpu.dma_semaphore, #tpu.memory_space<semaphore_mem>>)
    %dma_wait3A_817 = arith.constant 1 : i32
    %dma_wait3A_818 = arith.constant 0 : i32
    %dma_wait3A_819 = arith.constant 0 : i32
    %dma_wait3A_820 = tpu.memref_slice %arg6[%dma_wait3A_817, %dma_wait3A_818, %dma_wait3A_819] : memref<5x16x1024xf32, #tpu.memory_space<vmem>> -> memref<1x16x1024xf32, #tpu.memory_space<vmem>>
    %dma_wait3A_821 = tpu.memref_squeeze %dma_wait3A_820 : memref<1x16x1024xf32, #tpu.memory_space<vmem>> -> memref<16x1024xf32, #tpu.memory_space<vmem>>
    %dma_wait3A_822 = arith.constant 0 : i32
    %dma_wait3A_823 = tpu.memref_slice %arg2[%add3A_657, %dma_wait3A_822] : memref<16384x1024xf32, #tpu.memory_space<hbm>> -> memref<16x1024xf32, #tpu.memory_space<hbm>>
    %dma_wait3A_824 = arith.constant 0 : i32
    %dma_wait3A_825 = arith.constant 0 : i32
    %dma_wait3A_826 = tpu.memref_slice %arg6[%dma_wait3A_817, %dma_wait3A_824, %dma_wait3A_825] : memref<5x16x1024xf32, #tpu.memory_space<vmem>> -> memref<1x16x1024xf32, #tpu.memory_space<vmem>>
    %dma_wait3A_827 = tpu.memref_squeeze %dma_wait3A_826 : memref<1x16x1024xf32, #tpu.memory_space<vmem>> -> memref<16x1024xf32, #tpu.memory_space<vmem>>
    %dma_wait3A_828 = arith.constant 0 : i32
    %dma_wait3A_829 = tpu.memref_slice %arg2[%add3A_657, %dma_wait3A_828] : memref<16384x1024xf32, #tpu.memory_space<hbm>> -> memref<16x1024xf32, #tpu.memory_space<hbm>>
    tpu.wait_dma2 semaphore(%arg8 : memref<!tpu.dma_semaphore, #tpu.memory_space<semaphore_mem>>) src(%dma_wait3A_829 : memref<16x1024xf32, #tpu.memory_space<hbm>>) dst(%dma_wait3A_827 : memref<16x1024xf32, #tpu.memory_space<vmem>>)
    %dma_wait3A_830 = arith.constant 4 : i32
    %dma_wait3A_831 = arith.constant 0 : i32
    %dma_wait3A_832 = arith.constant 0 : i32
    %dma_wait3A_833 = tpu.memref_slice %arg6[%dma_wait3A_830, %dma_wait3A_831, %dma_wait3A_832] : memref<5x16x1024xf32, #tpu.memory_space<vmem>> -> memref<1x16x1024xf32, #tpu.memory_space<vmem>>
    %dma_wait3A_834 = tpu.memref_squeeze %dma_wait3A_833 : memref<1x16x1024xf32, #tpu.memory_space<vmem>> -> memref<16x1024xf32, #tpu.memory_space<vmem>>
    %dma_wait3A_835 = arith.constant 0 : i32
    %dma_wait3A_836 = tpu.memref_slice %arg4[%add3A_740, %dma_wait3A_835] : memref<16384x1024xf32, #tpu.memory_space<hbm>> -> memref<16x1024xf32, #tpu.memory_space<hbm>>
    %dma_wait3A_837 = arith.constant 0 : i32
    %dma_wait3A_838 = tpu.memref_slice %arg4[%add3A_740, %dma_wait3A_837] : memref<16384x1024xf32, #tpu.memory_space<hbm>> -> memref<16x1024xf32, #tpu.memory_space<hbm>>
    %dma_wait3A_839 = arith.constant 0 : i32
    %dma_wait3A_840 = arith.constant 0 : i32
    %dma_wait3A_841 = tpu.memref_slice %arg6[%dma_wait3A_830, %dma_wait3A_839, %dma_wait3A_840] : memref<5x16x1024xf32, #tpu.memory_space<vmem>> -> memref<1x16x1024xf32, #tpu.memory_space<vmem>>
    %dma_wait3A_842 = tpu.memref_squeeze %dma_wait3A_841 : memref<1x16x1024xf32, #tpu.memory_space<vmem>> -> memref<16x1024xf32, #tpu.memory_space<vmem>>
    tpu.wait_dma2 semaphore(%arg9 : memref<!tpu.dma_semaphore, #tpu.memory_space<semaphore_mem>>) src(%dma_wait3A_842 : memref<16x1024xf32, #tpu.memory_space<vmem>>) dst(%dma_wait3A_838 : memref<16x1024xf32, #tpu.memory_space<hbm>>)
    %add3A_843 = arith.constant 8192 : i32
    %add3A_844 = arith.addi %add3A_843, %mul3A_2 : i32
    %add3A_845 = arith.constant 48 : i32
    %add3A_846 = arith.addi %add3A_844, %add3A_845 : i32
    %dma_start3A_847 = arith.constant 4 : i32
    %dma_start3A_848 = arith.constant 0 : i32
    %dma_start3A_849 = arith.constant 0 : i32
    %dma_start3A_850 = tpu.memref_slice %arg6[%dma_start3A_847, %dma_start3A_848, %dma_start3A_849] : memref<5x16x1024xf32, #tpu.memory_space<vmem>> -> memref<1x16x1024xf32, #tpu.memory_space<vmem>>
    %dma_start3A_851 = tpu.memref_squeeze %dma_start3A_850 : memref<1x16x1024xf32, #tpu.memory_space<vmem>> -> memref<16x1024xf32, #tpu.memory_space<vmem>>
    %dma_start3A_852 = arith.constant 0 : i32
    %dma_start3A_853 = tpu.memref_slice %arg2[%add3A_846, %dma_start3A_852] : memref<16384x1024xf32, #tpu.memory_space<hbm>> -> memref<16x1024xf32, #tpu.memory_space<hbm>>
    %dma_start3A_854 = arith.constant 0 : i32
    %dma_start3A_855 = arith.constant 0 : i32
    %dma_start3A_856 = tpu.memref_slice %arg6[%dma_start3A_847, %dma_start3A_854, %dma_start3A_855] : memref<5x16x1024xf32, #tpu.memory_space<vmem>> -> memref<1x16x1024xf32, #tpu.memory_space<vmem>>
    %dma_start3A_857 = tpu.memref_squeeze %dma_start3A_856 : memref<1x16x1024xf32, #tpu.memory_space<vmem>> -> memref<16x1024xf32, #tpu.memory_space<vmem>>
    %dma_start3A_858 = arith.constant 0 : i32
    %dma_start3A_859 = tpu.memref_slice %arg2[%add3A_846, %dma_start3A_858] : memref<16384x1024xf32, #tpu.memory_space<hbm>> -> memref<16x1024xf32, #tpu.memory_space<hbm>>
    tpu.enqueue_dma source(%dma_start3A_859 : memref<16x1024xf32, #tpu.memory_space<hbm>>) target(%dma_start3A_857 : memref<16x1024xf32, #tpu.memory_space<vmem>>) target_semaphore(%arg8 : memref<!tpu.dma_semaphore, #tpu.memory_space<semaphore_mem>>)
    %parallel_loop3A_860 = arith.constant 0 : i32
    %parallel_loop3A_861 = arith.constant 16384 : i32
    %parallel_loop3A_862 = arith.constant 16 : i32
    scf.for %parallel_loop3A_2240 = %parallel_loop3A_860 to %parallel_loop3A_861 step %parallel_loop3A_862  : i32 {
      %parallel_loop3A_2241 = arith.constant 10 : i32
      %parallel_loop3A_2242 = arith.shrsi %parallel_loop3A_2240, %parallel_loop3A_2241 : i32
      %parallel_loop3A_2243 = arith.constant 1023 : i32
      %parallel_loop3A_2244 = arith.andi %parallel_loop3A_2240, %parallel_loop3A_2243 : i32
      %parallel_loop3A_2245 = tpu.assume_multiple %parallel_loop3A_2244, 16 : i32
      %parallel_loop3A_2246 = arith.constant 1 : i32
      %parallel_loop3A_2247 = arith.index_cast %parallel_loop3A_2246 : i32 to index
      %parallel_loop3A_2248 = arith.index_cast %parallel_loop3A_2242 : i32 to index
      %parallel_loop3A_2249 = arith.index_cast %parallel_loop3A_2245 : i32 to index
      %parallel_loop3A_2250 = tpu.vector_load %arg6[%parallel_loop3A_2247, %parallel_loop3A_2248, %parallel_loop3A_2249] {strides = array<i32>} : memref<5x16x1024xf32, #tpu.memory_space<vmem>>, vector<1x1x16xf32>,
      %parallel_loop3A_2251 = vector.shape_cast %parallel_loop3A_2250 : vector<1x1x16xf32> to vector<16xf32>
      %parallel_loop3A_2252 = arith.constant 0 : i32
      %parallel_loop3A_2253 = arith.index_cast %parallel_loop3A_2252 : i32 to index
      %parallel_loop3A_2254 = arith.index_cast %parallel_loop3A_2242 : i32 to index
      %parallel_loop3A_2255 = arith.index_cast %parallel_loop3A_2245 : i32 to index
      %parallel_loop3A_2256 = tpu.vector_load %arg5[%parallel_loop3A_2253, %parallel_loop3A_2254, %parallel_loop3A_2255] {strides = array<i32>} : memref<2x16x1024xf32, #tpu.memory_space<vmem>>, vector<1x1x16xf32>,
      %parallel_loop3A_2257 = vector.shape_cast %parallel_loop3A_2256 : vector<1x1x16xf32> to vector<16xf32>
      %parallel_loop3A_2258 = arith.addf %parallel_loop3A_2251, %parallel_loop3A_2257 : vector<16xf32>
      %parallel_loop3A_2259 = arith.constant 1 : i32
      %parallel_loop3A_2260 = arith.index_cast %parallel_loop3A_2259 : i32 to index
      %parallel_loop3A_2261 = arith.index_cast %parallel_loop3A_2242 : i32 to index
      %parallel_loop3A_2262 = arith.index_cast %parallel_loop3A_2245 : i32 to index
      %parallel_loop3A_2263 = tpu.vector_load %arg6[%parallel_loop3A_2260, %parallel_loop3A_2261, %parallel_loop3A_2262] {strides = array<i32>} : memref<5x16x1024xf32, #tpu.memory_space<vmem>>, vector<1x1x16xf32>,
      %parallel_loop3A_2264 = vector.shape_cast %parallel_loop3A_2263 : vector<1x1x16xf32> to vector<16xf32>
      %parallel_loop3A_2265 = vector.shape_cast %parallel_loop3A_2258 : vector<16xf32> to vector<1x1x16xf32>
      tpu.vector_store %arg6[%parallel_loop3A_2260, %parallel_loop3A_2261, %parallel_loop3A_2262], %parallel_loop3A_2265 {strides = array<i32>} : memref<5x16x1024xf32, #tpu.memory_space<vmem>>, vector<1x1x16xf32>,
    } {sc.loop_unroll_factor = 8 : i64, sc.parallel_access}
    %add3A_863 = arith.constant 12288 : i32
    %add3A_864 = arith.addi %add3A_863, %mul3A_2 : i32
    %add3A_865 = arith.constant 32 : i32
    %add3A_866 = arith.addi %add3A_864, %add3A_865 : i32
    %dma_start3A_867 = arith.constant 1 : i32
    %dma_start3A_868 = arith.constant 0 : i32
    %dma_start3A_869 = arith.constant 0 : i32
    %dma_start3A_870 = tpu.memref_slice %arg6[%dma_start3A_867, %dma_start3A_868, %dma_start3A_869] : memref<5x16x1024xf32, #tpu.memory_space<vmem>> -> memref<1x16x1024xf32, #tpu.memory_space<vmem>>
    %dma_start3A_871 = tpu.memref_squeeze %dma_start3A_870 : memref<1x16x1024xf32, #tpu.memory_space<vmem>> -> memref<16x1024xf32, #tpu.memory_space<vmem>>
    %dma_start3A_872 = arith.constant 0 : i32
    %dma_start3A_873 = tpu.memref_slice %arg4[%add3A_866, %dma_start3A_872] : memref<16384x1024xf32, #tpu.memory_space<hbm>> -> memref<16x1024xf32, #tpu.memory_space<hbm>>
    %dma_start3A_874 = arith.constant 0 : i32
    %dma_start3A_875 = tpu.memref_slice %arg4[%add3A_866, %dma_start3A_874] : memref<16384x1024xf32, #tpu.memory_space<hbm>> -> memref<16x1024xf32, #tpu.memory_space<hbm>>
    %dma_start3A_876 = arith.constant 0 : i32
    %dma_start3A_877 = arith.constant 0 : i32
    %dma_start3A_878 = tpu.memref_slice %arg6[%dma_start3A_867, %dma_start3A_876, %dma_start3A_877] : memref<5x16x1024xf32, #tpu.memory_space<vmem>> -> memref<1x16x1024xf32, #tpu.memory_space<vmem>>
    %dma_start3A_879 = tpu.memref_squeeze %dma_start3A_878 : memref<1x16x1024xf32, #tpu.memory_space<vmem>> -> memref<16x1024xf32, #tpu.memory_space<vmem>>
    tpu.enqueue_dma source(%dma_start3A_879 : memref<16x1024xf32, #tpu.memory_space<vmem>>) target(%dma_start3A_875 : memref<16x1024xf32, #tpu.memory_space<hbm>>) target_semaphore(%arg9 : memref<!tpu.dma_semaphore, #tpu.memory_space<semaphore_mem>>)
    %add3A_880 = arith.constant 64 : i32
    %add3A_881 = arith.addi %mul3A_2, %add3A_880 : i32
    %dma_start3A_882 = arith.constant 0 : i32
    %dma_start3A_883 = arith.constant 0 : i32
    %dma_start3A_884 = arith.constant 0 : i32
    %dma_start3A_885 = tpu.memref_slice %arg5[%dma_start3A_882, %dma_start3A_883, %dma_start3A_884] : memref<2x16x1024xf32, #tpu.memory_space<vmem>> -> memref<1x16x1024xf32, #tpu.memory_space<vmem>>
    %dma_start3A_886 = tpu.memref_squeeze %dma_start3A_885 : memref<1x16x1024xf32, #tpu.memory_space<vmem>> -> memref<16x1024xf32, #tpu.memory_space<vmem>>
    %dma_start3A_887 = arith.constant 0 : i32
    %dma_start3A_888 = tpu.memref_slice %arg3[%add3A_881, %dma_start3A_887] : memref<4096x1024xf32, #tpu.memory_space<hbm>> -> memref<16x1024xf32, #tpu.memory_space<hbm>>
    %dma_start3A_889 = arith.constant 0 : i32
    %dma_start3A_890 = arith.constant 0 : i32
    %dma_start3A_891 = tpu.memref_slice %arg5[%dma_start3A_882, %dma_start3A_889, %dma_start3A_890] : memref<2x16x1024xf32, #tpu.memory_space<vmem>> -> memref<1x16x1024xf32, #tpu.memory_space<vmem>>
    %dma_start3A_892 = tpu.memref_squeeze %dma_start3A_891 : memref<1x16x1024xf32, #tpu.memory_space<vmem>> -> memref<16x1024xf32, #tpu.memory_space<vmem>>
    %dma_start3A_893 = arith.constant 0 : i32
    %dma_start3A_894 = tpu.memref_slice %arg3[%add3A_881, %dma_start3A_893] : memref<4096x1024xf32, #tpu.memory_space<hbm>> -> memref<16x1024xf32, #tpu.memory_space<hbm>>
    tpu.enqueue_dma source(%dma_start3A_894 : memref<16x1024xf32, #tpu.memory_space<hbm>>) target(%dma_start3A_892 : memref<16x1024xf32, #tpu.memory_space<vmem>>) target_semaphore(%arg7 : memref<!tpu.dma_semaphore, #tpu.memory_space<semaphore_mem>>)
    %dma_wait3A_895 = arith.constant 2 : i32
    %dma_wait3A_896 = arith.constant 0 : i32
    %dma_wait3A_897 = arith.constant 0 : i32
    %dma_wait3A_898 = tpu.memref_slice %arg6[%dma_wait3A_895, %dma_wait3A_896, %dma_wait3A_897] : memref<5x16x1024xf32, #tpu.memory_space<vmem>> -> memref<1x16x1024xf32, #tpu.memory_space<vmem>>
    %dma_wait3A_899 = tpu.memref_squeeze %dma_wait3A_898 : memref<1x16x1024xf32, #tpu.memory_space<vmem>> -> memref<16x1024xf32, #tpu.memory_space<vmem>>
    %dma_wait3A_900 = arith.constant 0 : i32
    %dma_wait3A_901 = tpu.memref_slice %arg2[%add3A_720, %dma_wait3A_900] : memref<16384x1024xf32, #tpu.memory_space<hbm>> -> memref<16x1024xf32, #tpu.memory_space<hbm>>
    %dma_wait3A_902 = arith.constant 0 : i32
    %dma_wait3A_903 = arith.constant 0 : i32
    %dma_wait3A_904 = tpu.memref_slice %arg6[%dma_wait3A_895, %dma_wait3A_902, %dma_wait3A_903] : memref<5x16x1024xf32, #tpu.memory_space<vmem>> -> memref<1x16x1024xf32, #tpu.memory_space<vmem>>
    %dma_wait3A_905 = tpu.memref_squeeze %dma_wait3A_904 : memref<1x16x1024xf32, #tpu.memory_space<vmem>> -> memref<16x1024xf32, #tpu.memory_space<vmem>>
    %dma_wait3A_906 = arith.constant 0 : i32
    %dma_wait3A_907 = tpu.memref_slice %arg2[%add3A_720, %dma_wait3A_906] : memref<16384x1024xf32, #tpu.memory_space<hbm>> -> memref<16x1024xf32, #tpu.memory_space<hbm>>
    tpu.wait_dma2 semaphore(%arg8 : memref<!tpu.dma_semaphore, #tpu.memory_space<semaphore_mem>>) src(%dma_wait3A_907 : memref<16x1024xf32, #tpu.memory_space<hbm>>) dst(%dma_wait3A_905 : memref<16x1024xf32, #tpu.memory_space<vmem>>)
    %dma_wait3A_908 = arith.constant 1 : i32
    %dma_wait3A_909 = arith.constant 0 : i32
    %dma_wait3A_910 = arith.constant 0 : i32
    %dma_wait3A_911 = tpu.memref_slice %arg5[%dma_wait3A_908, %dma_wait3A_909, %dma_wait3A_910] : memref<2x16x1024xf32, #tpu.memory_space<vmem>> -> memref<1x16x1024xf32, #tpu.memory_space<vmem>>
    %dma_wait3A_912 = tpu.memref_squeeze %dma_wait3A_911 : memref<1x16x1024xf32, #tpu.memory_space<vmem>> -> memref<16x1024xf32, #tpu.memory_space<vmem>>
    %dma_wait3A_913 = arith.constant 0 : i32
    %dma_wait3A_914 = tpu.memref_slice %arg3[%add3A_601, %dma_wait3A_913] : memref<4096x1024xf32, #tpu.memory_space<hbm>> -> memref<16x1024xf32, #tpu.memory_space<hbm>>
    %dma_wait3A_915 = arith.constant 0 : i32
    %dma_wait3A_916 = arith.constant 0 : i32
    %dma_wait3A_917 = tpu.memref_slice %arg5[%dma_wait3A_908, %dma_wait3A_915, %dma_wait3A_916] : memref<2x16x1024xf32, #tpu.memory_space<vmem>> -> memref<1x16x1024xf32, #tpu.memory_space<vmem>>
    %dma_wait3A_918 = tpu.memref_squeeze %dma_wait3A_917 : memref<1x16x1024xf32, #tpu.memory_space<vmem>> -> memref<16x1024xf32, #tpu.memory_space<vmem>>
    %dma_wait3A_919 = arith.constant 0 : i32
    %dma_wait3A_920 = tpu.memref_slice %arg3[%add3A_601, %dma_wait3A_919] : memref<4096x1024xf32, #tpu.memory_space<hbm>> -> memref<16x1024xf32, #tpu.memory_space<hbm>>
    tpu.wait_dma2 semaphore(%arg7 : memref<!tpu.dma_semaphore, #tpu.memory_space<semaphore_mem>>) src(%dma_wait3A_920 : memref<16x1024xf32, #tpu.memory_space<hbm>>) dst(%dma_wait3A_918 : memref<16x1024xf32, #tpu.memory_space<vmem>>)
    %dma_wait3A_921 = arith.constant 0 : i32
    %dma_wait3A_922 = arith.constant 0 : i32
    %dma_wait3A_923 = arith.constant 0 : i32
    %dma_wait3A_924 = tpu.memref_slice %arg6[%dma_wait3A_921, %dma_wait3A_922, %dma_wait3A_923] : memref<5x16x1024xf32, #tpu.memory_space<vmem>> -> memref<1x16x1024xf32, #tpu.memory_space<vmem>>
    %dma_wait3A_925 = tpu.memref_squeeze %dma_wait3A_924 : memref<1x16x1024xf32, #tpu.memory_space<vmem>> -> memref<16x1024xf32, #tpu.memory_space<vmem>>
    %dma_wait3A_926 = arith.constant 0 : i32
    %dma_wait3A_927 = tpu.memref_slice %arg4[%add3A_803, %dma_wait3A_926] : memref<16384x1024xf32, #tpu.memory_space<hbm>> -> memref<16x1024xf32, #tpu.memory_space<hbm>>
    %dma_wait3A_928 = arith.constant 0 : i32
    %dma_wait3A_929 = tpu.memref_slice %arg4[%add3A_803, %dma_wait3A_928] : memref<16384x1024xf32, #tpu.memory_space<hbm>> -> memref<16x1024xf32, #tpu.memory_space<hbm>>
    %dma_wait3A_930 = arith.constant 0 : i32
    %dma_wait3A_931 = arith.constant 0 : i32
    %dma_wait3A_932 = tpu.memref_slice %arg6[%dma_wait3A_921, %dma_wait3A_930, %dma_wait3A_931] : memref<5x16x1024xf32, #tpu.memory_space<vmem>> -> memref<1x16x1024xf32, #tpu.memory_space<vmem>>
    %dma_wait3A_933 = tpu.memref_squeeze %dma_wait3A_932 : memref<1x16x1024xf32, #tpu.memory_space<vmem>> -> memref<16x1024xf32, #tpu.memory_space<vmem>>
    tpu.wait_dma2 semaphore(%arg9 : memref<!tpu.dma_semaphore, #tpu.memory_space<semaphore_mem>>) src(%dma_wait3A_933 : memref<16x1024xf32, #tpu.memory_space<vmem>>) dst(%dma_wait3A_929 : memref<16x1024xf32, #tpu.memory_space<hbm>>)
    %add3A_934 = arith.constant 12288 : i32
    %add3A_935 = arith.addi %add3A_934, %mul3A_2 : i32
    %add3A_936 = arith.constant 48 : i32
    %add3A_937 = arith.addi %add3A_935, %add3A_936 : i32
    %dma_start3A_938 = arith.constant 0 : i32
    %dma_start3A_939 = arith.constant 0 : i32
    %dma_start3A_940 = arith.constant 0 : i32
    %dma_start3A_941 = tpu.memref_slice %arg6[%dma_start3A_938, %dma_start3A_939, %dma_start3A_940] : memref<5x16x1024xf32, #tpu.memory_space<vmem>> -> memref<1x16x1024xf32, #tpu.memory_space<vmem>>
    %dma_start3A_942 = tpu.memref_squeeze %dma_start3A_941 : memref<1x16x1024xf32, #tpu.memory_space<vmem>> -> memref<16x1024xf32, #tpu.memory_space<vmem>>
    %dma_start3A_943 = arith.constant 0 : i32
    %dma_start3A_944 = tpu.memref_slice %arg2[%add3A_937, %dma_start3A_943] : memref<16384x1024xf32, #tpu.memory_space<hbm>> -> memref<16x1024xf32, #tpu.memory_space<hbm>>
    %dma_start3A_945 = arith.constant 0 : i32
    %dma_start3A_946 = arith.constant 0 : i32
    %dma_start3A_947 = tpu.memref_slice %arg6[%dma_start3A_938, %dma_start3A_945, %dma_start3A_946] : memref<5x16x1024xf32, #tpu.memory_space<vmem>> -> memref<1x16x1024xf32, #tpu.memory_space<vmem>>
    %dma_start3A_948 = tpu.memref_squeeze %dma_start3A_947 : memref<1x16x1024xf32, #tpu.memory_space<vmem>> -> memref<16x1024xf32, #tpu.memory_space<vmem>>
    %dma_start3A_949 = arith.constant 0 : i32
    %dma_start3A_950 = tpu.memref_slice %arg2[%add3A_937, %dma_start3A_949] : memref<16384x1024xf32, #tpu.memory_space<hbm>> -> memref<16x1024xf32, #tpu.memory_space<hbm>>
    tpu.enqueue_dma source(%dma_start3A_950 : memref<16x1024xf32, #tpu.memory_space<hbm>>) target(%dma_start3A_948 : memref<16x1024xf32, #tpu.memory_space<vmem>>) target_semaphore(%arg8 : memref<!tpu.dma_semaphore, #tpu.memory_space<semaphore_mem>>)
    %parallel_loop3A_951 = arith.constant 0 : i32
    %parallel_loop3A_952 = arith.constant 16384 : i32
    %parallel_loop3A_953 = arith.constant 16 : i32
    scf.for %parallel_loop3A_2240 = %parallel_loop3A_951 to %parallel_loop3A_952 step %parallel_loop3A_953  : i32 {
      %parallel_loop3A_2241 = arith.constant 10 : i32
      %parallel_loop3A_2242 = arith.shrsi %parallel_loop3A_2240, %parallel_loop3A_2241 : i32
      %parallel_loop3A_2243 = arith.constant 1023 : i32
      %parallel_loop3A_2244 = arith.andi %parallel_loop3A_2240, %parallel_loop3A_2243 : i32
      %parallel_loop3A_2245 = tpu.assume_multiple %parallel_loop3A_2244, 16 : i32
      %parallel_loop3A_2246 = arith.constant 2 : i32
      %parallel_loop3A_2247 = arith.index_cast %parallel_loop3A_2246 : i32 to index
      %parallel_loop3A_2248 = arith.index_cast %parallel_loop3A_2242 : i32 to index
      %parallel_loop3A_2249 = arith.index_cast %parallel_loop3A_2245 : i32 to index
      %parallel_loop3A_2250 = tpu.vector_load %arg6[%parallel_loop3A_2247, %parallel_loop3A_2248, %parallel_loop3A_2249] {strides = array<i32>} : memref<5x16x1024xf32, #tpu.memory_space<vmem>>, vector<1x1x16xf32>,
      %parallel_loop3A_2251 = vector.shape_cast %parallel_loop3A_2250 : vector<1x1x16xf32> to vector<16xf32>
      %parallel_loop3A_2252 = arith.constant 1 : i32
      %parallel_loop3A_2253 = arith.index_cast %parallel_loop3A_2252 : i32 to index
      %parallel_loop3A_2254 = arith.index_cast %parallel_loop3A_2242 : i32 to index
      %parallel_loop3A_2255 = arith.index_cast %parallel_loop3A_2245 : i32 to index
      %parallel_loop3A_2256 = tpu.vector_load %arg5[%parallel_loop3A_2253, %parallel_loop3A_2254, %parallel_loop3A_2255] {strides = array<i32>} : memref<2x16x1024xf32, #tpu.memory_space<vmem>>, vector<1x1x16xf32>,
      %parallel_loop3A_2257 = vector.shape_cast %parallel_loop3A_2256 : vector<1x1x16xf32> to vector<16xf32>
      %parallel_loop3A_2258 = arith.addf %parallel_loop3A_2251, %parallel_loop3A_2257 : vector<16xf32>
      %parallel_loop3A_2259 = arith.constant 2 : i32
      %parallel_loop3A_2260 = arith.index_cast %parallel_loop3A_2259 : i32 to index
      %parallel_loop3A_2261 = arith.index_cast %parallel_loop3A_2242 : i32 to index
      %parallel_loop3A_2262 = arith.index_cast %parallel_loop3A_2245 : i32 to index
      %parallel_loop3A_2263 = tpu.vector_load %arg6[%parallel_loop3A_2260, %parallel_loop3A_2261, %parallel_loop3A_2262] {strides = array<i32>} : memref<5x16x1024xf32, #tpu.memory_space<vmem>>, vector<1x1x16xf32>,
      %parallel_loop3A_2264 = vector.shape_cast %parallel_loop3A_2263 : vector<1x1x16xf32> to vector<16xf32>
      %parallel_loop3A_2265 = vector.shape_cast %parallel_loop3A_2258 : vector<16xf32> to vector<1x1x16xf32>
      tpu.vector_store %arg6[%parallel_loop3A_2260, %parallel_loop3A_2261, %parallel_loop3A_2262], %parallel_loop3A_2265 {strides = array<i32>} : memref<5x16x1024xf32, #tpu.memory_space<vmem>>, vector<1x1x16xf32>,
    } {sc.loop_unroll_factor = 8 : i64, sc.parallel_access}
    %add3A_954 = arith.constant 0 : i32
    %add3A_955 = arith.addi %add3A_954, %mul3A_2 : i32
    %add3A_956 = arith.constant 48 : i32
    %add3A_957 = arith.addi %add3A_955, %add3A_956 : i32
    %dma_start3A_958 = arith.constant 2 : i32
    %dma_start3A_959 = arith.constant 0 : i32
    %dma_start3A_960 = arith.constant 0 : i32
    %dma_start3A_961 = tpu.memref_slice %arg6[%dma_start3A_958, %dma_start3A_959, %dma_start3A_960] : memref<5x16x1024xf32, #tpu.memory_space<vmem>> -> memref<1x16x1024xf32, #tpu.memory_space<vmem>>
    %dma_start3A_962 = tpu.memref_squeeze %dma_start3A_961 : memref<1x16x1024xf32, #tpu.memory_space<vmem>> -> memref<16x1024xf32, #tpu.memory_space<vmem>>
    %dma_start3A_963 = arith.constant 0 : i32
    %dma_start3A_964 = tpu.memref_slice %arg4[%add3A_957, %dma_start3A_963] : memref<16384x1024xf32, #tpu.memory_space<hbm>> -> memref<16x1024xf32, #tpu.memory_space<hbm>>
    %dma_start3A_965 = arith.constant 0 : i32
    %dma_start3A_966 = tpu.memref_slice %arg4[%add3A_957, %dma_start3A_965] : memref<16384x1024xf32, #tpu.memory_space<hbm>> -> memref<16x1024xf32, #tpu.memory_space<hbm>>
    %dma_start3A_967 = arith.constant 0 : i32
    %dma_start3A_968 = arith.constant 0 : i32
    %dma_start3A_969 = tpu.memref_slice %arg6[%dma_start3A_958, %dma_start3A_967, %dma_start3A_968] : memref<5x16x1024xf32, #tpu.memory_space<vmem>> -> memref<1x16x1024xf32, #tpu.memory_space<vmem>>
    %dma_start3A_970 = tpu.memref_squeeze %dma_start3A_969 : memref<1x16x1024xf32, #tpu.memory_space<vmem>> -> memref<16x1024xf32, #tpu.memory_space<vmem>>
    tpu.enqueue_dma source(%dma_start3A_970 : memref<16x1024xf32, #tpu.memory_space<vmem>>) target(%dma_start3A_966 : memref<16x1024xf32, #tpu.memory_space<hbm>>) target_semaphore(%arg9 : memref<!tpu.dma_semaphore, #tpu.memory_space<semaphore_mem>>)
    %dma_wait3A_971 = arith.constant 3 : i32
    %dma_wait3A_972 = arith.constant 0 : i32
    %dma_wait3A_973 = arith.constant 0 : i32
    %dma_wait3A_974 = tpu.memref_slice %arg6[%dma_wait3A_971, %dma_wait3A_972, %dma_wait3A_973] : memref<5x16x1024xf32, #tpu.memory_space<vmem>> -> memref<1x16x1024xf32, #tpu.memory_space<vmem>>
    %dma_wait3A_975 = tpu.memref_squeeze %dma_wait3A_974 : memref<1x16x1024xf32, #tpu.memory_space<vmem>> -> memref<16x1024xf32, #tpu.memory_space<vmem>>
    %dma_wait3A_976 = arith.constant 0 : i32
    %dma_wait3A_977 = tpu.memref_slice %arg2[%add3A_783, %dma_wait3A_976] : memref<16384x1024xf32, #tpu.memory_space<hbm>> -> memref<16x1024xf32, #tpu.memory_space<hbm>>
    %dma_wait3A_978 = arith.constant 0 : i32
    %dma_wait3A_979 = arith.constant 0 : i32
    %dma_wait3A_980 = tpu.memref_slice %arg6[%dma_wait3A_971, %dma_wait3A_978, %dma_wait3A_979] : memref<5x16x1024xf32, #tpu.memory_space<vmem>> -> memref<1x16x1024xf32, #tpu.memory_space<vmem>>
    %dma_wait3A_981 = tpu.memref_squeeze %dma_wait3A_980 : memref<1x16x1024xf32, #tpu.memory_space<vmem>> -> memref<16x1024xf32, #tpu.memory_space<vmem>>
    %dma_wait3A_982 = arith.constant 0 : i32
    %dma_wait3A_983 = tpu.memref_slice %arg2[%add3A_783, %dma_wait3A_982] : memref<16384x1024xf32, #tpu.memory_space<hbm>> -> memref<16x1024xf32, #tpu.memory_space<hbm>>
    tpu.wait_dma2 semaphore(%arg8 : memref<!tpu.dma_semaphore, #tpu.memory_space<semaphore_mem>>) src(%dma_wait3A_983 : memref<16x1024xf32, #tpu.memory_space<hbm>>) dst(%dma_wait3A_981 : memref<16x1024xf32, #tpu.memory_space<vmem>>)
    %dma_wait3A_984 = arith.constant 1 : i32
    %dma_wait3A_985 = arith.constant 0 : i32
    %dma_wait3A_986 = arith.constant 0 : i32
    %dma_wait3A_987 = tpu.memref_slice %arg6[%dma_wait3A_984, %dma_wait3A_985, %dma_wait3A_986] : memref<5x16x1024xf32, #tpu.memory_space<vmem>> -> memref<1x16x1024xf32, #tpu.memory_space<vmem>>
    %dma_wait3A_988 = tpu.memref_squeeze %dma_wait3A_987 : memref<1x16x1024xf32, #tpu.memory_space<vmem>> -> memref<16x1024xf32, #tpu.memory_space<vmem>>
    %dma_wait3A_989 = arith.constant 0 : i32
    %dma_wait3A_990 = tpu.memref_slice %arg4[%add3A_866, %dma_wait3A_989] : memref<16384x1024xf32, #tpu.memory_space<hbm>> -> memref<16x1024xf32, #tpu.memory_space<hbm>>
    %dma_wait3A_991 = arith.constant 0 : i32
    %dma_wait3A_992 = tpu.memref_slice %arg4[%add3A_866, %dma_wait3A_991] : memref<16384x1024xf32, #tpu.memory_space<hbm>> -> memref<16x1024xf32, #tpu.memory_space<hbm>>
    %dma_wait3A_993 = arith.constant 0 : i32
    %dma_wait3A_994 = arith.constant 0 : i32
    %dma_wait3A_995 = tpu.memref_slice %arg6[%dma_wait3A_984, %dma_wait3A_993, %dma_wait3A_994] : memref<5x16x1024xf32, #tpu.memory_space<vmem>> -> memref<1x16x1024xf32, #tpu.memory_space<vmem>>
    %dma_wait3A_996 = tpu.memref_squeeze %dma_wait3A_995 : memref<1x16x1024xf32, #tpu.memory_space<vmem>> -> memref<16x1024xf32, #tpu.memory_space<vmem>>
    tpu.wait_dma2 semaphore(%arg9 : memref<!tpu.dma_semaphore, #tpu.memory_space<semaphore_mem>>) src(%dma_wait3A_996 : memref<16x1024xf32, #tpu.memory_space<vmem>>) dst(%dma_wait3A_992 : memref<16x1024xf32, #tpu.memory_space<hbm>>)
    %add3A_997 = arith.constant 0 : i32
    %add3A_998 = arith.addi %add3A_997, %mul3A_2 : i32
    %add3A_999 = arith.constant 64 : i32
    %add3A_1000 = arith.addi %add3A_998, %add3A_999 : i32
    %dma_start3A_1001 = arith.constant 1 : i32
    %dma_start3A_1002 = arith.constant 0 : i32
    %dma_start3A_1003 = arith.constant 0 : i32
    %dma_start3A_1004 = tpu.memref_slice %arg6[%dma_start3A_1001, %dma_start3A_1002, %dma_start3A_1003] : memref<5x16x1024xf32, #tpu.memory_space<vmem>> -> memref<1x16x1024xf32, #tpu.memory_space<vmem>>
    %dma_start3A_1005 = tpu.memref_squeeze %dma_start3A_1004 : memref<1x16x1024xf32, #tpu.memory_space<vmem>> -> memref<16x1024xf32, #tpu.memory_space<vmem>>
    %dma_start3A_1006 = arith.constant 0 : i32
    %dma_start3A_1007 = tpu.memref_slice %arg2[%add3A_1000, %dma_start3A_1006] : memref<16384x1024xf32, #tpu.memory_space<hbm>> -> memref<16x1024xf32, #tpu.memory_space<hbm>>
    %dma_start3A_1008 = arith.constant 0 : i32
    %dma_start3A_1009 = arith.constant 0 : i32
    %dma_start3A_1010 = tpu.memref_slice %arg6[%dma_start3A_1001, %dma_start3A_1008, %dma_start3A_1009] : memref<5x16x1024xf32, #tpu.memory_space<vmem>> -> memref<1x16x1024xf32, #tpu.memory_space<vmem>>
    %dma_start3A_1011 = tpu.memref_squeeze %dma_start3A_1010 : memref<1x16x1024xf32, #tpu.memory_space<vmem>> -> memref<16x1024xf32, #tpu.memory_space<vmem>>
    %dma_start3A_1012 = arith.constant 0 : i32
    %dma_start3A_1013 = tpu.memref_slice %arg2[%add3A_1000, %dma_start3A_1012] : memref<16384x1024xf32, #tpu.memory_space<hbm>> -> memref<16x1024xf32, #tpu.memory_space<hbm>>
    tpu.enqueue_dma source(%dma_start3A_1013 : memref<16x1024xf32, #tpu.memory_space<hbm>>) target(%dma_start3A_1011 : memref<16x1024xf32, #tpu.memory_space<vmem>>) target_semaphore(%arg8 : memref<!tpu.dma_semaphore, #tpu.memory_space<semaphore_mem>>)
    %parallel_loop3A_1014 = arith.constant 0 : i32
    %parallel_loop3A_1015 = arith.constant 16384 : i32
    %parallel_loop3A_1016 = arith.constant 16 : i32
    scf.for %parallel_loop3A_2240 = %parallel_loop3A_1014 to %parallel_loop3A_1015 step %parallel_loop3A_1016  : i32 {
      %parallel_loop3A_2241 = arith.constant 10 : i32
      %parallel_loop3A_2242 = arith.shrsi %parallel_loop3A_2240, %parallel_loop3A_2241 : i32
      %parallel_loop3A_2243 = arith.constant 1023 : i32
      %parallel_loop3A_2244 = arith.andi %parallel_loop3A_2240, %parallel_loop3A_2243 : i32
      %parallel_loop3A_2245 = tpu.assume_multiple %parallel_loop3A_2244, 16 : i32
      %parallel_loop3A_2246 = arith.constant 3 : i32
      %parallel_loop3A_2247 = arith.index_cast %parallel_loop3A_2246 : i32 to index
      %parallel_loop3A_2248 = arith.index_cast %parallel_loop3A_2242 : i32 to index
      %parallel_loop3A_2249 = arith.index_cast %parallel_loop3A_2245 : i32 to index
      %parallel_loop3A_2250 = tpu.vector_load %arg6[%parallel_loop3A_2247, %parallel_loop3A_2248, %parallel_loop3A_2249] {strides = array<i32>} : memref<5x16x1024xf32, #tpu.memory_space<vmem>>, vector<1x1x16xf32>,
      %parallel_loop3A_2251 = vector.shape_cast %parallel_loop3A_2250 : vector<1x1x16xf32> to vector<16xf32>
      %parallel_loop3A_2252 = arith.constant 1 : i32
      %parallel_loop3A_2253 = arith.index_cast %parallel_loop3A_2252 : i32 to index
      %parallel_loop3A_2254 = arith.index_cast %parallel_loop3A_2242 : i32 to index
      %parallel_loop3A_2255 = arith.index_cast %parallel_loop3A_2245 : i32 to index
      %parallel_loop3A_2256 = tpu.vector_load %arg5[%parallel_loop3A_2253, %parallel_loop3A_2254, %parallel_loop3A_2255] {strides = array<i32>} : memref<2x16x1024xf32, #tpu.memory_space<vmem>>, vector<1x1x16xf32>,
      %parallel_loop3A_2257 = vector.shape_cast %parallel_loop3A_2256 : vector<1x1x16xf32> to vector<16xf32>
      %parallel_loop3A_2258 = arith.addf %parallel_loop3A_2251, %parallel_loop3A_2257 : vector<16xf32>
      %parallel_loop3A_2259 = arith.constant 3 : i32
      %parallel_loop3A_2260 = arith.index_cast %parallel_loop3A_2259 : i32 to index
      %parallel_loop3A_2261 = arith.index_cast %parallel_loop3A_2242 : i32 to index
      %parallel_loop3A_2262 = arith.index_cast %parallel_loop3A_2245 : i32 to index
      %parallel_loop3A_2263 = tpu.vector_load %arg6[%parallel_loop3A_2260, %parallel_loop3A_2261, %parallel_loop3A_2262] {strides = array<i32>} : memref<5x16x1024xf32, #tpu.memory_space<vmem>>, vector<1x1x16xf32>,
      %parallel_loop3A_2264 = vector.shape_cast %parallel_loop3A_2263 : vector<1x1x16xf32> to vector<16xf32>
      %parallel_loop3A_2265 = vector.shape_cast %parallel_loop3A_2258 : vector<16xf32> to vector<1x1x16xf32>
      tpu.vector_store %arg6[%parallel_loop3A_2260, %parallel_loop3A_2261, %parallel_loop3A_2262], %parallel_loop3A_2265 {strides = array<i32>} : memref<5x16x1024xf32, #tpu.memory_space<vmem>>, vector<1x1x16xf32>,
    } {sc.loop_unroll_factor = 8 : i64, sc.parallel_access}
    %add3A_1017 = arith.constant 4096 : i32
    %add3A_1018 = arith.addi %add3A_1017, %mul3A_2 : i32
    %add3A_1019 = arith.constant 48 : i32
    %add3A_1020 = arith.addi %add3A_1018, %add3A_1019 : i32
    %dma_start3A_1021 = arith.constant 3 : i32
    %dma_start3A_1022 = arith.constant 0 : i32
    %dma_start3A_1023 = arith.constant 0 : i32
    %dma_start3A_1024 = tpu.memref_slice %arg6[%dma_start3A_1021, %dma_start3A_1022, %dma_start3A_1023] : memref<5x16x1024xf32, #tpu.memory_space<vmem>> -> memref<1x16x1024xf32, #tpu.memory_space<vmem>>
    %dma_start3A_1025 = tpu.memref_squeeze %dma_start3A_1024 : memref<1x16x1024xf32, #tpu.memory_space<vmem>> -> memref<16x1024xf32, #tpu.memory_space<vmem>>
    %dma_start3A_1026 = arith.constant 0 : i32
    %dma_start3A_1027 = tpu.memref_slice %arg4[%add3A_1020, %dma_start3A_1026] : memref<16384x1024xf32, #tpu.memory_space<hbm>> -> memref<16x1024xf32, #tpu.memory_space<hbm>>
    %dma_start3A_1028 = arith.constant 0 : i32
    %dma_start3A_1029 = tpu.memref_slice %arg4[%add3A_1020, %dma_start3A_1028] : memref<16384x1024xf32, #tpu.memory_space<hbm>> -> memref<16x1024xf32, #tpu.memory_space<hbm>>
    %dma_start3A_1030 = arith.constant 0 : i32
    %dma_start3A_1031 = arith.constant 0 : i32
    %dma_start3A_1032 = tpu.memref_slice %arg6[%dma_start3A_1021, %dma_start3A_1030, %dma_start3A_1031] : memref<5x16x1024xf32, #tpu.memory_space<vmem>> -> memref<1x16x1024xf32, #tpu.memory_space<vmem>>
    %dma_start3A_1033 = tpu.memref_squeeze %dma_start3A_1032 : memref<1x16x1024xf32, #tpu.memory_space<vmem>> -> memref<16x1024xf32, #tpu.memory_space<vmem>>
    tpu.enqueue_dma source(%dma_start3A_1033 : memref<16x1024xf32, #tpu.memory_space<vmem>>) target(%dma_start3A_1029 : memref<16x1024xf32, #tpu.memory_space<hbm>>) target_semaphore(%arg9 : memref<!tpu.dma_semaphore, #tpu.memory_space<semaphore_mem>>)
    %dma_wait3A_1034 = arith.constant 4 : i32
    %dma_wait3A_1035 = arith.constant 0 : i32
    %dma_wait3A_1036 = arith.constant 0 : i32
    %dma_wait3A_1037 = tpu.memref_slice %arg6[%dma_wait3A_1034, %dma_wait3A_1035, %dma_wait3A_1036] : memref<5x16x1024xf32, #tpu.memory_space<vmem>> -> memref<1x16x1024xf32, #tpu.memory_space<vmem>>
    %dma_wait3A_1038 = tpu.memref_squeeze %dma_wait3A_1037 : memref<1x16x1024xf32, #tpu.memory_space<vmem>> -> memref<16x1024xf32, #tpu.memory_space<vmem>>
    %dma_wait3A_1039 = arith.constant 0 : i32
    %dma_wait3A_1040 = tpu.memref_slice %arg2[%add3A_846, %dma_wait3A_1039] : memref<16384x1024xf32, #tpu.memory_space<hbm>> -> memref<16x1024xf32, #tpu.memory_space<hbm>>
    %dma_wait3A_1041 = arith.constant 0 : i32
    %dma_wait3A_1042 = arith.constant 0 : i32
    %dma_wait3A_1043 = tpu.memref_slice %arg6[%dma_wait3A_1034, %dma_wait3A_1041, %dma_wait3A_1042] : memref<5x16x1024xf32, #tpu.memory_space<vmem>> -> memref<1x16x1024xf32, #tpu.memory_space<vmem>>
    %dma_wait3A_1044 = tpu.memref_squeeze %dma_wait3A_1043 : memref<1x16x1024xf32, #tpu.memory_space<vmem>> -> memref<16x1024xf32, #tpu.memory_space<vmem>>
    %dma_wait3A_1045 = arith.constant 0 : i32
    %dma_wait3A_1046 = tpu.memref_slice %arg2[%add3A_846, %dma_wait3A_1045] : memref<16384x1024xf32, #tpu.memory_space<hbm>> -> memref<16x1024xf32, #tpu.memory_space<hbm>>
    tpu.wait_dma2 semaphore(%arg8 : memref<!tpu.dma_semaphore, #tpu.memory_space<semaphore_mem>>) src(%dma_wait3A_1046 : memref<16x1024xf32, #tpu.memory_space<hbm>>) dst(%dma_wait3A_1044 : memref<16x1024xf32, #tpu.memory_space<vmem>>)
    %dma_wait3A_1047 = arith.constant 2 : i32
    %dma_wait3A_1048 = arith.constant 0 : i32
    %dma_wait3A_1049 = arith.constant 0 : i32
    %dma_wait3A_1050 = tpu.memref_slice %arg6[%dma_wait3A_1047, %dma_wait3A_1048, %dma_wait3A_1049] : memref<5x16x1024xf32, #tpu.memory_space<vmem>> -> memref<1x16x1024xf32, #tpu.memory_space<vmem>>
    %dma_wait3A_1051 = tpu.memref_squeeze %dma_wait3A_1050 : memref<1x16x1024xf32, #tpu.memory_space<vmem>> -> memref<16x1024xf32, #tpu.memory_space<vmem>>
    %dma_wait3A_1052 = arith.constant 0 : i32
    %dma_wait3A_1053 = tpu.memref_slice %arg4[%add3A_957, %dma_wait3A_1052] : memref<16384x1024xf32, #tpu.memory_space<hbm>> -> memref<16x1024xf32, #tpu.memory_space<hbm>>
    %dma_wait3A_1054 = arith.constant 0 : i32
    %dma_wait3A_1055 = tpu.memref_slice %arg4[%add3A_957, %dma_wait3A_1054] : memref<16384x1024xf32, #tpu.memory_space<hbm>> -> memref<16x1024xf32, #tpu.memory_space<hbm>>
    %dma_wait3A_1056 = arith.constant 0 : i32
    %dma_wait3A_1057 = arith.constant 0 : i32
    %dma_wait3A_1058 = tpu.memref_slice %arg6[%dma_wait3A_1047, %dma_wait3A_1056, %dma_wait3A_1057] : memref<5x16x1024xf32, #tpu.memory_space<vmem>> -> memref<1x16x1024xf32, #tpu.memory_space<vmem>>
    %dma_wait3A_1059 = tpu.memref_squeeze %dma_wait3A_1058 : memref<1x16x1024xf32, #tpu.memory_space<vmem>> -> memref<16x1024xf32, #tpu.memory_space<vmem>>
    tpu.wait_dma2 semaphore(%arg9 : memref<!tpu.dma_semaphore, #tpu.memory_space<semaphore_mem>>) src(%dma_wait3A_1059 : memref<16x1024xf32, #tpu.memory_space<vmem>>) dst(%dma_wait3A_1055 : memref<16x1024xf32, #tpu.memory_space<hbm>>)
    %add3A_1060 = arith.constant 4096 : i32
    %add3A_1061 = arith.addi %add3A_1060, %mul3A_2 : i32
    %add3A_1062 = arith.constant 64 : i32
    %add3A_1063 = arith.addi %add3A_1061, %add3A_1062 : i32
    %dma_start3A_1064 = arith.constant 2 : i32
    %dma_start3A_1065 = arith.constant 0 : i32
    %dma_start3A_1066 = arith.constant 0 : i32
    %dma_start3A_1067 = tpu.memref_slice %arg6[%dma_start3A_1064, %dma_start3A_1065, %dma_start3A_1066] : memref<5x16x1024xf32, #tpu.memory_space<vmem>> -> memref<1x16x1024xf32, #tpu.memory_space<vmem>>
    %dma_start3A_1068 = tpu.memref_squeeze %dma_start3A_1067 : memref<1x16x1024xf32, #tpu.memory_space<vmem>> -> memref<16x1024xf32, #tpu.memory_space<vmem>>
    %dma_start3A_1069 = arith.constant 0 : i32
    %dma_start3A_1070 = tpu.memref_slice %arg2[%add3A_1063, %dma_start3A_1069] : memref<16384x1024xf32, #tpu.memory_space<hbm>> -> memref<16x1024xf32, #tpu.memory_space<hbm>>
    %dma_start3A_1071 = arith.constant 0 : i32
    %dma_start3A_1072 = arith.constant 0 : i32
    %dma_start3A_1073 = tpu.memref_slice %arg6[%dma_start3A_1064, %dma_start3A_1071, %dma_start3A_1072] : memref<5x16x1024xf32, #tpu.memory_space<vmem>> -> memref<1x16x1024xf32, #tpu.memory_space<vmem>>
    %dma_start3A_1074 = tpu.memref_squeeze %dma_start3A_1073 : memref<1x16x1024xf32, #tpu.memory_space<vmem>> -> memref<16x1024xf32, #tpu.memory_space<vmem>>
    %dma_start3A_1075 = arith.constant 0 : i32
    %dma_start3A_1076 = tpu.memref_slice %arg2[%add3A_1063, %dma_start3A_1075] : memref<16384x1024xf32, #tpu.memory_space<hbm>> -> memref<16x1024xf32, #tpu.memory_space<hbm>>
    tpu.enqueue_dma source(%dma_start3A_1076 : memref<16x1024xf32, #tpu.memory_space<hbm>>) target(%dma_start3A_1074 : memref<16x1024xf32, #tpu.memory_space<vmem>>) target_semaphore(%arg8 : memref<!tpu.dma_semaphore, #tpu.memory_space<semaphore_mem>>)
    %parallel_loop3A_1077 = arith.constant 0 : i32
    %parallel_loop3A_1078 = arith.constant 16384 : i32
    %parallel_loop3A_1079 = arith.constant 16 : i32
    scf.for %parallel_loop3A_2240 = %parallel_loop3A_1077 to %parallel_loop3A_1078 step %parallel_loop3A_1079  : i32 {
      %parallel_loop3A_2241 = arith.constant 10 : i32
      %parallel_loop3A_2242 = arith.shrsi %parallel_loop3A_2240, %parallel_loop3A_2241 : i32
      %parallel_loop3A_2243 = arith.constant 1023 : i32
      %parallel_loop3A_2244 = arith.andi %parallel_loop3A_2240, %parallel_loop3A_2243 : i32
      %parallel_loop3A_2245 = tpu.assume_multiple %parallel_loop3A_2244, 16 : i32
      %parallel_loop3A_2246 = arith.constant 4 : i32
      %parallel_loop3A_2247 = arith.index_cast %parallel_loop3A_2246 : i32 to index
      %parallel_loop3A_2248 = arith.index_cast %parallel_loop3A_2242 : i32 to index
      %parallel_loop3A_2249 = arith.index_cast %parallel_loop3A_2245 : i32 to index
      %parallel_loop3A_2250 = tpu.vector_load %arg6[%parallel_loop3A_2247, %parallel_loop3A_2248, %parallel_loop3A_2249] {strides = array<i32>} : memref<5x16x1024xf32, #tpu.memory_space<vmem>>, vector<1x1x16xf32>,
      %parallel_loop3A_2251 = vector.shape_cast %parallel_loop3A_2250 : vector<1x1x16xf32> to vector<16xf32>
      %parallel_loop3A_2252 = arith.constant 1 : i32
      %parallel_loop3A_2253 = arith.index_cast %parallel_loop3A_2252 : i32 to index
      %parallel_loop3A_2254 = arith.index_cast %parallel_loop3A_2242 : i32 to index
      %parallel_loop3A_2255 = arith.index_cast %parallel_loop3A_2245 : i32 to index
      %parallel_loop3A_2256 = tpu.vector_load %arg5[%parallel_loop3A_2253, %parallel_loop3A_2254, %parallel_loop3A_2255] {strides = array<i32>} : memref<2x16x1024xf32, #tpu.memory_space<vmem>>, vector<1x1x16xf32>,
      %parallel_loop3A_2257 = vector.shape_cast %parallel_loop3A_2256 : vector<1x1x16xf32> to vector<16xf32>
      %parallel_loop3A_2258 = arith.addf %parallel_loop3A_2251, %parallel_loop3A_2257 : vector<16xf32>
      %parallel_loop3A_2259 = arith.constant 4 : i32
      %parallel_loop3A_2260 = arith.index_cast %parallel_loop3A_2259 : i32 to index
      %parallel_loop3A_2261 = arith.index_cast %parallel_loop3A_2242 : i32 to index
      %parallel_loop3A_2262 = arith.index_cast %parallel_loop3A_2245 : i32 to index
      %parallel_loop3A_2263 = tpu.vector_load %arg6[%parallel_loop3A_2260, %parallel_loop3A_2261, %parallel_loop3A_2262] {strides = array<i32>} : memref<5x16x1024xf32, #tpu.memory_space<vmem>>, vector<1x1x16xf32>,
      %parallel_loop3A_2264 = vector.shape_cast %parallel_loop3A_2263 : vector<1x1x16xf32> to vector<16xf32>
      %parallel_loop3A_2265 = vector.shape_cast %parallel_loop3A_2258 : vector<16xf32> to vector<1x1x16xf32>
      tpu.vector_store %arg6[%parallel_loop3A_2260, %parallel_loop3A_2261, %parallel_loop3A_2262], %parallel_loop3A_2265 {strides = array<i32>} : memref<5x16x1024xf32, #tpu.memory_space<vmem>>, vector<1x1x16xf32>,
    } {sc.loop_unroll_factor = 8 : i64, sc.parallel_access}
    %add3A_1080 = arith.constant 8192 : i32
    %add3A_1081 = arith.addi %add3A_1080, %mul3A_2 : i32
    %add3A_1082 = arith.constant 48 : i32
    %add3A_1083 = arith.addi %add3A_1081, %add3A_1082 : i32
    %dma_start3A_1084 = arith.constant 4 : i32
    %dma_start3A_1085 = arith.constant 0 : i32
    %dma_start3A_1086 = arith.constant 0 : i32
    %dma_start3A_1087 = tpu.memref_slice %arg6[%dma_start3A_1084, %dma_start3A_1085, %dma_start3A_1086] : memref<5x16x1024xf32, #tpu.memory_space<vmem>> -> memref<1x16x1024xf32, #tpu.memory_space<vmem>>
    %dma_start3A_1088 = tpu.memref_squeeze %dma_start3A_1087 : memref<1x16x1024xf32, #tpu.memory_space<vmem>> -> memref<16x1024xf32, #tpu.memory_space<vmem>>
    %dma_start3A_1089 = arith.constant 0 : i32
    %dma_start3A_1090 = tpu.memref_slice %arg4[%add3A_1083, %dma_start3A_1089] : memref<16384x1024xf32, #tpu.memory_space<hbm>> -> memref<16x1024xf32, #tpu.memory_space<hbm>>
    %dma_start3A_1091 = arith.constant 0 : i32
    %dma_start3A_1092 = tpu.memref_slice %arg4[%add3A_1083, %dma_start3A_1091] : memref<16384x1024xf32, #tpu.memory_space<hbm>> -> memref<16x1024xf32, #tpu.memory_space<hbm>>
    %dma_start3A_1093 = arith.constant 0 : i32
    %dma_start3A_1094 = arith.constant 0 : i32
    %dma_start3A_1095 = tpu.memref_slice %arg6[%dma_start3A_1084, %dma_start3A_1093, %dma_start3A_1094] : memref<5x16x1024xf32, #tpu.memory_space<vmem>> -> memref<1x16x1024xf32, #tpu.memory_space<vmem>>
    %dma_start3A_1096 = tpu.memref_squeeze %dma_start3A_1095 : memref<1x16x1024xf32, #tpu.memory_space<vmem>> -> memref<16x1024xf32, #tpu.memory_space<vmem>>
    tpu.enqueue_dma source(%dma_start3A_1096 : memref<16x1024xf32, #tpu.memory_space<vmem>>) target(%dma_start3A_1092 : memref<16x1024xf32, #tpu.memory_space<hbm>>) target_semaphore(%arg9 : memref<!tpu.dma_semaphore, #tpu.memory_space<semaphore_mem>>)
    %dma_wait3A_1097 = arith.constant 0 : i32
    %dma_wait3A_1098 = arith.constant 0 : i32
    %dma_wait3A_1099 = arith.constant 0 : i32
    %dma_wait3A_1100 = tpu.memref_slice %arg6[%dma_wait3A_1097, %dma_wait3A_1098, %dma_wait3A_1099] : memref<5x16x1024xf32, #tpu.memory_space<vmem>> -> memref<1x16x1024xf32, #tpu.memory_space<vmem>>
    %dma_wait3A_1101 = tpu.memref_squeeze %dma_wait3A_1100 : memref<1x16x1024xf32, #tpu.memory_space<vmem>> -> memref<16x1024xf32, #tpu.memory_space<vmem>>
    %dma_wait3A_1102 = arith.constant 0 : i32
    %dma_wait3A_1103 = tpu.memref_slice %arg2[%add3A_937, %dma_wait3A_1102] : memref<16384x1024xf32, #tpu.memory_space<hbm>> -> memref<16x1024xf32, #tpu.memory_space<hbm>>
    %dma_wait3A_1104 = arith.constant 0 : i32
    %dma_wait3A_1105 = arith.constant 0 : i32
    %dma_wait3A_1106 = tpu.memref_slice %arg6[%dma_wait3A_1097, %dma_wait3A_1104, %dma_wait3A_1105] : memref<5x16x1024xf32, #tpu.memory_space<vmem>> -> memref<1x16x1024xf32, #tpu.memory_space<vmem>>
    %dma_wait3A_1107 = tpu.memref_squeeze %dma_wait3A_1106 : memref<1x16x1024xf32, #tpu.memory_space<vmem>> -> memref<16x1024xf32, #tpu.memory_space<vmem>>
    %dma_wait3A_1108 = arith.constant 0 : i32
    %dma_wait3A_1109 = tpu.memref_slice %arg2[%add3A_937, %dma_wait3A_1108] : memref<16384x1024xf32, #tpu.memory_space<hbm>> -> memref<16x1024xf32, #tpu.memory_space<hbm>>
    tpu.wait_dma2 semaphore(%arg8 : memref<!tpu.dma_semaphore, #tpu.memory_space<semaphore_mem>>) src(%dma_wait3A_1109 : memref<16x1024xf32, #tpu.memory_space<hbm>>) dst(%dma_wait3A_1107 : memref<16x1024xf32, #tpu.memory_space<vmem>>)
    %dma_wait3A_1110 = arith.constant 3 : i32
    %dma_wait3A_1111 = arith.constant 0 : i32
    %dma_wait3A_1112 = arith.constant 0 : i32
    %dma_wait3A_1113 = tpu.memref_slice %arg6[%dma_wait3A_1110, %dma_wait3A_1111, %dma_wait3A_1112] : memref<5x16x1024xf32, #tpu.memory_space<vmem>> -> memref<1x16x1024xf32, #tpu.memory_space<vmem>>
    %dma_wait3A_1114 = tpu.memref_squeeze %dma_wait3A_1113 : memref<1x16x1024xf32, #tpu.memory_space<vmem>> -> memref<16x1024xf32, #tpu.memory_space<vmem>>
    %dma_wait3A_1115 = arith.constant 0 : i32
    %dma_wait3A_1116 = tpu.memref_slice %arg4[%add3A_1020, %dma_wait3A_1115] : memref<16384x1024xf32, #tpu.memory_space<hbm>> -> memref<16x1024xf32, #tpu.memory_space<hbm>>
    %dma_wait3A_1117 = arith.constant 0 : i32
    %dma_wait3A_1118 = tpu.memref_slice %arg4[%add3A_1020, %dma_wait3A_1117] : memref<16384x1024xf32, #tpu.memory_space<hbm>> -> memref<16x1024xf32, #tpu.memory_space<hbm>>
    %dma_wait3A_1119 = arith.constant 0 : i32
    %dma_wait3A_1120 = arith.constant 0 : i32
    %dma_wait3A_1121 = tpu.memref_slice %arg6[%dma_wait3A_1110, %dma_wait3A_1119, %dma_wait3A_1120] : memref<5x16x1024xf32, #tpu.memory_space<vmem>> -> memref<1x16x1024xf32, #tpu.memory_space<vmem>>
    %dma_wait3A_1122 = tpu.memref_squeeze %dma_wait3A_1121 : memref<1x16x1024xf32, #tpu.memory_space<vmem>> -> memref<16x1024xf32, #tpu.memory_space<vmem>>
    tpu.wait_dma2 semaphore(%arg9 : memref<!tpu.dma_semaphore, #tpu.memory_space<semaphore_mem>>) src(%dma_wait3A_1122 : memref<16x1024xf32, #tpu.memory_space<vmem>>) dst(%dma_wait3A_1118 : memref<16x1024xf32, #tpu.memory_space<hbm>>)
    %add3A_1123 = arith.constant 8192 : i32
    %add3A_1124 = arith.addi %add3A_1123, %mul3A_2 : i32
    %add3A_1125 = arith.constant 64 : i32
    %add3A_1126 = arith.addi %add3A_1124, %add3A_1125 : i32
    %dma_start3A_1127 = arith.constant 3 : i32
    %dma_start3A_1128 = arith.constant 0 : i32
    %dma_start3A_1129 = arith.constant 0 : i32
    %dma_start3A_1130 = tpu.memref_slice %arg6[%dma_start3A_1127, %dma_start3A_1128, %dma_start3A_1129] : memref<5x16x1024xf32, #tpu.memory_space<vmem>> -> memref<1x16x1024xf32, #tpu.memory_space<vmem>>
    %dma_start3A_1131 = tpu.memref_squeeze %dma_start3A_1130 : memref<1x16x1024xf32, #tpu.memory_space<vmem>> -> memref<16x1024xf32, #tpu.memory_space<vmem>>
    %dma_start3A_1132 = arith.constant 0 : i32
    %dma_start3A_1133 = tpu.memref_slice %arg2[%add3A_1126, %dma_start3A_1132] : memref<16384x1024xf32, #tpu.memory_space<hbm>> -> memref<16x1024xf32, #tpu.memory_space<hbm>>
    %dma_start3A_1134 = arith.constant 0 : i32
    %dma_start3A_1135 = arith.constant 0 : i32
    %dma_start3A_1136 = tpu.memref_slice %arg6[%dma_start3A_1127, %dma_start3A_1134, %dma_start3A_1135] : memref<5x16x1024xf32, #tpu.memory_space<vmem>> -> memref<1x16x1024xf32, #tpu.memory_space<vmem>>
    %dma_start3A_1137 = tpu.memref_squeeze %dma_start3A_1136 : memref<1x16x1024xf32, #tpu.memory_space<vmem>> -> memref<16x1024xf32, #tpu.memory_space<vmem>>
    %dma_start3A_1138 = arith.constant 0 : i32
    %dma_start3A_1139 = tpu.memref_slice %arg2[%add3A_1126, %dma_start3A_1138] : memref<16384x1024xf32, #tpu.memory_space<hbm>> -> memref<16x1024xf32, #tpu.memory_space<hbm>>
    tpu.enqueue_dma source(%dma_start3A_1139 : memref<16x1024xf32, #tpu.memory_space<hbm>>) target(%dma_start3A_1137 : memref<16x1024xf32, #tpu.memory_space<vmem>>) target_semaphore(%arg8 : memref<!tpu.dma_semaphore, #tpu.memory_space<semaphore_mem>>)
    %parallel_loop3A_1140 = arith.constant 0 : i32
    %parallel_loop3A_1141 = arith.constant 16384 : i32
    %parallel_loop3A_1142 = arith.constant 16 : i32
    scf.for %parallel_loop3A_2240 = %parallel_loop3A_1140 to %parallel_loop3A_1141 step %parallel_loop3A_1142  : i32 {
      %parallel_loop3A_2241 = arith.constant 10 : i32
      %parallel_loop3A_2242 = arith.shrsi %parallel_loop3A_2240, %parallel_loop3A_2241 : i32
      %parallel_loop3A_2243 = arith.constant 1023 : i32
      %parallel_loop3A_2244 = arith.andi %parallel_loop3A_2240, %parallel_loop3A_2243 : i32
      %parallel_loop3A_2245 = tpu.assume_multiple %parallel_loop3A_2244, 16 : i32
      %parallel_loop3A_2246 = arith.constant 0 : i32
      %parallel_loop3A_2247 = arith.index_cast %parallel_loop3A_2246 : i32 to index
      %parallel_loop3A_2248 = arith.index_cast %parallel_loop3A_2242 : i32 to index
      %parallel_loop3A_2249 = arith.index_cast %parallel_loop3A_2245 : i32 to index
      %parallel_loop3A_2250 = tpu.vector_load %arg6[%parallel_loop3A_2247, %parallel_loop3A_2248, %parallel_loop3A_2249] {strides = array<i32>} : memref<5x16x1024xf32, #tpu.memory_space<vmem>>, vector<1x1x16xf32>,
      %parallel_loop3A_2251 = vector.shape_cast %parallel_loop3A_2250 : vector<1x1x16xf32> to vector<16xf32>
      %parallel_loop3A_2252 = arith.constant 1 : i32
      %parallel_loop3A_2253 = arith.index_cast %parallel_loop3A_2252 : i32 to index
      %parallel_loop3A_2254 = arith.index_cast %parallel_loop3A_2242 : i32 to index
      %parallel_loop3A_2255 = arith.index_cast %parallel_loop3A_2245 : i32 to index
      %parallel_loop3A_2256 = tpu.vector_load %arg5[%parallel_loop3A_2253, %parallel_loop3A_2254, %parallel_loop3A_2255] {strides = array<i32>} : memref<2x16x1024xf32, #tpu.memory_space<vmem>>, vector<1x1x16xf32>,
      %parallel_loop3A_2257 = vector.shape_cast %parallel_loop3A_2256 : vector<1x1x16xf32> to vector<16xf32>
      %parallel_loop3A_2258 = arith.addf %parallel_loop3A_2251, %parallel_loop3A_2257 : vector<16xf32>
      %parallel_loop3A_2259 = arith.constant 0 : i32
      %parallel_loop3A_2260 = arith.index_cast %parallel_loop3A_2259 : i32 to index
      %parallel_loop3A_2261 = arith.index_cast %parallel_loop3A_2242 : i32 to index
      %parallel_loop3A_2262 = arith.index_cast %parallel_loop3A_2245 : i32 to index
      %parallel_loop3A_2263 = tpu.vector_load %arg6[%parallel_loop3A_2260, %parallel_loop3A_2261, %parallel_loop3A_2262] {strides = array<i32>} : memref<5x16x1024xf32, #tpu.memory_space<vmem>>, vector<1x1x16xf32>,
      %parallel_loop3A_2264 = vector.shape_cast %parallel_loop3A_2263 : vector<1x1x16xf32> to vector<16xf32>
      %parallel_loop3A_2265 = vector.shape_cast %parallel_loop3A_2258 : vector<16xf32> to vector<1x1x16xf32>
      tpu.vector_store %arg6[%parallel_loop3A_2260, %parallel_loop3A_2261, %parallel_loop3A_2262], %parallel_loop3A_2265 {strides = array<i32>} : memref<5x16x1024xf32, #tpu.memory_space<vmem>>, vector<1x1x16xf32>,
    } {sc.loop_unroll_factor = 8 : i64, sc.parallel_access}
    %add3A_1143 = arith.constant 12288 : i32
    %add3A_1144 = arith.addi %add3A_1143, %mul3A_2 : i32
    %add3A_1145 = arith.constant 48 : i32
    %add3A_1146 = arith.addi %add3A_1144, %add3A_1145 : i32
    %dma_start3A_1147 = arith.constant 0 : i32
    %dma_start3A_1148 = arith.constant 0 : i32
    %dma_start3A_1149 = arith.constant 0 : i32
    %dma_start3A_1150 = tpu.memref_slice %arg6[%dma_start3A_1147, %dma_start3A_1148, %dma_start3A_1149] : memref<5x16x1024xf32, #tpu.memory_space<vmem>> -> memref<1x16x1024xf32, #tpu.memory_space<vmem>>
    %dma_start3A_1151 = tpu.memref_squeeze %dma_start3A_1150 : memref<1x16x1024xf32, #tpu.memory_space<vmem>> -> memref<16x1024xf32, #tpu.memory_space<vmem>>
    %dma_start3A_1152 = arith.constant 0 : i32
    %dma_start3A_1153 = tpu.memref_slice %arg4[%add3A_1146, %dma_start3A_1152] : memref<16384x1024xf32, #tpu.memory_space<hbm>> -> memref<16x1024xf32, #tpu.memory_space<hbm>>
    %dma_start3A_1154 = arith.constant 0 : i32
    %dma_start3A_1155 = tpu.memref_slice %arg4[%add3A_1146, %dma_start3A_1154] : memref<16384x1024xf32, #tpu.memory_space<hbm>> -> memref<16x1024xf32, #tpu.memory_space<hbm>>
    %dma_start3A_1156 = arith.constant 0 : i32
    %dma_start3A_1157 = arith.constant 0 : i32
    %dma_start3A_1158 = tpu.memref_slice %arg6[%dma_start3A_1147, %dma_start3A_1156, %dma_start3A_1157] : memref<5x16x1024xf32, #tpu.memory_space<vmem>> -> memref<1x16x1024xf32, #tpu.memory_space<vmem>>
    %dma_start3A_1159 = tpu.memref_squeeze %dma_start3A_1158 : memref<1x16x1024xf32, #tpu.memory_space<vmem>> -> memref<16x1024xf32, #tpu.memory_space<vmem>>
    tpu.enqueue_dma source(%dma_start3A_1159 : memref<16x1024xf32, #tpu.memory_space<vmem>>) target(%dma_start3A_1155 : memref<16x1024xf32, #tpu.memory_space<hbm>>) target_semaphore(%arg9 : memref<!tpu.dma_semaphore, #tpu.memory_space<semaphore_mem>>)
    %add3A_1160 = arith.constant 80 : i32
    %add3A_1161 = arith.addi %mul3A_2, %add3A_1160 : i32
    %dma_start3A_1162 = arith.constant 1 : i32
    %dma_start3A_1163 = arith.constant 0 : i32
    %dma_start3A_1164 = arith.constant 0 : i32
    %dma_start3A_1165 = tpu.memref_slice %arg5[%dma_start3A_1162, %dma_start3A_1163, %dma_start3A_1164] : memref<2x16x1024xf32, #tpu.memory_space<vmem>> -> memref<1x16x1024xf32, #tpu.memory_space<vmem>>
    %dma_start3A_1166 = tpu.memref_squeeze %dma_start3A_1165 : memref<1x16x1024xf32, #tpu.memory_space<vmem>> -> memref<16x1024xf32, #tpu.memory_space<vmem>>
    %dma_start3A_1167 = arith.constant 0 : i32
    %dma_start3A_1168 = tpu.memref_slice %arg3[%add3A_1161, %dma_start3A_1167] : memref<4096x1024xf32, #tpu.memory_space<hbm>> -> memref<16x1024xf32, #tpu.memory_space<hbm>>
    %dma_start3A_1169 = arith.constant 0 : i32
    %dma_start3A_1170 = arith.constant 0 : i32
    %dma_start3A_1171 = tpu.memref_slice %arg5[%dma_start3A_1162, %dma_start3A_1169, %dma_start3A_1170] : memref<2x16x1024xf32, #tpu.memory_space<vmem>> -> memref<1x16x1024xf32, #tpu.memory_space<vmem>>
    %dma_start3A_1172 = tpu.memref_squeeze %dma_start3A_1171 : memref<1x16x1024xf32, #tpu.memory_space<vmem>> -> memref<16x1024xf32, #tpu.memory_space<vmem>>
    %dma_start3A_1173 = arith.constant 0 : i32
    %dma_start3A_1174 = tpu.memref_slice %arg3[%add3A_1161, %dma_start3A_1173] : memref<4096x1024xf32, #tpu.memory_space<hbm>> -> memref<16x1024xf32, #tpu.memory_space<hbm>>
    tpu.enqueue_dma source(%dma_start3A_1174 : memref<16x1024xf32, #tpu.memory_space<hbm>>) target(%dma_start3A_1172 : memref<16x1024xf32, #tpu.memory_space<vmem>>) target_semaphore(%arg7 : memref<!tpu.dma_semaphore, #tpu.memory_space<semaphore_mem>>)
    %dma_wait3A_1175 = arith.constant 1 : i32
    %dma_wait3A_1176 = arith.constant 0 : i32
    %dma_wait3A_1177 = arith.constant 0 : i32
    %dma_wait3A_1178 = tpu.memref_slice %arg6[%dma_wait3A_1175, %dma_wait3A_1176, %dma_wait3A_1177] : memref<5x16x1024xf32, #tpu.memory_space<vmem>> -> memref<1x16x1024xf32, #tpu.memory_space<vmem>>
    %dma_wait3A_1179 = tpu.memref_squeeze %dma_wait3A_1178 : memref<1x16x1024xf32, #tpu.memory_space<vmem>> -> memref<16x1024xf32, #tpu.memory_space<vmem>>
    %dma_wait3A_1180 = arith.constant 0 : i32
    %dma_wait3A_1181 = tpu.memref_slice %arg2[%add3A_1000, %dma_wait3A_1180] : memref<16384x1024xf32, #tpu.memory_space<hbm>> -> memref<16x1024xf32, #tpu.memory_space<hbm>>
    %dma_wait3A_1182 = arith.constant 0 : i32
    %dma_wait3A_1183 = arith.constant 0 : i32
    %dma_wait3A_1184 = tpu.memref_slice %arg6[%dma_wait3A_1175, %dma_wait3A_1182, %dma_wait3A_1183] : memref<5x16x1024xf32, #tpu.memory_space<vmem>> -> memref<1x16x1024xf32, #tpu.memory_space<vmem>>
    %dma_wait3A_1185 = tpu.memref_squeeze %dma_wait3A_1184 : memref<1x16x1024xf32, #tpu.memory_space<vmem>> -> memref<16x1024xf32, #tpu.memory_space<vmem>>
    %dma_wait3A_1186 = arith.constant 0 : i32
    %dma_wait3A_1187 = tpu.memref_slice %arg2[%add3A_1000, %dma_wait3A_1186] : memref<16384x1024xf32, #tpu.memory_space<hbm>> -> memref<16x1024xf32, #tpu.memory_space<hbm>>
    tpu.wait_dma2 semaphore(%arg8 : memref<!tpu.dma_semaphore, #tpu.memory_space<semaphore_mem>>) src(%dma_wait3A_1187 : memref<16x1024xf32, #tpu.memory_space<hbm>>) dst(%dma_wait3A_1185 : memref<16x1024xf32, #tpu.memory_space<vmem>>)
    %dma_wait3A_1188 = arith.constant 0 : i32
    %dma_wait3A_1189 = arith.constant 0 : i32
    %dma_wait3A_1190 = arith.constant 0 : i32
    %dma_wait3A_1191 = tpu.memref_slice %arg5[%dma_wait3A_1188, %dma_wait3A_1189, %dma_wait3A_1190] : memref<2x16x1024xf32, #tpu.memory_space<vmem>> -> memref<1x16x1024xf32, #tpu.memory_space<vmem>>
    %dma_wait3A_1192 = tpu.memref_squeeze %dma_wait3A_1191 : memref<1x16x1024xf32, #tpu.memory_space<vmem>> -> memref<16x1024xf32, #tpu.memory_space<vmem>>
    %dma_wait3A_1193 = arith.constant 0 : i32
    %dma_wait3A_1194 = tpu.memref_slice %arg3[%add3A_881, %dma_wait3A_1193] : memref<4096x1024xf32, #tpu.memory_space<hbm>> -> memref<16x1024xf32, #tpu.memory_space<hbm>>
    %dma_wait3A_1195 = arith.constant 0 : i32
    %dma_wait3A_1196 = arith.constant 0 : i32
    %dma_wait3A_1197 = tpu.memref_slice %arg5[%dma_wait3A_1188, %dma_wait3A_1195, %dma_wait3A_1196] : memref<2x16x1024xf32, #tpu.memory_space<vmem>> -> memref<1x16x1024xf32, #tpu.memory_space<vmem>>
    %dma_wait3A_1198 = tpu.memref_squeeze %dma_wait3A_1197 : memref<1x16x1024xf32, #tpu.memory_space<vmem>> -> memref<16x1024xf32, #tpu.memory_space<vmem>>
    %dma_wait3A_1199 = arith.constant 0 : i32
    %dma_wait3A_1200 = tpu.memref_slice %arg3[%add3A_881, %dma_wait3A_1199] : memref<4096x1024xf32, #tpu.memory_space<hbm>> -> memref<16x1024xf32, #tpu.memory_space<hbm>>
    tpu.wait_dma2 semaphore(%arg7 : memref<!tpu.dma_semaphore, #tpu.memory_space<semaphore_mem>>) src(%dma_wait3A_1200 : memref<16x1024xf32, #tpu.memory_space<hbm>>) dst(%dma_wait3A_1198 : memref<16x1024xf32, #tpu.memory_space<vmem>>)
    %dma_wait3A_1201 = arith.constant 4 : i32
    %dma_wait3A_1202 = arith.constant 0 : i32
    %dma_wait3A_1203 = arith.constant 0 : i32
    %dma_wait3A_1204 = tpu.memref_slice %arg6[%dma_wait3A_1201, %dma_wait3A_1202, %dma_wait3A_1203] : memref<5x16x1024xf32, #tpu.memory_space<vmem>> -> memref<1x16x1024xf32, #tpu.memory_space<vmem>>
    %dma_wait3A_1205 = tpu.memref_squeeze %dma_wait3A_1204 : memref<1x16x1024xf32, #tpu.memory_space<vmem>> -> memref<16x1024xf32, #tpu.memory_space<vmem>>
    %dma_wait3A_1206 = arith.constant 0 : i32
    %dma_wait3A_1207 = tpu.memref_slice %arg4[%add3A_1083, %dma_wait3A_1206] : memref<16384x1024xf32, #tpu.memory_space<hbm>> -> memref<16x1024xf32, #tpu.memory_space<hbm>>
    %dma_wait3A_1208 = arith.constant 0 : i32
    %dma_wait3A_1209 = tpu.memref_slice %arg4[%add3A_1083, %dma_wait3A_1208] : memref<16384x1024xf32, #tpu.memory_space<hbm>> -> memref<16x1024xf32, #tpu.memory_space<hbm>>
    %dma_wait3A_1210 = arith.constant 0 : i32
    %dma_wait3A_1211 = arith.constant 0 : i32
    %dma_wait3A_1212 = tpu.memref_slice %arg6[%dma_wait3A_1201, %dma_wait3A_1210, %dma_wait3A_1211] : memref<5x16x1024xf32, #tpu.memory_space<vmem>> -> memref<1x16x1024xf32, #tpu.memory_space<vmem>>
    %dma_wait3A_1213 = tpu.memref_squeeze %dma_wait3A_1212 : memref<1x16x1024xf32, #tpu.memory_space<vmem>> -> memref<16x1024xf32, #tpu.memory_space<vmem>>
    tpu.wait_dma2 semaphore(%arg9 : memref<!tpu.dma_semaphore, #tpu.memory_space<semaphore_mem>>) src(%dma_wait3A_1213 : memref<16x1024xf32, #tpu.memory_space<vmem>>) dst(%dma_wait3A_1209 : memref<16x1024xf32, #tpu.memory_space<hbm>>)
    %add3A_1214 = arith.constant 12288 : i32
    %add3A_1215 = arith.addi %add3A_1214, %mul3A_2 : i32
    %add3A_1216 = arith.constant 64 : i32
    %add3A_1217 = arith.addi %add3A_1215, %add3A_1216 : i32
    %dma_start3A_1218 = arith.constant 4 : i32
    %dma_start3A_1219 = arith.constant 0 : i32
    %dma_start3A_1220 = arith.constant 0 : i32
    %dma_start3A_1221 = tpu.memref_slice %arg6[%dma_start3A_1218, %dma_start3A_1219, %dma_start3A_1220] : memref<5x16x1024xf32, #tpu.memory_space<vmem>> -> memref<1x16x1024xf32, #tpu.memory_space<vmem>>
    %dma_start3A_1222 = tpu.memref_squeeze %dma_start3A_1221 : memref<1x16x1024xf32, #tpu.memory_space<vmem>> -> memref<16x1024xf32, #tpu.memory_space<vmem>>
    %dma_start3A_1223 = arith.constant 0 : i32
    %dma_start3A_1224 = tpu.memref_slice %arg2[%add3A_1217, %dma_start3A_1223] : memref<16384x1024xf32, #tpu.memory_space<hbm>> -> memref<16x1024xf32, #tpu.memory_space<hbm>>
    %dma_start3A_1225 = arith.constant 0 : i32
    %dma_start3A_1226 = arith.constant 0 : i32
    %dma_start3A_1227 = tpu.memref_slice %arg6[%dma_start3A_1218, %dma_start3A_1225, %dma_start3A_1226] : memref<5x16x1024xf32, #tpu.memory_space<vmem>> -> memref<1x16x1024xf32, #tpu.memory_space<vmem>>
    %dma_start3A_1228 = tpu.memref_squeeze %dma_start3A_1227 : memref<1x16x1024xf32, #tpu.memory_space<vmem>> -> memref<16x1024xf32, #tpu.memory_space<vmem>>
    %dma_start3A_1229 = arith.constant 0 : i32
    %dma_start3A_1230 = tpu.memref_slice %arg2[%add3A_1217, %dma_start3A_1229] : memref<16384x1024xf32, #tpu.memory_space<hbm>> -> memref<16x1024xf32, #tpu.memory_space<hbm>>
    tpu.enqueue_dma source(%dma_start3A_1230 : memref<16x1024xf32, #tpu.memory_space<hbm>>) target(%dma_start3A_1228 : memref<16x1024xf32, #tpu.memory_space<vmem>>) target_semaphore(%arg8 : memref<!tpu.dma_semaphore, #tpu.memory_space<semaphore_mem>>)
    %parallel_loop3A_1231 = arith.constant 0 : i32
    %parallel_loop3A_1232 = arith.constant 16384 : i32
    %parallel_loop3A_1233 = arith.constant 16 : i32
    scf.for %parallel_loop3A_2240 = %parallel_loop3A_1231 to %parallel_loop3A_1232 step %parallel_loop3A_1233  : i32 {
      %parallel_loop3A_2241 = arith.constant 10 : i32
      %parallel_loop3A_2242 = arith.shrsi %parallel_loop3A_2240, %parallel_loop3A_2241 : i32
      %parallel_loop3A_2243 = arith.constant 1023 : i32
      %parallel_loop3A_2244 = arith.andi %parallel_loop3A_2240, %parallel_loop3A_2243 : i32
      %parallel_loop3A_2245 = tpu.assume_multiple %parallel_loop3A_2244, 16 : i32
      %parallel_loop3A_2246 = arith.constant 1 : i32
      %parallel_loop3A_2247 = arith.index_cast %parallel_loop3A_2246 : i32 to index
      %parallel_loop3A_2248 = arith.index_cast %parallel_loop3A_2242 : i32 to index
      %parallel_loop3A_2249 = arith.index_cast %parallel_loop3A_2245 : i32 to index
      %parallel_loop3A_2250 = tpu.vector_load %arg6[%parallel_loop3A_2247, %parallel_loop3A_2248, %parallel_loop3A_2249] {strides = array<i32>} : memref<5x16x1024xf32, #tpu.memory_space<vmem>>, vector<1x1x16xf32>,
      %parallel_loop3A_2251 = vector.shape_cast %parallel_loop3A_2250 : vector<1x1x16xf32> to vector<16xf32>
      %parallel_loop3A_2252 = arith.constant 0 : i32
      %parallel_loop3A_2253 = arith.index_cast %parallel_loop3A_2252 : i32 to index
      %parallel_loop3A_2254 = arith.index_cast %parallel_loop3A_2242 : i32 to index
      %parallel_loop3A_2255 = arith.index_cast %parallel_loop3A_2245 : i32 to index
      %parallel_loop3A_2256 = tpu.vector_load %arg5[%parallel_loop3A_2253, %parallel_loop3A_2254, %parallel_loop3A_2255] {strides = array<i32>} : memref<2x16x1024xf32, #tpu.memory_space<vmem>>, vector<1x1x16xf32>,
      %parallel_loop3A_2257 = vector.shape_cast %parallel_loop3A_2256 : vector<1x1x16xf32> to vector<16xf32>
      %parallel_loop3A_2258 = arith.addf %parallel_loop3A_2251, %parallel_loop3A_2257 : vector<16xf32>
      %parallel_loop3A_2259 = arith.constant 1 : i32
      %parallel_loop3A_2260 = arith.index_cast %parallel_loop3A_2259 : i32 to index
      %parallel_loop3A_2261 = arith.index_cast %parallel_loop3A_2242 : i32 to index
      %parallel_loop3A_2262 = arith.index_cast %parallel_loop3A_2245 : i32 to index
      %parallel_loop3A_2263 = tpu.vector_load %arg6[%parallel_loop3A_2260, %parallel_loop3A_2261, %parallel_loop3A_2262] {strides = array<i32>} : memref<5x16x1024xf32, #tpu.memory_space<vmem>>, vector<1x1x16xf32>,
      %parallel_loop3A_2264 = vector.shape_cast %parallel_loop3A_2263 : vector<1x1x16xf32> to vector<16xf32>
      %parallel_loop3A_2265 = vector.shape_cast %parallel_loop3A_2258 : vector<16xf32> to vector<1x1x16xf32>
      tpu.vector_store %arg6[%parallel_loop3A_2260, %parallel_loop3A_2261, %parallel_loop3A_2262], %parallel_loop3A_2265 {strides = array<i32>} : memref<5x16x1024xf32, #tpu.memory_space<vmem>>, vector<1x1x16xf32>,
    } {sc.loop_unroll_factor = 8 : i64, sc.parallel_access}
    %add3A_1234 = arith.constant 0 : i32
    %add3A_1235 = arith.addi %add3A_1234, %mul3A_2 : i32
    %add3A_1236 = arith.constant 64 : i32
    %add3A_1237 = arith.addi %add3A_1235, %add3A_1236 : i32
    %dma_start3A_1238 = arith.constant 1 : i32
    %dma_start3A_1239 = arith.constant 0 : i32
    %dma_start3A_1240 = arith.constant 0 : i32
    %dma_start3A_1241 = tpu.memref_slice %arg6[%dma_start3A_1238, %dma_start3A_1239, %dma_start3A_1240] : memref<5x16x1024xf32, #tpu.memory_space<vmem>> -> memref<1x16x1024xf32, #tpu.memory_space<vmem>>
    %dma_start3A_1242 = tpu.memref_squeeze %dma_start3A_1241 : memref<1x16x1024xf32, #tpu.memory_space<vmem>> -> memref<16x1024xf32, #tpu.memory_space<vmem>>
    %dma_start3A_1243 = arith.constant 0 : i32
    %dma_start3A_1244 = tpu.memref_slice %arg4[%add3A_1237, %dma_start3A_1243] : memref<16384x1024xf32, #tpu.memory_space<hbm>> -> memref<16x1024xf32, #tpu.memory_space<hbm>>
    %dma_start3A_1245 = arith.constant 0 : i32
    %dma_start3A_1246 = tpu.memref_slice %arg4[%add3A_1237, %dma_start3A_1245] : memref<16384x1024xf32, #tpu.memory_space<hbm>> -> memref<16x1024xf32, #tpu.memory_space<hbm>>
    %dma_start3A_1247 = arith.constant 0 : i32
    %dma_start3A_1248 = arith.constant 0 : i32
    %dma_start3A_1249 = tpu.memref_slice %arg6[%dma_start3A_1238, %dma_start3A_1247, %dma_start3A_1248] : memref<5x16x1024xf32, #tpu.memory_space<vmem>> -> memref<1x16x1024xf32, #tpu.memory_space<vmem>>
    %dma_start3A_1250 = tpu.memref_squeeze %dma_start3A_1249 : memref<1x16x1024xf32, #tpu.memory_space<vmem>> -> memref<16x1024xf32, #tpu.memory_space<vmem>>
    tpu.enqueue_dma source(%dma_start3A_1250 : memref<16x1024xf32, #tpu.memory_space<vmem>>) target(%dma_start3A_1246 : memref<16x1024xf32, #tpu.memory_space<hbm>>) target_semaphore(%arg9 : memref<!tpu.dma_semaphore, #tpu.memory_space<semaphore_mem>>)
    %dma_wait3A_1251 = arith.constant 2 : i32
    %dma_wait3A_1252 = arith.constant 0 : i32
    %dma_wait3A_1253 = arith.constant 0 : i32
    %dma_wait3A_1254 = tpu.memref_slice %arg6[%dma_wait3A_1251, %dma_wait3A_1252, %dma_wait3A_1253] : memref<5x16x1024xf32, #tpu.memory_space<vmem>> -> memref<1x16x1024xf32, #tpu.memory_space<vmem>>
    %dma_wait3A_1255 = tpu.memref_squeeze %dma_wait3A_1254 : memref<1x16x1024xf32, #tpu.memory_space<vmem>> -> memref<16x1024xf32, #tpu.memory_space<vmem>>
    %dma_wait3A_1256 = arith.constant 0 : i32
    %dma_wait3A_1257 = tpu.memref_slice %arg2[%add3A_1063, %dma_wait3A_1256] : memref<16384x1024xf32, #tpu.memory_space<hbm>> -> memref<16x1024xf32, #tpu.memory_space<hbm>>
    %dma_wait3A_1258 = arith.constant 0 : i32
    %dma_wait3A_1259 = arith.constant 0 : i32
    %dma_wait3A_1260 = tpu.memref_slice %arg6[%dma_wait3A_1251, %dma_wait3A_1258, %dma_wait3A_1259] : memref<5x16x1024xf32, #tpu.memory_space<vmem>> -> memref<1x16x1024xf32, #tpu.memory_space<vmem>>
    %dma_wait3A_1261 = tpu.memref_squeeze %dma_wait3A_1260 : memref<1x16x1024xf32, #tpu.memory_space<vmem>> -> memref<16x1024xf32, #tpu.memory_space<vmem>>
    %dma_wait3A_1262 = arith.constant 0 : i32
    %dma_wait3A_1263 = tpu.memref_slice %arg2[%add3A_1063, %dma_wait3A_1262] : memref<16384x1024xf32, #tpu.memory_space<hbm>> -> memref<16x1024xf32, #tpu.memory_space<hbm>>
    tpu.wait_dma2 semaphore(%arg8 : memref<!tpu.dma_semaphore, #tpu.memory_space<semaphore_mem>>) src(%dma_wait3A_1263 : memref<16x1024xf32, #tpu.memory_space<hbm>>) dst(%dma_wait3A_1261 : memref<16x1024xf32, #tpu.memory_space<vmem>>)
    %dma_wait3A_1264 = arith.constant 0 : i32
    %dma_wait3A_1265 = arith.constant 0 : i32
    %dma_wait3A_1266 = arith.constant 0 : i32
    %dma_wait3A_1267 = tpu.memref_slice %arg6[%dma_wait3A_1264, %dma_wait3A_1265, %dma_wait3A_1266] : memref<5x16x1024xf32, #tpu.memory_space<vmem>> -> memref<1x16x1024xf32, #tpu.memory_space<vmem>>
    %dma_wait3A_1268 = tpu.memref_squeeze %dma_wait3A_1267 : memref<1x16x1024xf32, #tpu.memory_space<vmem>> -> memref<16x1024xf32, #tpu.memory_space<vmem>>
    %dma_wait3A_1269 = arith.constant 0 : i32
    %dma_wait3A_1270 = tpu.memref_slice %arg4[%add3A_1146, %dma_wait3A_1269] : memref<16384x1024xf32, #tpu.memory_space<hbm>> -> memref<16x1024xf32, #tpu.memory_space<hbm>>
    %dma_wait3A_1271 = arith.constant 0 : i32
    %dma_wait3A_1272 = tpu.memref_slice %arg4[%add3A_1146, %dma_wait3A_1271] : memref<16384x1024xf32, #tpu.memory_space<hbm>> -> memref<16x1024xf32, #tpu.memory_space<hbm>>
    %dma_wait3A_1273 = arith.constant 0 : i32
    %dma_wait3A_1274 = arith.constant 0 : i32
    %dma_wait3A_1275 = tpu.memref_slice %arg6[%dma_wait3A_1264, %dma_wait3A_1273, %dma_wait3A_1274] : memref<5x16x1024xf32, #tpu.memory_space<vmem>> -> memref<1x16x1024xf32, #tpu.memory_space<vmem>>
    %dma_wait3A_1276 = tpu.memref_squeeze %dma_wait3A_1275 : memref<1x16x1024xf32, #tpu.memory_space<vmem>> -> memref<16x1024xf32, #tpu.memory_space<vmem>>
    tpu.wait_dma2 semaphore(%arg9 : memref<!tpu.dma_semaphore, #tpu.memory_space<semaphore_mem>>) src(%dma_wait3A_1276 : memref<16x1024xf32, #tpu.memory_space<vmem>>) dst(%dma_wait3A_1272 : memref<16x1024xf32, #tpu.memory_space<hbm>>)
    %add3A_1277 = arith.constant 0 : i32
    %add3A_1278 = arith.addi %add3A_1277, %mul3A_2 : i32
    %add3A_1279 = arith.constant 80 : i32
    %add3A_1280 = arith.addi %add3A_1278, %add3A_1279 : i32
    %dma_start3A_1281 = arith.constant 0 : i32
    %dma_start3A_1282 = arith.constant 0 : i32
    %dma_start3A_1283 = arith.constant 0 : i32
    %dma_start3A_1284 = tpu.memref_slice %arg6[%dma_start3A_1281, %dma_start3A_1282, %dma_start3A_1283] : memref<5x16x1024xf32, #tpu.memory_space<vmem>> -> memref<1x16x1024xf32, #tpu.memory_space<vmem>>
    %dma_start3A_1285 = tpu.memref_squeeze %dma_start3A_1284 : memref<1x16x1024xf32, #tpu.memory_space<vmem>> -> memref<16x1024xf32, #tpu.memory_space<vmem>>
    %dma_start3A_1286 = arith.constant 0 : i32
    %dma_start3A_1287 = tpu.memref_slice %arg2[%add3A_1280, %dma_start3A_1286] : memref<16384x1024xf32, #tpu.memory_space<hbm>> -> memref<16x1024xf32, #tpu.memory_space<hbm>>
    %dma_start3A_1288 = arith.constant 0 : i32
    %dma_start3A_1289 = arith.constant 0 : i32
    %dma_start3A_1290 = tpu.memref_slice %arg6[%dma_start3A_1281, %dma_start3A_1288, %dma_start3A_1289] : memref<5x16x1024xf32, #tpu.memory_space<vmem>> -> memref<1x16x1024xf32, #tpu.memory_space<vmem>>
    %dma_start3A_1291 = tpu.memref_squeeze %dma_start3A_1290 : memref<1x16x1024xf32, #tpu.memory_space<vmem>> -> memref<16x1024xf32, #tpu.memory_space<vmem>>
    %dma_start3A_1292 = arith.constant 0 : i32
    %dma_start3A_1293 = tpu.memref_slice %arg2[%add3A_1280, %dma_start3A_1292] : memref<16384x1024xf32, #tpu.memory_space<hbm>> -> memref<16x1024xf32, #tpu.memory_space<hbm>>
    tpu.enqueue_dma source(%dma_start3A_1293 : memref<16x1024xf32, #tpu.memory_space<hbm>>) target(%dma_start3A_1291 : memref<16x1024xf32, #tpu.memory_space<vmem>>) target_semaphore(%arg8 : memref<!tpu.dma_semaphore, #tpu.memory_space<semaphore_mem>>)
    %parallel_loop3A_1294 = arith.constant 0 : i32
    %parallel_loop3A_1295 = arith.constant 16384 : i32
    %parallel_loop3A_1296 = arith.constant 16 : i32
    scf.for %parallel_loop3A_2240 = %parallel_loop3A_1294 to %parallel_loop3A_1295 step %parallel_loop3A_1296  : i32 {
      %parallel_loop3A_2241 = arith.constant 10 : i32
      %parallel_loop3A_2242 = arith.shrsi %parallel_loop3A_2240, %parallel_loop3A_2241 : i32
      %parallel_loop3A_2243 = arith.constant 1023 : i32
      %parallel_loop3A_2244 = arith.andi %parallel_loop3A_2240, %parallel_loop3A_2243 : i32
      %parallel_loop3A_2245 = tpu.assume_multiple %parallel_loop3A_2244, 16 : i32
      %parallel_loop3A_2246 = arith.constant 2 : i32
      %parallel_loop3A_2247 = arith.index_cast %parallel_loop3A_2246 : i32 to index
      %parallel_loop3A_2248 = arith.index_cast %parallel_loop3A_2242 : i32 to index
      %parallel_loop3A_2249 = arith.index_cast %parallel_loop3A_2245 : i32 to index
      %parallel_loop3A_2250 = tpu.vector_load %arg6[%parallel_loop3A_2247, %parallel_loop3A_2248, %parallel_loop3A_2249] {strides = array<i32>} : memref<5x16x1024xf32, #tpu.memory_space<vmem>>, vector<1x1x16xf32>,
      %parallel_loop3A_2251 = vector.shape_cast %parallel_loop3A_2250 : vector<1x1x16xf32> to vector<16xf32>
      %parallel_loop3A_2252 = arith.constant 0 : i32
      %parallel_loop3A_2253 = arith.index_cast %parallel_loop3A_2252 : i32 to index
      %parallel_loop3A_2254 = arith.index_cast %parallel_loop3A_2242 : i32 to index
      %parallel_loop3A_2255 = arith.index_cast %parallel_loop3A_2245 : i32 to index
      %parallel_loop3A_2256 = tpu.vector_load %arg5[%parallel_loop3A_2253, %parallel_loop3A_2254, %parallel_loop3A_2255] {strides = array<i32>} : memref<2x16x1024xf32, #tpu.memory_space<vmem>>, vector<1x1x16xf32>,
      %parallel_loop3A_2257 = vector.shape_cast %parallel_loop3A_2256 : vector<1x1x16xf32> to vector<16xf32>
      %parallel_loop3A_2258 = arith.addf %parallel_loop3A_2251, %parallel_loop3A_2257 : vector<16xf32>
      %parallel_loop3A_2259 = arith.constant 2 : i32
      %parallel_loop3A_2260 = arith.index_cast %parallel_loop3A_2259 : i32 to index
      %parallel_loop3A_2261 = arith.index_cast %parallel_loop3A_2242 : i32 to index
      %parallel_loop3A_2262 = arith.index_cast %parallel_loop3A_2245 : i32 to index
      %parallel_loop3A_2263 = tpu.vector_load %arg6[%parallel_loop3A_2260, %parallel_loop3A_2261, %parallel_loop3A_2262] {strides = array<i32>} : memref<5x16x1024xf32, #tpu.memory_space<vmem>>, vector<1x1x16xf32>,
      %parallel_loop3A_2264 = vector.shape_cast %parallel_loop3A_2263 : vector<1x1x16xf32> to vector<16xf32>
      %parallel_loop3A_2265 = vector.shape_cast %parallel_loop3A_2258 : vector<16xf32> to vector<1x1x16xf32>
      tpu.vector_store %arg6[%parallel_loop3A_2260, %parallel_loop3A_2261, %parallel_loop3A_2262], %parallel_loop3A_2265 {strides = array<i32>} : memref<5x16x1024xf32, #tpu.memory_space<vmem>>, vector<1x1x16xf32>,
    } {sc.loop_unroll_factor = 8 : i64, sc.parallel_access}
    %add3A_1297 = arith.constant 4096 : i32
    %add3A_1298 = arith.addi %add3A_1297, %mul3A_2 : i32
    %add3A_1299 = arith.constant 64 : i32
    %add3A_1300 = arith.addi %add3A_1298, %add3A_1299 : i32
    %dma_start3A_1301 = arith.constant 2 : i32
    %dma_start3A_1302 = arith.constant 0 : i32
    %dma_start3A_1303 = arith.constant 0 : i32
    %dma_start3A_1304 = tpu.memref_slice %arg6[%dma_start3A_1301, %dma_start3A_1302, %dma_start3A_1303] : memref<5x16x1024xf32, #tpu.memory_space<vmem>> -> memref<1x16x1024xf32, #tpu.memory_space<vmem>>
    %dma_start3A_1305 = tpu.memref_squeeze %dma_start3A_1304 : memref<1x16x1024xf32, #tpu.memory_space<vmem>> -> memref<16x1024xf32, #tpu.memory_space<vmem>>
    %dma_start3A_1306 = arith.constant 0 : i32
    %dma_start3A_1307 = tpu.memref_slice %arg4[%add3A_1300, %dma_start3A_1306] : memref<16384x1024xf32, #tpu.memory_space<hbm>> -> memref<16x1024xf32, #tpu.memory_space<hbm>>
    %dma_start3A_1308 = arith.constant 0 : i32
    %dma_start3A_1309 = tpu.memref_slice %arg4[%add3A_1300, %dma_start3A_1308] : memref<16384x1024xf32, #tpu.memory_space<hbm>> -> memref<16x1024xf32, #tpu.memory_space<hbm>>
    %dma_start3A_1310 = arith.constant 0 : i32
    %dma_start3A_1311 = arith.constant 0 : i32
    %dma_start3A_1312 = tpu.memref_slice %arg6[%dma_start3A_1301, %dma_start3A_1310, %dma_start3A_1311] : memref<5x16x1024xf32, #tpu.memory_space<vmem>> -> memref<1x16x1024xf32, #tpu.memory_space<vmem>>
    %dma_start3A_1313 = tpu.memref_squeeze %dma_start3A_1312 : memref<1x16x1024xf32, #tpu.memory_space<vmem>> -> memref<16x1024xf32, #tpu.memory_space<vmem>>
    tpu.enqueue_dma source(%dma_start3A_1313 : memref<16x1024xf32, #tpu.memory_space<vmem>>) target(%dma_start3A_1309 : memref<16x1024xf32, #tpu.memory_space<hbm>>) target_semaphore(%arg9 : memref<!tpu.dma_semaphore, #tpu.memory_space<semaphore_mem>>)
    %dma_wait3A_1314 = arith.constant 3 : i32
    %dma_wait3A_1315 = arith.constant 0 : i32
    %dma_wait3A_1316 = arith.constant 0 : i32
    %dma_wait3A_1317 = tpu.memref_slice %arg6[%dma_wait3A_1314, %dma_wait3A_1315, %dma_wait3A_1316] : memref<5x16x1024xf32, #tpu.memory_space<vmem>> -> memref<1x16x1024xf32, #tpu.memory_space<vmem>>
    %dma_wait3A_1318 = tpu.memref_squeeze %dma_wait3A_1317 : memref<1x16x1024xf32, #tpu.memory_space<vmem>> -> memref<16x1024xf32, #tpu.memory_space<vmem>>
    %dma_wait3A_1319 = arith.constant 0 : i32
    %dma_wait3A_1320 = tpu.memref_slice %arg2[%add3A_1126, %dma_wait3A_1319] : memref<16384x1024xf32, #tpu.memory_space<hbm>> -> memref<16x1024xf32, #tpu.memory_space<hbm>>
    %dma_wait3A_1321 = arith.constant 0 : i32
    %dma_wait3A_1322 = arith.constant 0 : i32
    %dma_wait3A_1323 = tpu.memref_slice %arg6[%dma_wait3A_1314, %dma_wait3A_1321, %dma_wait3A_1322] : memref<5x16x1024xf32, #tpu.memory_space<vmem>> -> memref<1x16x1024xf32, #tpu.memory_space<vmem>>
    %dma_wait3A_1324 = tpu.memref_squeeze %dma_wait3A_1323 : memref<1x16x1024xf32, #tpu.memory_space<vmem>> -> memref<16x1024xf32, #tpu.memory_space<vmem>>
    %dma_wait3A_1325 = arith.constant 0 : i32
    %dma_wait3A_1326 = tpu.memref_slice %arg2[%add3A_1126, %dma_wait3A_1325] : memref<16384x1024xf32, #tpu.memory_space<hbm>> -> memref<16x1024xf32, #tpu.memory_space<hbm>>
    tpu.wait_dma2 semaphore(%arg8 : memref<!tpu.dma_semaphore, #tpu.memory_space<semaphore_mem>>) src(%dma_wait3A_1326 : memref<16x1024xf32, #tpu.memory_space<hbm>>) dst(%dma_wait3A_1324 : memref<16x1024xf32, #tpu.memory_space<vmem>>)
    %dma_wait3A_1327 = arith.constant 1 : i32
    %dma_wait3A_1328 = arith.constant 0 : i32
    %dma_wait3A_1329 = arith.constant 0 : i32
    %dma_wait3A_1330 = tpu.memref_slice %arg6[%dma_wait3A_1327, %dma_wait3A_1328, %dma_wait3A_1329] : memref<5x16x1024xf32, #tpu.memory_space<vmem>> -> memref<1x16x1024xf32, #tpu.memory_space<vmem>>
    %dma_wait3A_1331 = tpu.memref_squeeze %dma_wait3A_1330 : memref<1x16x1024xf32, #tpu.memory_space<vmem>> -> memref<16x1024xf32, #tpu.memory_space<vmem>>
    %dma_wait3A_1332 = arith.constant 0 : i32
    %dma_wait3A_1333 = tpu.memref_slice %arg4[%add3A_1237, %dma_wait3A_1332] : memref<16384x1024xf32, #tpu.memory_space<hbm>> -> memref<16x1024xf32, #tpu.memory_space<hbm>>
    %dma_wait3A_1334 = arith.constant 0 : i32
    %dma_wait3A_1335 = tpu.memref_slice %arg4[%add3A_1237, %dma_wait3A_1334] : memref<16384x1024xf32, #tpu.memory_space<hbm>> -> memref<16x1024xf32, #tpu.memory_space<hbm>>
    %dma_wait3A_1336 = arith.constant 0 : i32
    %dma_wait3A_1337 = arith.constant 0 : i32
    %dma_wait3A_1338 = tpu.memref_slice %arg6[%dma_wait3A_1327, %dma_wait3A_1336, %dma_wait3A_1337] : memref<5x16x1024xf32, #tpu.memory_space<vmem>> -> memref<1x16x1024xf32, #tpu.memory_space<vmem>>
    %dma_wait3A_1339 = tpu.memref_squeeze %dma_wait3A_1338 : memref<1x16x1024xf32, #tpu.memory_space<vmem>> -> memref<16x1024xf32, #tpu.memory_space<vmem>>
    tpu.wait_dma2 semaphore(%arg9 : memref<!tpu.dma_semaphore, #tpu.memory_space<semaphore_mem>>) src(%dma_wait3A_1339 : memref<16x1024xf32, #tpu.memory_space<vmem>>) dst(%dma_wait3A_1335 : memref<16x1024xf32, #tpu.memory_space<hbm>>)
    %add3A_1340 = arith.constant 4096 : i32
    %add3A_1341 = arith.addi %add3A_1340, %mul3A_2 : i32
    %add3A_1342 = arith.constant 80 : i32
    %add3A_1343 = arith.addi %add3A_1341, %add3A_1342 : i32
    %dma_start3A_1344 = arith.constant 1 : i32
    %dma_start3A_1345 = arith.constant 0 : i32
    %dma_start3A_1346 = arith.constant 0 : i32
    %dma_start3A_1347 = tpu.memref_slice %arg6[%dma_start3A_1344, %dma_start3A_1345, %dma_start3A_1346] : memref<5x16x1024xf32, #tpu.memory_space<vmem>> -> memref<1x16x1024xf32, #tpu.memory_space<vmem>>
    %dma_start3A_1348 = tpu.memref_squeeze %dma_start3A_1347 : memref<1x16x1024xf32, #tpu.memory_space<vmem>> -> memref<16x1024xf32, #tpu.memory_space<vmem>>
    %dma_start3A_1349 = arith.constant 0 : i32
    %dma_start3A_1350 = tpu.memref_slice %arg2[%add3A_1343, %dma_start3A_1349] : memref<16384x1024xf32, #tpu.memory_space<hbm>> -> memref<16x1024xf32, #tpu.memory_space<hbm>>
    %dma_start3A_1351 = arith.constant 0 : i32
    %dma_start3A_1352 = arith.constant 0 : i32
    %dma_start3A_1353 = tpu.memref_slice %arg6[%dma_start3A_1344, %dma_start3A_1351, %dma_start3A_1352] : memref<5x16x1024xf32, #tpu.memory_space<vmem>> -> memref<1x16x1024xf32, #tpu.memory_space<vmem>>
    %dma_start3A_1354 = tpu.memref_squeeze %dma_start3A_1353 : memref<1x16x1024xf32, #tpu.memory_space<vmem>> -> memref<16x1024xf32, #tpu.memory_space<vmem>>
    %dma_start3A_1355 = arith.constant 0 : i32
    %dma_start3A_1356 = tpu.memref_slice %arg2[%add3A_1343, %dma_start3A_1355] : memref<16384x1024xf32, #tpu.memory_space<hbm>> -> memref<16x1024xf32, #tpu.memory_space<hbm>>
    tpu.enqueue_dma source(%dma_start3A_1356 : memref<16x1024xf32, #tpu.memory_space<hbm>>) target(%dma_start3A_1354 : memref<16x1024xf32, #tpu.memory_space<vmem>>) target_semaphore(%arg8 : memref<!tpu.dma_semaphore, #tpu.memory_space<semaphore_mem>>)
    %parallel_loop3A_1357 = arith.constant 0 : i32
    %parallel_loop3A_1358 = arith.constant 16384 : i32
    %parallel_loop3A_1359 = arith.constant 16 : i32
    scf.for %parallel_loop3A_2240 = %parallel_loop3A_1357 to %parallel_loop3A_1358 step %parallel_loop3A_1359  : i32 {
      %parallel_loop3A_2241 = arith.constant 10 : i32
      %parallel_loop3A_2242 = arith.shrsi %parallel_loop3A_2240, %parallel_loop3A_2241 : i32
      %parallel_loop3A_2243 = arith.constant 1023 : i32
      %parallel_loop3A_2244 = arith.andi %parallel_loop3A_2240, %parallel_loop3A_2243 : i32
      %parallel_loop3A_2245 = tpu.assume_multiple %parallel_loop3A_2244, 16 : i32
      %parallel_loop3A_2246 = arith.constant 3 : i32
      %parallel_loop3A_2247 = arith.index_cast %parallel_loop3A_2246 : i32 to index
      %parallel_loop3A_2248 = arith.index_cast %parallel_loop3A_2242 : i32 to index
      %parallel_loop3A_2249 = arith.index_cast %parallel_loop3A_2245 : i32 to index
      %parallel_loop3A_2250 = tpu.vector_load %arg6[%parallel_loop3A_2247, %parallel_loop3A_2248, %parallel_loop3A_2249] {strides = array<i32>} : memref<5x16x1024xf32, #tpu.memory_space<vmem>>, vector<1x1x16xf32>,
      %parallel_loop3A_2251 = vector.shape_cast %parallel_loop3A_2250 : vector<1x1x16xf32> to vector<16xf32>
      %parallel_loop3A_2252 = arith.constant 0 : i32
      %parallel_loop3A_2253 = arith.index_cast %parallel_loop3A_2252 : i32 to index
      %parallel_loop3A_2254 = arith.index_cast %parallel_loop3A_2242 : i32 to index
      %parallel_loop3A_2255 = arith.index_cast %parallel_loop3A_2245 : i32 to index
      %parallel_loop3A_2256 = tpu.vector_load %arg5[%parallel_loop3A_2253, %parallel_loop3A_2254, %parallel_loop3A_2255] {strides = array<i32>} : memref<2x16x1024xf32, #tpu.memory_space<vmem>>, vector<1x1x16xf32>,
      %parallel_loop3A_2257 = vector.shape_cast %parallel_loop3A_2256 : vector<1x1x16xf32> to vector<16xf32>
      %parallel_loop3A_2258 = arith.addf %parallel_loop3A_2251, %parallel_loop3A_2257 : vector<16xf32>
      %parallel_loop3A_2259 = arith.constant 3 : i32
      %parallel_loop3A_2260 = arith.index_cast %parallel_loop3A_2259 : i32 to index
      %parallel_loop3A_2261 = arith.index_cast %parallel_loop3A_2242 : i32 to index
      %parallel_loop3A_2262 = arith.index_cast %parallel_loop3A_2245 : i32 to index
      %parallel_loop3A_2263 = tpu.vector_load %arg6[%parallel_loop3A_2260, %parallel_loop3A_2261, %parallel_loop3A_2262] {strides = array<i32>} : memref<5x16x1024xf32, #tpu.memory_space<vmem>>, vector<1x1x16xf32>,
      %parallel_loop3A_2264 = vector.shape_cast %parallel_loop3A_2263 : vector<1x1x16xf32> to vector<16xf32>
      %parallel_loop3A_2265 = vector.shape_cast %parallel_loop3A_2258 : vector<16xf32> to vector<1x1x16xf32>
      tpu.vector_store %arg6[%parallel_loop3A_2260, %parallel_loop3A_2261, %parallel_loop3A_2262], %parallel_loop3A_2265 {strides = array<i32>} : memref<5x16x1024xf32, #tpu.memory_space<vmem>>, vector<1x1x16xf32>,
    } {sc.loop_unroll_factor = 8 : i64, sc.parallel_access}
    %add3A_1360 = arith.constant 8192 : i32
    %add3A_1361 = arith.addi %add3A_1360, %mul3A_2 : i32
    %add3A_1362 = arith.constant 64 : i32
    %add3A_1363 = arith.addi %add3A_1361, %add3A_1362 : i32
    %dma_start3A_1364 = arith.constant 3 : i32
    %dma_start3A_1365 = arith.constant 0 : i32
    %dma_start3A_1366 = arith.constant 0 : i32
    %dma_start3A_1367 = tpu.memref_slice %arg6[%dma_start3A_1364, %dma_start3A_1365, %dma_start3A_1366] : memref<5x16x1024xf32, #tpu.memory_space<vmem>> -> memref<1x16x1024xf32, #tpu.memory_space<vmem>>
    %dma_start3A_1368 = tpu.memref_squeeze %dma_start3A_1367 : memref<1x16x1024xf32, #tpu.memory_space<vmem>> -> memref<16x1024xf32, #tpu.memory_space<vmem>>
    %dma_start3A_1369 = arith.constant 0 : i32
    %dma_start3A_1370 = tpu.memref_slice %arg4[%add3A_1363, %dma_start3A_1369] : memref<16384x1024xf32, #tpu.memory_space<hbm>> -> memref<16x1024xf32, #tpu.memory_space<hbm>>
    %dma_start3A_1371 = arith.constant 0 : i32
    %dma_start3A_1372 = tpu.memref_slice %arg4[%add3A_1363, %dma_start3A_1371] : memref<16384x1024xf32, #tpu.memory_space<hbm>> -> memref<16x1024xf32, #tpu.memory_space<hbm>>
    %dma_start3A_1373 = arith.constant 0 : i32
    %dma_start3A_1374 = arith.constant 0 : i32
    %dma_start3A_1375 = tpu.memref_slice %arg6[%dma_start3A_1364, %dma_start3A_1373, %dma_start3A_1374] : memref<5x16x1024xf32, #tpu.memory_space<vmem>> -> memref<1x16x1024xf32, #tpu.memory_space<vmem>>
    %dma_start3A_1376 = tpu.memref_squeeze %dma_start3A_1375 : memref<1x16x1024xf32, #tpu.memory_space<vmem>> -> memref<16x1024xf32, #tpu.memory_space<vmem>>
    tpu.enqueue_dma source(%dma_start3A_1376 : memref<16x1024xf32, #tpu.memory_space<vmem>>) target(%dma_start3A_1372 : memref<16x1024xf32, #tpu.memory_space<hbm>>) target_semaphore(%arg9 : memref<!tpu.dma_semaphore, #tpu.memory_space<semaphore_mem>>)
    %dma_wait3A_1377 = arith.constant 4 : i32
    %dma_wait3A_1378 = arith.constant 0 : i32
    %dma_wait3A_1379 = arith.constant 0 : i32
    %dma_wait3A_1380 = tpu.memref_slice %arg6[%dma_wait3A_1377, %dma_wait3A_1378, %dma_wait3A_1379] : memref<5x16x1024xf32, #tpu.memory_space<vmem>> -> memref<1x16x1024xf32, #tpu.memory_space<vmem>>
    %dma_wait3A_1381 = tpu.memref_squeeze %dma_wait3A_1380 : memref<1x16x1024xf32, #tpu.memory_space<vmem>> -> memref<16x1024xf32, #tpu.memory_space<vmem>>
    %dma_wait3A_1382 = arith.constant 0 : i32
    %dma_wait3A_1383 = tpu.memref_slice %arg2[%add3A_1217, %dma_wait3A_1382] : memref<16384x1024xf32, #tpu.memory_space<hbm>> -> memref<16x1024xf32, #tpu.memory_space<hbm>>
    %dma_wait3A_1384 = arith.constant 0 : i32
    %dma_wait3A_1385 = arith.constant 0 : i32
    %dma_wait3A_1386 = tpu.memref_slice %arg6[%dma_wait3A_1377, %dma_wait3A_1384, %dma_wait3A_1385] : memref<5x16x1024xf32, #tpu.memory_space<vmem>> -> memref<1x16x1024xf32, #tpu.memory_space<vmem>>
    %dma_wait3A_1387 = tpu.memref_squeeze %dma_wait3A_1386 : memref<1x16x1024xf32, #tpu.memory_space<vmem>> -> memref<16x1024xf32, #tpu.memory_space<vmem>>
    %dma_wait3A_1388 = arith.constant 0 : i32
    %dma_wait3A_1389 = tpu.memref_slice %arg2[%add3A_1217, %dma_wait3A_1388] : memref<16384x1024xf32, #tpu.memory_space<hbm>> -> memref<16x1024xf32, #tpu.memory_space<hbm>>
    tpu.wait_dma2 semaphore(%arg8 : memref<!tpu.dma_semaphore, #tpu.memory_space<semaphore_mem>>) src(%dma_wait3A_1389 : memref<16x1024xf32, #tpu.memory_space<hbm>>) dst(%dma_wait3A_1387 : memref<16x1024xf32, #tpu.memory_space<vmem>>)
    %dma_wait3A_1390 = arith.constant 2 : i32
    %dma_wait3A_1391 = arith.constant 0 : i32
    %dma_wait3A_1392 = arith.constant 0 : i32
    %dma_wait3A_1393 = tpu.memref_slice %arg6[%dma_wait3A_1390, %dma_wait3A_1391, %dma_wait3A_1392] : memref<5x16x1024xf32, #tpu.memory_space<vmem>> -> memref<1x16x1024xf32, #tpu.memory_space<vmem>>
    %dma_wait3A_1394 = tpu.memref_squeeze %dma_wait3A_1393 : memref<1x16x1024xf32, #tpu.memory_space<vmem>> -> memref<16x1024xf32, #tpu.memory_space<vmem>>
    %dma_wait3A_1395 = arith.constant 0 : i32
    %dma_wait3A_1396 = tpu.memref_slice %arg4[%add3A_1300, %dma_wait3A_1395] : memref<16384x1024xf32, #tpu.memory_space<hbm>> -> memref<16x1024xf32, #tpu.memory_space<hbm>>
    %dma_wait3A_1397 = arith.constant 0 : i32
    %dma_wait3A_1398 = tpu.memref_slice %arg4[%add3A_1300, %dma_wait3A_1397] : memref<16384x1024xf32, #tpu.memory_space<hbm>> -> memref<16x1024xf32, #tpu.memory_space<hbm>>
    %dma_wait3A_1399 = arith.constant 0 : i32
    %dma_wait3A_1400 = arith.constant 0 : i32
    %dma_wait3A_1401 = tpu.memref_slice %arg6[%dma_wait3A_1390, %dma_wait3A_1399, %dma_wait3A_1400] : memref<5x16x1024xf32, #tpu.memory_space<vmem>> -> memref<1x16x1024xf32, #tpu.memory_space<vmem>>
    %dma_wait3A_1402 = tpu.memref_squeeze %dma_wait3A_1401 : memref<1x16x1024xf32, #tpu.memory_space<vmem>> -> memref<16x1024xf32, #tpu.memory_space<vmem>>
    tpu.wait_dma2 semaphore(%arg9 : memref<!tpu.dma_semaphore, #tpu.memory_space<semaphore_mem>>) src(%dma_wait3A_1402 : memref<16x1024xf32, #tpu.memory_space<vmem>>) dst(%dma_wait3A_1398 : memref<16x1024xf32, #tpu.memory_space<hbm>>)
    %add3A_1403 = arith.constant 8192 : i32
    %add3A_1404 = arith.addi %add3A_1403, %mul3A_2 : i32
    %add3A_1405 = arith.constant 80 : i32
    %add3A_1406 = arith.addi %add3A_1404, %add3A_1405 : i32
    %dma_start3A_1407 = arith.constant 2 : i32
    %dma_start3A_1408 = arith.constant 0 : i32
    %dma_start3A_1409 = arith.constant 0 : i32
    %dma_start3A_1410 = tpu.memref_slice %arg6[%dma_start3A_1407, %dma_start3A_1408, %dma_start3A_1409] : memref<5x16x1024xf32, #tpu.memory_space<vmem>> -> memref<1x16x1024xf32, #tpu.memory_space<vmem>>
    %dma_start3A_1411 = tpu.memref_squeeze %dma_start3A_1410 : memref<1x16x1024xf32, #tpu.memory_space<vmem>> -> memref<16x1024xf32, #tpu.memory_space<vmem>>
    %dma_start3A_1412 = arith.constant 0 : i32
    %dma_start3A_1413 = tpu.memref_slice %arg2[%add3A_1406, %dma_start3A_1412] : memref<16384x1024xf32, #tpu.memory_space<hbm>> -> memref<16x1024xf32, #tpu.memory_space<hbm>>
    %dma_start3A_1414 = arith.constant 0 : i32
    %dma_start3A_1415 = arith.constant 0 : i32
    %dma_start3A_1416 = tpu.memref_slice %arg6[%dma_start3A_1407, %dma_start3A_1414, %dma_start3A_1415] : memref<5x16x1024xf32, #tpu.memory_space<vmem>> -> memref<1x16x1024xf32, #tpu.memory_space<vmem>>
    %dma_start3A_1417 = tpu.memref_squeeze %dma_start3A_1416 : memref<1x16x1024xf32, #tpu.memory_space<vmem>> -> memref<16x1024xf32, #tpu.memory_space<vmem>>
    %dma_start3A_1418 = arith.constant 0 : i32
    %dma_start3A_1419 = tpu.memref_slice %arg2[%add3A_1406, %dma_start3A_1418] : memref<16384x1024xf32, #tpu.memory_space<hbm>> -> memref<16x1024xf32, #tpu.memory_space<hbm>>
    tpu.enqueue_dma source(%dma_start3A_1419 : memref<16x1024xf32, #tpu.memory_space<hbm>>) target(%dma_start3A_1417 : memref<16x1024xf32, #tpu.memory_space<vmem>>) target_semaphore(%arg8 : memref<!tpu.dma_semaphore, #tpu.memory_space<semaphore_mem>>)
    %parallel_loop3A_1420 = arith.constant 0 : i32
    %parallel_loop3A_1421 = arith.constant 16384 : i32
    %parallel_loop3A_1422 = arith.constant 16 : i32
    scf.for %parallel_loop3A_2240 = %parallel_loop3A_1420 to %parallel_loop3A_1421 step %parallel_loop3A_1422  : i32 {
      %parallel_loop3A_2241 = arith.constant 10 : i32
      %parallel_loop3A_2242 = arith.shrsi %parallel_loop3A_2240, %parallel_loop3A_2241 : i32
      %parallel_loop3A_2243 = arith.constant 1023 : i32
      %parallel_loop3A_2244 = arith.andi %parallel_loop3A_2240, %parallel_loop3A_2243 : i32
      %parallel_loop3A_2245 = tpu.assume_multiple %parallel_loop3A_2244, 16 : i32
      %parallel_loop3A_2246 = arith.constant 4 : i32
      %parallel_loop3A_2247 = arith.index_cast %parallel_loop3A_2246 : i32 to index
      %parallel_loop3A_2248 = arith.index_cast %parallel_loop3A_2242 : i32 to index
      %parallel_loop3A_2249 = arith.index_cast %parallel_loop3A_2245 : i32 to index
      %parallel_loop3A_2250 = tpu.vector_load %arg6[%parallel_loop3A_2247, %parallel_loop3A_2248, %parallel_loop3A_2249] {strides = array<i32>} : memref<5x16x1024xf32, #tpu.memory_space<vmem>>, vector<1x1x16xf32>,
      %parallel_loop3A_2251 = vector.shape_cast %parallel_loop3A_2250 : vector<1x1x16xf32> to vector<16xf32>
      %parallel_loop3A_2252 = arith.constant 0 : i32
      %parallel_loop3A_2253 = arith.index_cast %parallel_loop3A_2252 : i32 to index
      %parallel_loop3A_2254 = arith.index_cast %parallel_loop3A_2242 : i32 to index
      %parallel_loop3A_2255 = arith.index_cast %parallel_loop3A_2245 : i32 to index
      %parallel_loop3A_2256 = tpu.vector_load %arg5[%parallel_loop3A_2253, %parallel_loop3A_2254, %parallel_loop3A_2255] {strides = array<i32>} : memref<2x16x1024xf32, #tpu.memory_space<vmem>>, vector<1x1x16xf32>,
      %parallel_loop3A_2257 = vector.shape_cast %parallel_loop3A_2256 : vector<1x1x16xf32> to vector<16xf32>
      %parallel_loop3A_2258 = arith.addf %parallel_loop3A_2251, %parallel_loop3A_2257 : vector<16xf32>
      %parallel_loop3A_2259 = arith.constant 4 : i32
      %parallel_loop3A_2260 = arith.index_cast %parallel_loop3A_2259 : i32 to index
      %parallel_loop3A_2261 = arith.index_cast %parallel_loop3A_2242 : i32 to index
      %parallel_loop3A_2262 = arith.index_cast %parallel_loop3A_2245 : i32 to index
      %parallel_loop3A_2263 = tpu.vector_load %arg6[%parallel_loop3A_2260, %parallel_loop3A_2261, %parallel_loop3A_2262] {strides = array<i32>} : memref<5x16x1024xf32, #tpu.memory_space<vmem>>, vector<1x1x16xf32>,
      %parallel_loop3A_2264 = vector.shape_cast %parallel_loop3A_2263 : vector<1x1x16xf32> to vector<16xf32>
      %parallel_loop3A_2265 = vector.shape_cast %parallel_loop3A_2258 : vector<16xf32> to vector<1x1x16xf32>
      tpu.vector_store %arg6[%parallel_loop3A_2260, %parallel_loop3A_2261, %parallel_loop3A_2262], %parallel_loop3A_2265 {strides = array<i32>} : memref<5x16x1024xf32, #tpu.memory_space<vmem>>, vector<1x1x16xf32>,
    } {sc.loop_unroll_factor = 8 : i64, sc.parallel_access}
    %add3A_1423 = arith.constant 12288 : i32
    %add3A_1424 = arith.addi %add3A_1423, %mul3A_2 : i32
    %add3A_1425 = arith.constant 64 : i32
    %add3A_1426 = arith.addi %add3A_1424, %add3A_1425 : i32
    %dma_start3A_1427 = arith.constant 4 : i32
    %dma_start3A_1428 = arith.constant 0 : i32
    %dma_start3A_1429 = arith.constant 0 : i32
    %dma_start3A_1430 = tpu.memref_slice %arg6[%dma_start3A_1427, %dma_start3A_1428, %dma_start3A_1429] : memref<5x16x1024xf32, #tpu.memory_space<vmem>> -> memref<1x16x1024xf32, #tpu.memory_space<vmem>>
    %dma_start3A_1431 = tpu.memref_squeeze %dma_start3A_1430 : memref<1x16x1024xf32, #tpu.memory_space<vmem>> -> memref<16x1024xf32, #tpu.memory_space<vmem>>
    %dma_start3A_1432 = arith.constant 0 : i32
    %dma_start3A_1433 = tpu.memref_slice %arg4[%add3A_1426, %dma_start3A_1432] : memref<16384x1024xf32, #tpu.memory_space<hbm>> -> memref<16x1024xf32, #tpu.memory_space<hbm>>
    %dma_start3A_1434 = arith.constant 0 : i32
    %dma_start3A_1435 = tpu.memref_slice %arg4[%add3A_1426, %dma_start3A_1434] : memref<16384x1024xf32, #tpu.memory_space<hbm>> -> memref<16x1024xf32, #tpu.memory_space<hbm>>
    %dma_start3A_1436 = arith.constant 0 : i32
    %dma_start3A_1437 = arith.constant 0 : i32
    %dma_start3A_1438 = tpu.memref_slice %arg6[%dma_start3A_1427, %dma_start3A_1436, %dma_start3A_1437] : memref<5x16x1024xf32, #tpu.memory_space<vmem>> -> memref<1x16x1024xf32, #tpu.memory_space<vmem>>
    %dma_start3A_1439 = tpu.memref_squeeze %dma_start3A_1438 : memref<1x16x1024xf32, #tpu.memory_space<vmem>> -> memref<16x1024xf32, #tpu.memory_space<vmem>>
    tpu.enqueue_dma source(%dma_start3A_1439 : memref<16x1024xf32, #tpu.memory_space<vmem>>) target(%dma_start3A_1435 : memref<16x1024xf32, #tpu.memory_space<hbm>>) target_semaphore(%arg9 : memref<!tpu.dma_semaphore, #tpu.memory_space<semaphore_mem>>)
    %add3A_1440 = arith.constant 96 : i32
    %add3A_1441 = arith.addi %mul3A_2, %add3A_1440 : i32
    %dma_start3A_1442 = arith.constant 0 : i32
    %dma_start3A_1443 = arith.constant 0 : i32
    %dma_start3A_1444 = arith.constant 0 : i32
    %dma_start3A_1445 = tpu.memref_slice %arg5[%dma_start3A_1442, %dma_start3A_1443, %dma_start3A_1444] : memref<2x16x1024xf32, #tpu.memory_space<vmem>> -> memref<1x16x1024xf32, #tpu.memory_space<vmem>>
    %dma_start3A_1446 = tpu.memref_squeeze %dma_start3A_1445 : memref<1x16x1024xf32, #tpu.memory_space<vmem>> -> memref<16x1024xf32, #tpu.memory_space<vmem>>
    %dma_start3A_1447 = arith.constant 0 : i32
    %dma_start3A_1448 = tpu.memref_slice %arg3[%add3A_1441, %dma_start3A_1447] : memref<4096x1024xf32, #tpu.memory_space<hbm>> -> memref<16x1024xf32, #tpu.memory_space<hbm>>
    %dma_start3A_1449 = arith.constant 0 : i32
    %dma_start3A_1450 = arith.constant 0 : i32
    %dma_start3A_1451 = tpu.memref_slice %arg5[%dma_start3A_1442, %dma_start3A_1449, %dma_start3A_1450] : memref<2x16x1024xf32, #tpu.memory_space<vmem>> -> memref<1x16x1024xf32, #tpu.memory_space<vmem>>
    %dma_start3A_1452 = tpu.memref_squeeze %dma_start3A_1451 : memref<1x16x1024xf32, #tpu.memory_space<vmem>> -> memref<16x1024xf32, #tpu.memory_space<vmem>>
    %dma_start3A_1453 = arith.constant 0 : i32
    %dma_start3A_1454 = tpu.memref_slice %arg3[%add3A_1441, %dma_start3A_1453] : memref<4096x1024xf32, #tpu.memory_space<hbm>> -> memref<16x1024xf32, #tpu.memory_space<hbm>>
    tpu.enqueue_dma source(%dma_start3A_1454 : memref<16x1024xf32, #tpu.memory_space<hbm>>) target(%dma_start3A_1452 : memref<16x1024xf32, #tpu.memory_space<vmem>>) target_semaphore(%arg7 : memref<!tpu.dma_semaphore, #tpu.memory_space<semaphore_mem>>)
    %dma_wait3A_1455 = arith.constant 0 : i32
    %dma_wait3A_1456 = arith.constant 0 : i32
    %dma_wait3A_1457 = arith.constant 0 : i32
    %dma_wait3A_1458 = tpu.memref_slice %arg6[%dma_wait3A_1455, %dma_wait3A_1456, %dma_wait3A_1457] : memref<5x16x1024xf32, #tpu.memory_space<vmem>> -> memref<1x16x1024xf32, #tpu.memory_space<vmem>>
    %dma_wait3A_1459 = tpu.memref_squeeze %dma_wait3A_1458 : memref<1x16x1024xf32, #tpu.memory_space<vmem>> -> memref<16x1024xf32, #tpu.memory_space<vmem>>
    %dma_wait3A_1460 = arith.constant 0 : i32
    %dma_wait3A_1461 = tpu.memref_slice %arg2[%add3A_1280, %dma_wait3A_1460] : memref<16384x1024xf32, #tpu.memory_space<hbm>> -> memref<16x1024xf32, #tpu.memory_space<hbm>>
    %dma_wait3A_1462 = arith.constant 0 : i32
    %dma_wait3A_1463 = arith.constant 0 : i32
    %dma_wait3A_1464 = tpu.memref_slice %arg6[%dma_wait3A_1455, %dma_wait3A_1462, %dma_wait3A_1463] : memref<5x16x1024xf32, #tpu.memory_space<vmem>> -> memref<1x16x1024xf32, #tpu.memory_space<vmem>>
    %dma_wait3A_1465 = tpu.memref_squeeze %dma_wait3A_1464 : memref<1x16x1024xf32, #tpu.memory_space<vmem>> -> memref<16x1024xf32, #tpu.memory_space<vmem>>
    %dma_wait3A_1466 = arith.constant 0 : i32
    %dma_wait3A_1467 = tpu.memref_slice %arg2[%add3A_1280, %dma_wait3A_1466] : memref<16384x1024xf32, #tpu.memory_space<hbm>> -> memref<16x1024xf32, #tpu.memory_space<hbm>>
    tpu.wait_dma2 semaphore(%arg8 : memref<!tpu.dma_semaphore, #tpu.memory_space<semaphore_mem>>) src(%dma_wait3A_1467 : memref<16x1024xf32, #tpu.memory_space<hbm>>) dst(%dma_wait3A_1465 : memref<16x1024xf32, #tpu.memory_space<vmem>>)
    %dma_wait3A_1468 = arith.constant 1 : i32
    %dma_wait3A_1469 = arith.constant 0 : i32
    %dma_wait3A_1470 = arith.constant 0 : i32
    %dma_wait3A_1471 = tpu.memref_slice %arg5[%dma_wait3A_1468, %dma_wait3A_1469, %dma_wait3A_1470] : memref<2x16x1024xf32, #tpu.memory_space<vmem>> -> memref<1x16x1024xf32, #tpu.memory_space<vmem>>
    %dma_wait3A_1472 = tpu.memref_squeeze %dma_wait3A_1471 : memref<1x16x1024xf32, #tpu.memory_space<vmem>> -> memref<16x1024xf32, #tpu.memory_space<vmem>>
    %dma_wait3A_1473 = arith.constant 0 : i32
    %dma_wait3A_1474 = tpu.memref_slice %arg3[%add3A_1161, %dma_wait3A_1473] : memref<4096x1024xf32, #tpu.memory_space<hbm>> -> memref<16x1024xf32, #tpu.memory_space<hbm>>
    %dma_wait3A_1475 = arith.constant 0 : i32
    %dma_wait3A_1476 = arith.constant 0 : i32
    %dma_wait3A_1477 = tpu.memref_slice %arg5[%dma_wait3A_1468, %dma_wait3A_1475, %dma_wait3A_1476] : memref<2x16x1024xf32, #tpu.memory_space<vmem>> -> memref<1x16x1024xf32, #tpu.memory_space<vmem>>
    %dma_wait3A_1478 = tpu.memref_squeeze %dma_wait3A_1477 : memref<1x16x1024xf32, #tpu.memory_space<vmem>> -> memref<16x1024xf32, #tpu.memory_space<vmem>>
    %dma_wait3A_1479 = arith.constant 0 : i32
    %dma_wait3A_1480 = tpu.memref_slice %arg3[%add3A_1161, %dma_wait3A_1479] : memref<4096x1024xf32, #tpu.memory_space<hbm>> -> memref<16x1024xf32, #tpu.memory_space<hbm>>
    tpu.wait_dma2 semaphore(%arg7 : memref<!tpu.dma_semaphore, #tpu.memory_space<semaphore_mem>>) src(%dma_wait3A_1480 : memref<16x1024xf32, #tpu.memory_space<hbm>>) dst(%dma_wait3A_1478 : memref<16x1024xf32, #tpu.memory_space<vmem>>)
    %dma_wait3A_1481 = arith.constant 3 : i32
    %dma_wait3A_1482 = arith.constant 0 : i32
    %dma_wait3A_1483 = arith.constant 0 : i32
    %dma_wait3A_1484 = tpu.memref_slice %arg6[%dma_wait3A_1481, %dma_wait3A_1482, %dma_wait3A_1483] : memref<5x16x1024xf32, #tpu.memory_space<vmem>> -> memref<1x16x1024xf32, #tpu.memory_space<vmem>>
    %dma_wait3A_1485 = tpu.memref_squeeze %dma_wait3A_1484 : memref<1x16x1024xf32, #tpu.memory_space<vmem>> -> memref<16x1024xf32, #tpu.memory_space<vmem>>
    %dma_wait3A_1486 = arith.constant 0 : i32
    %dma_wait3A_1487 = tpu.memref_slice %arg4[%add3A_1363, %dma_wait3A_1486] : memref<16384x1024xf32, #tpu.memory_space<hbm>> -> memref<16x1024xf32, #tpu.memory_space<hbm>>
    %dma_wait3A_1488 = arith.constant 0 : i32
    %dma_wait3A_1489 = tpu.memref_slice %arg4[%add3A_1363, %dma_wait3A_1488] : memref<16384x1024xf32, #tpu.memory_space<hbm>> -> memref<16x1024xf32, #tpu.memory_space<hbm>>
    %dma_wait3A_1490 = arith.constant 0 : i32
    %dma_wait3A_1491 = arith.constant 0 : i32
    %dma_wait3A_1492 = tpu.memref_slice %arg6[%dma_wait3A_1481, %dma_wait3A_1490, %dma_wait3A_1491] : memref<5x16x1024xf32, #tpu.memory_space<vmem>> -> memref<1x16x1024xf32, #tpu.memory_space<vmem>>
    %dma_wait3A_1493 = tpu.memref_squeeze %dma_wait3A_1492 : memref<1x16x1024xf32, #tpu.memory_space<vmem>> -> memref<16x1024xf32, #tpu.memory_space<vmem>>
    tpu.wait_dma2 semaphore(%arg9 : memref<!tpu.dma_semaphore, #tpu.memory_space<semaphore_mem>>) src(%dma_wait3A_1493 : memref<16x1024xf32, #tpu.memory_space<vmem>>) dst(%dma_wait3A_1489 : memref<16x1024xf32, #tpu.memory_space<hbm>>)
    %add3A_1494 = arith.constant 12288 : i32
    %add3A_1495 = arith.addi %add3A_1494, %mul3A_2 : i32
    %add3A_1496 = arith.constant 80 : i32
    %add3A_1497 = arith.addi %add3A_1495, %add3A_1496 : i32
    %dma_start3A_1498 = arith.constant 3 : i32
    %dma_start3A_1499 = arith.constant 0 : i32
    %dma_start3A_1500 = arith.constant 0 : i32
    %dma_start3A_1501 = tpu.memref_slice %arg6[%dma_start3A_1498, %dma_start3A_1499, %dma_start3A_1500] : memref<5x16x1024xf32, #tpu.memory_space<vmem>> -> memref<1x16x1024xf32, #tpu.memory_space<vmem>>
    %dma_start3A_1502 = tpu.memref_squeeze %dma_start3A_1501 : memref<1x16x1024xf32, #tpu.memory_space<vmem>> -> memref<16x1024xf32, #tpu.memory_space<vmem>>
    %dma_start3A_1503 = arith.constant 0 : i32
    %dma_start3A_1504 = tpu.memref_slice %arg2[%add3A_1497, %dma_start3A_1503] : memref<16384x1024xf32, #tpu.memory_space<hbm>> -> memref<16x1024xf32, #tpu.memory_space<hbm>>
    %dma_start3A_1505 = arith.constant 0 : i32
    %dma_start3A_1506 = arith.constant 0 : i32
    %dma_start3A_1507 = tpu.memref_slice %arg6[%dma_start3A_1498, %dma_start3A_1505, %dma_start3A_1506] : memref<5x16x1024xf32, #tpu.memory_space<vmem>> -> memref<1x16x1024xf32, #tpu.memory_space<vmem>>
    %dma_start3A_1508 = tpu.memref_squeeze %dma_start3A_1507 : memref<1x16x1024xf32, #tpu.memory_space<vmem>> -> memref<16x1024xf32, #tpu.memory_space<vmem>>
    %dma_start3A_1509 = arith.constant 0 : i32
    %dma_start3A_1510 = tpu.memref_slice %arg2[%add3A_1497, %dma_start3A_1509] : memref<16384x1024xf32, #tpu.memory_space<hbm>> -> memref<16x1024xf32, #tpu.memory_space<hbm>>
    tpu.enqueue_dma source(%dma_start3A_1510 : memref<16x1024xf32, #tpu.memory_space<hbm>>) target(%dma_start3A_1508 : memref<16x1024xf32, #tpu.memory_space<vmem>>) target_semaphore(%arg8 : memref<!tpu.dma_semaphore, #tpu.memory_space<semaphore_mem>>)
    %parallel_loop3A_1511 = arith.constant 0 : i32
    %parallel_loop3A_1512 = arith.constant 16384 : i32
    %parallel_loop3A_1513 = arith.constant 16 : i32
    scf.for %parallel_loop3A_2240 = %parallel_loop3A_1511 to %parallel_loop3A_1512 step %parallel_loop3A_1513  : i32 {
      %parallel_loop3A_2241 = arith.constant 10 : i32
      %parallel_loop3A_2242 = arith.shrsi %parallel_loop3A_2240, %parallel_loop3A_2241 : i32
      %parallel_loop3A_2243 = arith.constant 1023 : i32
      %parallel_loop3A_2244 = arith.andi %parallel_loop3A_2240, %parallel_loop3A_2243 : i32
      %parallel_loop3A_2245 = tpu.assume_multiple %parallel_loop3A_2244, 16 : i32
      %parallel_loop3A_2246 = arith.constant 0 : i32
      %parallel_loop3A_2247 = arith.index_cast %parallel_loop3A_2246 : i32 to index
      %parallel_loop3A_2248 = arith.index_cast %parallel_loop3A_2242 : i32 to index
      %parallel_loop3A_2249 = arith.index_cast %parallel_loop3A_2245 : i32 to index
      %parallel_loop3A_2250 = tpu.vector_load %arg6[%parallel_loop3A_2247, %parallel_loop3A_2248, %parallel_loop3A_2249] {strides = array<i32>} : memref<5x16x1024xf32, #tpu.memory_space<vmem>>, vector<1x1x16xf32>,
      %parallel_loop3A_2251 = vector.shape_cast %parallel_loop3A_2250 : vector<1x1x16xf32> to vector<16xf32>
      %parallel_loop3A_2252 = arith.constant 1 : i32
      %parallel_loop3A_2253 = arith.index_cast %parallel_loop3A_2252 : i32 to index
      %parallel_loop3A_2254 = arith.index_cast %parallel_loop3A_2242 : i32 to index
      %parallel_loop3A_2255 = arith.index_cast %parallel_loop3A_2245 : i32 to index
      %parallel_loop3A_2256 = tpu.vector_load %arg5[%parallel_loop3A_2253, %parallel_loop3A_2254, %parallel_loop3A_2255] {strides = array<i32>} : memref<2x16x1024xf32, #tpu.memory_space<vmem>>, vector<1x1x16xf32>,
      %parallel_loop3A_2257 = vector.shape_cast %parallel_loop3A_2256 : vector<1x1x16xf32> to vector<16xf32>
      %parallel_loop3A_2258 = arith.addf %parallel_loop3A_2251, %parallel_loop3A_2257 : vector<16xf32>
      %parallel_loop3A_2259 = arith.constant 0 : i32
      %parallel_loop3A_2260 = arith.index_cast %parallel_loop3A_2259 : i32 to index
      %parallel_loop3A_2261 = arith.index_cast %parallel_loop3A_2242 : i32 to index
      %parallel_loop3A_2262 = arith.index_cast %parallel_loop3A_2245 : i32 to index
      %parallel_loop3A_2263 = tpu.vector_load %arg6[%parallel_loop3A_2260, %parallel_loop3A_2261, %parallel_loop3A_2262] {strides = array<i32>} : memref<5x16x1024xf32, #tpu.memory_space<vmem>>, vector<1x1x16xf32>,
      %parallel_loop3A_2264 = vector.shape_cast %parallel_loop3A_2263 : vector<1x1x16xf32> to vector<16xf32>
      %parallel_loop3A_2265 = vector.shape_cast %parallel_loop3A_2258 : vector<16xf32> to vector<1x1x16xf32>
      tpu.vector_store %arg6[%parallel_loop3A_2260, %parallel_loop3A_2261, %parallel_loop3A_2262], %parallel_loop3A_2265 {strides = array<i32>} : memref<5x16x1024xf32, #tpu.memory_space<vmem>>, vector<1x1x16xf32>,
    } {sc.loop_unroll_factor = 8 : i64, sc.parallel_access}
    %add3A_1514 = arith.constant 0 : i32
    %add3A_1515 = arith.addi %add3A_1514, %mul3A_2 : i32
    %add3A_1516 = arith.constant 80 : i32
    %add3A_1517 = arith.addi %add3A_1515, %add3A_1516 : i32
    %dma_start3A_1518 = arith.constant 0 : i32
    %dma_start3A_1519 = arith.constant 0 : i32
    %dma_start3A_1520 = arith.constant 0 : i32
    %dma_start3A_1521 = tpu.memref_slice %arg6[%dma_start3A_1518, %dma_start3A_1519, %dma_start3A_1520] : memref<5x16x1024xf32, #tpu.memory_space<vmem>> -> memref<1x16x1024xf32, #tpu.memory_space<vmem>>
    %dma_start3A_1522 = tpu.memref_squeeze %dma_start3A_1521 : memref<1x16x1024xf32, #tpu.memory_space<vmem>> -> memref<16x1024xf32, #tpu.memory_space<vmem>>
    %dma_start3A_1523 = arith.constant 0 : i32
    %dma_start3A_1524 = tpu.memref_slice %arg4[%add3A_1517, %dma_start3A_1523] : memref<16384x1024xf32, #tpu.memory_space<hbm>> -> memref<16x1024xf32, #tpu.memory_space<hbm>>
    %dma_start3A_1525 = arith.constant 0 : i32
    %dma_start3A_1526 = tpu.memref_slice %arg4[%add3A_1517, %dma_start3A_1525] : memref<16384x1024xf32, #tpu.memory_space<hbm>> -> memref<16x1024xf32, #tpu.memory_space<hbm>>
    %dma_start3A_1527 = arith.constant 0 : i32
    %dma_start3A_1528 = arith.constant 0 : i32
    %dma_start3A_1529 = tpu.memref_slice %arg6[%dma_start3A_1518, %dma_start3A_1527, %dma_start3A_1528] : memref<5x16x1024xf32, #tpu.memory_space<vmem>> -> memref<1x16x1024xf32, #tpu.memory_space<vmem>>
    %dma_start3A_1530 = tpu.memref_squeeze %dma_start3A_1529 : memref<1x16x1024xf32, #tpu.memory_space<vmem>> -> memref<16x1024xf32, #tpu.memory_space<vmem>>
    tpu.enqueue_dma source(%dma_start3A_1530 : memref<16x1024xf32, #tpu.memory_space<vmem>>) target(%dma_start3A_1526 : memref<16x1024xf32, #tpu.memory_space<hbm>>) target_semaphore(%arg9 : memref<!tpu.dma_semaphore, #tpu.memory_space<semaphore_mem>>)
    %dma_wait3A_1531 = arith.constant 1 : i32
    %dma_wait3A_1532 = arith.constant 0 : i32
    %dma_wait3A_1533 = arith.constant 0 : i32
    %dma_wait3A_1534 = tpu.memref_slice %arg6[%dma_wait3A_1531, %dma_wait3A_1532, %dma_wait3A_1533] : memref<5x16x1024xf32, #tpu.memory_space<vmem>> -> memref<1x16x1024xf32, #tpu.memory_space<vmem>>
    %dma_wait3A_1535 = tpu.memref_squeeze %dma_wait3A_1534 : memref<1x16x1024xf32, #tpu.memory_space<vmem>> -> memref<16x1024xf32, #tpu.memory_space<vmem>>
    %dma_wait3A_1536 = arith.constant 0 : i32
    %dma_wait3A_1537 = tpu.memref_slice %arg2[%add3A_1343, %dma_wait3A_1536] : memref<16384x1024xf32, #tpu.memory_space<hbm>> -> memref<16x1024xf32, #tpu.memory_space<hbm>>
    %dma_wait3A_1538 = arith.constant 0 : i32
    %dma_wait3A_1539 = arith.constant 0 : i32
    %dma_wait3A_1540 = tpu.memref_slice %arg6[%dma_wait3A_1531, %dma_wait3A_1538, %dma_wait3A_1539] : memref<5x16x1024xf32, #tpu.memory_space<vmem>> -> memref<1x16x1024xf32, #tpu.memory_space<vmem>>
    %dma_wait3A_1541 = tpu.memref_squeeze %dma_wait3A_1540 : memref<1x16x1024xf32, #tpu.memory_space<vmem>> -> memref<16x1024xf32, #tpu.memory_space<vmem>>
    %dma_wait3A_1542 = arith.constant 0 : i32
    %dma_wait3A_1543 = tpu.memref_slice %arg2[%add3A_1343, %dma_wait3A_1542] : memref<16384x1024xf32, #tpu.memory_space<hbm>> -> memref<16x1024xf32, #tpu.memory_space<hbm>>
    tpu.wait_dma2 semaphore(%arg8 : memref<!tpu.dma_semaphore, #tpu.memory_space<semaphore_mem>>) src(%dma_wait3A_1543 : memref<16x1024xf32, #tpu.memory_space<hbm>>) dst(%dma_wait3A_1541 : memref<16x1024xf32, #tpu.memory_space<vmem>>)
    %dma_wait3A_1544 = arith.constant 4 : i32
    %dma_wait3A_1545 = arith.constant 0 : i32
    %dma_wait3A_1546 = arith.constant 0 : i32
    %dma_wait3A_1547 = tpu.memref_slice %arg6[%dma_wait3A_1544, %dma_wait3A_1545, %dma_wait3A_1546] : memref<5x16x1024xf32, #tpu.memory_space<vmem>> -> memref<1x16x1024xf32, #tpu.memory_space<vmem>>
    %dma_wait3A_1548 = tpu.memref_squeeze %dma_wait3A_1547 : memref<1x16x1024xf32, #tpu.memory_space<vmem>> -> memref<16x1024xf32, #tpu.memory_space<vmem>>
    %dma_wait3A_1549 = arith.constant 0 : i32
    %dma_wait3A_1550 = tpu.memref_slice %arg4[%add3A_1426, %dma_wait3A_1549] : memref<16384x1024xf32, #tpu.memory_space<hbm>> -> memref<16x1024xf32, #tpu.memory_space<hbm>>
    %dma_wait3A_1551 = arith.constant 0 : i32
    %dma_wait3A_1552 = tpu.memref_slice %arg4[%add3A_1426, %dma_wait3A_1551] : memref<16384x1024xf32, #tpu.memory_space<hbm>> -> memref<16x1024xf32, #tpu.memory_space<hbm>>
    %dma_wait3A_1553 = arith.constant 0 : i32
    %dma_wait3A_1554 = arith.constant 0 : i32
    %dma_wait3A_1555 = tpu.memref_slice %arg6[%dma_wait3A_1544, %dma_wait3A_1553, %dma_wait3A_1554] : memref<5x16x1024xf32, #tpu.memory_space<vmem>> -> memref<1x16x1024xf32, #tpu.memory_space<vmem>>
    %dma_wait3A_1556 = tpu.memref_squeeze %dma_wait3A_1555 : memref<1x16x1024xf32, #tpu.memory_space<vmem>> -> memref<16x1024xf32, #tpu.memory_space<vmem>>
    tpu.wait_dma2 semaphore(%arg9 : memref<!tpu.dma_semaphore, #tpu.memory_space<semaphore_mem>>) src(%dma_wait3A_1556 : memref<16x1024xf32, #tpu.memory_space<vmem>>) dst(%dma_wait3A_1552 : memref<16x1024xf32, #tpu.memory_space<hbm>>)
    %add3A_1557 = arith.constant 0 : i32
    %add3A_1558 = arith.addi %add3A_1557, %mul3A_2 : i32
    %add3A_1559 = arith.constant 96 : i32
    %add3A_1560 = arith.addi %add3A_1558, %add3A_1559 : i32
    %dma_start3A_1561 = arith.constant 4 : i32
    %dma_start3A_1562 = arith.constant 0 : i32
    %dma_start3A_1563 = arith.constant 0 : i32
    %dma_start3A_1564 = tpu.memref_slice %arg6[%dma_start3A_1561, %dma_start3A_1562, %dma_start3A_1563] : memref<5x16x1024xf32, #tpu.memory_space<vmem>> -> memref<1x16x1024xf32, #tpu.memory_space<vmem>>
    %dma_start3A_1565 = tpu.memref_squeeze %dma_start3A_1564 : memref<1x16x1024xf32, #tpu.memory_space<vmem>> -> memref<16x1024xf32, #tpu.memory_space<vmem>>
    %dma_start3A_1566 = arith.constant 0 : i32
    %dma_start3A_1567 = tpu.memref_slice %arg2[%add3A_1560, %dma_start3A_1566] : memref<16384x1024xf32, #tpu.memory_space<hbm>> -> memref<16x1024xf32, #tpu.memory_space<hbm>>
    %dma_start3A_1568 = arith.constant 0 : i32
    %dma_start3A_1569 = arith.constant 0 : i32
    %dma_start3A_1570 = tpu.memref_slice %arg6[%dma_start3A_1561, %dma_start3A_1568, %dma_start3A_1569] : memref<5x16x1024xf32, #tpu.memory_space<vmem>> -> memref<1x16x1024xf32, #tpu.memory_space<vmem>>
    %dma_start3A_1571 = tpu.memref_squeeze %dma_start3A_1570 : memref<1x16x1024xf32, #tpu.memory_space<vmem>> -> memref<16x1024xf32, #tpu.memory_space<vmem>>
    %dma_start3A_1572 = arith.constant 0 : i32
    %dma_start3A_1573 = tpu.memref_slice %arg2[%add3A_1560, %dma_start3A_1572] : memref<16384x1024xf32, #tpu.memory_space<hbm>> -> memref<16x1024xf32, #tpu.memory_space<hbm>>
    tpu.enqueue_dma source(%dma_start3A_1573 : memref<16x1024xf32, #tpu.memory_space<hbm>>) target(%dma_start3A_1571 : memref<16x1024xf32, #tpu.memory_space<vmem>>) target_semaphore(%arg8 : memref<!tpu.dma_semaphore, #tpu.memory_space<semaphore_mem>>)
    %parallel_loop3A_1574 = arith.constant 0 : i32
    %parallel_loop3A_1575 = arith.constant 16384 : i32
    %parallel_loop3A_1576 = arith.constant 16 : i32
    scf.for %parallel_loop3A_2240 = %parallel_loop3A_1574 to %parallel_loop3A_1575 step %parallel_loop3A_1576  : i32 {
      %parallel_loop3A_2241 = arith.constant 10 : i32
      %parallel_loop3A_2242 = arith.shrsi %parallel_loop3A_2240, %parallel_loop3A_2241 : i32
      %parallel_loop3A_2243 = arith.constant 1023 : i32
      %parallel_loop3A_2244 = arith.andi %parallel_loop3A_2240, %parallel_loop3A_2243 : i32
      %parallel_loop3A_2245 = tpu.assume_multiple %parallel_loop3A_2244, 16 : i32
      %parallel_loop3A_2246 = arith.constant 1 : i32
      %parallel_loop3A_2247 = arith.index_cast %parallel_loop3A_2246 : i32 to index
      %parallel_loop3A_2248 = arith.index_cast %parallel_loop3A_2242 : i32 to index
      %parallel_loop3A_2249 = arith.index_cast %parallel_loop3A_2245 : i32 to index
      %parallel_loop3A_2250 = tpu.vector_load %arg6[%parallel_loop3A_2247, %parallel_loop3A_2248, %parallel_loop3A_2249] {strides = array<i32>} : memref<5x16x1024xf32, #tpu.memory_space<vmem>>, vector<1x1x16xf32>,
      %parallel_loop3A_2251 = vector.shape_cast %parallel_loop3A_2250 : vector<1x1x16xf32> to vector<16xf32>
      %parallel_loop3A_2252 = arith.constant 1 : i32
      %parallel_loop3A_2253 = arith.index_cast %parallel_loop3A_2252 : i32 to index
      %parallel_loop3A_2254 = arith.index_cast %parallel_loop3A_2242 : i32 to index
      %parallel_loop3A_2255 = arith.index_cast %parallel_loop3A_2245 : i32 to index
      %parallel_loop3A_2256 = tpu.vector_load %arg5[%parallel_loop3A_2253, %parallel_loop3A_2254, %parallel_loop3A_2255] {strides = array<i32>} : memref<2x16x1024xf32, #tpu.memory_space<vmem>>, vector<1x1x16xf32>,
      %parallel_loop3A_2257 = vector.shape_cast %parallel_loop3A_2256 : vector<1x1x16xf32> to vector<16xf32>
      %parallel_loop3A_2258 = arith.addf %parallel_loop3A_2251, %parallel_loop3A_2257 : vector<16xf32>
      %parallel_loop3A_2259 = arith.constant 1 : i32
      %parallel_loop3A_2260 = arith.index_cast %parallel_loop3A_2259 : i32 to index
      %parallel_loop3A_2261 = arith.index_cast %parallel_loop3A_2242 : i32 to index
      %parallel_loop3A_2262 = arith.index_cast %parallel_loop3A_2245 : i32 to index
      %parallel_loop3A_2263 = tpu.vector_load %arg6[%parallel_loop3A_2260, %parallel_loop3A_2261, %parallel_loop3A_2262] {strides = array<i32>} : memref<5x16x1024xf32, #tpu.memory_space<vmem>>, vector<1x1x16xf32>,
      %parallel_loop3A_2264 = vector.shape_cast %parallel_loop3A_2263 : vector<1x1x16xf32> to vector<16xf32>
      %parallel_loop3A_2265 = vector.shape_cast %parallel_loop3A_2258 : vector<16xf32> to vector<1x1x16xf32>
      tpu.vector_store %arg6[%parallel_loop3A_2260, %parallel_loop3A_2261, %parallel_loop3A_2262], %parallel_loop3A_2265 {strides = array<i32>} : memref<5x16x1024xf32, #tpu.memory_space<vmem>>, vector<1x1x16xf32>,
    } {sc.loop_unroll_factor = 8 : i64, sc.parallel_access}
    %add3A_1577 = arith.constant 4096 : i32
    %add3A_1578 = arith.addi %add3A_1577, %mul3A_2 : i32
    %add3A_1579 = arith.constant 80 : i32
    %add3A_1580 = arith.addi %add3A_1578, %add3A_1579 : i32
    %dma_start3A_1581 = arith.constant 1 : i32
    %dma_start3A_1582 = arith.constant 0 : i32
    %dma_start3A_1583 = arith.constant 0 : i32
    %dma_start3A_1584 = tpu.memref_slice %arg6[%dma_start3A_1581, %dma_start3A_1582, %dma_start3A_1583] : memref<5x16x1024xf32, #tpu.memory_space<vmem>> -> memref<1x16x1024xf32, #tpu.memory_space<vmem>>
    %dma_start3A_1585 = tpu.memref_squeeze %dma_start3A_1584 : memref<1x16x1024xf32, #tpu.memory_space<vmem>> -> memref<16x1024xf32, #tpu.memory_space<vmem>>
    %dma_start3A_1586 = arith.constant 0 : i32
    %dma_start3A_1587 = tpu.memref_slice %arg4[%add3A_1580, %dma_start3A_1586] : memref<16384x1024xf32, #tpu.memory_space<hbm>> -> memref<16x1024xf32, #tpu.memory_space<hbm>>
    %dma_start3A_1588 = arith.constant 0 : i32
    %dma_start3A_1589 = tpu.memref_slice %arg4[%add3A_1580, %dma_start3A_1588] : memref<16384x1024xf32, #tpu.memory_space<hbm>> -> memref<16x1024xf32, #tpu.memory_space<hbm>>
    %dma_start3A_1590 = arith.constant 0 : i32
    %dma_start3A_1591 = arith.constant 0 : i32
    %dma_start3A_1592 = tpu.memref_slice %arg6[%dma_start3A_1581, %dma_start3A_1590, %dma_start3A_1591] : memref<5x16x1024xf32, #tpu.memory_space<vmem>> -> memref<1x16x1024xf32, #tpu.memory_space<vmem>>
    %dma_start3A_1593 = tpu.memref_squeeze %dma_start3A_1592 : memref<1x16x1024xf32, #tpu.memory_space<vmem>> -> memref<16x1024xf32, #tpu.memory_space<vmem>>
    tpu.enqueue_dma source(%dma_start3A_1593 : memref<16x1024xf32, #tpu.memory_space<vmem>>) target(%dma_start3A_1589 : memref<16x1024xf32, #tpu.memory_space<hbm>>) target_semaphore(%arg9 : memref<!tpu.dma_semaphore, #tpu.memory_space<semaphore_mem>>)
    %dma_wait3A_1594 = arith.constant 2 : i32
    %dma_wait3A_1595 = arith.constant 0 : i32
    %dma_wait3A_1596 = arith.constant 0 : i32
    %dma_wait3A_1597 = tpu.memref_slice %arg6[%dma_wait3A_1594, %dma_wait3A_1595, %dma_wait3A_1596] : memref<5x16x1024xf32, #tpu.memory_space<vmem>> -> memref<1x16x1024xf32, #tpu.memory_space<vmem>>
    %dma_wait3A_1598 = tpu.memref_squeeze %dma_wait3A_1597 : memref<1x16x1024xf32, #tpu.memory_space<vmem>> -> memref<16x1024xf32, #tpu.memory_space<vmem>>
    %dma_wait3A_1599 = arith.constant 0 : i32
    %dma_wait3A_1600 = tpu.memref_slice %arg2[%add3A_1406, %dma_wait3A_1599] : memref<16384x1024xf32, #tpu.memory_space<hbm>> -> memref<16x1024xf32, #tpu.memory_space<hbm>>
    %dma_wait3A_1601 = arith.constant 0 : i32
    %dma_wait3A_1602 = arith.constant 0 : i32
    %dma_wait3A_1603 = tpu.memref_slice %arg6[%dma_wait3A_1594, %dma_wait3A_1601, %dma_wait3A_1602] : memref<5x16x1024xf32, #tpu.memory_space<vmem>> -> memref<1x16x1024xf32, #tpu.memory_space<vmem>>
    %dma_wait3A_1604 = tpu.memref_squeeze %dma_wait3A_1603 : memref<1x16x1024xf32, #tpu.memory_space<vmem>> -> memref<16x1024xf32, #tpu.memory_space<vmem>>
    %dma_wait3A_1605 = arith.constant 0 : i32
    %dma_wait3A_1606 = tpu.memref_slice %arg2[%add3A_1406, %dma_wait3A_1605] : memref<16384x1024xf32, #tpu.memory_space<hbm>> -> memref<16x1024xf32, #tpu.memory_space<hbm>>
    tpu.wait_dma2 semaphore(%arg8 : memref<!tpu.dma_semaphore, #tpu.memory_space<semaphore_mem>>) src(%dma_wait3A_1606 : memref<16x1024xf32, #tpu.memory_space<hbm>>) dst(%dma_wait3A_1604 : memref<16x1024xf32, #tpu.memory_space<vmem>>)
    %dma_wait3A_1607 = arith.constant 0 : i32
    %dma_wait3A_1608 = arith.constant 0 : i32
    %dma_wait3A_1609 = arith.constant 0 : i32
    %dma_wait3A_1610 = tpu.memref_slice %arg6[%dma_wait3A_1607, %dma_wait3A_1608, %dma_wait3A_1609] : memref<5x16x1024xf32, #tpu.memory_space<vmem>> -> memref<1x16x1024xf32, #tpu.memory_space<vmem>>
    %dma_wait3A_1611 = tpu.memref_squeeze %dma_wait3A_1610 : memref<1x16x1024xf32, #tpu.memory_space<vmem>> -> memref<16x1024xf32, #tpu.memory_space<vmem>>
    %dma_wait3A_1612 = arith.constant 0 : i32
    %dma_wait3A_1613 = tpu.memref_slice %arg4[%add3A_1517, %dma_wait3A_1612] : memref<16384x1024xf32, #tpu.memory_space<hbm>> -> memref<16x1024xf32, #tpu.memory_space<hbm>>
    %dma_wait3A_1614 = arith.constant 0 : i32
    %dma_wait3A_1615 = tpu.memref_slice %arg4[%add3A_1517, %dma_wait3A_1614] : memref<16384x1024xf32, #tpu.memory_space<hbm>> -> memref<16x1024xf32, #tpu.memory_space<hbm>>
    %dma_wait3A_1616 = arith.constant 0 : i32
    %dma_wait3A_1617 = arith.constant 0 : i32
    %dma_wait3A_1618 = tpu.memref_slice %arg6[%dma_wait3A_1607, %dma_wait3A_1616, %dma_wait3A_1617] : memref<5x16x1024xf32, #tpu.memory_space<vmem>> -> memref<1x16x1024xf32, #tpu.memory_space<vmem>>
    %dma_wait3A_1619 = tpu.memref_squeeze %dma_wait3A_1618 : memref<1x16x1024xf32, #tpu.memory_space<vmem>> -> memref<16x1024xf32, #tpu.memory_space<vmem>>
    tpu.wait_dma2 semaphore(%arg9 : memref<!tpu.dma_semaphore, #tpu.memory_space<semaphore_mem>>) src(%dma_wait3A_1619 : memref<16x1024xf32, #tpu.memory_space<vmem>>) dst(%dma_wait3A_1615 : memref<16x1024xf32, #tpu.memory_space<hbm>>)
    %add3A_1620 = arith.constant 4096 : i32
    %add3A_1621 = arith.addi %add3A_1620, %mul3A_2 : i32
    %add3A_1622 = arith.constant 96 : i32
    %add3A_1623 = arith.addi %add3A_1621, %add3A_1622 : i32
    %dma_start3A_1624 = arith.constant 0 : i32
    %dma_start3A_1625 = arith.constant 0 : i32
    %dma_start3A_1626 = arith.constant 0 : i32
    %dma_start3A_1627 = tpu.memref_slice %arg6[%dma_start3A_1624, %dma_start3A_1625, %dma_start3A_1626] : memref<5x16x1024xf32, #tpu.memory_space<vmem>> -> memref<1x16x1024xf32, #tpu.memory_space<vmem>>
    %dma_start3A_1628 = tpu.memref_squeeze %dma_start3A_1627 : memref<1x16x1024xf32, #tpu.memory_space<vmem>> -> memref<16x1024xf32, #tpu.memory_space<vmem>>
    %dma_start3A_1629 = arith.constant 0 : i32
    %dma_start3A_1630 = tpu.memref_slice %arg2[%add3A_1623, %dma_start3A_1629] : memref<16384x1024xf32, #tpu.memory_space<hbm>> -> memref<16x1024xf32, #tpu.memory_space<hbm>>
    %dma_start3A_1631 = arith.constant 0 : i32
    %dma_start3A_1632 = arith.constant 0 : i32
    %dma_start3A_1633 = tpu.memref_slice %arg6[%dma_start3A_1624, %dma_start3A_1631, %dma_start3A_1632] : memref<5x16x1024xf32, #tpu.memory_space<vmem>> -> memref<1x16x1024xf32, #tpu.memory_space<vmem>>
    %dma_start3A_1634 = tpu.memref_squeeze %dma_start3A_1633 : memref<1x16x1024xf32, #tpu.memory_space<vmem>> -> memref<16x1024xf32, #tpu.memory_space<vmem>>
    %dma_start3A_1635 = arith.constant 0 : i32
    %dma_start3A_1636 = tpu.memref_slice %arg2[%add3A_1623, %dma_start3A_1635] : memref<16384x1024xf32, #tpu.memory_space<hbm>> -> memref<16x1024xf32, #tpu.memory_space<hbm>>
    tpu.enqueue_dma source(%dma_start3A_1636 : memref<16x1024xf32, #tpu.memory_space<hbm>>) target(%dma_start3A_1634 : memref<16x1024xf32, #tpu.memory_space<vmem>>) target_semaphore(%arg8 : memref<!tpu.dma_semaphore, #tpu.memory_space<semaphore_mem>>)
    %parallel_loop3A_1637 = arith.constant 0 : i32
    %parallel_loop3A_1638 = arith.constant 16384 : i32
    %parallel_loop3A_1639 = arith.constant 16 : i32
    scf.for %parallel_loop3A_2240 = %parallel_loop3A_1637 to %parallel_loop3A_1638 step %parallel_loop3A_1639  : i32 {
      %parallel_loop3A_2241 = arith.constant 10 : i32
      %parallel_loop3A_2242 = arith.shrsi %parallel_loop3A_2240, %parallel_loop3A_2241 : i32
      %parallel_loop3A_2243 = arith.constant 1023 : i32
      %parallel_loop3A_2244 = arith.andi %parallel_loop3A_2240, %parallel_loop3A_2243 : i32
      %parallel_loop3A_2245 = tpu.assume_multiple %parallel_loop3A_2244, 16 : i32
      %parallel_loop3A_2246 = arith.constant 2 : i32
      %parallel_loop3A_2247 = arith.index_cast %parallel_loop3A_2246 : i32 to index
      %parallel_loop3A_2248 = arith.index_cast %parallel_loop3A_2242 : i32 to index
      %parallel_loop3A_2249 = arith.index_cast %parallel_loop3A_2245 : i32 to index
      %parallel_loop3A_2250 = tpu.vector_load %arg6[%parallel_loop3A_2247, %parallel_loop3A_2248, %parallel_loop3A_2249] {strides = array<i32>} : memref<5x16x1024xf32, #tpu.memory_space<vmem>>, vector<1x1x16xf32>,
      %parallel_loop3A_2251 = vector.shape_cast %parallel_loop3A_2250 : vector<1x1x16xf32> to vector<16xf32>
      %parallel_loop3A_2252 = arith.constant 1 : i32
      %parallel_loop3A_2253 = arith.index_cast %parallel_loop3A_2252 : i32 to index
      %parallel_loop3A_2254 = arith.index_cast %parallel_loop3A_2242 : i32 to index
      %parallel_loop3A_2255 = arith.index_cast %parallel_loop3A_2245 : i32 to index
      %parallel_loop3A_2256 = tpu.vector_load %arg5[%parallel_loop3A_2253, %parallel_loop3A_2254, %parallel_loop3A_2255] {strides = array<i32>} : memref<2x16x1024xf32, #tpu.memory_space<vmem>>, vector<1x1x16xf32>,
      %parallel_loop3A_2257 = vector.shape_cast %parallel_loop3A_2256 : vector<1x1x16xf32> to vector<16xf32>
      %parallel_loop3A_2258 = arith.addf %parallel_loop3A_2251, %parallel_loop3A_2257 : vector<16xf32>
      %parallel_loop3A_2259 = arith.constant 2 : i32
      %parallel_loop3A_2260 = arith.index_cast %parallel_loop3A_2259 : i32 to index
      %parallel_loop3A_2261 = arith.index_cast %parallel_loop3A_2242 : i32 to index
      %parallel_loop3A_2262 = arith.index_cast %parallel_loop3A_2245 : i32 to index
      %parallel_loop3A_2263 = tpu.vector_load %arg6[%parallel_loop3A_2260, %parallel_loop3A_2261, %parallel_loop3A_2262] {strides = array<i32>} : memref<5x16x1024xf32, #tpu.memory_space<vmem>>, vector<1x1x16xf32>,
      %parallel_loop3A_2264 = vector.shape_cast %parallel_loop3A_2263 : vector<1x1x16xf32> to vector<16xf32>
      %parallel_loop3A_2265 = vector.shape_cast %parallel_loop3A_2258 : vector<16xf32> to vector<1x1x16xf32>
      tpu.vector_store %arg6[%parallel_loop3A_2260, %parallel_loop3A_2261, %parallel_loop3A_2262], %parallel_loop3A_2265 {strides = array<i32>} : memref<5x16x1024xf32, #tpu.memory_space<vmem>>, vector<1x1x16xf32>,
    } {sc.loop_unroll_factor = 8 : i64, sc.parallel_access}
    %add3A_1640 = arith.constant 8192 : i32
    %add3A_1641 = arith.addi %add3A_1640, %mul3A_2 : i32
    %add3A_1642 = arith.constant 80 : i32
    %add3A_1643 = arith.addi %add3A_1641, %add3A_1642 : i32
    %dma_start3A_1644 = arith.constant 2 : i32
    %dma_start3A_1645 = arith.constant 0 : i32
    %dma_start3A_1646 = arith.constant 0 : i32
    %dma_start3A_1647 = tpu.memref_slice %arg6[%dma_start3A_1644, %dma_start3A_1645, %dma_start3A_1646] : memref<5x16x1024xf32, #tpu.memory_space<vmem>> -> memref<1x16x1024xf32, #tpu.memory_space<vmem>>
    %dma_start3A_1648 = tpu.memref_squeeze %dma_start3A_1647 : memref<1x16x1024xf32, #tpu.memory_space<vmem>> -> memref<16x1024xf32, #tpu.memory_space<vmem>>
    %dma_start3A_1649 = arith.constant 0 : i32
    %dma_start3A_1650 = tpu.memref_slice %arg4[%add3A_1643, %dma_start3A_1649] : memref<16384x1024xf32, #tpu.memory_space<hbm>> -> memref<16x1024xf32, #tpu.memory_space<hbm>>
    %dma_start3A_1651 = arith.constant 0 : i32
    %dma_start3A_1652 = tpu.memref_slice %arg4[%add3A_1643, %dma_start3A_1651] : memref<16384x1024xf32, #tpu.memory_space<hbm>> -> memref<16x1024xf32, #tpu.memory_space<hbm>>
    %dma_start3A_1653 = arith.constant 0 : i32
    %dma_start3A_1654 = arith.constant 0 : i32
    %dma_start3A_1655 = tpu.memref_slice %arg6[%dma_start3A_1644, %dma_start3A_1653, %dma_start3A_1654] : memref<5x16x1024xf32, #tpu.memory_space<vmem>> -> memref<1x16x1024xf32, #tpu.memory_space<vmem>>
    %dma_start3A_1656 = tpu.memref_squeeze %dma_start3A_1655 : memref<1x16x1024xf32, #tpu.memory_space<vmem>> -> memref<16x1024xf32, #tpu.memory_space<vmem>>
    tpu.enqueue_dma source(%dma_start3A_1656 : memref<16x1024xf32, #tpu.memory_space<vmem>>) target(%dma_start3A_1652 : memref<16x1024xf32, #tpu.memory_space<hbm>>) target_semaphore(%arg9 : memref<!tpu.dma_semaphore, #tpu.memory_space<semaphore_mem>>)
    %dma_wait3A_1657 = arith.constant 3 : i32
    %dma_wait3A_1658 = arith.constant 0 : i32
    %dma_wait3A_1659 = arith.constant 0 : i32
    %dma_wait3A_1660 = tpu.memref_slice %arg6[%dma_wait3A_1657, %dma_wait3A_1658, %dma_wait3A_1659] : memref<5x16x1024xf32, #tpu.memory_space<vmem>> -> memref<1x16x1024xf32, #tpu.memory_space<vmem>>
    %dma_wait3A_1661 = tpu.memref_squeeze %dma_wait3A_1660 : memref<1x16x1024xf32, #tpu.memory_space<vmem>> -> memref<16x1024xf32, #tpu.memory_space<vmem>>
    %dma_wait3A_1662 = arith.constant 0 : i32
    %dma_wait3A_1663 = tpu.memref_slice %arg2[%add3A_1497, %dma_wait3A_1662] : memref<16384x1024xf32, #tpu.memory_space<hbm>> -> memref<16x1024xf32, #tpu.memory_space<hbm>>
    %dma_wait3A_1664 = arith.constant 0 : i32
    %dma_wait3A_1665 = arith.constant 0 : i32
    %dma_wait3A_1666 = tpu.memref_slice %arg6[%dma_wait3A_1657, %dma_wait3A_1664, %dma_wait3A_1665] : memref<5x16x1024xf32, #tpu.memory_space<vmem>> -> memref<1x16x1024xf32, #tpu.memory_space<vmem>>
    %dma_wait3A_1667 = tpu.memref_squeeze %dma_wait3A_1666 : memref<1x16x1024xf32, #tpu.memory_space<vmem>> -> memref<16x1024xf32, #tpu.memory_space<vmem>>
    %dma_wait3A_1668 = arith.constant 0 : i32
    %dma_wait3A_1669 = tpu.memref_slice %arg2[%add3A_1497, %dma_wait3A_1668] : memref<16384x1024xf32, #tpu.memory_space<hbm>> -> memref<16x1024xf32, #tpu.memory_space<hbm>>
    tpu.wait_dma2 semaphore(%arg8 : memref<!tpu.dma_semaphore, #tpu.memory_space<semaphore_mem>>) src(%dma_wait3A_1669 : memref<16x1024xf32, #tpu.memory_space<hbm>>) dst(%dma_wait3A_1667 : memref<16x1024xf32, #tpu.memory_space<vmem>>)
    %dma_wait3A_1670 = arith.constant 1 : i32
    %dma_wait3A_1671 = arith.constant 0 : i32
    %dma_wait3A_1672 = arith.constant 0 : i32
    %dma_wait3A_1673 = tpu.memref_slice %arg6[%dma_wait3A_1670, %dma_wait3A_1671, %dma_wait3A_1672] : memref<5x16x1024xf32, #tpu.memory_space<vmem>> -> memref<1x16x1024xf32, #tpu.memory_space<vmem>>
    %dma_wait3A_1674 = tpu.memref_squeeze %dma_wait3A_1673 : memref<1x16x1024xf32, #tpu.memory_space<vmem>> -> memref<16x1024xf32, #tpu.memory_space<vmem>>
    %dma_wait3A_1675 = arith.constant 0 : i32
    %dma_wait3A_1676 = tpu.memref_slice %arg4[%add3A_1580, %dma_wait3A_1675] : memref<16384x1024xf32, #tpu.memory_space<hbm>> -> memref<16x1024xf32, #tpu.memory_space<hbm>>
    %dma_wait3A_1677 = arith.constant 0 : i32
    %dma_wait3A_1678 = tpu.memref_slice %arg4[%add3A_1580, %dma_wait3A_1677] : memref<16384x1024xf32, #tpu.memory_space<hbm>> -> memref<16x1024xf32, #tpu.memory_space<hbm>>
    %dma_wait3A_1679 = arith.constant 0 : i32
    %dma_wait3A_1680 = arith.constant 0 : i32
    %dma_wait3A_1681 = tpu.memref_slice %arg6[%dma_wait3A_1670, %dma_wait3A_1679, %dma_wait3A_1680] : memref<5x16x1024xf32, #tpu.memory_space<vmem>> -> memref<1x16x1024xf32, #tpu.memory_space<vmem>>
    %dma_wait3A_1682 = tpu.memref_squeeze %dma_wait3A_1681 : memref<1x16x1024xf32, #tpu.memory_space<vmem>> -> memref<16x1024xf32, #tpu.memory_space<vmem>>
    tpu.wait_dma2 semaphore(%arg9 : memref<!tpu.dma_semaphore, #tpu.memory_space<semaphore_mem>>) src(%dma_wait3A_1682 : memref<16x1024xf32, #tpu.memory_space<vmem>>) dst(%dma_wait3A_1678 : memref<16x1024xf32, #tpu.memory_space<hbm>>)
    %add3A_1683 = arith.constant 8192 : i32
    %add3A_1684 = arith.addi %add3A_1683, %mul3A_2 : i32
    %add3A_1685 = arith.constant 96 : i32
    %add3A_1686 = arith.addi %add3A_1684, %add3A_1685 : i32
    %dma_start3A_1687 = arith.constant 1 : i32
    %dma_start3A_1688 = arith.constant 0 : i32
    %dma_start3A_1689 = arith.constant 0 : i32
    %dma_start3A_1690 = tpu.memref_slice %arg6[%dma_start3A_1687, %dma_start3A_1688, %dma_start3A_1689] : memref<5x16x1024xf32, #tpu.memory_space<vmem>> -> memref<1x16x1024xf32, #tpu.memory_space<vmem>>
    %dma_start3A_1691 = tpu.memref_squeeze %dma_start3A_1690 : memref<1x16x1024xf32, #tpu.memory_space<vmem>> -> memref<16x1024xf32, #tpu.memory_space<vmem>>
    %dma_start3A_1692 = arith.constant 0 : i32
    %dma_start3A_1693 = tpu.memref_slice %arg2[%add3A_1686, %dma_start3A_1692] : memref<16384x1024xf32, #tpu.memory_space<hbm>> -> memref<16x1024xf32, #tpu.memory_space<hbm>>
    %dma_start3A_1694 = arith.constant 0 : i32
    %dma_start3A_1695 = arith.constant 0 : i32
    %dma_start3A_1696 = tpu.memref_slice %arg6[%dma_start3A_1687, %dma_start3A_1694, %dma_start3A_1695] : memref<5x16x1024xf32, #tpu.memory_space<vmem>> -> memref<1x16x1024xf32, #tpu.memory_space<vmem>>
    %dma_start3A_1697 = tpu.memref_squeeze %dma_start3A_1696 : memref<1x16x1024xf32, #tpu.memory_space<vmem>> -> memref<16x1024xf32, #tpu.memory_space<vmem>>
    %dma_start3A_1698 = arith.constant 0 : i32
    %dma_start3A_1699 = tpu.memref_slice %arg2[%add3A_1686, %dma_start3A_1698] : memref<16384x1024xf32, #tpu.memory_space<hbm>> -> memref<16x1024xf32, #tpu.memory_space<hbm>>
    tpu.enqueue_dma source(%dma_start3A_1699 : memref<16x1024xf32, #tpu.memory_space<hbm>>) target(%dma_start3A_1697 : memref<16x1024xf32, #tpu.memory_space<vmem>>) target_semaphore(%arg8 : memref<!tpu.dma_semaphore, #tpu.memory_space<semaphore_mem>>)
    %parallel_loop3A_1700 = arith.constant 0 : i32
    %parallel_loop3A_1701 = arith.constant 16384 : i32
    %parallel_loop3A_1702 = arith.constant 16 : i32
    scf.for %parallel_loop3A_2240 = %parallel_loop3A_1700 to %parallel_loop3A_1701 step %parallel_loop3A_1702  : i32 {
      %parallel_loop3A_2241 = arith.constant 10 : i32
      %parallel_loop3A_2242 = arith.shrsi %parallel_loop3A_2240, %parallel_loop3A_2241 : i32
      %parallel_loop3A_2243 = arith.constant 1023 : i32
      %parallel_loop3A_2244 = arith.andi %parallel_loop3A_2240, %parallel_loop3A_2243 : i32
      %parallel_loop3A_2245 = tpu.assume_multiple %parallel_loop3A_2244, 16 : i32
      %parallel_loop3A_2246 = arith.constant 3 : i32
      %parallel_loop3A_2247 = arith.index_cast %parallel_loop3A_2246 : i32 to index
      %parallel_loop3A_2248 = arith.index_cast %parallel_loop3A_2242 : i32 to index
      %parallel_loop3A_2249 = arith.index_cast %parallel_loop3A_2245 : i32 to index
      %parallel_loop3A_2250 = tpu.vector_load %arg6[%parallel_loop3A_2247, %parallel_loop3A_2248, %parallel_loop3A_2249] {strides = array<i32>} : memref<5x16x1024xf32, #tpu.memory_space<vmem>>, vector<1x1x16xf32>,
      %parallel_loop3A_2251 = vector.shape_cast %parallel_loop3A_2250 : vector<1x1x16xf32> to vector<16xf32>
      %parallel_loop3A_2252 = arith.constant 1 : i32
      %parallel_loop3A_2253 = arith.index_cast %parallel_loop3A_2252 : i32 to index
      %parallel_loop3A_2254 = arith.index_cast %parallel_loop3A_2242 : i32 to index
      %parallel_loop3A_2255 = arith.index_cast %parallel_loop3A_2245 : i32 to index
      %parallel_loop3A_2256 = tpu.vector_load %arg5[%parallel_loop3A_2253, %parallel_loop3A_2254, %parallel_loop3A_2255] {strides = array<i32>} : memref<2x16x1024xf32, #tpu.memory_space<vmem>>, vector<1x1x16xf32>,
      %parallel_loop3A_2257 = vector.shape_cast %parallel_loop3A_2256 : vector<1x1x16xf32> to vector<16xf32>
      %parallel_loop3A_2258 = arith.addf %parallel_loop3A_2251, %parallel_loop3A_2257 : vector<16xf32>
      %parallel_loop3A_2259 = arith.constant 3 : i32
      %parallel_loop3A_2260 = arith.index_cast %parallel_loop3A_2259 : i32 to index
      %parallel_loop3A_2261 = arith.index_cast %parallel_loop3A_2242 : i32 to index
      %parallel_loop3A_2262 = arith.index_cast %parallel_loop3A_2245 : i32 to index
      %parallel_loop3A_2263 = tpu.vector_load %arg6[%parallel_loop3A_2260, %parallel_loop3A_2261, %parallel_loop3A_2262] {strides = array<i32>} : memref<5x16x1024xf32, #tpu.memory_space<vmem>>, vector<1x1x16xf32>,
      %parallel_loop3A_2264 = vector.shape_cast %parallel_loop3A_2263 : vector<1x1x16xf32> to vector<16xf32>
      %parallel_loop3A_2265 = vector.shape_cast %parallel_loop3A_2258 : vector<16xf32> to vector<1x1x16xf32>
      tpu.vector_store %arg6[%parallel_loop3A_2260, %parallel_loop3A_2261, %parallel_loop3A_2262], %parallel_loop3A_2265 {strides = array<i32>} : memref<5x16x1024xf32, #tpu.memory_space<vmem>>, vector<1x1x16xf32>,
    } {sc.loop_unroll_factor = 8 : i64, sc.parallel_access}
    %add3A_1703 = arith.constant 12288 : i32
    %add3A_1704 = arith.addi %add3A_1703, %mul3A_2 : i32
    %add3A_1705 = arith.constant 80 : i32
    %add3A_1706 = arith.addi %add3A_1704, %add3A_1705 : i32
    %dma_start3A_1707 = arith.constant 3 : i32
    %dma_start3A_1708 = arith.constant 0 : i32
    %dma_start3A_1709 = arith.constant 0 : i32
    %dma_start3A_1710 = tpu.memref_slice %arg6[%dma_start3A_1707, %dma_start3A_1708, %dma_start3A_1709] : memref<5x16x1024xf32, #tpu.memory_space<vmem>> -> memref<1x16x1024xf32, #tpu.memory_space<vmem>>
    %dma_start3A_1711 = tpu.memref_squeeze %dma_start3A_1710 : memref<1x16x1024xf32, #tpu.memory_space<vmem>> -> memref<16x1024xf32, #tpu.memory_space<vmem>>
    %dma_start3A_1712 = arith.constant 0 : i32
    %dma_start3A_1713 = tpu.memref_slice %arg4[%add3A_1706, %dma_start3A_1712] : memref<16384x1024xf32, #tpu.memory_space<hbm>> -> memref<16x1024xf32, #tpu.memory_space<hbm>>
    %dma_start3A_1714 = arith.constant 0 : i32
    %dma_start3A_1715 = tpu.memref_slice %arg4[%add3A_1706, %dma_start3A_1714] : memref<16384x1024xf32, #tpu.memory_space<hbm>> -> memref<16x1024xf32, #tpu.memory_space<hbm>>
    %dma_start3A_1716 = arith.constant 0 : i32
    %dma_start3A_1717 = arith.constant 0 : i32
    %dma_start3A_1718 = tpu.memref_slice %arg6[%dma_start3A_1707, %dma_start3A_1716, %dma_start3A_1717] : memref<5x16x1024xf32, #tpu.memory_space<vmem>> -> memref<1x16x1024xf32, #tpu.memory_space<vmem>>
    %dma_start3A_1719 = tpu.memref_squeeze %dma_start3A_1718 : memref<1x16x1024xf32, #tpu.memory_space<vmem>> -> memref<16x1024xf32, #tpu.memory_space<vmem>>
    tpu.enqueue_dma source(%dma_start3A_1719 : memref<16x1024xf32, #tpu.memory_space<vmem>>) target(%dma_start3A_1715 : memref<16x1024xf32, #tpu.memory_space<hbm>>) target_semaphore(%arg9 : memref<!tpu.dma_semaphore, #tpu.memory_space<semaphore_mem>>)
    %add3A_1720 = arith.constant 112 : i32
    %add3A_1721 = arith.addi %mul3A_2, %add3A_1720 : i32
    %dma_start3A_1722 = arith.constant 1 : i32
    %dma_start3A_1723 = arith.constant 0 : i32
    %dma_start3A_1724 = arith.constant 0 : i32
    %dma_start3A_1725 = tpu.memref_slice %arg5[%dma_start3A_1722, %dma_start3A_1723, %dma_start3A_1724] : memref<2x16x1024xf32, #tpu.memory_space<vmem>> -> memref<1x16x1024xf32, #tpu.memory_space<vmem>>
    %dma_start3A_1726 = tpu.memref_squeeze %dma_start3A_1725 : memref<1x16x1024xf32, #tpu.memory_space<vmem>> -> memref<16x1024xf32, #tpu.memory_space<vmem>>
    %dma_start3A_1727 = arith.constant 0 : i32
    %dma_start3A_1728 = tpu.memref_slice %arg3[%add3A_1721, %dma_start3A_1727] : memref<4096x1024xf32, #tpu.memory_space<hbm>> -> memref<16x1024xf32, #tpu.memory_space<hbm>>
    %dma_start3A_1729 = arith.constant 0 : i32
    %dma_start3A_1730 = arith.constant 0 : i32
    %dma_start3A_1731 = tpu.memref_slice %arg5[%dma_start3A_1722, %dma_start3A_1729, %dma_start3A_1730] : memref<2x16x1024xf32, #tpu.memory_space<vmem>> -> memref<1x16x1024xf32, #tpu.memory_space<vmem>>
    %dma_start3A_1732 = tpu.memref_squeeze %dma_start3A_1731 : memref<1x16x1024xf32, #tpu.memory_space<vmem>> -> memref<16x1024xf32, #tpu.memory_space<vmem>>
    %dma_start3A_1733 = arith.constant 0 : i32
    %dma_start3A_1734 = tpu.memref_slice %arg3[%add3A_1721, %dma_start3A_1733] : memref<4096x1024xf32, #tpu.memory_space<hbm>> -> memref<16x1024xf32, #tpu.memory_space<hbm>>
    tpu.enqueue_dma source(%dma_start3A_1734 : memref<16x1024xf32, #tpu.memory_space<hbm>>) target(%dma_start3A_1732 : memref<16x1024xf32, #tpu.memory_space<vmem>>) target_semaphore(%arg7 : memref<!tpu.dma_semaphore, #tpu.memory_space<semaphore_mem>>)
    %dma_wait3A_1735 = arith.constant 4 : i32
    %dma_wait3A_1736 = arith.constant 0 : i32
    %dma_wait3A_1737 = arith.constant 0 : i32
    %dma_wait3A_1738 = tpu.memref_slice %arg6[%dma_wait3A_1735, %dma_wait3A_1736, %dma_wait3A_1737] : memref<5x16x1024xf32, #tpu.memory_space<vmem>> -> memref<1x16x1024xf32, #tpu.memory_space<vmem>>
    %dma_wait3A_1739 = tpu.memref_squeeze %dma_wait3A_1738 : memref<1x16x1024xf32, #tpu.memory_space<vmem>> -> memref<16x1024xf32, #tpu.memory_space<vmem>>
    %dma_wait3A_1740 = arith.constant 0 : i32
    %dma_wait3A_1741 = tpu.memref_slice %arg2[%add3A_1560, %dma_wait3A_1740] : memref<16384x1024xf32, #tpu.memory_space<hbm>> -> memref<16x1024xf32, #tpu.memory_space<hbm>>
    %dma_wait3A_1742 = arith.constant 0 : i32
    %dma_wait3A_1743 = arith.constant 0 : i32
    %dma_wait3A_1744 = tpu.memref_slice %arg6[%dma_wait3A_1735, %dma_wait3A_1742, %dma_wait3A_1743] : memref<5x16x1024xf32, #tpu.memory_space<vmem>> -> memref<1x16x1024xf32, #tpu.memory_space<vmem>>
    %dma_wait3A_1745 = tpu.memref_squeeze %dma_wait3A_1744 : memref<1x16x1024xf32, #tpu.memory_space<vmem>> -> memref<16x1024xf32, #tpu.memory_space<vmem>>
    %dma_wait3A_1746 = arith.constant 0 : i32
    %dma_wait3A_1747 = tpu.memref_slice %arg2[%add3A_1560, %dma_wait3A_1746] : memref<16384x1024xf32, #tpu.memory_space<hbm>> -> memref<16x1024xf32, #tpu.memory_space<hbm>>
    tpu.wait_dma2 semaphore(%arg8 : memref<!tpu.dma_semaphore, #tpu.memory_space<semaphore_mem>>) src(%dma_wait3A_1747 : memref<16x1024xf32, #tpu.memory_space<hbm>>) dst(%dma_wait3A_1745 : memref<16x1024xf32, #tpu.memory_space<vmem>>)
    %dma_wait3A_1748 = arith.constant 0 : i32
    %dma_wait3A_1749 = arith.constant 0 : i32
    %dma_wait3A_1750 = arith.constant 0 : i32
    %dma_wait3A_1751 = tpu.memref_slice %arg5[%dma_wait3A_1748, %dma_wait3A_1749, %dma_wait3A_1750] : memref<2x16x1024xf32, #tpu.memory_space<vmem>> -> memref<1x16x1024xf32, #tpu.memory_space<vmem>>
    %dma_wait3A_1752 = tpu.memref_squeeze %dma_wait3A_1751 : memref<1x16x1024xf32, #tpu.memory_space<vmem>> -> memref<16x1024xf32, #tpu.memory_space<vmem>>
    %dma_wait3A_1753 = arith.constant 0 : i32
    %dma_wait3A_1754 = tpu.memref_slice %arg3[%add3A_1441, %dma_wait3A_1753] : memref<4096x1024xf32, #tpu.memory_space<hbm>> -> memref<16x1024xf32, #tpu.memory_space<hbm>>
    %dma_wait3A_1755 = arith.constant 0 : i32
    %dma_wait3A_1756 = arith.constant 0 : i32
    %dma_wait3A_1757 = tpu.memref_slice %arg5[%dma_wait3A_1748, %dma_wait3A_1755, %dma_wait3A_1756] : memref<2x16x1024xf32, #tpu.memory_space<vmem>> -> memref<1x16x1024xf32, #tpu.memory_space<vmem>>
    %dma_wait3A_1758 = tpu.memref_squeeze %dma_wait3A_1757 : memref<1x16x1024xf32, #tpu.memory_space<vmem>> -> memref<16x1024xf32, #tpu.memory_space<vmem>>
    %dma_wait3A_1759 = arith.constant 0 : i32
    %dma_wait3A_1760 = tpu.memref_slice %arg3[%add3A_1441, %dma_wait3A_1759] : memref<4096x1024xf32, #tpu.memory_space<hbm>> -> memref<16x1024xf32, #tpu.memory_space<hbm>>
    tpu.wait_dma2 semaphore(%arg7 : memref<!tpu.dma_semaphore, #tpu.memory_space<semaphore_mem>>) src(%dma_wait3A_1760 : memref<16x1024xf32, #tpu.memory_space<hbm>>) dst(%dma_wait3A_1758 : memref<16x1024xf32, #tpu.memory_space<vmem>>)
    %dma_wait3A_1761 = arith.constant 2 : i32
    %dma_wait3A_1762 = arith.constant 0 : i32
    %dma_wait3A_1763 = arith.constant 0 : i32
    %dma_wait3A_1764 = tpu.memref_slice %arg6[%dma_wait3A_1761, %dma_wait3A_1762, %dma_wait3A_1763] : memref<5x16x1024xf32, #tpu.memory_space<vmem>> -> memref<1x16x1024xf32, #tpu.memory_space<vmem>>
    %dma_wait3A_1765 = tpu.memref_squeeze %dma_wait3A_1764 : memref<1x16x1024xf32, #tpu.memory_space<vmem>> -> memref<16x1024xf32, #tpu.memory_space<vmem>>
    %dma_wait3A_1766 = arith.constant 0 : i32
    %dma_wait3A_1767 = tpu.memref_slice %arg4[%add3A_1643, %dma_wait3A_1766] : memref<16384x1024xf32, #tpu.memory_space<hbm>> -> memref<16x1024xf32, #tpu.memory_space<hbm>>
    %dma_wait3A_1768 = arith.constant 0 : i32
    %dma_wait3A_1769 = tpu.memref_slice %arg4[%add3A_1643, %dma_wait3A_1768] : memref<16384x1024xf32, #tpu.memory_space<hbm>> -> memref<16x1024xf32, #tpu.memory_space<hbm>>
    %dma_wait3A_1770 = arith.constant 0 : i32
    %dma_wait3A_1771 = arith.constant 0 : i32
    %dma_wait3A_1772 = tpu.memref_slice %arg6[%dma_wait3A_1761, %dma_wait3A_1770, %dma_wait3A_1771] : memref<5x16x1024xf32, #tpu.memory_space<vmem>> -> memref<1x16x1024xf32, #tpu.memory_space<vmem>>
    %dma_wait3A_1773 = tpu.memref_squeeze %dma_wait3A_1772 : memref<1x16x1024xf32, #tpu.memory_space<vmem>> -> memref<16x1024xf32, #tpu.memory_space<vmem>>
    tpu.wait_dma2 semaphore(%arg9 : memref<!tpu.dma_semaphore, #tpu.memory_space<semaphore_mem>>) src(%dma_wait3A_1773 : memref<16x1024xf32, #tpu.memory_space<vmem>>) dst(%dma_wait3A_1769 : memref<16x1024xf32, #tpu.memory_space<hbm>>)
    %add3A_1774 = arith.constant 12288 : i32
    %add3A_1775 = arith.addi %add3A_1774, %mul3A_2 : i32
    %add3A_1776 = arith.constant 96 : i32
    %add3A_1777 = arith.addi %add3A_1775, %add3A_1776 : i32
    %dma_start3A_1778 = arith.constant 2 : i32
    %dma_start3A_1779 = arith.constant 0 : i32
    %dma_start3A_1780 = arith.constant 0 : i32
    %dma_start3A_1781 = tpu.memref_slice %arg6[%dma_start3A_1778, %dma_start3A_1779, %dma_start3A_1780] : memref<5x16x1024xf32, #tpu.memory_space<vmem>> -> memref<1x16x1024xf32, #tpu.memory_space<vmem>>
    %dma_start3A_1782 = tpu.memref_squeeze %dma_start3A_1781 : memref<1x16x1024xf32, #tpu.memory_space<vmem>> -> memref<16x1024xf32, #tpu.memory_space<vmem>>
    %dma_start3A_1783 = arith.constant 0 : i32
    %dma_start3A_1784 = tpu.memref_slice %arg2[%add3A_1777, %dma_start3A_1783] : memref<16384x1024xf32, #tpu.memory_space<hbm>> -> memref<16x1024xf32, #tpu.memory_space<hbm>>
    %dma_start3A_1785 = arith.constant 0 : i32
    %dma_start3A_1786 = arith.constant 0 : i32
    %dma_start3A_1787 = tpu.memref_slice %arg6[%dma_start3A_1778, %dma_start3A_1785, %dma_start3A_1786] : memref<5x16x1024xf32, #tpu.memory_space<vmem>> -> memref<1x16x1024xf32, #tpu.memory_space<vmem>>
    %dma_start3A_1788 = tpu.memref_squeeze %dma_start3A_1787 : memref<1x16x1024xf32, #tpu.memory_space<vmem>> -> memref<16x1024xf32, #tpu.memory_space<vmem>>
    %dma_start3A_1789 = arith.constant 0 : i32
    %dma_start3A_1790 = tpu.memref_slice %arg2[%add3A_1777, %dma_start3A_1789] : memref<16384x1024xf32, #tpu.memory_space<hbm>> -> memref<16x1024xf32, #tpu.memory_space<hbm>>
    tpu.enqueue_dma source(%dma_start3A_1790 : memref<16x1024xf32, #tpu.memory_space<hbm>>) target(%dma_start3A_1788 : memref<16x1024xf32, #tpu.memory_space<vmem>>) target_semaphore(%arg8 : memref<!tpu.dma_semaphore, #tpu.memory_space<semaphore_mem>>)
    %parallel_loop3A_1791 = arith.constant 0 : i32
    %parallel_loop3A_1792 = arith.constant 16384 : i32
    %parallel_loop3A_1793 = arith.constant 16 : i32
    scf.for %parallel_loop3A_2240 = %parallel_loop3A_1791 to %parallel_loop3A_1792 step %parallel_loop3A_1793  : i32 {
      %parallel_loop3A_2241 = arith.constant 10 : i32
      %parallel_loop3A_2242 = arith.shrsi %parallel_loop3A_2240, %parallel_loop3A_2241 : i32
      %parallel_loop3A_2243 = arith.constant 1023 : i32
      %parallel_loop3A_2244 = arith.andi %parallel_loop3A_2240, %parallel_loop3A_2243 : i32
      %parallel_loop3A_2245 = tpu.assume_multiple %parallel_loop3A_2244, 16 : i32
      %parallel_loop3A_2246 = arith.constant 4 : i32
      %parallel_loop3A_2247 = arith.index_cast %parallel_loop3A_2246 : i32 to index
      %parallel_loop3A_2248 = arith.index_cast %parallel_loop3A_2242 : i32 to index
      %parallel_loop3A_2249 = arith.index_cast %parallel_loop3A_2245 : i32 to index
      %parallel_loop3A_2250 = tpu.vector_load %arg6[%parallel_loop3A_2247, %parallel_loop3A_2248, %parallel_loop3A_2249] {strides = array<i32>} : memref<5x16x1024xf32, #tpu.memory_space<vmem>>, vector<1x1x16xf32>,
      %parallel_loop3A_2251 = vector.shape_cast %parallel_loop3A_2250 : vector<1x1x16xf32> to vector<16xf32>
      %parallel_loop3A_2252 = arith.constant 0 : i32
      %parallel_loop3A_2253 = arith.index_cast %parallel_loop3A_2252 : i32 to index
      %parallel_loop3A_2254 = arith.index_cast %parallel_loop3A_2242 : i32 to index
      %parallel_loop3A_2255 = arith.index_cast %parallel_loop3A_2245 : i32 to index
      %parallel_loop3A_2256 = tpu.vector_load %arg5[%parallel_loop3A_2253, %parallel_loop3A_2254, %parallel_loop3A_2255] {strides = array<i32>} : memref<2x16x1024xf32, #tpu.memory_space<vmem>>, vector<1x1x16xf32>,
      %parallel_loop3A_2257 = vector.shape_cast %parallel_loop3A_2256 : vector<1x1x16xf32> to vector<16xf32>
      %parallel_loop3A_2258 = arith.addf %parallel_loop3A_2251, %parallel_loop3A_2257 : vector<16xf32>
      %parallel_loop3A_2259 = arith.constant 4 : i32
      %parallel_loop3A_2260 = arith.index_cast %parallel_loop3A_2259 : i32 to index
      %parallel_loop3A_2261 = arith.index_cast %parallel_loop3A_2242 : i32 to index
      %parallel_loop3A_2262 = arith.index_cast %parallel_loop3A_2245 : i32 to index
      %parallel_loop3A_2263 = tpu.vector_load %arg6[%parallel_loop3A_2260, %parallel_loop3A_2261, %parallel_loop3A_2262] {strides = array<i32>} : memref<5x16x1024xf32, #tpu.memory_space<vmem>>, vector<1x1x16xf32>,
      %parallel_loop3A_2264 = vector.shape_cast %parallel_loop3A_2263 : vector<1x1x16xf32> to vector<16xf32>
      %parallel_loop3A_2265 = vector.shape_cast %parallel_loop3A_2258 : vector<16xf32> to vector<1x1x16xf32>
      tpu.vector_store %arg6[%parallel_loop3A_2260, %parallel_loop3A_2261, %parallel_loop3A_2262], %parallel_loop3A_2265 {strides = array<i32>} : memref<5x16x1024xf32, #tpu.memory_space<vmem>>, vector<1x1x16xf32>,
    } {sc.loop_unroll_factor = 8 : i64, sc.parallel_access}
    %add3A_1794 = arith.constant 0 : i32
    %add3A_1795 = arith.addi %add3A_1794, %mul3A_2 : i32
    %add3A_1796 = arith.constant 96 : i32
    %add3A_1797 = arith.addi %add3A_1795, %add3A_1796 : i32
    %dma_start3A_1798 = arith.constant 4 : i32
    %dma_start3A_1799 = arith.constant 0 : i32
    %dma_start3A_1800 = arith.constant 0 : i32
    %dma_start3A_1801 = tpu.memref_slice %arg6[%dma_start3A_1798, %dma_start3A_1799, %dma_start3A_1800] : memref<5x16x1024xf32, #tpu.memory_space<vmem>> -> memref<1x16x1024xf32, #tpu.memory_space<vmem>>
    %dma_start3A_1802 = tpu.memref_squeeze %dma_start3A_1801 : memref<1x16x1024xf32, #tpu.memory_space<vmem>> -> memref<16x1024xf32, #tpu.memory_space<vmem>>
    %dma_start3A_1803 = arith.constant 0 : i32
    %dma_start3A_1804 = tpu.memref_slice %arg4[%add3A_1797, %dma_start3A_1803] : memref<16384x1024xf32, #tpu.memory_space<hbm>> -> memref<16x1024xf32, #tpu.memory_space<hbm>>
    %dma_start3A_1805 = arith.constant 0 : i32
    %dma_start3A_1806 = tpu.memref_slice %arg4[%add3A_1797, %dma_start3A_1805] : memref<16384x1024xf32, #tpu.memory_space<hbm>> -> memref<16x1024xf32, #tpu.memory_space<hbm>>
    %dma_start3A_1807 = arith.constant 0 : i32
    %dma_start3A_1808 = arith.constant 0 : i32
    %dma_start3A_1809 = tpu.memref_slice %arg6[%dma_start3A_1798, %dma_start3A_1807, %dma_start3A_1808] : memref<5x16x1024xf32, #tpu.memory_space<vmem>> -> memref<1x16x1024xf32, #tpu.memory_space<vmem>>
    %dma_start3A_1810 = tpu.memref_squeeze %dma_start3A_1809 : memref<1x16x1024xf32, #tpu.memory_space<vmem>> -> memref<16x1024xf32, #tpu.memory_space<vmem>>
    tpu.enqueue_dma source(%dma_start3A_1810 : memref<16x1024xf32, #tpu.memory_space<vmem>>) target(%dma_start3A_1806 : memref<16x1024xf32, #tpu.memory_space<hbm>>) target_semaphore(%arg9 : memref<!tpu.dma_semaphore, #tpu.memory_space<semaphore_mem>>)
    %dma_wait3A_1811 = arith.constant 0 : i32
    %dma_wait3A_1812 = arith.constant 0 : i32
    %dma_wait3A_1813 = arith.constant 0 : i32
    %dma_wait3A_1814 = tpu.memref_slice %arg6[%dma_wait3A_1811, %dma_wait3A_1812, %dma_wait3A_1813] : memref<5x16x1024xf32, #tpu.memory_space<vmem>> -> memref<1x16x1024xf32, #tpu.memory_space<vmem>>
    %dma_wait3A_1815 = tpu.memref_squeeze %dma_wait3A_1814 : memref<1x16x1024xf32, #tpu.memory_space<vmem>> -> memref<16x1024xf32, #tpu.memory_space<vmem>>
    %dma_wait3A_1816 = arith.constant 0 : i32
    %dma_wait3A_1817 = tpu.memref_slice %arg2[%add3A_1623, %dma_wait3A_1816] : memref<16384x1024xf32, #tpu.memory_space<hbm>> -> memref<16x1024xf32, #tpu.memory_space<hbm>>
    %dma_wait3A_1818 = arith.constant 0 : i32
    %dma_wait3A_1819 = arith.constant 0 : i32
    %dma_wait3A_1820 = tpu.memref_slice %arg6[%dma_wait3A_1811, %dma_wait3A_1818, %dma_wait3A_1819] : memref<5x16x1024xf32, #tpu.memory_space<vmem>> -> memref<1x16x1024xf32, #tpu.memory_space<vmem>>
    %dma_wait3A_1821 = tpu.memref_squeeze %dma_wait3A_1820 : memref<1x16x1024xf32, #tpu.memory_space<vmem>> -> memref<16x1024xf32, #tpu.memory_space<vmem>>
    %dma_wait3A_1822 = arith.constant 0 : i32
    %dma_wait3A_1823 = tpu.memref_slice %arg2[%add3A_1623, %dma_wait3A_1822] : memref<16384x1024xf32, #tpu.memory_space<hbm>> -> memref<16x1024xf32, #tpu.memory_space<hbm>>
    tpu.wait_dma2 semaphore(%arg8 : memref<!tpu.dma_semaphore, #tpu.memory_space<semaphore_mem>>) src(%dma_wait3A_1823 : memref<16x1024xf32, #tpu.memory_space<hbm>>) dst(%dma_wait3A_1821 : memref<16x1024xf32, #tpu.memory_space<vmem>>)
    %dma_wait3A_1824 = arith.constant 3 : i32
    %dma_wait3A_1825 = arith.constant 0 : i32
    %dma_wait3A_1826 = arith.constant 0 : i32
    %dma_wait3A_1827 = tpu.memref_slice %arg6[%dma_wait3A_1824, %dma_wait3A_1825, %dma_wait3A_1826] : memref<5x16x1024xf32, #tpu.memory_space<vmem>> -> memref<1x16x1024xf32, #tpu.memory_space<vmem>>
    %dma_wait3A_1828 = tpu.memref_squeeze %dma_wait3A_1827 : memref<1x16x1024xf32, #tpu.memory_space<vmem>> -> memref<16x1024xf32, #tpu.memory_space<vmem>>
    %dma_wait3A_1829 = arith.constant 0 : i32
    %dma_wait3A_1830 = tpu.memref_slice %arg4[%add3A_1706, %dma_wait3A_1829] : memref<16384x1024xf32, #tpu.memory_space<hbm>> -> memref<16x1024xf32, #tpu.memory_space<hbm>>
    %dma_wait3A_1831 = arith.constant 0 : i32
    %dma_wait3A_1832 = tpu.memref_slice %arg4[%add3A_1706, %dma_wait3A_1831] : memref<16384x1024xf32, #tpu.memory_space<hbm>> -> memref<16x1024xf32, #tpu.memory_space<hbm>>
    %dma_wait3A_1833 = arith.constant 0 : i32
    %dma_wait3A_1834 = arith.constant 0 : i32
    %dma_wait3A_1835 = tpu.memref_slice %arg6[%dma_wait3A_1824, %dma_wait3A_1833, %dma_wait3A_1834] : memref<5x16x1024xf32, #tpu.memory_space<vmem>> -> memref<1x16x1024xf32, #tpu.memory_space<vmem>>
    %dma_wait3A_1836 = tpu.memref_squeeze %dma_wait3A_1835 : memref<1x16x1024xf32, #tpu.memory_space<vmem>> -> memref<16x1024xf32, #tpu.memory_space<vmem>>
    tpu.wait_dma2 semaphore(%arg9 : memref<!tpu.dma_semaphore, #tpu.memory_space<semaphore_mem>>) src(%dma_wait3A_1836 : memref<16x1024xf32, #tpu.memory_space<vmem>>) dst(%dma_wait3A_1832 : memref<16x1024xf32, #tpu.memory_space<hbm>>)
    %add3A_1837 = arith.constant 0 : i32
    %add3A_1838 = arith.addi %add3A_1837, %mul3A_2 : i32
    %add3A_1839 = arith.constant 112 : i32
    %add3A_1840 = arith.addi %add3A_1838, %add3A_1839 : i32
    %dma_start3A_1841 = arith.constant 3 : i32
    %dma_start3A_1842 = arith.constant 0 : i32
    %dma_start3A_1843 = arith.constant 0 : i32
    %dma_start3A_1844 = tpu.memref_slice %arg6[%dma_start3A_1841, %dma_start3A_1842, %dma_start3A_1843] : memref<5x16x1024xf32, #tpu.memory_space<vmem>> -> memref<1x16x1024xf32, #tpu.memory_space<vmem>>
    %dma_start3A_1845 = tpu.memref_squeeze %dma_start3A_1844 : memref<1x16x1024xf32, #tpu.memory_space<vmem>> -> memref<16x1024xf32, #tpu.memory_space<vmem>>
    %dma_start3A_1846 = arith.constant 0 : i32
    %dma_start3A_1847 = tpu.memref_slice %arg2[%add3A_1840, %dma_start3A_1846] : memref<16384x1024xf32, #tpu.memory_space<hbm>> -> memref<16x1024xf32, #tpu.memory_space<hbm>>
    %dma_start3A_1848 = arith.constant 0 : i32
    %dma_start3A_1849 = arith.constant 0 : i32
    %dma_start3A_1850 = tpu.memref_slice %arg6[%dma_start3A_1841, %dma_start3A_1848, %dma_start3A_1849] : memref<5x16x1024xf32, #tpu.memory_space<vmem>> -> memref<1x16x1024xf32, #tpu.memory_space<vmem>>
    %dma_start3A_1851 = tpu.memref_squeeze %dma_start3A_1850 : memref<1x16x1024xf32, #tpu.memory_space<vmem>> -> memref<16x1024xf32, #tpu.memory_space<vmem>>
    %dma_start3A_1852 = arith.constant 0 : i32
    %dma_start3A_1853 = tpu.memref_slice %arg2[%add3A_1840, %dma_start3A_1852] : memref<16384x1024xf32, #tpu.memory_space<hbm>> -> memref<16x1024xf32, #tpu.memory_space<hbm>>
    tpu.enqueue_dma source(%dma_start3A_1853 : memref<16x1024xf32, #tpu.memory_space<hbm>>) target(%dma_start3A_1851 : memref<16x1024xf32, #tpu.memory_space<vmem>>) target_semaphore(%arg8 : memref<!tpu.dma_semaphore, #tpu.memory_space<semaphore_mem>>)
    %parallel_loop3A_1854 = arith.constant 0 : i32
    %parallel_loop3A_1855 = arith.constant 16384 : i32
    %parallel_loop3A_1856 = arith.constant 16 : i32
    scf.for %parallel_loop3A_2240 = %parallel_loop3A_1854 to %parallel_loop3A_1855 step %parallel_loop3A_1856  : i32 {
      %parallel_loop3A_2241 = arith.constant 10 : i32
      %parallel_loop3A_2242 = arith.shrsi %parallel_loop3A_2240, %parallel_loop3A_2241 : i32
      %parallel_loop3A_2243 = arith.constant 1023 : i32
      %parallel_loop3A_2244 = arith.andi %parallel_loop3A_2240, %parallel_loop3A_2243 : i32
      %parallel_loop3A_2245 = tpu.assume_multiple %parallel_loop3A_2244, 16 : i32
      %parallel_loop3A_2246 = arith.constant 0 : i32
      %parallel_loop3A_2247 = arith.index_cast %parallel_loop3A_2246 : i32 to index
      %parallel_loop3A_2248 = arith.index_cast %parallel_loop3A_2242 : i32 to index
      %parallel_loop3A_2249 = arith.index_cast %parallel_loop3A_2245 : i32 to index
      %parallel_loop3A_2250 = tpu.vector_load %arg6[%parallel_loop3A_2247, %parallel_loop3A_2248, %parallel_loop3A_2249] {strides = array<i32>} : memref<5x16x1024xf32, #tpu.memory_space<vmem>>, vector<1x1x16xf32>,
      %parallel_loop3A_2251 = vector.shape_cast %parallel_loop3A_2250 : vector<1x1x16xf32> to vector<16xf32>
      %parallel_loop3A_2252 = arith.constant 0 : i32
      %parallel_loop3A_2253 = arith.index_cast %parallel_loop3A_2252 : i32 to index
      %parallel_loop3A_2254 = arith.index_cast %parallel_loop3A_2242 : i32 to index
      %parallel_loop3A_2255 = arith.index_cast %parallel_loop3A_2245 : i32 to index
      %parallel_loop3A_2256 = tpu.vector_load %arg5[%parallel_loop3A_2253, %parallel_loop3A_2254, %parallel_loop3A_2255] {strides = array<i32>} : memref<2x16x1024xf32, #tpu.memory_space<vmem>>, vector<1x1x16xf32>,
      %parallel_loop3A_2257 = vector.shape_cast %parallel_loop3A_2256 : vector<1x1x16xf32> to vector<16xf32>
      %parallel_loop3A_2258 = arith.addf %parallel_loop3A_2251, %parallel_loop3A_2257 : vector<16xf32>
      %parallel_loop3A_2259 = arith.constant 0 : i32
      %parallel_loop3A_2260 = arith.index_cast %parallel_loop3A_2259 : i32 to index
      %parallel_loop3A_2261 = arith.index_cast %parallel_loop3A_2242 : i32 to index
      %parallel_loop3A_2262 = arith.index_cast %parallel_loop3A_2245 : i32 to index
      %parallel_loop3A_2263 = tpu.vector_load %arg6[%parallel_loop3A_2260, %parallel_loop3A_2261, %parallel_loop3A_2262] {strides = array<i32>} : memref<5x16x1024xf32, #tpu.memory_space<vmem>>, vector<1x1x16xf32>,
      %parallel_loop3A_2264 = vector.shape_cast %parallel_loop3A_2263 : vector<1x1x16xf32> to vector<16xf32>
      %parallel_loop3A_2265 = vector.shape_cast %parallel_loop3A_2258 : vector<16xf32> to vector<1x1x16xf32>
      tpu.vector_store %arg6[%parallel_loop3A_2260, %parallel_loop3A_2261, %parallel_loop3A_2262], %parallel_loop3A_2265 {strides = array<i32>} : memref<5x16x1024xf32, #tpu.memory_space<vmem>>, vector<1x1x16xf32>,
    } {sc.loop_unroll_factor = 8 : i64, sc.parallel_access}
    %add3A_1857 = arith.constant 4096 : i32
    %add3A_1858 = arith.addi %add3A_1857, %mul3A_2 : i32
    %add3A_1859 = arith.constant 96 : i32
    %add3A_1860 = arith.addi %add3A_1858, %add3A_1859 : i32
    %dma_start3A_1861 = arith.constant 0 : i32
    %dma_start3A_1862 = arith.constant 0 : i32
    %dma_start3A_1863 = arith.constant 0 : i32
    %dma_start3A_1864 = tpu.memref_slice %arg6[%dma_start3A_1861, %dma_start3A_1862, %dma_start3A_1863] : memref<5x16x1024xf32, #tpu.memory_space<vmem>> -> memref<1x16x1024xf32, #tpu.memory_space<vmem>>
    %dma_start3A_1865 = tpu.memref_squeeze %dma_start3A_1864 : memref<1x16x1024xf32, #tpu.memory_space<vmem>> -> memref<16x1024xf32, #tpu.memory_space<vmem>>
    %dma_start3A_1866 = arith.constant 0 : i32
    %dma_start3A_1867 = tpu.memref_slice %arg4[%add3A_1860, %dma_start3A_1866] : memref<16384x1024xf32, #tpu.memory_space<hbm>> -> memref<16x1024xf32, #tpu.memory_space<hbm>>
    %dma_start3A_1868 = arith.constant 0 : i32
    %dma_start3A_1869 = tpu.memref_slice %arg4[%add3A_1860, %dma_start3A_1868] : memref<16384x1024xf32, #tpu.memory_space<hbm>> -> memref<16x1024xf32, #tpu.memory_space<hbm>>
    %dma_start3A_1870 = arith.constant 0 : i32
    %dma_start3A_1871 = arith.constant 0 : i32
    %dma_start3A_1872 = tpu.memref_slice %arg6[%dma_start3A_1861, %dma_start3A_1870, %dma_start3A_1871] : memref<5x16x1024xf32, #tpu.memory_space<vmem>> -> memref<1x16x1024xf32, #tpu.memory_space<vmem>>
    %dma_start3A_1873 = tpu.memref_squeeze %dma_start3A_1872 : memref<1x16x1024xf32, #tpu.memory_space<vmem>> -> memref<16x1024xf32, #tpu.memory_space<vmem>>
    tpu.enqueue_dma source(%dma_start3A_1873 : memref<16x1024xf32, #tpu.memory_space<vmem>>) target(%dma_start3A_1869 : memref<16x1024xf32, #tpu.memory_space<hbm>>) target_semaphore(%arg9 : memref<!tpu.dma_semaphore, #tpu.memory_space<semaphore_mem>>)
    %dma_wait3A_1874 = arith.constant 1 : i32
    %dma_wait3A_1875 = arith.constant 0 : i32
    %dma_wait3A_1876 = arith.constant 0 : i32
    %dma_wait3A_1877 = tpu.memref_slice %arg6[%dma_wait3A_1874, %dma_wait3A_1875, %dma_wait3A_1876] : memref<5x16x1024xf32, #tpu.memory_space<vmem>> -> memref<1x16x1024xf32, #tpu.memory_space<vmem>>
    %dma_wait3A_1878 = tpu.memref_squeeze %dma_wait3A_1877 : memref<1x16x1024xf32, #tpu.memory_space<vmem>> -> memref<16x1024xf32, #tpu.memory_space<vmem>>
    %dma_wait3A_1879 = arith.constant 0 : i32
    %dma_wait3A_1880 = tpu.memref_slice %arg2[%add3A_1686, %dma_wait3A_1879] : memref<16384x1024xf32, #tpu.memory_space<hbm>> -> memref<16x1024xf32, #tpu.memory_space<hbm>>
    %dma_wait3A_1881 = arith.constant 0 : i32
    %dma_wait3A_1882 = arith.constant 0 : i32
    %dma_wait3A_1883 = tpu.memref_slice %arg6[%dma_wait3A_1874, %dma_wait3A_1881, %dma_wait3A_1882] : memref<5x16x1024xf32, #tpu.memory_space<vmem>> -> memref<1x16x1024xf32, #tpu.memory_space<vmem>>
    %dma_wait3A_1884 = tpu.memref_squeeze %dma_wait3A_1883 : memref<1x16x1024xf32, #tpu.memory_space<vmem>> -> memref<16x1024xf32, #tpu.memory_space<vmem>>
    %dma_wait3A_1885 = arith.constant 0 : i32
    %dma_wait3A_1886 = tpu.memref_slice %arg2[%add3A_1686, %dma_wait3A_1885] : memref<16384x1024xf32, #tpu.memory_space<hbm>> -> memref<16x1024xf32, #tpu.memory_space<hbm>>
    tpu.wait_dma2 semaphore(%arg8 : memref<!tpu.dma_semaphore, #tpu.memory_space<semaphore_mem>>) src(%dma_wait3A_1886 : memref<16x1024xf32, #tpu.memory_space<hbm>>) dst(%dma_wait3A_1884 : memref<16x1024xf32, #tpu.memory_space<vmem>>)
    %dma_wait3A_1887 = arith.constant 4 : i32
    %dma_wait3A_1888 = arith.constant 0 : i32
    %dma_wait3A_1889 = arith.constant 0 : i32
    %dma_wait3A_1890 = tpu.memref_slice %arg6[%dma_wait3A_1887, %dma_wait3A_1888, %dma_wait3A_1889] : memref<5x16x1024xf32, #tpu.memory_space<vmem>> -> memref<1x16x1024xf32, #tpu.memory_space<vmem>>
    %dma_wait3A_1891 = tpu.memref_squeeze %dma_wait3A_1890 : memref<1x16x1024xf32, #tpu.memory_space<vmem>> -> memref<16x1024xf32, #tpu.memory_space<vmem>>
    %dma_wait3A_1892 = arith.constant 0 : i32
    %dma_wait3A_1893 = tpu.memref_slice %arg4[%add3A_1797, %dma_wait3A_1892] : memref<16384x1024xf32, #tpu.memory_space<hbm>> -> memref<16x1024xf32, #tpu.memory_space<hbm>>
    %dma_wait3A_1894 = arith.constant 0 : i32
    %dma_wait3A_1895 = tpu.memref_slice %arg4[%add3A_1797, %dma_wait3A_1894] : memref<16384x1024xf32, #tpu.memory_space<hbm>> -> memref<16x1024xf32, #tpu.memory_space<hbm>>
    %dma_wait3A_1896 = arith.constant 0 : i32
    %dma_wait3A_1897 = arith.constant 0 : i32
    %dma_wait3A_1898 = tpu.memref_slice %arg6[%dma_wait3A_1887, %dma_wait3A_1896, %dma_wait3A_1897] : memref<5x16x1024xf32, #tpu.memory_space<vmem>> -> memref<1x16x1024xf32, #tpu.memory_space<vmem>>
    %dma_wait3A_1899 = tpu.memref_squeeze %dma_wait3A_1898 : memref<1x16x1024xf32, #tpu.memory_space<vmem>> -> memref<16x1024xf32, #tpu.memory_space<vmem>>
    tpu.wait_dma2 semaphore(%arg9 : memref<!tpu.dma_semaphore, #tpu.memory_space<semaphore_mem>>) src(%dma_wait3A_1899 : memref<16x1024xf32, #tpu.memory_space<vmem>>) dst(%dma_wait3A_1895 : memref<16x1024xf32, #tpu.memory_space<hbm>>)
    %add3A_1900 = arith.constant 4096 : i32
    %add3A_1901 = arith.addi %add3A_1900, %mul3A_2 : i32
    %add3A_1902 = arith.constant 112 : i32
    %add3A_1903 = arith.addi %add3A_1901, %add3A_1902 : i32
    %dma_start3A_1904 = arith.constant 4 : i32
    %dma_start3A_1905 = arith.constant 0 : i32
    %dma_start3A_1906 = arith.constant 0 : i32
    %dma_start3A_1907 = tpu.memref_slice %arg6[%dma_start3A_1904, %dma_start3A_1905, %dma_start3A_1906] : memref<5x16x1024xf32, #tpu.memory_space<vmem>> -> memref<1x16x1024xf32, #tpu.memory_space<vmem>>
    %dma_start3A_1908 = tpu.memref_squeeze %dma_start3A_1907 : memref<1x16x1024xf32, #tpu.memory_space<vmem>> -> memref<16x1024xf32, #tpu.memory_space<vmem>>
    %dma_start3A_1909 = arith.constant 0 : i32
    %dma_start3A_1910 = tpu.memref_slice %arg2[%add3A_1903, %dma_start3A_1909] : memref<16384x1024xf32, #tpu.memory_space<hbm>> -> memref<16x1024xf32, #tpu.memory_space<hbm>>
    %dma_start3A_1911 = arith.constant 0 : i32
    %dma_start3A_1912 = arith.constant 0 : i32
    %dma_start3A_1913 = tpu.memref_slice %arg6[%dma_start3A_1904, %dma_start3A_1911, %dma_start3A_1912] : memref<5x16x1024xf32, #tpu.memory_space<vmem>> -> memref<1x16x1024xf32, #tpu.memory_space<vmem>>
    %dma_start3A_1914 = tpu.memref_squeeze %dma_start3A_1913 : memref<1x16x1024xf32, #tpu.memory_space<vmem>> -> memref<16x1024xf32, #tpu.memory_space<vmem>>
    %dma_start3A_1915 = arith.constant 0 : i32
    %dma_start3A_1916 = tpu.memref_slice %arg2[%add3A_1903, %dma_start3A_1915] : memref<16384x1024xf32, #tpu.memory_space<hbm>> -> memref<16x1024xf32, #tpu.memory_space<hbm>>
    tpu.enqueue_dma source(%dma_start3A_1916 : memref<16x1024xf32, #tpu.memory_space<hbm>>) target(%dma_start3A_1914 : memref<16x1024xf32, #tpu.memory_space<vmem>>) target_semaphore(%arg8 : memref<!tpu.dma_semaphore, #tpu.memory_space<semaphore_mem>>)
    %parallel_loop3A_1917 = arith.constant 0 : i32
    %parallel_loop3A_1918 = arith.constant 16384 : i32
    %parallel_loop3A_1919 = arith.constant 16 : i32
    scf.for %parallel_loop3A_2240 = %parallel_loop3A_1917 to %parallel_loop3A_1918 step %parallel_loop3A_1919  : i32 {
      %parallel_loop3A_2241 = arith.constant 10 : i32
      %parallel_loop3A_2242 = arith.shrsi %parallel_loop3A_2240, %parallel_loop3A_2241 : i32
      %parallel_loop3A_2243 = arith.constant 1023 : i32
      %parallel_loop3A_2244 = arith.andi %parallel_loop3A_2240, %parallel_loop3A_2243 : i32
      %parallel_loop3A_2245 = tpu.assume_multiple %parallel_loop3A_2244, 16 : i32
      %parallel_loop3A_2246 = arith.constant 1 : i32
      %parallel_loop3A_2247 = arith.index_cast %parallel_loop3A_2246 : i32 to index
      %parallel_loop3A_2248 = arith.index_cast %parallel_loop3A_2242 : i32 to index
      %parallel_loop3A_2249 = arith.index_cast %parallel_loop3A_2245 : i32 to index
      %parallel_loop3A_2250 = tpu.vector_load %arg6[%parallel_loop3A_2247, %parallel_loop3A_2248, %parallel_loop3A_2249] {strides = array<i32>} : memref<5x16x1024xf32, #tpu.memory_space<vmem>>, vector<1x1x16xf32>,
      %parallel_loop3A_2251 = vector.shape_cast %parallel_loop3A_2250 : vector<1x1x16xf32> to vector<16xf32>
      %parallel_loop3A_2252 = arith.constant 0 : i32
      %parallel_loop3A_2253 = arith.index_cast %parallel_loop3A_2252 : i32 to index
      %parallel_loop3A_2254 = arith.index_cast %parallel_loop3A_2242 : i32 to index
      %parallel_loop3A_2255 = arith.index_cast %parallel_loop3A_2245 : i32 to index
      %parallel_loop3A_2256 = tpu.vector_load %arg5[%parallel_loop3A_2253, %parallel_loop3A_2254, %parallel_loop3A_2255] {strides = array<i32>} : memref<2x16x1024xf32, #tpu.memory_space<vmem>>, vector<1x1x16xf32>,
      %parallel_loop3A_2257 = vector.shape_cast %parallel_loop3A_2256 : vector<1x1x16xf32> to vector<16xf32>
      %parallel_loop3A_2258 = arith.addf %parallel_loop3A_2251, %parallel_loop3A_2257 : vector<16xf32>
      %parallel_loop3A_2259 = arith.constant 1 : i32
      %parallel_loop3A_2260 = arith.index_cast %parallel_loop3A_2259 : i32 to index
      %parallel_loop3A_2261 = arith.index_cast %parallel_loop3A_2242 : i32 to index
      %parallel_loop3A_2262 = arith.index_cast %parallel_loop3A_2245 : i32 to index
      %parallel_loop3A_2263 = tpu.vector_load %arg6[%parallel_loop3A_2260, %parallel_loop3A_2261, %parallel_loop3A_2262] {strides = array<i32>} : memref<5x16x1024xf32, #tpu.memory_space<vmem>>, vector<1x1x16xf32>,
      %parallel_loop3A_2264 = vector.shape_cast %parallel_loop3A_2263 : vector<1x1x16xf32> to vector<16xf32>
      %parallel_loop3A_2265 = vector.shape_cast %parallel_loop3A_2258 : vector<16xf32> to vector<1x1x16xf32>
      tpu.vector_store %arg6[%parallel_loop3A_2260, %parallel_loop3A_2261, %parallel_loop3A_2262], %parallel_loop3A_2265 {strides = array<i32>} : memref<5x16x1024xf32, #tpu.memory_space<vmem>>, vector<1x1x16xf32>,
    } {sc.loop_unroll_factor = 8 : i64, sc.parallel_access}
    %add3A_1920 = arith.constant 8192 : i32
    %add3A_1921 = arith.addi %add3A_1920, %mul3A_2 : i32
    %add3A_1922 = arith.constant 96 : i32
    %add3A_1923 = arith.addi %add3A_1921, %add3A_1922 : i32
    %dma_start3A_1924 = arith.constant 1 : i32
    %dma_start3A_1925 = arith.constant 0 : i32
    %dma_start3A_1926 = arith.constant 0 : i32
    %dma_start3A_1927 = tpu.memref_slice %arg6[%dma_start3A_1924, %dma_start3A_1925, %dma_start3A_1926] : memref<5x16x1024xf32, #tpu.memory_space<vmem>> -> memref<1x16x1024xf32, #tpu.memory_space<vmem>>
    %dma_start3A_1928 = tpu.memref_squeeze %dma_start3A_1927 : memref<1x16x1024xf32, #tpu.memory_space<vmem>> -> memref<16x1024xf32, #tpu.memory_space<vmem>>
    %dma_start3A_1929 = arith.constant 0 : i32
    %dma_start3A_1930 = tpu.memref_slice %arg4[%add3A_1923, %dma_start3A_1929] : memref<16384x1024xf32, #tpu.memory_space<hbm>> -> memref<16x1024xf32, #tpu.memory_space<hbm>>
    %dma_start3A_1931 = arith.constant 0 : i32
    %dma_start3A_1932 = tpu.memref_slice %arg4[%add3A_1923, %dma_start3A_1931] : memref<16384x1024xf32, #tpu.memory_space<hbm>> -> memref<16x1024xf32, #tpu.memory_space<hbm>>
    %dma_start3A_1933 = arith.constant 0 : i32
    %dma_start3A_1934 = arith.constant 0 : i32
    %dma_start3A_1935 = tpu.memref_slice %arg6[%dma_start3A_1924, %dma_start3A_1933, %dma_start3A_1934] : memref<5x16x1024xf32, #tpu.memory_space<vmem>> -> memref<1x16x1024xf32, #tpu.memory_space<vmem>>
    %dma_start3A_1936 = tpu.memref_squeeze %dma_start3A_1935 : memref<1x16x1024xf32, #tpu.memory_space<vmem>> -> memref<16x1024xf32, #tpu.memory_space<vmem>>
    tpu.enqueue_dma source(%dma_start3A_1936 : memref<16x1024xf32, #tpu.memory_space<vmem>>) target(%dma_start3A_1932 : memref<16x1024xf32, #tpu.memory_space<hbm>>) target_semaphore(%arg9 : memref<!tpu.dma_semaphore, #tpu.memory_space<semaphore_mem>>)
    %dma_wait3A_1937 = arith.constant 2 : i32
    %dma_wait3A_1938 = arith.constant 0 : i32
    %dma_wait3A_1939 = arith.constant 0 : i32
    %dma_wait3A_1940 = tpu.memref_slice %arg6[%dma_wait3A_1937, %dma_wait3A_1938, %dma_wait3A_1939] : memref<5x16x1024xf32, #tpu.memory_space<vmem>> -> memref<1x16x1024xf32, #tpu.memory_space<vmem>>
    %dma_wait3A_1941 = tpu.memref_squeeze %dma_wait3A_1940 : memref<1x16x1024xf32, #tpu.memory_space<vmem>> -> memref<16x1024xf32, #tpu.memory_space<vmem>>
    %dma_wait3A_1942 = arith.constant 0 : i32
    %dma_wait3A_1943 = tpu.memref_slice %arg2[%add3A_1777, %dma_wait3A_1942] : memref<16384x1024xf32, #tpu.memory_space<hbm>> -> memref<16x1024xf32, #tpu.memory_space<hbm>>
    %dma_wait3A_1944 = arith.constant 0 : i32
    %dma_wait3A_1945 = arith.constant 0 : i32
    %dma_wait3A_1946 = tpu.memref_slice %arg6[%dma_wait3A_1937, %dma_wait3A_1944, %dma_wait3A_1945] : memref<5x16x1024xf32, #tpu.memory_space<vmem>> -> memref<1x16x1024xf32, #tpu.memory_space<vmem>>
    %dma_wait3A_1947 = tpu.memref_squeeze %dma_wait3A_1946 : memref<1x16x1024xf32, #tpu.memory_space<vmem>> -> memref<16x1024xf32, #tpu.memory_space<vmem>>
    %dma_wait3A_1948 = arith.constant 0 : i32
    %dma_wait3A_1949 = tpu.memref_slice %arg2[%add3A_1777, %dma_wait3A_1948] : memref<16384x1024xf32, #tpu.memory_space<hbm>> -> memref<16x1024xf32, #tpu.memory_space<hbm>>
    tpu.wait_dma2 semaphore(%arg8 : memref<!tpu.dma_semaphore, #tpu.memory_space<semaphore_mem>>) src(%dma_wait3A_1949 : memref<16x1024xf32, #tpu.memory_space<hbm>>) dst(%dma_wait3A_1947 : memref<16x1024xf32, #tpu.memory_space<vmem>>)
    %dma_wait3A_1950 = arith.constant 0 : i32
    %dma_wait3A_1951 = arith.constant 0 : i32
    %dma_wait3A_1952 = arith.constant 0 : i32
    %dma_wait3A_1953 = tpu.memref_slice %arg6[%dma_wait3A_1950, %dma_wait3A_1951, %dma_wait3A_1952] : memref<5x16x1024xf32, #tpu.memory_space<vmem>> -> memref<1x16x1024xf32, #tpu.memory_space<vmem>>
    %dma_wait3A_1954 = tpu.memref_squeeze %dma_wait3A_1953 : memref<1x16x1024xf32, #tpu.memory_space<vmem>> -> memref<16x1024xf32, #tpu.memory_space<vmem>>
    %dma_wait3A_1955 = arith.constant 0 : i32
    %dma_wait3A_1956 = tpu.memref_slice %arg4[%add3A_1860, %dma_wait3A_1955] : memref<16384x1024xf32, #tpu.memory_space<hbm>> -> memref<16x1024xf32, #tpu.memory_space<hbm>>
    %dma_wait3A_1957 = arith.constant 0 : i32
    %dma_wait3A_1958 = tpu.memref_slice %arg4[%add3A_1860, %dma_wait3A_1957] : memref<16384x1024xf32, #tpu.memory_space<hbm>> -> memref<16x1024xf32, #tpu.memory_space<hbm>>
    %dma_wait3A_1959 = arith.constant 0 : i32
    %dma_wait3A_1960 = arith.constant 0 : i32
    %dma_wait3A_1961 = tpu.memref_slice %arg6[%dma_wait3A_1950, %dma_wait3A_1959, %dma_wait3A_1960] : memref<5x16x1024xf32, #tpu.memory_space<vmem>> -> memref<1x16x1024xf32, #tpu.memory_space<vmem>>
    %dma_wait3A_1962 = tpu.memref_squeeze %dma_wait3A_1961 : memref<1x16x1024xf32, #tpu.memory_space<vmem>> -> memref<16x1024xf32, #tpu.memory_space<vmem>>
    tpu.wait_dma2 semaphore(%arg9 : memref<!tpu.dma_semaphore, #tpu.memory_space<semaphore_mem>>) src(%dma_wait3A_1962 : memref<16x1024xf32, #tpu.memory_space<vmem>>) dst(%dma_wait3A_1958 : memref<16x1024xf32, #tpu.memory_space<hbm>>)
    %add3A_1963 = arith.constant 8192 : i32
    %add3A_1964 = arith.addi %add3A_1963, %mul3A_2 : i32
    %add3A_1965 = arith.constant 112 : i32
    %add3A_1966 = arith.addi %add3A_1964, %add3A_1965 : i32
    %dma_start3A_1967 = arith.constant 0 : i32
    %dma_start3A_1968 = arith.constant 0 : i32
    %dma_start3A_1969 = arith.constant 0 : i32
    %dma_start3A_1970 = tpu.memref_slice %arg6[%dma_start3A_1967, %dma_start3A_1968, %dma_start3A_1969] : memref<5x16x1024xf32, #tpu.memory_space<vmem>> -> memref<1x16x1024xf32, #tpu.memory_space<vmem>>
    %dma_start3A_1971 = tpu.memref_squeeze %dma_start3A_1970 : memref<1x16x1024xf32, #tpu.memory_space<vmem>> -> memref<16x1024xf32, #tpu.memory_space<vmem>>
    %dma_start3A_1972 = arith.constant 0 : i32
    %dma_start3A_1973 = tpu.memref_slice %arg2[%add3A_1966, %dma_start3A_1972] : memref<16384x1024xf32, #tpu.memory_space<hbm>> -> memref<16x1024xf32, #tpu.memory_space<hbm>>
    %dma_start3A_1974 = arith.constant 0 : i32
    %dma_start3A_1975 = arith.constant 0 : i32
    %dma_start3A_1976 = tpu.memref_slice %arg6[%dma_start3A_1967, %dma_start3A_1974, %dma_start3A_1975] : memref<5x16x1024xf32, #tpu.memory_space<vmem>> -> memref<1x16x1024xf32, #tpu.memory_space<vmem>>
    %dma_start3A_1977 = tpu.memref_squeeze %dma_start3A_1976 : memref<1x16x1024xf32, #tpu.memory_space<vmem>> -> memref<16x1024xf32, #tpu.memory_space<vmem>>
    %dma_start3A_1978 = arith.constant 0 : i32
    %dma_start3A_1979 = tpu.memref_slice %arg2[%add3A_1966, %dma_start3A_1978] : memref<16384x1024xf32, #tpu.memory_space<hbm>> -> memref<16x1024xf32, #tpu.memory_space<hbm>>
    tpu.enqueue_dma source(%dma_start3A_1979 : memref<16x1024xf32, #tpu.memory_space<hbm>>) target(%dma_start3A_1977 : memref<16x1024xf32, #tpu.memory_space<vmem>>) target_semaphore(%arg8 : memref<!tpu.dma_semaphore, #tpu.memory_space<semaphore_mem>>)
    %parallel_loop3A_1980 = arith.constant 0 : i32
    %parallel_loop3A_1981 = arith.constant 16384 : i32
    %parallel_loop3A_1982 = arith.constant 16 : i32
    scf.for %parallel_loop3A_2240 = %parallel_loop3A_1980 to %parallel_loop3A_1981 step %parallel_loop3A_1982  : i32 {
      %parallel_loop3A_2241 = arith.constant 10 : i32
      %parallel_loop3A_2242 = arith.shrsi %parallel_loop3A_2240, %parallel_loop3A_2241 : i32
      %parallel_loop3A_2243 = arith.constant 1023 : i32
      %parallel_loop3A_2244 = arith.andi %parallel_loop3A_2240, %parallel_loop3A_2243 : i32
      %parallel_loop3A_2245 = tpu.assume_multiple %parallel_loop3A_2244, 16 : i32
      %parallel_loop3A_2246 = arith.constant 2 : i32
      %parallel_loop3A_2247 = arith.index_cast %parallel_loop3A_2246 : i32 to index
      %parallel_loop3A_2248 = arith.index_cast %parallel_loop3A_2242 : i32 to index
      %parallel_loop3A_2249 = arith.index_cast %parallel_loop3A_2245 : i32 to index
      %parallel_loop3A_2250 = tpu.vector_load %arg6[%parallel_loop3A_2247, %parallel_loop3A_2248, %parallel_loop3A_2249] {strides = array<i32>} : memref<5x16x1024xf32, #tpu.memory_space<vmem>>, vector<1x1x16xf32>,
      %parallel_loop3A_2251 = vector.shape_cast %parallel_loop3A_2250 : vector<1x1x16xf32> to vector<16xf32>
      %parallel_loop3A_2252 = arith.constant 0 : i32
      %parallel_loop3A_2253 = arith.index_cast %parallel_loop3A_2252 : i32 to index
      %parallel_loop3A_2254 = arith.index_cast %parallel_loop3A_2242 : i32 to index
      %parallel_loop3A_2255 = arith.index_cast %parallel_loop3A_2245 : i32 to index
      %parallel_loop3A_2256 = tpu.vector_load %arg5[%parallel_loop3A_2253, %parallel_loop3A_2254, %parallel_loop3A_2255] {strides = array<i32>} : memref<2x16x1024xf32, #tpu.memory_space<vmem>>, vector<1x1x16xf32>,
      %parallel_loop3A_2257 = vector.shape_cast %parallel_loop3A_2256 : vector<1x1x16xf32> to vector<16xf32>
      %parallel_loop3A_2258 = arith.addf %parallel_loop3A_2251, %parallel_loop3A_2257 : vector<16xf32>
      %parallel_loop3A_2259 = arith.constant 2 : i32
      %parallel_loop3A_2260 = arith.index_cast %parallel_loop3A_2259 : i32 to index
      %parallel_loop3A_2261 = arith.index_cast %parallel_loop3A_2242 : i32 to index
      %parallel_loop3A_2262 = arith.index_cast %parallel_loop3A_2245 : i32 to index
      %parallel_loop3A_2263 = tpu.vector_load %arg6[%parallel_loop3A_2260, %parallel_loop3A_2261, %parallel_loop3A_2262] {strides = array<i32>} : memref<5x16x1024xf32, #tpu.memory_space<vmem>>, vector<1x1x16xf32>,
      %parallel_loop3A_2264 = vector.shape_cast %parallel_loop3A_2263 : vector<1x1x16xf32> to vector<16xf32>
      %parallel_loop3A_2265 = vector.shape_cast %parallel_loop3A_2258 : vector<16xf32> to vector<1x1x16xf32>
      tpu.vector_store %arg6[%parallel_loop3A_2260, %parallel_loop3A_2261, %parallel_loop3A_2262], %parallel_loop3A_2265 {strides = array<i32>} : memref<5x16x1024xf32, #tpu.memory_space<vmem>>, vector<1x1x16xf32>,
    } {sc.loop_unroll_factor = 8 : i64, sc.parallel_access}
    %add3A_1983 = arith.constant 12288 : i32
    %add3A_1984 = arith.addi %add3A_1983, %mul3A_2 : i32
    %add3A_1985 = arith.constant 96 : i32
    %add3A_1986 = arith.addi %add3A_1984, %add3A_1985 : i32
    %dma_start3A_1987 = arith.constant 2 : i32
    %dma_start3A_1988 = arith.constant 0 : i32
    %dma_start3A_1989 = arith.constant 0 : i32
    %dma_start3A_1990 = tpu.memref_slice %arg6[%dma_start3A_1987, %dma_start3A_1988, %dma_start3A_1989] : memref<5x16x1024xf32, #tpu.memory_space<vmem>> -> memref<1x16x1024xf32, #tpu.memory_space<vmem>>
    %dma_start3A_1991 = tpu.memref_squeeze %dma_start3A_1990 : memref<1x16x1024xf32, #tpu.memory_space<vmem>> -> memref<16x1024xf32, #tpu.memory_space<vmem>>
    %dma_start3A_1992 = arith.constant 0 : i32
    %dma_start3A_1993 = tpu.memref_slice %arg4[%add3A_1986, %dma_start3A_1992] : memref<16384x1024xf32, #tpu.memory_space<hbm>> -> memref<16x1024xf32, #tpu.memory_space<hbm>>
    %dma_start3A_1994 = arith.constant 0 : i32
    %dma_start3A_1995 = tpu.memref_slice %arg4[%add3A_1986, %dma_start3A_1994] : memref<16384x1024xf32, #tpu.memory_space<hbm>> -> memref<16x1024xf32, #tpu.memory_space<hbm>>
    %dma_start3A_1996 = arith.constant 0 : i32
    %dma_start3A_1997 = arith.constant 0 : i32
    %dma_start3A_1998 = tpu.memref_slice %arg6[%dma_start3A_1987, %dma_start3A_1996, %dma_start3A_1997] : memref<5x16x1024xf32, #tpu.memory_space<vmem>> -> memref<1x16x1024xf32, #tpu.memory_space<vmem>>
    %dma_start3A_1999 = tpu.memref_squeeze %dma_start3A_1998 : memref<1x16x1024xf32, #tpu.memory_space<vmem>> -> memref<16x1024xf32, #tpu.memory_space<vmem>>
    tpu.enqueue_dma source(%dma_start3A_1999 : memref<16x1024xf32, #tpu.memory_space<vmem>>) target(%dma_start3A_1995 : memref<16x1024xf32, #tpu.memory_space<hbm>>) target_semaphore(%arg9 : memref<!tpu.dma_semaphore, #tpu.memory_space<semaphore_mem>>)
    %dma_wait3A_2000 = arith.constant 3 : i32
    %dma_wait3A_2001 = arith.constant 0 : i32
    %dma_wait3A_2002 = arith.constant 0 : i32
    %dma_wait3A_2003 = tpu.memref_slice %arg6[%dma_wait3A_2000, %dma_wait3A_2001, %dma_wait3A_2002] : memref<5x16x1024xf32, #tpu.memory_space<vmem>> -> memref<1x16x1024xf32, #tpu.memory_space<vmem>>
    %dma_wait3A_2004 = tpu.memref_squeeze %dma_wait3A_2003 : memref<1x16x1024xf32, #tpu.memory_space<vmem>> -> memref<16x1024xf32, #tpu.memory_space<vmem>>
    %dma_wait3A_2005 = arith.constant 0 : i32
    %dma_wait3A_2006 = tpu.memref_slice %arg2[%add3A_1840, %dma_wait3A_2005] : memref<16384x1024xf32, #tpu.memory_space<hbm>> -> memref<16x1024xf32, #tpu.memory_space<hbm>>
    %dma_wait3A_2007 = arith.constant 0 : i32
    %dma_wait3A_2008 = arith.constant 0 : i32
    %dma_wait3A_2009 = tpu.memref_slice %arg6[%dma_wait3A_2000, %dma_wait3A_2007, %dma_wait3A_2008] : memref<5x16x1024xf32, #tpu.memory_space<vmem>> -> memref<1x16x1024xf32, #tpu.memory_space<vmem>>
    %dma_wait3A_2010 = tpu.memref_squeeze %dma_wait3A_2009 : memref<1x16x1024xf32, #tpu.memory_space<vmem>> -> memref<16x1024xf32, #tpu.memory_space<vmem>>
    %dma_wait3A_2011 = arith.constant 0 : i32
    %dma_wait3A_2012 = tpu.memref_slice %arg2[%add3A_1840, %dma_wait3A_2011] : memref<16384x1024xf32, #tpu.memory_space<hbm>> -> memref<16x1024xf32, #tpu.memory_space<hbm>>
    tpu.wait_dma2 semaphore(%arg8 : memref<!tpu.dma_semaphore, #tpu.memory_space<semaphore_mem>>) src(%dma_wait3A_2012 : memref<16x1024xf32, #tpu.memory_space<hbm>>) dst(%dma_wait3A_2010 : memref<16x1024xf32, #tpu.memory_space<vmem>>)
    %dma_wait3A_2013 = arith.constant 1 : i32
    %dma_wait3A_2014 = arith.constant 0 : i32
    %dma_wait3A_2015 = arith.constant 0 : i32
    %dma_wait3A_2016 = tpu.memref_slice %arg5[%dma_wait3A_2013, %dma_wait3A_2014, %dma_wait3A_2015] : memref<2x16x1024xf32, #tpu.memory_space<vmem>> -> memref<1x16x1024xf32, #tpu.memory_space<vmem>>
    %dma_wait3A_2017 = tpu.memref_squeeze %dma_wait3A_2016 : memref<1x16x1024xf32, #tpu.memory_space<vmem>> -> memref<16x1024xf32, #tpu.memory_space<vmem>>
    %dma_wait3A_2018 = arith.constant 0 : i32
    %dma_wait3A_2019 = tpu.memref_slice %arg3[%add3A_1721, %dma_wait3A_2018] : memref<4096x1024xf32, #tpu.memory_space<hbm>> -> memref<16x1024xf32, #tpu.memory_space<hbm>>
    %dma_wait3A_2020 = arith.constant 0 : i32
    %dma_wait3A_2021 = arith.constant 0 : i32
    %dma_wait3A_2022 = tpu.memref_slice %arg5[%dma_wait3A_2013, %dma_wait3A_2020, %dma_wait3A_2021] : memref<2x16x1024xf32, #tpu.memory_space<vmem>> -> memref<1x16x1024xf32, #tpu.memory_space<vmem>>
    %dma_wait3A_2023 = tpu.memref_squeeze %dma_wait3A_2022 : memref<1x16x1024xf32, #tpu.memory_space<vmem>> -> memref<16x1024xf32, #tpu.memory_space<vmem>>
    %dma_wait3A_2024 = arith.constant 0 : i32
    %dma_wait3A_2025 = tpu.memref_slice %arg3[%add3A_1721, %dma_wait3A_2024] : memref<4096x1024xf32, #tpu.memory_space<hbm>> -> memref<16x1024xf32, #tpu.memory_space<hbm>>
    tpu.wait_dma2 semaphore(%arg7 : memref<!tpu.dma_semaphore, #tpu.memory_space<semaphore_mem>>) src(%dma_wait3A_2025 : memref<16x1024xf32, #tpu.memory_space<hbm>>) dst(%dma_wait3A_2023 : memref<16x1024xf32, #tpu.memory_space<vmem>>)
    %dma_wait3A_2026 = arith.constant 1 : i32
    %dma_wait3A_2027 = arith.constant 0 : i32
    %dma_wait3A_2028 = arith.constant 0 : i32
    %dma_wait3A_2029 = tpu.memref_slice %arg6[%dma_wait3A_2026, %dma_wait3A_2027, %dma_wait3A_2028] : memref<5x16x1024xf32, #tpu.memory_space<vmem>> -> memref<1x16x1024xf32, #tpu.memory_space<vmem>>
    %dma_wait3A_2030 = tpu.memref_squeeze %dma_wait3A_2029 : memref<1x16x1024xf32, #tpu.memory_space<vmem>> -> memref<16x1024xf32, #tpu.memory_space<vmem>>
    %dma_wait3A_2031 = arith.constant 0 : i32
    %dma_wait3A_2032 = tpu.memref_slice %arg4[%add3A_1923, %dma_wait3A_2031] : memref<16384x1024xf32, #tpu.memory_space<hbm>> -> memref<16x1024xf32, #tpu.memory_space<hbm>>
    %dma_wait3A_2033 = arith.constant 0 : i32
    %dma_wait3A_2034 = tpu.memref_slice %arg4[%add3A_1923, %dma_wait3A_2033] : memref<16384x1024xf32, #tpu.memory_space<hbm>> -> memref<16x1024xf32, #tpu.memory_space<hbm>>
    %dma_wait3A_2035 = arith.constant 0 : i32
    %dma_wait3A_2036 = arith.constant 0 : i32
    %dma_wait3A_2037 = tpu.memref_slice %arg6[%dma_wait3A_2026, %dma_wait3A_2035, %dma_wait3A_2036] : memref<5x16x1024xf32, #tpu.memory_space<vmem>> -> memref<1x16x1024xf32, #tpu.memory_space<vmem>>
    %dma_wait3A_2038 = tpu.memref_squeeze %dma_wait3A_2037 : memref<1x16x1024xf32, #tpu.memory_space<vmem>> -> memref<16x1024xf32, #tpu.memory_space<vmem>>
    tpu.wait_dma2 semaphore(%arg9 : memref<!tpu.dma_semaphore, #tpu.memory_space<semaphore_mem>>) src(%dma_wait3A_2038 : memref<16x1024xf32, #tpu.memory_space<vmem>>) dst(%dma_wait3A_2034 : memref<16x1024xf32, #tpu.memory_space<hbm>>)
    %add3A_2039 = arith.constant 12288 : i32
    %add3A_2040 = arith.addi %add3A_2039, %mul3A_2 : i32
    %add3A_2041 = arith.constant 112 : i32
    %add3A_2042 = arith.addi %add3A_2040, %add3A_2041 : i32
    %dma_start3A_2043 = arith.constant 1 : i32
    %dma_start3A_2044 = arith.constant 0 : i32
    %dma_start3A_2045 = arith.constant 0 : i32
    %dma_start3A_2046 = tpu.memref_slice %arg6[%dma_start3A_2043, %dma_start3A_2044, %dma_start3A_2045] : memref<5x16x1024xf32, #tpu.memory_space<vmem>> -> memref<1x16x1024xf32, #tpu.memory_space<vmem>>
    %dma_start3A_2047 = tpu.memref_squeeze %dma_start3A_2046 : memref<1x16x1024xf32, #tpu.memory_space<vmem>> -> memref<16x1024xf32, #tpu.memory_space<vmem>>
    %dma_start3A_2048 = arith.constant 0 : i32
    %dma_start3A_2049 = tpu.memref_slice %arg2[%add3A_2042, %dma_start3A_2048] : memref<16384x1024xf32, #tpu.memory_space<hbm>> -> memref<16x1024xf32, #tpu.memory_space<hbm>>
    %dma_start3A_2050 = arith.constant 0 : i32
    %dma_start3A_2051 = arith.constant 0 : i32
    %dma_start3A_2052 = tpu.memref_slice %arg6[%dma_start3A_2043, %dma_start3A_2050, %dma_start3A_2051] : memref<5x16x1024xf32, #tpu.memory_space<vmem>> -> memref<1x16x1024xf32, #tpu.memory_space<vmem>>
    %dma_start3A_2053 = tpu.memref_squeeze %dma_start3A_2052 : memref<1x16x1024xf32, #tpu.memory_space<vmem>> -> memref<16x1024xf32, #tpu.memory_space<vmem>>
    %dma_start3A_2054 = arith.constant 0 : i32
    %dma_start3A_2055 = tpu.memref_slice %arg2[%add3A_2042, %dma_start3A_2054] : memref<16384x1024xf32, #tpu.memory_space<hbm>> -> memref<16x1024xf32, #tpu.memory_space<hbm>>
    tpu.enqueue_dma source(%dma_start3A_2055 : memref<16x1024xf32, #tpu.memory_space<hbm>>) target(%dma_start3A_2053 : memref<16x1024xf32, #tpu.memory_space<vmem>>) target_semaphore(%arg8 : memref<!tpu.dma_semaphore, #tpu.memory_space<semaphore_mem>>)
    %parallel_loop3A_2056 = arith.constant 0 : i32
    %parallel_loop3A_2057 = arith.constant 16384 : i32
    %parallel_loop3A_2058 = arith.constant 16 : i32
    scf.for %parallel_loop3A_2240 = %parallel_loop3A_2056 to %parallel_loop3A_2057 step %parallel_loop3A_2058  : i32 {
      %parallel_loop3A_2241 = arith.constant 10 : i32
      %parallel_loop3A_2242 = arith.shrsi %parallel_loop3A_2240, %parallel_loop3A_2241 : i32
      %parallel_loop3A_2243 = arith.constant 1023 : i32
      %parallel_loop3A_2244 = arith.andi %parallel_loop3A_2240, %parallel_loop3A_2243 : i32
      %parallel_loop3A_2245 = tpu.assume_multiple %parallel_loop3A_2244, 16 : i32
      %parallel_loop3A_2246 = arith.constant 3 : i32
      %parallel_loop3A_2247 = arith.index_cast %parallel_loop3A_2246 : i32 to index
      %parallel_loop3A_2248 = arith.index_cast %parallel_loop3A_2242 : i32 to index
      %parallel_loop3A_2249 = arith.index_cast %parallel_loop3A_2245 : i32 to index
      %parallel_loop3A_2250 = tpu.vector_load %arg6[%parallel_loop3A_2247, %parallel_loop3A_2248, %parallel_loop3A_2249] {strides = array<i32>} : memref<5x16x1024xf32, #tpu.memory_space<vmem>>, vector<1x1x16xf32>,
      %parallel_loop3A_2251 = vector.shape_cast %parallel_loop3A_2250 : vector<1x1x16xf32> to vector<16xf32>
      %parallel_loop3A_2252 = arith.constant 1 : i32
      %parallel_loop3A_2253 = arith.index_cast %parallel_loop3A_2252 : i32 to index
      %parallel_loop3A_2254 = arith.index_cast %parallel_loop3A_2242 : i32 to index
      %parallel_loop3A_2255 = arith.index_cast %parallel_loop3A_2245 : i32 to index
      %parallel_loop3A_2256 = tpu.vector_load %arg5[%parallel_loop3A_2253, %parallel_loop3A_2254, %parallel_loop3A_2255] {strides = array<i32>} : memref<2x16x1024xf32, #tpu.memory_space<vmem>>, vector<1x1x16xf32>,
      %parallel_loop3A_2257 = vector.shape_cast %parallel_loop3A_2256 : vector<1x1x16xf32> to vector<16xf32>
      %parallel_loop3A_2258 = arith.addf %parallel_loop3A_2251, %parallel_loop3A_2257 : vector<16xf32>
      %parallel_loop3A_2259 = arith.constant 3 : i32
      %parallel_loop3A_2260 = arith.index_cast %parallel_loop3A_2259 : i32 to index
      %parallel_loop3A_2261 = arith.index_cast %parallel_loop3A_2242 : i32 to index
      %parallel_loop3A_2262 = arith.index_cast %parallel_loop3A_2245 : i32 to index
      %parallel_loop3A_2263 = tpu.vector_load %arg6[%parallel_loop3A_2260, %parallel_loop3A_2261, %parallel_loop3A_2262] {strides = array<i32>} : memref<5x16x1024xf32, #tpu.memory_space<vmem>>, vector<1x1x16xf32>,
      %parallel_loop3A_2264 = vector.shape_cast %parallel_loop3A_2263 : vector<1x1x16xf32> to vector<16xf32>
      %parallel_loop3A_2265 = vector.shape_cast %parallel_loop3A_2258 : vector<16xf32> to vector<1x1x16xf32>
      tpu.vector_store %arg6[%parallel_loop3A_2260, %parallel_loop3A_2261, %parallel_loop3A_2262], %parallel_loop3A_2265 {strides = array<i32>} : memref<5x16x1024xf32, #tpu.memory_space<vmem>>, vector<1x1x16xf32>,
    } {sc.loop_unroll_factor = 8 : i64, sc.parallel_access}
    %add3A_2059 = arith.constant 0 : i32
    %add3A_2060 = arith.addi %add3A_2059, %mul3A_2 : i32
    %add3A_2061 = arith.constant 112 : i32
    %add3A_2062 = arith.addi %add3A_2060, %add3A_2061 : i32
    %dma_start3A_2063 = arith.constant 3 : i32
    %dma_start3A_2064 = arith.constant 0 : i32
    %dma_start3A_2065 = arith.constant 0 : i32
    %dma_start3A_2066 = tpu.memref_slice %arg6[%dma_start3A_2063, %dma_start3A_2064, %dma_start3A_2065] : memref<5x16x1024xf32, #tpu.memory_space<vmem>> -> memref<1x16x1024xf32, #tpu.memory_space<vmem>>
    %dma_start3A_2067 = tpu.memref_squeeze %dma_start3A_2066 : memref<1x16x1024xf32, #tpu.memory_space<vmem>> -> memref<16x1024xf32, #tpu.memory_space<vmem>>
    %dma_start3A_2068 = arith.constant 0 : i32
    %dma_start3A_2069 = tpu.memref_slice %arg4[%add3A_2062, %dma_start3A_2068] : memref<16384x1024xf32, #tpu.memory_space<hbm>> -> memref<16x1024xf32, #tpu.memory_space<hbm>>
    %dma_start3A_2070 = arith.constant 0 : i32
    %dma_start3A_2071 = tpu.memref_slice %arg4[%add3A_2062, %dma_start3A_2070] : memref<16384x1024xf32, #tpu.memory_space<hbm>> -> memref<16x1024xf32, #tpu.memory_space<hbm>>
    %dma_start3A_2072 = arith.constant 0 : i32
    %dma_start3A_2073 = arith.constant 0 : i32
    %dma_start3A_2074 = tpu.memref_slice %arg6[%dma_start3A_2063, %dma_start3A_2072, %dma_start3A_2073] : memref<5x16x1024xf32, #tpu.memory_space<vmem>> -> memref<1x16x1024xf32, #tpu.memory_space<vmem>>
    %dma_start3A_2075 = tpu.memref_squeeze %dma_start3A_2074 : memref<1x16x1024xf32, #tpu.memory_space<vmem>> -> memref<16x1024xf32, #tpu.memory_space<vmem>>
    tpu.enqueue_dma source(%dma_start3A_2075 : memref<16x1024xf32, #tpu.memory_space<vmem>>) target(%dma_start3A_2071 : memref<16x1024xf32, #tpu.memory_space<hbm>>) target_semaphore(%arg9 : memref<!tpu.dma_semaphore, #tpu.memory_space<semaphore_mem>>)
    %dma_wait3A_2076 = arith.constant 4 : i32
    %dma_wait3A_2077 = arith.constant 0 : i32
    %dma_wait3A_2078 = arith.constant 0 : i32
    %dma_wait3A_2079 = tpu.memref_slice %arg6[%dma_wait3A_2076, %dma_wait3A_2077, %dma_wait3A_2078] : memref<5x16x1024xf32, #tpu.memory_space<vmem>> -> memref<1x16x1024xf32, #tpu.memory_space<vmem>>
    %dma_wait3A_2080 = tpu.memref_squeeze %dma_wait3A_2079 : memref<1x16x1024xf32, #tpu.memory_space<vmem>> -> memref<16x1024xf32, #tpu.memory_space<vmem>>
    %dma_wait3A_2081 = arith.constant 0 : i32
    %dma_wait3A_2082 = tpu.memref_slice %arg2[%add3A_1903, %dma_wait3A_2081] : memref<16384x1024xf32, #tpu.memory_space<hbm>> -> memref<16x1024xf32, #tpu.memory_space<hbm>>
    %dma_wait3A_2083 = arith.constant 0 : i32
    %dma_wait3A_2084 = arith.constant 0 : i32
    %dma_wait3A_2085 = tpu.memref_slice %arg6[%dma_wait3A_2076, %dma_wait3A_2083, %dma_wait3A_2084] : memref<5x16x1024xf32, #tpu.memory_space<vmem>> -> memref<1x16x1024xf32, #tpu.memory_space<vmem>>
    %dma_wait3A_2086 = tpu.memref_squeeze %dma_wait3A_2085 : memref<1x16x1024xf32, #tpu.memory_space<vmem>> -> memref<16x1024xf32, #tpu.memory_space<vmem>>
    %dma_wait3A_2087 = arith.constant 0 : i32
    %dma_wait3A_2088 = tpu.memref_slice %arg2[%add3A_1903, %dma_wait3A_2087] : memref<16384x1024xf32, #tpu.memory_space<hbm>> -> memref<16x1024xf32, #tpu.memory_space<hbm>>
    tpu.wait_dma2 semaphore(%arg8 : memref<!tpu.dma_semaphore, #tpu.memory_space<semaphore_mem>>) src(%dma_wait3A_2088 : memref<16x1024xf32, #tpu.memory_space<hbm>>) dst(%dma_wait3A_2086 : memref<16x1024xf32, #tpu.memory_space<vmem>>)
    %parallel_loop3A_2089 = arith.constant 0 : i32
    %parallel_loop3A_2090 = arith.constant 16384 : i32
    %parallel_loop3A_2091 = arith.constant 16 : i32
    scf.for %parallel_loop3A_2240 = %parallel_loop3A_2089 to %parallel_loop3A_2090 step %parallel_loop3A_2091  : i32 {
      %parallel_loop3A_2241 = arith.constant 10 : i32
      %parallel_loop3A_2242 = arith.shrsi %parallel_loop3A_2240, %parallel_loop3A_2241 : i32
      %parallel_loop3A_2243 = arith.constant 1023 : i32
      %parallel_loop3A_2244 = arith.andi %parallel_loop3A_2240, %parallel_loop3A_2243 : i32
      %parallel_loop3A_2245 = tpu.assume_multiple %parallel_loop3A_2244, 16 : i32
      %parallel_loop3A_2246 = arith.constant 4 : i32
      %parallel_loop3A_2247 = arith.index_cast %parallel_loop3A_2246 : i32 to index
      %parallel_loop3A_2248 = arith.index_cast %parallel_loop3A_2242 : i32 to index
      %parallel_loop3A_2249 = arith.index_cast %parallel_loop3A_2245 : i32 to index
      %parallel_loop3A_2250 = tpu.vector_load %arg6[%parallel_loop3A_2247, %parallel_loop3A_2248, %parallel_loop3A_2249] {strides = array<i32>} : memref<5x16x1024xf32, #tpu.memory_space<vmem>>, vector<1x1x16xf32>,
      %parallel_loop3A_2251 = vector.shape_cast %parallel_loop3A_2250 : vector<1x1x16xf32> to vector<16xf32>
      %parallel_loop3A_2252 = arith.constant 1 : i32
      %parallel_loop3A_2253 = arith.index_cast %parallel_loop3A_2252 : i32 to index
      %parallel_loop3A_2254 = arith.index_cast %parallel_loop3A_2242 : i32 to index
      %parallel_loop3A_2255 = arith.index_cast %parallel_loop3A_2245 : i32 to index
      %parallel_loop3A_2256 = tpu.vector_load %arg5[%parallel_loop3A_2253, %parallel_loop3A_2254, %parallel_loop3A_2255] {strides = array<i32>} : memref<2x16x1024xf32, #tpu.memory_space<vmem>>, vector<1x1x16xf32>,
      %parallel_loop3A_2257 = vector.shape_cast %parallel_loop3A_2256 : vector<1x1x16xf32> to vector<16xf32>
      %parallel_loop3A_2258 = arith.addf %parallel_loop3A_2251, %parallel_loop3A_2257 : vector<16xf32>
      %parallel_loop3A_2259 = arith.constant 4 : i32
      %parallel_loop3A_2260 = arith.index_cast %parallel_loop3A_2259 : i32 to index
      %parallel_loop3A_2261 = arith.index_cast %parallel_loop3A_2242 : i32 to index
      %parallel_loop3A_2262 = arith.index_cast %parallel_loop3A_2245 : i32 to index
      %parallel_loop3A_2263 = tpu.vector_load %arg6[%parallel_loop3A_2260, %parallel_loop3A_2261, %parallel_loop3A_2262] {strides = array<i32>} : memref<5x16x1024xf32, #tpu.memory_space<vmem>>, vector<1x1x16xf32>,
      %parallel_loop3A_2264 = vector.shape_cast %parallel_loop3A_2263 : vector<1x1x16xf32> to vector<16xf32>
      %parallel_loop3A_2265 = vector.shape_cast %parallel_loop3A_2258 : vector<16xf32> to vector<1x1x16xf32>
      tpu.vector_store %arg6[%parallel_loop3A_2260, %parallel_loop3A_2261, %parallel_loop3A_2262], %parallel_loop3A_2265 {strides = array<i32>} : memref<5x16x1024xf32, #tpu.memory_space<vmem>>, vector<1x1x16xf32>,
    } {sc.loop_unroll_factor = 8 : i64, sc.parallel_access}
    %add3A_2092 = arith.constant 4096 : i32
    %add3A_2093 = arith.addi %add3A_2092, %mul3A_2 : i32
    %add3A_2094 = arith.constant 112 : i32
    %add3A_2095 = arith.addi %add3A_2093, %add3A_2094 : i32
    %dma_start3A_2096 = arith.constant 4 : i32
    %dma_start3A_2097 = arith.constant 0 : i32
    %dma_start3A_2098 = arith.constant 0 : i32
    %dma_start3A_2099 = tpu.memref_slice %arg6[%dma_start3A_2096, %dma_start3A_2097, %dma_start3A_2098] : memref<5x16x1024xf32, #tpu.memory_space<vmem>> -> memref<1x16x1024xf32, #tpu.memory_space<vmem>>
    %dma_start3A_2100 = tpu.memref_squeeze %dma_start3A_2099 : memref<1x16x1024xf32, #tpu.memory_space<vmem>> -> memref<16x1024xf32, #tpu.memory_space<vmem>>
    %dma_start3A_2101 = arith.constant 0 : i32
    %dma_start3A_2102 = tpu.memref_slice %arg4[%add3A_2095, %dma_start3A_2101] : memref<16384x1024xf32, #tpu.memory_space<hbm>> -> memref<16x1024xf32, #tpu.memory_space<hbm>>
    %dma_start3A_2103 = arith.constant 0 : i32
    %dma_start3A_2104 = tpu.memref_slice %arg4[%add3A_2095, %dma_start3A_2103] : memref<16384x1024xf32, #tpu.memory_space<hbm>> -> memref<16x1024xf32, #tpu.memory_space<hbm>>
    %dma_start3A_2105 = arith.constant 0 : i32
    %dma_start3A_2106 = arith.constant 0 : i32
    %dma_start3A_2107 = tpu.memref_slice %arg6[%dma_start3A_2096, %dma_start3A_2105, %dma_start3A_2106] : memref<5x16x1024xf32, #tpu.memory_space<vmem>> -> memref<1x16x1024xf32, #tpu.memory_space<vmem>>
    %dma_start3A_2108 = tpu.memref_squeeze %dma_start3A_2107 : memref<1x16x1024xf32, #tpu.memory_space<vmem>> -> memref<16x1024xf32, #tpu.memory_space<vmem>>
    tpu.enqueue_dma source(%dma_start3A_2108 : memref<16x1024xf32, #tpu.memory_space<vmem>>) target(%dma_start3A_2104 : memref<16x1024xf32, #tpu.memory_space<hbm>>) target_semaphore(%arg9 : memref<!tpu.dma_semaphore, #tpu.memory_space<semaphore_mem>>)
    %dma_wait3A_2109 = arith.constant 0 : i32
    %dma_wait3A_2110 = arith.constant 0 : i32
    %dma_wait3A_2111 = arith.constant 0 : i32
    %dma_wait3A_2112 = tpu.memref_slice %arg6[%dma_wait3A_2109, %dma_wait3A_2110, %dma_wait3A_2111] : memref<5x16x1024xf32, #tpu.memory_space<vmem>> -> memref<1x16x1024xf32, #tpu.memory_space<vmem>>
    %dma_wait3A_2113 = tpu.memref_squeeze %dma_wait3A_2112 : memref<1x16x1024xf32, #tpu.memory_space<vmem>> -> memref<16x1024xf32, #tpu.memory_space<vmem>>
    %dma_wait3A_2114 = arith.constant 0 : i32
    %dma_wait3A_2115 = tpu.memref_slice %arg2[%add3A_1966, %dma_wait3A_2114] : memref<16384x1024xf32, #tpu.memory_space<hbm>> -> memref<16x1024xf32, #tpu.memory_space<hbm>>
    %dma_wait3A_2116 = arith.constant 0 : i32
    %dma_wait3A_2117 = arith.constant 0 : i32
    %dma_wait3A_2118 = tpu.memref_slice %arg6[%dma_wait3A_2109, %dma_wait3A_2116, %dma_wait3A_2117] : memref<5x16x1024xf32, #tpu.memory_space<vmem>> -> memref<1x16x1024xf32, #tpu.memory_space<vmem>>
    %dma_wait3A_2119 = tpu.memref_squeeze %dma_wait3A_2118 : memref<1x16x1024xf32, #tpu.memory_space<vmem>> -> memref<16x1024xf32, #tpu.memory_space<vmem>>
    %dma_wait3A_2120 = arith.constant 0 : i32
    %dma_wait3A_2121 = tpu.memref_slice %arg2[%add3A_1966, %dma_wait3A_2120] : memref<16384x1024xf32, #tpu.memory_space<hbm>> -> memref<16x1024xf32, #tpu.memory_space<hbm>>
    tpu.wait_dma2 semaphore(%arg8 : memref<!tpu.dma_semaphore, #tpu.memory_space<semaphore_mem>>) src(%dma_wait3A_2121 : memref<16x1024xf32, #tpu.memory_space<hbm>>) dst(%dma_wait3A_2119 : memref<16x1024xf32, #tpu.memory_space<vmem>>)
    %parallel_loop3A_2122 = arith.constant 0 : i32
    %parallel_loop3A_2123 = arith.constant 16384 : i32
    %parallel_loop3A_2124 = arith.constant 16 : i32
    scf.for %parallel_loop3A_2240 = %parallel_loop3A_2122 to %parallel_loop3A_2123 step %parallel_loop3A_2124  : i32 {
      %parallel_loop3A_2241 = arith.constant 10 : i32
      %parallel_loop3A_2242 = arith.shrsi %parallel_loop3A_2240, %parallel_loop3A_2241 : i32
      %parallel_loop3A_2243 = arith.constant 1023 : i32
      %parallel_loop3A_2244 = arith.andi %parallel_loop3A_2240, %parallel_loop3A_2243 : i32
      %parallel_loop3A_2245 = tpu.assume_multiple %parallel_loop3A_2244, 16 : i32
      %parallel_loop3A_2246 = arith.constant 0 : i32
      %parallel_loop3A_2247 = arith.index_cast %parallel_loop3A_2246 : i32 to index
      %parallel_loop3A_2248 = arith.index_cast %parallel_loop3A_2242 : i32 to index
      %parallel_loop3A_2249 = arith.index_cast %parallel_loop3A_2245 : i32 to index
      %parallel_loop3A_2250 = tpu.vector_load %arg6[%parallel_loop3A_2247, %parallel_loop3A_2248, %parallel_loop3A_2249] {strides = array<i32>} : memref<5x16x1024xf32, #tpu.memory_space<vmem>>, vector<1x1x16xf32>,
      %parallel_loop3A_2251 = vector.shape_cast %parallel_loop3A_2250 : vector<1x1x16xf32> to vector<16xf32>
      %parallel_loop3A_2252 = arith.constant 1 : i32
      %parallel_loop3A_2253 = arith.index_cast %parallel_loop3A_2252 : i32 to index
      %parallel_loop3A_2254 = arith.index_cast %parallel_loop3A_2242 : i32 to index
      %parallel_loop3A_2255 = arith.index_cast %parallel_loop3A_2245 : i32 to index
      %parallel_loop3A_2256 = tpu.vector_load %arg5[%parallel_loop3A_2253, %parallel_loop3A_2254, %parallel_loop3A_2255] {strides = array<i32>} : memref<2x16x1024xf32, #tpu.memory_space<vmem>>, vector<1x1x16xf32>,
      %parallel_loop3A_2257 = vector.shape_cast %parallel_loop3A_2256 : vector<1x1x16xf32> to vector<16xf32>
      %parallel_loop3A_2258 = arith.addf %parallel_loop3A_2251, %parallel_loop3A_2257 : vector<16xf32>
      %parallel_loop3A_2259 = arith.constant 0 : i32
      %parallel_loop3A_2260 = arith.index_cast %parallel_loop3A_2259 : i32 to index
      %parallel_loop3A_2261 = arith.index_cast %parallel_loop3A_2242 : i32 to index
      %parallel_loop3A_2262 = arith.index_cast %parallel_loop3A_2245 : i32 to index
      %parallel_loop3A_2263 = tpu.vector_load %arg6[%parallel_loop3A_2260, %parallel_loop3A_2261, %parallel_loop3A_2262] {strides = array<i32>} : memref<5x16x1024xf32, #tpu.memory_space<vmem>>, vector<1x1x16xf32>,
      %parallel_loop3A_2264 = vector.shape_cast %parallel_loop3A_2263 : vector<1x1x16xf32> to vector<16xf32>
      %parallel_loop3A_2265 = vector.shape_cast %parallel_loop3A_2258 : vector<16xf32> to vector<1x1x16xf32>
      tpu.vector_store %arg6[%parallel_loop3A_2260, %parallel_loop3A_2261, %parallel_loop3A_2262], %parallel_loop3A_2265 {strides = array<i32>} : memref<5x16x1024xf32, #tpu.memory_space<vmem>>, vector<1x1x16xf32>,
    } {sc.loop_unroll_factor = 8 : i64, sc.parallel_access}
    %add3A_2125 = arith.constant 8192 : i32
    %add3A_2126 = arith.addi %add3A_2125, %mul3A_2 : i32
    %add3A_2127 = arith.constant 112 : i32
    %add3A_2128 = arith.addi %add3A_2126, %add3A_2127 : i32
    %dma_start3A_2129 = arith.constant 0 : i32
    %dma_start3A_2130 = arith.constant 0 : i32
    %dma_start3A_2131 = arith.constant 0 : i32
    %dma_start3A_2132 = tpu.memref_slice %arg6[%dma_start3A_2129, %dma_start3A_2130, %dma_start3A_2131] : memref<5x16x1024xf32, #tpu.memory_space<vmem>> -> memref<1x16x1024xf32, #tpu.memory_space<vmem>>
    %dma_start3A_2133 = tpu.memref_squeeze %dma_start3A_2132 : memref<1x16x1024xf32, #tpu.memory_space<vmem>> -> memref<16x1024xf32, #tpu.memory_space<vmem>>
    %dma_start3A_2134 = arith.constant 0 : i32
    %dma_start3A_2135 = tpu.memref_slice %arg4[%add3A_2128, %dma_start3A_2134] : memref<16384x1024xf32, #tpu.memory_space<hbm>> -> memref<16x1024xf32, #tpu.memory_space<hbm>>
    %dma_start3A_2136 = arith.constant 0 : i32
    %dma_start3A_2137 = tpu.memref_slice %arg4[%add3A_2128, %dma_start3A_2136] : memref<16384x1024xf32, #tpu.memory_space<hbm>> -> memref<16x1024xf32, #tpu.memory_space<hbm>>
    %dma_start3A_2138 = arith.constant 0 : i32
    %dma_start3A_2139 = arith.constant 0 : i32
    %dma_start3A_2140 = tpu.memref_slice %arg6[%dma_start3A_2129, %dma_start3A_2138, %dma_start3A_2139] : memref<5x16x1024xf32, #tpu.memory_space<vmem>> -> memref<1x16x1024xf32, #tpu.memory_space<vmem>>
    %dma_start3A_2141 = tpu.memref_squeeze %dma_start3A_2140 : memref<1x16x1024xf32, #tpu.memory_space<vmem>> -> memref<16x1024xf32, #tpu.memory_space<vmem>>
    tpu.enqueue_dma source(%dma_start3A_2141 : memref<16x1024xf32, #tpu.memory_space<vmem>>) target(%dma_start3A_2137 : memref<16x1024xf32, #tpu.memory_space<hbm>>) target_semaphore(%arg9 : memref<!tpu.dma_semaphore, #tpu.memory_space<semaphore_mem>>)
    %dma_wait3A_2142 = arith.constant 1 : i32
    %dma_wait3A_2143 = arith.constant 0 : i32
    %dma_wait3A_2144 = arith.constant 0 : i32
    %dma_wait3A_2145 = tpu.memref_slice %arg6[%dma_wait3A_2142, %dma_wait3A_2143, %dma_wait3A_2144] : memref<5x16x1024xf32, #tpu.memory_space<vmem>> -> memref<1x16x1024xf32, #tpu.memory_space<vmem>>
    %dma_wait3A_2146 = tpu.memref_squeeze %dma_wait3A_2145 : memref<1x16x1024xf32, #tpu.memory_space<vmem>> -> memref<16x1024xf32, #tpu.memory_space<vmem>>
    %dma_wait3A_2147 = arith.constant 0 : i32
    %dma_wait3A_2148 = tpu.memref_slice %arg2[%add3A_2042, %dma_wait3A_2147] : memref<16384x1024xf32, #tpu.memory_space<hbm>> -> memref<16x1024xf32, #tpu.memory_space<hbm>>
    %dma_wait3A_2149 = arith.constant 0 : i32
    %dma_wait3A_2150 = arith.constant 0 : i32
    %dma_wait3A_2151 = tpu.memref_slice %arg6[%dma_wait3A_2142, %dma_wait3A_2149, %dma_wait3A_2150] : memref<5x16x1024xf32, #tpu.memory_space<vmem>> -> memref<1x16x1024xf32, #tpu.memory_space<vmem>>
    %dma_wait3A_2152 = tpu.memref_squeeze %dma_wait3A_2151 : memref<1x16x1024xf32, #tpu.memory_space<vmem>> -> memref<16x1024xf32, #tpu.memory_space<vmem>>
    %dma_wait3A_2153 = arith.constant 0 : i32
    %dma_wait3A_2154 = tpu.memref_slice %arg2[%add3A_2042, %dma_wait3A_2153] : memref<16384x1024xf32, #tpu.memory_space<hbm>> -> memref<16x1024xf32, #tpu.memory_space<hbm>>
    tpu.wait_dma2 semaphore(%arg8 : memref<!tpu.dma_semaphore, #tpu.memory_space<semaphore_mem>>) src(%dma_wait3A_2154 : memref<16x1024xf32, #tpu.memory_space<hbm>>) dst(%dma_wait3A_2152 : memref<16x1024xf32, #tpu.memory_space<vmem>>)
    %parallel_loop3A_2155 = arith.constant 0 : i32
    %parallel_loop3A_2156 = arith.constant 16384 : i32
    %parallel_loop3A_2157 = arith.constant 16 : i32
    scf.for %parallel_loop3A_2240 = %parallel_loop3A_2155 to %parallel_loop3A_2156 step %parallel_loop3A_2157  : i32 {
      %parallel_loop3A_2241 = arith.constant 10 : i32
      %parallel_loop3A_2242 = arith.shrsi %parallel_loop3A_2240, %parallel_loop3A_2241 : i32
      %parallel_loop3A_2243 = arith.constant 1023 : i32
      %parallel_loop3A_2244 = arith.andi %parallel_loop3A_2240, %parallel_loop3A_2243 : i32
      %parallel_loop3A_2245 = tpu.assume_multiple %parallel_loop3A_2244, 16 : i32
      %parallel_loop3A_2246 = arith.constant 1 : i32
      %parallel_loop3A_2247 = arith.index_cast %parallel_loop3A_2246 : i32 to index
      %parallel_loop3A_2248 = arith.index_cast %parallel_loop3A_2242 : i32 to index
      %parallel_loop3A_2249 = arith.index_cast %parallel_loop3A_2245 : i32 to index
      %parallel_loop3A_2250 = tpu.vector_load %arg6[%parallel_loop3A_2247, %parallel_loop3A_2248, %parallel_loop3A_2249] {strides = array<i32>} : memref<5x16x1024xf32, #tpu.memory_space<vmem>>, vector<1x1x16xf32>,
      %parallel_loop3A_2251 = vector.shape_cast %parallel_loop3A_2250 : vector<1x1x16xf32> to vector<16xf32>
      %parallel_loop3A_2252 = arith.constant 1 : i32
      %parallel_loop3A_2253 = arith.index_cast %parallel_loop3A_2252 : i32 to index
      %parallel_loop3A_2254 = arith.index_cast %parallel_loop3A_2242 : i32 to index
      %parallel_loop3A_2255 = arith.index_cast %parallel_loop3A_2245 : i32 to index
      %parallel_loop3A_2256 = tpu.vector_load %arg5[%parallel_loop3A_2253, %parallel_loop3A_2254, %parallel_loop3A_2255] {strides = array<i32>} : memref<2x16x1024xf32, #tpu.memory_space<vmem>>, vector<1x1x16xf32>,
      %parallel_loop3A_2257 = vector.shape_cast %parallel_loop3A_2256 : vector<1x1x16xf32> to vector<16xf32>
      %parallel_loop3A_2258 = arith.addf %parallel_loop3A_2251, %parallel_loop3A_2257 : vector<16xf32>
      %parallel_loop3A_2259 = arith.constant 1 : i32
      %parallel_loop3A_2260 = arith.index_cast %parallel_loop3A_2259 : i32 to index
      %parallel_loop3A_2261 = arith.index_cast %parallel_loop3A_2242 : i32 to index
      %parallel_loop3A_2262 = arith.index_cast %parallel_loop3A_2245 : i32 to index
      %parallel_loop3A_2263 = tpu.vector_load %arg6[%parallel_loop3A_2260, %parallel_loop3A_2261, %parallel_loop3A_2262] {strides = array<i32>} : memref<5x16x1024xf32, #tpu.memory_space<vmem>>, vector<1x1x16xf32>,
      %parallel_loop3A_2264 = vector.shape_cast %parallel_loop3A_2263 : vector<1x1x16xf32> to vector<16xf32>
      %parallel_loop3A_2265 = vector.shape_cast %parallel_loop3A_2258 : vector<16xf32> to vector<1x1x16xf32>
      tpu.vector_store %arg6[%parallel_loop3A_2260, %parallel_loop3A_2261, %parallel_loop3A_2262], %parallel_loop3A_2265 {strides = array<i32>} : memref<5x16x1024xf32, #tpu.memory_space<vmem>>, vector<1x1x16xf32>,
    } {sc.loop_unroll_factor = 8 : i64, sc.parallel_access}
    %add3A_2158 = arith.constant 12288 : i32
    %add3A_2159 = arith.addi %add3A_2158, %mul3A_2 : i32
    %add3A_2160 = arith.constant 112 : i32
    %add3A_2161 = arith.addi %add3A_2159, %add3A_2160 : i32
    %dma_start3A_2162 = arith.constant 1 : i32
    %dma_start3A_2163 = arith.constant 0 : i32
    %dma_start3A_2164 = arith.constant 0 : i32
    %dma_start3A_2165 = tpu.memref_slice %arg6[%dma_start3A_2162, %dma_start3A_2163, %dma_start3A_2164] : memref<5x16x1024xf32, #tpu.memory_space<vmem>> -> memref<1x16x1024xf32, #tpu.memory_space<vmem>>
    %dma_start3A_2166 = tpu.memref_squeeze %dma_start3A_2165 : memref<1x16x1024xf32, #tpu.memory_space<vmem>> -> memref<16x1024xf32, #tpu.memory_space<vmem>>
    %dma_start3A_2167 = arith.constant 0 : i32
    %dma_start3A_2168 = tpu.memref_slice %arg4[%add3A_2161, %dma_start3A_2167] : memref<16384x1024xf32, #tpu.memory_space<hbm>> -> memref<16x1024xf32, #tpu.memory_space<hbm>>
    %dma_start3A_2169 = arith.constant 0 : i32
    %dma_start3A_2170 = tpu.memref_slice %arg4[%add3A_2161, %dma_start3A_2169] : memref<16384x1024xf32, #tpu.memory_space<hbm>> -> memref<16x1024xf32, #tpu.memory_space<hbm>>
    %dma_start3A_2171 = arith.constant 0 : i32
    %dma_start3A_2172 = arith.constant 0 : i32
    %dma_start3A_2173 = tpu.memref_slice %arg6[%dma_start3A_2162, %dma_start3A_2171, %dma_start3A_2172] : memref<5x16x1024xf32, #tpu.memory_space<vmem>> -> memref<1x16x1024xf32, #tpu.memory_space<vmem>>
    %dma_start3A_2174 = tpu.memref_squeeze %dma_start3A_2173 : memref<1x16x1024xf32, #tpu.memory_space<vmem>> -> memref<16x1024xf32, #tpu.memory_space<vmem>>
    tpu.enqueue_dma source(%dma_start3A_2174 : memref<16x1024xf32, #tpu.memory_space<vmem>>) target(%dma_start3A_2170 : memref<16x1024xf32, #tpu.memory_space<hbm>>) target_semaphore(%arg9 : memref<!tpu.dma_semaphore, #tpu.memory_space<semaphore_mem>>)
    %dma_wait3A_2175 = arith.constant 2 : i32
    %dma_wait3A_2176 = arith.constant 0 : i32
    %dma_wait3A_2177 = arith.constant 0 : i32
    %dma_wait3A_2178 = tpu.memref_slice %arg6[%dma_wait3A_2175, %dma_wait3A_2176, %dma_wait3A_2177] : memref<5x16x1024xf32, #tpu.memory_space<vmem>> -> memref<1x16x1024xf32, #tpu.memory_space<vmem>>
    %dma_wait3A_2179 = tpu.memref_squeeze %dma_wait3A_2178 : memref<1x16x1024xf32, #tpu.memory_space<vmem>> -> memref<16x1024xf32, #tpu.memory_space<vmem>>
    %dma_wait3A_2180 = arith.constant 0 : i32
    %dma_wait3A_2181 = tpu.memref_slice %arg4[%add3A_1986, %dma_wait3A_2180] : memref<16384x1024xf32, #tpu.memory_space<hbm>> -> memref<16x1024xf32, #tpu.memory_space<hbm>>
    %dma_wait3A_2182 = arith.constant 0 : i32
    %dma_wait3A_2183 = tpu.memref_slice %arg4[%add3A_1986, %dma_wait3A_2182] : memref<16384x1024xf32, #tpu.memory_space<hbm>> -> memref<16x1024xf32, #tpu.memory_space<hbm>>
    %dma_wait3A_2184 = arith.constant 0 : i32
    %dma_wait3A_2185 = arith.constant 0 : i32
    %dma_wait3A_2186 = tpu.memref_slice %arg6[%dma_wait3A_2175, %dma_wait3A_2184, %dma_wait3A_2185] : memref<5x16x1024xf32, #tpu.memory_space<vmem>> -> memref<1x16x1024xf32, #tpu.memory_space<vmem>>
    %dma_wait3A_2187 = tpu.memref_squeeze %dma_wait3A_2186 : memref<1x16x1024xf32, #tpu.memory_space<vmem>> -> memref<16x1024xf32, #tpu.memory_space<vmem>>
    tpu.wait_dma2 semaphore(%arg9 : memref<!tpu.dma_semaphore, #tpu.memory_space<semaphore_mem>>) src(%dma_wait3A_2187 : memref<16x1024xf32, #tpu.memory_space<vmem>>) dst(%dma_wait3A_2183 : memref<16x1024xf32, #tpu.memory_space<hbm>>)
    %dma_wait3A_2188 = arith.constant 3 : i32
    %dma_wait3A_2189 = arith.constant 0 : i32
    %dma_wait3A_2190 = arith.constant 0 : i32
    %dma_wait3A_2191 = tpu.memref_slice %arg6[%dma_wait3A_2188, %dma_wait3A_2189, %dma_wait3A_2190] : memref<5x16x1024xf32, #tpu.memory_space<vmem>> -> memref<1x16x1024xf32, #tpu.memory_space<vmem>>
    %dma_wait3A_2192 = tpu.memref_squeeze %dma_wait3A_2191 : memref<1x16x1024xf32, #tpu.memory_space<vmem>> -> memref<16x1024xf32, #tpu.memory_space<vmem>>
    %dma_wait3A_2193 = arith.constant 0 : i32
    %dma_wait3A_2194 = tpu.memref_slice %arg4[%add3A_2062, %dma_wait3A_2193] : memref<16384x1024xf32, #tpu.memory_space<hbm>> -> memref<16x1024xf32, #tpu.memory_space<hbm>>
    %dma_wait3A_2195 = arith.constant 0 : i32
    %dma_wait3A_2196 = tpu.memref_slice %arg4[%add3A_2062, %dma_wait3A_2195] : memref<16384x1024xf32, #tpu.memory_space<hbm>> -> memref<16x1024xf32, #tpu.memory_space<hbm>>
    %dma_wait3A_2197 = arith.constant 0 : i32
    %dma_wait3A_2198 = arith.constant 0 : i32
    %dma_wait3A_2199 = tpu.memref_slice %arg6[%dma_wait3A_2188, %dma_wait3A_2197, %dma_wait3A_2198] : memref<5x16x1024xf32, #tpu.memory_space<vmem>> -> memref<1x16x1024xf32, #tpu.memory_space<vmem>>
    %dma_wait3A_2200 = tpu.memref_squeeze %dma_wait3A_2199 : memref<1x16x1024xf32, #tpu.memory_space<vmem>> -> memref<16x1024xf32, #tpu.memory_space<vmem>>
    tpu.wait_dma2 semaphore(%arg9 : memref<!tpu.dma_semaphore, #tpu.memory_space<semaphore_mem>>) src(%dma_wait3A_2200 : memref<16x1024xf32, #tpu.memory_space<vmem>>) dst(%dma_wait3A_2196 : memref<16x1024xf32, #tpu.memory_space<hbm>>)
    %dma_wait3A_2201 = arith.constant 4 : i32
    %dma_wait3A_2202 = arith.constant 0 : i32
    %dma_wait3A_2203 = arith.constant 0 : i32
    %dma_wait3A_2204 = tpu.memref_slice %arg6[%dma_wait3A_2201, %dma_wait3A_2202, %dma_wait3A_2203] : memref<5x16x1024xf32, #tpu.memory_space<vmem>> -> memref<1x16x1024xf32, #tpu.memory_space<vmem>>
    %dma_wait3A_2205 = tpu.memref_squeeze %dma_wait3A_2204 : memref<1x16x1024xf32, #tpu.memory_space<vmem>> -> memref<16x1024xf32, #tpu.memory_space<vmem>>
    %dma_wait3A_2206 = arith.constant 0 : i32
    %dma_wait3A_2207 = tpu.memref_slice %arg4[%add3A_2095, %dma_wait3A_2206] : memref<16384x1024xf32, #tpu.memory_space<hbm>> -> memref<16x1024xf32, #tpu.memory_space<hbm>>
    %dma_wait3A_2208 = arith.constant 0 : i32
    %dma_wait3A_2209 = tpu.memref_slice %arg4[%add3A_2095, %dma_wait3A_2208] : memref<16384x1024xf32, #tpu.memory_space<hbm>> -> memref<16x1024xf32, #tpu.memory_space<hbm>>
    %dma_wait3A_2210 = arith.constant 0 : i32
    %dma_wait3A_2211 = arith.constant 0 : i32
    %dma_wait3A_2212 = tpu.memref_slice %arg6[%dma_wait3A_2201, %dma_wait3A_2210, %dma_wait3A_2211] : memref<5x16x1024xf32, #tpu.memory_space<vmem>> -> memref<1x16x1024xf32, #tpu.memory_space<vmem>>
    %dma_wait3A_2213 = tpu.memref_squeeze %dma_wait3A_2212 : memref<1x16x1024xf32, #tpu.memory_space<vmem>> -> memref<16x1024xf32, #tpu.memory_space<vmem>>
    tpu.wait_dma2 semaphore(%arg9 : memref<!tpu.dma_semaphore, #tpu.memory_space<semaphore_mem>>) src(%dma_wait3A_2213 : memref<16x1024xf32, #tpu.memory_space<vmem>>) dst(%dma_wait3A_2209 : memref<16x1024xf32, #tpu.memory_space<hbm>>)
    %dma_wait3A_2214 = arith.constant 0 : i32
    %dma_wait3A_2215 = arith.constant 0 : i32
    %dma_wait3A_2216 = arith.constant 0 : i32
    %dma_wait3A_2217 = tpu.memref_slice %arg6[%dma_wait3A_2214, %dma_wait3A_2215, %dma_wait3A_2216] : memref<5x16x1024xf32, #tpu.memory_space<vmem>> -> memref<1x16x1024xf32, #tpu.memory_space<vmem>>
    %dma_wait3A_2218 = tpu.memref_squeeze %dma_wait3A_2217 : memref<1x16x1024xf32, #tpu.memory_space<vmem>> -> memref<16x1024xf32, #tpu.memory_space<vmem>>
    %dma_wait3A_2219 = arith.constant 0 : i32
    %dma_wait3A_2220 = tpu.memref_slice %arg4[%add3A_2128, %dma_wait3A_2219] : memref<16384x1024xf32, #tpu.memory_space<hbm>> -> memref<16x1024xf32, #tpu.memory_space<hbm>>
    %dma_wait3A_2221 = arith.constant 0 : i32
    %dma_wait3A_2222 = tpu.memref_slice %arg4[%add3A_2128, %dma_wait3A_2221] : memref<16384x1024xf32, #tpu.memory_space<hbm>> -> memref<16x1024xf32, #tpu.memory_space<hbm>>
    %dma_wait3A_2223 = arith.constant 0 : i32
    %dma_wait3A_2224 = arith.constant 0 : i32
    %dma_wait3A_2225 = tpu.memref_slice %arg6[%dma_wait3A_2214, %dma_wait3A_2223, %dma_wait3A_2224] : memref<5x16x1024xf32, #tpu.memory_space<vmem>> -> memref<1x16x1024xf32, #tpu.memory_space<vmem>>
    %dma_wait3A_2226 = tpu.memref_squeeze %dma_wait3A_2225 : memref<1x16x1024xf32, #tpu.memory_space<vmem>> -> memref<16x1024xf32, #tpu.memory_space<vmem>>
    tpu.wait_dma2 semaphore(%arg9 : memref<!tpu.dma_semaphore, #tpu.memory_space<semaphore_mem>>) src(%dma_wait3A_2226 : memref<16x1024xf32, #tpu.memory_space<vmem>>) dst(%dma_wait3A_2222 : memref<16x1024xf32, #tpu.memory_space<hbm>>)
    %dma_wait3A_2227 = arith.constant 1 : i32
    %dma_wait3A_2228 = arith.constant 0 : i32
    %dma_wait3A_2229 = arith.constant 0 : i32
    %dma_wait3A_2230 = tpu.memref_slice %arg6[%dma_wait3A_2227, %dma_wait3A_2228, %dma_wait3A_2229] : memref<5x16x1024xf32, #tpu.memory_space<vmem>> -> memref<1x16x1024xf32, #tpu.memory_space<vmem>>
    %dma_wait3A_2231 = tpu.memref_squeeze %dma_wait3A_2230 : memref<1x16x1024xf32, #tpu.memory_space<vmem>> -> memref<16x1024xf32, #tpu.memory_space<vmem>>
    %dma_wait3A_2232 = arith.constant 0 : i32
    %dma_wait3A_2233 = tpu.memref_slice %arg4[%add3A_2161, %dma_wait3A_2232] : memref<16384x1024xf32, #tpu.memory_space<hbm>> -> memref<16x1024xf32, #tpu.memory_space<hbm>>
    %dma_wait3A_2234 = arith.constant 0 : i32
    %dma_wait3A_2235 = tpu.memref_slice %arg4[%add3A_2161, %dma_wait3A_2234] : memref<16384x1024xf32, #tpu.memory_space<hbm>> -> memref<16x1024xf32, #tpu.memory_space<hbm>>
    %dma_wait3A_2236 = arith.constant 0 : i32
    %dma_wait3A_2237 = arith.constant 0 : i32
    %dma_wait3A_2238 = tpu.memref_slice %arg6[%dma_wait3A_2227, %dma_wait3A_2236, %dma_wait3A_2237] : memref<5x16x1024xf32, #tpu.memory_space<vmem>> -> memref<1x16x1024xf32, #tpu.memory_space<vmem>>
    %dma_wait3A_2239 = tpu.memref_squeeze %dma_wait3A_2238 : memref<1x16x1024xf32, #tpu.memory_space<vmem>> -> memref<16x1024xf32, #tpu.memory_space<vmem>>
    tpu.wait_dma2 semaphore(%arg9 : memref<!tpu.dma_semaphore, #tpu.memory_space<semaphore_mem>>) src(%dma_wait3A_2239 : memref<16x1024xf32, #tpu.memory_space<vmem>>) dst(%dma_wait3A_2235 : memref<16x1024xf32, #tpu.memory_space<hbm>>)
    return
  }
}

</mosaic_0001>

<sc_bundles>
// kernel: kernel.3.cloned.1.call-start
scs
__scs_entry_jumppad:
0x0: {  	(pc) =	sbr.rel $0x88, $3  }
0x1: {  	(tag) =	ssettag $0x0;
	lr =	simm.s32 $0x1  }
0x2: {  	[smem:$0x3F9F] =	sst lr;
	_ =	strace $0xD0000000  }
0x3: {  	_ = 	snop  }
0x4: {  	_ = 	snop  }
0x5: {  	_ = 	snop  }
0x6: {  	_ = 	snop  }
0x7: {  	_ = 	snop  }
__scs_overlays_trampoline_lowered:
0x8: {  	[smem:$0x3FAE] =	sst s0  }
0x9: {  	[smem:$0x3FAF] =	sst s1  }
0xa: {  	[smem:$0x3FB0] =	sst s2  }
0xb: {  	[smem:$0x3FB1] =	sst s3  }
0xc: {  	[smem:$0x3FB2] =	sst s4  }
0xd: {  	[smem:$0x3FB3] =	sst s5  }
0xe: {  	[smem:$0x3FB4] =	sst s6  }
0xf: {  	[smem:$0x3FB5] =	sst s7  }
0x10: {  	[smem:$0x3FB6] =	sst s8  }
0x11: {  	[smem:$0x3FB7] =	sst s9;
	s0 =	simm.s32 @!p0 $0x0  }
0x12: {  	s1 =	sld [smem:$0x3F9D];
	s0 =	simm.s32 @p0 $0x1  }
0x13: {  	[smem:$0x3FB8] =	sst s0;
	s0 =	simm.s32 @!p1 $0x0  }
0x14: {  	s2 =	sld [smem:$0x3F9C];
	s0 =	simm.s32 @p1 $0x1  }
0x15: {  	[smem:$0x3FB9] =	sst s0;
	s0 =	simm.s32 @!p2 $0x0  }
0x16: {  	s3 =	sld [smem:$0x3FDB];
	s0 =	simm.s32 @p2 $0x1  }
0x17: {  	s4 =	simm.s32 $0x1BF5;
	[smem:$0x3FBB] =	sst s0  }
0x18: {  	s0 =	sld [smem:$0x3F9E];
	_ =	swait.ge [sflag:s4], $0x0  }
0x19: {  	s7 =	sld [smem:$0x3F9F]  }
0x1a: {  	s8 =	sadd.s32 $0xFFFFE003, lr  }
0x1b: {  	s9 =	sadd.s32 $0xFFFFFEF7, lr;
	s5 =	simm.s32 $0xFFFFFFFF;
	p2 =	slt.u32 s8, $0xFFFFF086  }
0x1c: {  	p1 =	slt.u32 s9, $0xF7A;
	s5 =	simm.s32 @!p2 $0x0  }
0x1d: {  	s5 =	simm.s32 @p1 $0x1;
	p0 =	seq.s32 s7, s2  }
0x1e: {  	s7 =	smul.u32 @!p0 $0xF7A, s2;
	p2 =	seq.s32 @!p0 s5, $0x0  }
0x1f: {  	s9 =	smul.u32 $0xF7A, s1;
	s8 =	simm.s32 @!p0 $0x1BF5;
	p2 =	por !p2, p0  }
0x20: {  	[sflag:s8] =	ssyncset.s32 @!p0 $0xFFFFF086;
	s6 =	sadd.s32 @!p0 s3, s7;
	s7 =	simm.s32 @!p0 $0x108  }
0x21: {  	s3 =	sadd.s32 s3, s9;
	s6 =	sadd.s32 @!p0 $0x88, s6;
	s7 =	simm.s32 @p2 $0x1082  }
0x22: {  	[simem:s7], [sflag:s8] =	dma.local @!p0 [hbm:s6], $0xF7A  }
0x23: {  	s9 =	sor.u32 $0xD0000000, s2;
	s6 =	simm.s32 $0x108;
	_ =	swait.ge @!p0 [sflag:s8], $0x0  }
0x24: {  	s3 =	sadd.s32 $0x88, s3;
	s6 =	simm.s32 @!p1 $0x1082;
	[sflag:s4] =	ssyncset.s32 $0xFFFFF086  }
0x25: {  	[simem:s6], [sflag:s4] =	dma.local [hbm:s3], $0xF7A  }
0x26: {  	[smem:$0x3F9F] =	sst s1;
	(tag) =	ssettag s2;
	_ =	strace s9  }
0x27: {  	s1 =	sld [smem:$0x3FAF]  }
0x28: {  	s2 =	sld [smem:$0x3FB0]  }
0x29: {  	s4 =	sld [smem:$0x3FB2]  }
0x2a: {  	p0 =	seq.s32 s5, $0x0;
	s5 =	sld [smem:$0x3FB3]  }
0x2b: {  	s6 =	sld [smem:$0x3FB4]  }
0x2c: {  	s7 =	sld [smem:$0x3FB5]  }
0x2d: {  	s3 =	simm.s32 $0x108;
	s8 =	sld [smem:$0x3FB6]  }
0x2e: {  	s3 =	simm.s32 @!p0 $0x1082;
	s9 =	sld [smem:$0x3FB7]  }
0x2f: {  	lr =	sadd.s32 s0, s3;
	s0 =	sld [smem:$0x3FAE]  }
0x30: {  	s3 =	sld [smem:$0x3FB1]  }
0x31: {  	[smem:$0x3FBA] =	sst s10  }
0x32: {  	s10 =	sld [smem:$0x3FB8];
	_ =	sdelay $0x3  }
0x33: {  	p0 =	seq.s32 s10, $0x1;
	s10 =	sld [smem:$0x3FBA];
	_ =	sdelay $0x3  }
0x34: {  	[smem:$0x3FBA] =	sst s10  }
0x35: {  	s10 =	sld [smem:$0x3FB9];
	_ =	sdelay $0x3  }
0x36: {  	p1 =	seq.s32 s10, $0x1;
	s10 =	sld [smem:$0x3FBA];
	_ =	sdelay $0x3  }
0x37: {  	[smem:$0x3FBA] =	sst s10  }
0x38: {  	s10 =	sld [smem:$0x3FBB]  }
0x39: {  	_ = 	snop;
	(pc) =	sbr.ind lr, $3  }
0x3a: {  	_ = 	snop  }
0x3b: {  	_ = 	snop  }
0x3c: {  	p2 =	seq.s32 s10, $0x1;
	s10 =	sld [smem:$0x3FBA]  }
0x3d: {  	_ =	shalt  }
0x3e: {  	_ =	shalt  }
0x3f: {  	_ =	shalt  }
0x40: {  	_ =	shalt  }
0x41: {  	_ =	shalt  }
0x42: {  	_ =	shalt  }
0x43: {  	_ =	shalt  }
0x44: {  	_ =	shalt  }
0x45: {  	_ =	shalt  }
0x46: {  	_ =	shalt  }
0x47: {  	_ =	shalt  }
0x48: {  	_ =	shalt  }
0x49: {  	_ =	shalt  }
0x4a: {  	_ =	shalt  }
0x4b: {  	_ =	shalt  }
0x4c: {  	_ =	shalt  }
0x4d: {  	_ =	shalt  }
0x4e: {  	_ =	shalt  }
0x4f: {  	_ =	shalt  }
0x50: {  	_ =	shalt  }
0x51: {  	_ =	shalt  }
0x52: {  	_ =	shalt  }
0x53: {  	_ =	shalt  }
0x54: {  	_ =	shalt  }
0x55: {  	_ =	shalt  }
0x56: {  	_ =	shalt  }
0x57: {  	_ =	shalt  }
0x58: {  	_ =	shalt  }
0x59: {  	_ =	shalt  }
0x5a: {  	_ =	shalt  }
0x5b: {  	_ =	shalt  }
0x5c: {  	_ =	shalt  }
0x5d: {  	_ =	shalt  }
0x5e: {  	_ =	shalt  }
0x5f: {  	_ =	shalt  }
0x60: {  	_ =	shalt  }
0x61: {  	_ =	shalt  }
0x62: {  	_ =	shalt  }
0x63: {  	_ =	shalt  }
0x64: {  	_ =	shalt  }
0x65: {  	_ =	shalt  }
0x66: {  	_ =	shalt  }
0x67: {  	_ =	shalt  }
0x68: {  	_ =	shalt  }
0x69: {  	_ =	shalt  }
0x6a: {  	_ =	shalt  }
0x6b: {  	_ =	shalt  }
0x6c: {  	_ =	shalt  }
0x6d: {  	_ =	shalt  }
0x6e: {  	_ =	shalt  }
0x6f: {  	_ =	shalt  }
0x70: {  	_ =	shalt  }
0x71: {  	_ =	shalt  }
0x72: {  	_ =	shalt  }
0x73: {  	_ =	shalt  }
0x74: {  	_ =	shalt  }
0x75: {  	_ =	shalt  }
0x76: {  	_ =	shalt  }
0x77: {  	_ =	shalt  }
0x78: {  	_ =	shalt  }
0x79: {  	_ =	shalt  }
0x7a: {  	_ =	shalt  }
0x7b: {  	_ =	shalt  }
0x7c: {  	_ =	shalt  }
0x7d: {  	_ =	shalt  }
0x7e: {  	_ =	shalt  }
0x7f: {  	_ =	shalt  }
0x80: {  	_ =	shalt  }
0x81: {  	_ =	shalt  }
0x82: {  	_ =	shalt  }
0x83: {  	_ =	shalt  }
0x84: {  	_ =	shalt  }
0x85: {  	_ =	shalt  }
0x86: {  	_ =	shalt  }
0x87: {  	_ =	shalt  }
.Lfunc_end0:
.L_simem_size_0:
called_computation_lowered:
.L_overlay_start_0:
0x88: {  	s2 =	sld [smem:$0x3FD9]  }
0x89: {  	s3 =	sld [smem:$0x3FFE];
	_ =	sdelay $0x1  }
0x8a: {  	s1 =	srdreg.scid  }
0x8b: {  	s0 =	sand.u32 $0x1, s1  }
0x8c: {  	s18 =	sshll.u32 s0, $0xA;
	s2 =	sadd.s32 s3, s2  }
0x8d: {  	s2 =	sadd.s32 s2, s18  }
0x8e: {  	[smem:$0x3FC6] =	sst s2  }
0x8f: {  	_ = 	snop  }
0x90: {  	s2 =	sld [smem:$0x3FC9]  }
0x91: {  	s19 =	sld [smem:$0x3FC8]  }
0x92: {  	s4 =	sld [smem:$0x3FD0];
	(tm) =	ssettm $0x1  }
0x93: {  	s5 =	sld [smem:$0x3FFB];
	_ =	sdelay $0x3  }
0x94: {  	_ =	strace s5  }
0x95: {  	s5 =	sld [smem:$0x3FFC];
	_ =	sdelay $0x3  }
0x96: {  	_ =	strace s5  }
0x97: {  	s5 =	sld [smem:$0x3FFD];
	_ =	sdelay $0x3  }
0x98: {  	_ =	strace s5  }
0x99: {  	_ =	strace $0x8FFFFFFF  }
0x9a: {  	s20 =	sld [smem:$0x3FDB];
	_ =	sdelay $0x1  }
0x9b: {  	s6 =	simm.s32 $_scs_section_size  }
0x9c: {  	s7 =	simm.s32 $_size__tile_overlayer_lowered;
	s8 =	simm.s32 $_tile_overlayer_lowered  }
0x9d: {  	s23 =	simm.s32 $0x1BFF;
	s22 =	sshll.u32 s8, $0x1;
	s5 =	sadd.s32 s6, s20  }
0x9e: {  	s9 =	simm.s32 $0x0;
	s21 =	sshll.u32 s7, $0x1;
	s7 =	sadd.s32 s22, s5  }
0x9f: {  	[timem:s9], [sflag:s23] =	dma.local [hbm:s7], s21  }
0xa0: {  	_ =	swait.ge [sflag:s23], s21  }
0xa1: {  	s6 =	ssub.s32 $0x0, s21;
	[sflag:s23] =	ssyncset.done $0x0  }
0xa2: {  	[sflag:s23] =	ssyncadd.s32 s6;
	_ =	sdelay $0x1  }
0xa3: {  	s24 =	simm.s32 $0x1B8B  }
0xa4: {  	_ =	swait.ge [sflag:s24], $0x1  }
0xa5: {  	[sflag:s24] =	ssyncset.done $0x0  }
0xa6: {  	s25 =	simm.s32 $0x1B8E;
	[sflag:s24] =	ssyncadd.s32 $0xFFFFFFFF  }
0xa7: {  	s26 =	simm.s32 $execute0_lowered;
	[smem:$0x3FD2] =	sst s25  }
0xa8: {  	s6 =	sshll.u32 s26, $0x1;
	_ =	strace $0x80000046;
	[dreg:$0x1] =	wrdreg $0xFFFFFFFF  }
0xa9: {  	s28 =	simm.s32 $_size_execute0_lowered;
	s5 =	sadd.s32 s5, s6;
	[dreg:$0x0] =	wrdreg $0x0  }
0xaa: {  	s6 =	sshll.u32 s28, $0x1;
	[dreg:$0x2] =	wrdreg s5  }
0xab: {  	[dreg:$0x3] =	wrdreg s6  }
0xac: {  	[dreg:$0x4] =	wrdreg $0xC0  }
0xad: {  	_ =	task [dreg:s9], $0x5FFFF  }
0xae: {  	[dreg:$0x1] =	wrdreg $0xFFFFFFFF  }
0xaf: {  	[dreg:$0x0] =	wrdreg $0x60  }
0xb0: {  	[dreg:$0x2] =	wrdreg s2  }
0xb1: {  	[dreg:$0x3] =	wrdreg s19  }
0xb2: {  	[dreg:$0x4] =	wrdreg s4  }
0xb3: {  	[dreg:$0x5] =	wrdreg $0x9  }
0xb4: {  	_ =	task.clear_ibuf [dreg:s9], $0x6FFFF;
	_ =	strace $0x90000046  }
0xb5: {  	s29 =	simm.s32 $0x9;
	_ =	strace $0x80000048  }
0xb6: {  	_ =	swait.ge [sflag:s29], $0x1  }
0xb7: {  	[sflag:s29] =	ssyncadd.s32 $0xFFFFFFFF  }
0xb8: {  	_ =	strace $0x90000048  }
0xb9: {  	_ =	sfence  }
0xba: {  	s30 =	sld [smem:$0x0];
	_ =	sdelay $0x2  }
0xbb: {  	s31 =	sshll.u32 s1, $0xD;
	s1 =	sshrl.u32 s1, $0x2  }
0xbc: {  	s3 =	sand.u32 $0x4000, s31;
	s1 =	sadd.s32 s1, s30  }
0xbd: {  	s0 =	sor.u32 s3, s0;
	s1 =	sshll.u32 s1, $0x11  }
0xbe: {  	s0 =	sor.u32 s1, s0  }
0xbf: {  	s0 =	sadd.s32 $0x8F2B, s0  }
0xc0: {  	[sflag:s0] =	ssyncadd.remote.s32 $0x1  }
0xc1: {  	_ =	sfence.sel $0xFFFF  }
0xc2: {  	[dreg:$0x0] =	wrdreg $0xFFFFFFFF;
	(pc) =	sbr.abs _section_cstart, $3  }
0xc3: {  	[dreg:$0x1] =	wrdreg $0xFFFFFFFF  }
0xc4: {  	_ =	task.clear_ibuf [dreg:s9], $0x2FFFF;
	_ =	strace $0x9FFFFFFF  }
0xc5: {  	(tm) =	ssettm $0x7FFFFFFF  }
tec
execute0_lowered:
.L_overlay_start_1:
0x0: {  	(tag) =	ssettag $0x1  }
0x1: {  	s0 =	srdreg.scid  }
0x2: {  	s9 =	rddreg [dreg:$0x0];
	s2 =	stileid.u32;
	s1 =	sand.u32 $0x1, s0  }
0x3: {  	s13 =	rddreg [dreg:$0x2];
	s2 =	sshll.u32 s2, $0xF;
	s3 =	sshll.u32 s1, $0xE  }
0x4: {  	s0 =	rddreg [dreg:$0x1];
	s6 =	sor.u32 s3, s2  }
0x5: {  	s4 =	ssub.s32 $0x2, s1;
	s1 =	simm.s32 $0x0;
	s3 =	sor.u32 $0x800, s6  }
0x6: {  	[smem:$0x7FF] =	sst s1;
	s16 =	sor.u32 $0x80000, s6;
	s15 =	sadd.s32 s0, s3  }
0x7: {  	s17 =	sor.u32 $0x100000, s6;
	s7 =	sadd.s32 s9, s16;
	[dreg:$0x4] =	wrdreg s15  }
0x8: {  	s5 =	sor.u32 $0x180000, s6;
	s18 =	sadd.s32 s9, s17;
	[dreg:$0x5] =	wrdreg s7  }
0x9: {  	s19 =	sadd.s32 s9, s5;
	[dreg:$0x6] =	wrdreg s18  }
0xa: {  	s14 =	sshrl.u32 s4, $0x1;
	s20 =	sadd.s32 s9, s3;
	[dreg:$0x7] =	wrdreg s19  }
0xb: {  	s21 =	sor.u32 $0x80800, s6;
	s2 =	sadd.s32 s13, s16;
	[dreg:$0x8] =	wrdreg s20  }
0xc: {  	s14 =	ssub.s32 s4, s14;
	s22 =	sadd.s32 s9, s21;
	[dreg:$0x9] =	wrdreg s2  }
0xd: {  	s23 =	sor.u32 $0x100800, s6;
	s4 =	sadd.s32 s13, s17;
	[dreg:$0xa] =	wrdreg s22  }
0xe: {  	s24 =	sadd.s32 s9, s23;
	[dreg:$0xb] =	wrdreg s4  }
0xf: {  	s25 =	sor.u32 $0x1000, s6;
	s5 =	sadd.s32 s13, s5;
	[dreg:$0xc] =	wrdreg s24  }
0x10: {  	s8 =	sor.u32 $0x180800, s6;
	s26 =	sadd.s32 s0, s25;
	[dreg:$0xd] =	wrdreg s5  }
0x11: {  	s28 =	sadd.s32 s9, s8;
	[dreg:$0xe] =	wrdreg s26  }
0x12: {  	s3 =	sadd.s32 s13, s3;
	[dreg:$0xf] =	wrdreg s28  }
0x13: {  	s29 =	sadd.s32 s9, s25;
	[dreg:$0x10] =	wrdreg s3  }
0x14: {  	s12 =	sor.u32 $0x1800, s6;
	s31 =	sadd.s32 s13, s23;
	[dreg:$0x11] =	wrdreg s29  }
0x15: {  	s16 =	sadd.s32 s0, s12;
	[dreg:$0x13] =	wrdreg s31  }
0x16: {  	s17 =	sadd.s32 s9, s12;
	[dreg:$0x1c] =	wrdreg s16  }
0x17: {  	s2 =	sadd.s32 s13, s21;
	[dreg:$0x1d] =	wrdreg s17  }
0x18: {  	s4 =	sadd.s32 s13, s8;
	[dreg:$0x12] =	wrdreg s2  }
0x19: {  	s30 =	sor.u32 $0x81000, s6;
	s5 =	sadd.s32 s13, s25;
	[dreg:$0x14] =	wrdreg s4  }
0x1a: {  	s11 =	sor.u32 $0x181000, s6;
	s7 =	sadd.s32 s9, s30;
	[dreg:$0x15] =	wrdreg s5  }
0x1b: {  	s15 =	sadd.s32 s9, s11;
	[dreg:$0x16] =	wrdreg s7  }
0x1c: {  	s18 =	sadd.s32 s13, s12;
	[dreg:$0x1a] =	wrdreg s15  }
0x1d: {  	s8 =	sor.u32 $0x101000, s6;
	s2 =	sadd.s32 s13, s30;
	[dreg:$0x1e] =	wrdreg s18  }
0x1e: {  	s10 =	sadd.s32 s9, s8;
	[dreg:$0x17] =	wrdreg s2  }
0x1f: {  	s19 =	sor.u32 $0x81800, s6;
	s3 =	sadd.s32 s13, s8;
	[dreg:$0x18] =	wrdreg s10  }
0x20: {  	s20 =	sor.u32 $0x101800, s6;
	s21 =	sadd.s32 s9, s19;
	[dreg:$0x19] =	wrdreg s3  }
0x21: {  	s22 =	sadd.s32 s9, s20;
	[dreg:$0x1f] =	wrdreg s21  }
0x22: {  	s25 =	sor.u32 $0x181800, s6;
	s23 =	sadd.s32 s13, s20;
	[smem:$0x7DF] =	sst s22  }
0x23: {  	s24 =	sor.u32 $0x2000, s6;
	s26 =	sadd.s32 s9, s25;
	[smem:$0x7E0] =	sst s23  }
0x24: {  	s28 =	sadd.s32 s0, s24;
	[smem:$0x7E1] =	sst s26  }
0x25: {  	s17 =	sor.u32 $0x102800, s6;
	s29 =	sadd.s32 s9, s24;
	[smem:$0x7E3] =	sst s28  }
0x26: {  	s18 =	sadd.s32 s9, s17;
	[smem:$0x7E4] =	sst s29  }
0x27: {  	s14 =	smax.u32 s14, $0x1;
	s2 =	sadd.s32 s13, s11;
	[smem:$0x7F1] =	sst s18  }
0x28: {  	s30 =	sor.u32 $0x82000, s6;
	s3 =	sadd.s32 s13, s25;
	[dreg:$0x1b] =	wrdreg s2  }
0x29: {  	s4 =	sor.u32 $0x102000, s6;
	s31 =	sadd.s32 s9, s30;
	[smem:$0x7E2] =	sst s3  }
0x2a: {  	s7 =	sor.u32 $0x182000, s6;
	s5 =	sadd.s32 s9, s4;
	[smem:$0x7E6] =	sst s31  }
0x2b: {  	s15 =	sor.u32 $0x82800, s6;
	s8 =	sadd.s32 s9, s7;
	[smem:$0x7E8] =	sst s5  }
0x2c: {  	s10 =	sor.u32 $0x2800, s6;
	s16 =	sadd.s32 s9, s15;
	[smem:$0x7EA] =	sst s8  }
0x2d: {  	s22 =	sadd.s32 s0, s6;
	s23 =	sor.u32 $0x3000, s6;
	[smem:$0x7EF] =	sst s16  }
0x2e: {  	s25 =	sor.u32 $0x83000, s6;
	s2 =	sadd.s32 s13, s19;
	[smem:$0x7F5] =	sst s22  }
0x2f: {  	s29 =	sor.u32 $0x103000, s6;
	s11 =	sadd.s32 s0, s10;
	[smem:$0x7DE] =	sst s2  }
0x30: {  	s18 =	simm.s32 $0x10000;
	s12 =	sadd.s32 s9, s10;
	[smem:$0x7EC] =	sst s11  }
0x31: {  	s3 =	sadd.s32 s13, s15;
	s19 =	sor.u32 $0x182800, s6;
	[smem:$0x7ED] =	sst s12  }
0x32: {  	s26 =	sadd.s32 s9, s23;
	s28 =	sadd.s32 s9, s25;
	[smem:$0x7F0] =	sst s3  }
0x33: {  	s31 =	sadd.s32 s9, s29;
	s5 =	sadd.s32 s13, s6;
	[smem:$0x7F8] =	sst s26  }
0x34: {  	s15 =	sor.u32 $0x183800, s6;
	s16 =	simm.s32 $0x8000;
	[smem:$0x7FA] =	sst s28  }
0x35: {  	s22 =	simm.s32 $0x18000;
	s2 =	sadd.s32 s13, s24;
	[smem:$0x7FC] =	sst s31  }
0x36: {  	s20 =	sadd.s32 s9, s19;
	s21 =	sadd.s32 s13, s19;
	[smem:$0x7E5] =	sst s2  }
0x37: {  	s24 =	sadd.s32 s0, s23;
	s11 =	sor.u32 $0x83800, s6;
	[smem:$0x7F3] =	sst s20  }
0x38: {  	s12 =	sor.u32 $0x103800, s6;
	s19 =	simm.s32 $0x2;
	[smem:$0x7F4] =	sst s21  }
0x39: {  	s2 =	sadd.s32 s13, s30;
	[smem:$0x7F6] =	sst s24;
	s30 =	sor.u32 $0x183000, s6  }
0x3a: {  	s8 =	sadd.s32 s9, s12;
	s12 =	sadd.s32 s13, s12;
	s20 =	simm.s32 $0x1  }
0x3b: {  	s21 =	simm.s32 $0x14000;
	s24 =	simm.s32 $0x0;
	[smem:$0x7E7] =	sst s2  }
0x3c: {  	s2 =	sadd.s32 s13, s4;
	s3 =	sadd.s32 s13, s30;
	s4 =	sadd.s32 s9, s6  }
0x3d: {  	[smem:$0x7E9] =	sst s2;
	s2 =	sadd.s32 s13, s7;
	s7 =	sadd.s32 s9, s11  }
0x3e: {  	s11 =	sadd.s32 s13, s11;
	[smem:$0x7EB] =	sst s2;
	s2 =	sadd.s32 s13, s10  }
0x3f: {  	s10 =	sor.u32 $0x3800, s6;
	[smem:$0x7EE] =	sst s2;
	s2 =	sadd.s32 s13, s17  }
0x40: {  	s0 =	sadd.s32 s0, s10;
	s6 =	sadd.s32 s9, s10;
	[smem:$0x7F2] =	sst s2  }
0x41: {  	s10 =	sadd.s32 s13, s10;
	[smem:$0x7F7] =	sst s0;
	s2 =	sadd.s32 s13, s23  }
0x42: {  	s17 =	simm.s32 $0xC000;
	s0 =	sadd.s32 s13, s25;
	[smem:$0x7F9] =	sst s2  }
0x43: {  	s23 =	simm.s32 $0x3;
	[smem:$0x7FB] =	sst s0;
	s0 =	sadd.s32 s13, s29  }
0x44: {  	s2 =	sadd.s32 s9, s30;
	s9 =	sadd.s32 s9, s15;
	[smem:$0x7FD] =	sst s0  }
0x45: {  	s13 =	sadd.s32 s13, s15;
	s15 =	simm.s32 $0x4000;
	_ =	strace $0x80000047  }
.LBB2_1:
0x46: {  	s0 =	sld [smem:$0x7F5];
	_ =	sdelay $0x2  }
0x47: {  	[tilespmem:s1], [sflag:$0x1] =	stream.linear.gather [hbm4b:s0+s1], $0x4000, $0x38;
	[tilespmem:$0x1C000] =	vst v63  }
0x48: {  	s25 =	rddreg [dreg:$0x4]  }
0x49: {  	[tilespmem:s15], [sflag:$0x1] =	stream.linear.gather [hbm4b:s25+s1], $0x4000, $0x38;
	[tilespmem:$0x1C000] =	vst v63  }
0x4a: {  	_ = 	snop  }
0x4b: {  	[tilespmem:s16], [sflag:$0x2] =	stream.linear.gather [hbm4b:s4+s1], $0x4000, $0x38;
	[tilespmem:$0x1C000] =	vst v63  }
0x4c: {  	s26 =	rddreg [dreg:$0x5]  }
0x4d: {  	[tilespmem:s17], [sflag:$0x2] =	stream.linear.gather [hbm4b:s26+s1], $0x4000, $0x38;
	[tilespmem:$0x1C000] =	vst v63  }
0x4e: {  	s30 =	rddreg [dreg:$0x6]  }
0x4f: {  	[tilespmem:s18], [sflag:$0x2] =	stream.linear.gather [hbm4b:s30+s1], $0x4000, $0x38;
	[tilespmem:$0x1C000] =	vst v63  }
0x50: {  	_ =	swait.ge [sflag:s19], $0x4000  }
0x51: {  	[sflag:s19] =	ssyncset.done $0x0  }
0x52: {  	s26 =	simm.s32 $0x0;
	[sflag:s19] =	ssyncadd.s32 $0xFFFFC000  }
0x53: {  	s28 =	sand.u32 $0x1C00, s1;
	s25 =	sand.u32 $0x2000, s26;
	_ =	swait.ge [sflag:s20], $0x4000  }
0x54: {  	s25 =	sor.u32 s25, s28;
	s28 =	sand.u32 $0x380, s1;
	[sflag:s20] =	ssyncset.done $0x0  }
0x55: {  	s25 =	sor.u32 s28, s25;
	s31 =	rddreg [dreg:$0x7];
	[sflag:s20] =	ssyncadd.s32 $0xFFFFC000  }
0x56: {  	[tilespmem:s21], [sflag:$0x2] =	stream.linear.gather [hbm4b:s31+s1], $0x4000, $0x38;
	[tilespmem:$0x1C000] =	vst v63  }
0x57: {  	v0 =	vld [tilespmem:s25+$0x8070]  }
0x58: {  	v1 =	vld [tilespmem:s25+$0x70]  }
0x59: {  	v3 =	vld [tilespmem:s25+$0x8000]  }
0x5a: {  	v4 =	vld [tilespmem:s25+$0x0]  }
0x5b: {  	v6 =	vld [tilespmem:s25+$0x8010]  }
0x5c: {  	v7 =	vld [tilespmem:s25+$0x10]  }
0x5d: {  	v2 =	vld [tilespmem:s25+$0x8020]  }
0x5e: {  	v5 =	vld [tilespmem:s25+$0x20]  }
0x5f: {  	v1 =	vadd.f32 v1, v0;
	v0 =	vld [tilespmem:s25+$0x8030]  }
0x60: {  	v4 =	vadd.f32 v4, v3;
	v3 =	vld [tilespmem:s25+$0x30]  }
0x61: {  	v6 =	vadd.f32 v7, v6;
	[tilespmem:s25+$0x8070] =	vst v1;
	v1 =	vld [tilespmem:s25+$0x8040]  }
0x62: {  	s29 =	simm.s32 $0x0;
	s28 =	simm.s32 $0x0;
	[tilespmem:s25+$0x8000] =	vst v4;
	v4 =	vld [tilespmem:s25+$0x40]  }
.LBB2_2:
0x63: {  	s26 =	sadd.s32 $0x80, s26;
	[tilespmem:s25+$0x8010] =	vst v6;
	v2 =	vadd.f32 v5, v2;
	v5 =	vld [tilespmem:s25+$0x8050];
	s28 =	sadd.s32 $0x400, s28  }
0x64: {  	s29 =	sadd.s32 $0x10, s29;
	s30 =	sand.u32 $0x2000, s26;
	s31 =	sand.u32 $0x1C00, s28;
	v6 =	vld [tilespmem:s25+$0x50]  }
0x65: {  	p0 =	slt.u32 s26, $0x3F80;
	s30 =	sor.u32 s30, s31;
	s31 =	sand.u32 $0x380, s29;
	[tilespmem:s25+$0x8020] =	vst v2;
	v0 =	vadd.f32 v3, v0;
	v2 =	vld [tilespmem:s25+$0x8060]  }
0x66: {  	s30 =	sor.u32 s31, s30;
	v3 =	vld [tilespmem:s25+$0x60]  }
0x67: {  	v7 =	vld [tilespmem:s30+$0x8070];
	[tilespmem:s25+$0x8030] =	vst v0;
	v0 =	vadd.f32 v4, v1  }
0x68: {  	v1 =	vld [tilespmem:s30+$0x70]  }
0x69: {  	v4 =	vld [tilespmem:s30+$0x8000];
	[tilespmem:s25+$0x8040] =	vst v0;
	v0 =	vadd.f32 v6, v5  }
0x6a: {  	v6 =	vld [tilespmem:s30+$0x0]  }
0x6b: {  	v8 =	vld [tilespmem:s30+$0x8010];
	[tilespmem:s25+$0x8050] =	vst v0;
	v0 =	vadd.f32 v3, v2  }
0x6c: {  	v9 =	vld [tilespmem:s30+$0x10]  }
0x6d: {  	v2 =	vld [tilespmem:s30+$0x8020];
	v1 =	vadd.f32 v1, v7;
	[tilespmem:s25+$0x8060] =	vst v0;
	s25 =	smov.u32 s30  }
.Ltmp0:
0x6e: {  	v5 =	vld [tilespmem:s25+$0x20];
	(pc) =	sbr.rel @p0 .LBB2_2-.Ltmp0, $4  }
0x6f: {  	v4 =	vadd.f32 v6, v4;
	v0 =	vld [tilespmem:s25+$0x8030];
	[tilespmem:s25+$0x8070] =	vst v1  }
0x70: {  	v3 =	vld [tilespmem:s25+$0x30]  }
0x71: {  	[tilespmem:s25+$0x8000] =	vst v4;
	v6 =	vadd.f32 v9, v8;
	v1 =	vld [tilespmem:s25+$0x8040]  }
0x72: {  	v4 =	vld [tilespmem:s25+$0x40]  }
0x73: {  	v7 =	vld [tilespmem:s25+$0x8050]  }
0x74: {  	v8 =	vld [tilespmem:s25+$0x50]  }
0x75: {  	v9 =	vld [tilespmem:s25+$0x8060]  }
0x76: {  	v10 =	vld [tilespmem:s25+$0x60]  }
0x77: {  	v2 =	vadd.f32 v5, v2  }
0x78: {  	[tilespmem:s25+$0x8010] =	vst v6;
	v0 =	vadd.f32 v3, v0  }
0x79: {  	[tilespmem:s25+$0x8020] =	vst v2;
	v1 =	vadd.f32 v4, v1  }
0x7a: {  	[tilespmem:s25+$0x8030] =	vst v0;
	v0 =	vadd.f32 v8, v7  }
0x7b: {  	[tilespmem:s25+$0x8040] =	vst v1;
	v1 =	vadd.f32 v10, v9  }
0x7c: {  	[tilespmem:s25+$0x8050] =	vst v0  }
0x7d: {  	s26 =	simm.s32 $0x0;
	s28 =	simm.s32 $0x0;
	[tilespmem:s25+$0x8060] =	vst v1  }
0x7e: {  	[hbm4b:s5+s26] =	stream.linear.scatter [tilespmem:s16], [sflag:$0x3], $0x4000, $0x38;
	[tilespmem:$0x1C000] =	vst v63  }
0x7f: {  	s31 =	sand.u32 $0x2000, s28;
	s29 =	sand.u32 $0x1C00, s26;
	_ =	swait.ge [sflag:s19], $0x4000  }
0x80: {  	s30 =	sand.u32 $0x380, s26;
	s25 =	sor.u32 s29, s31;
	[sflag:s19] =	ssyncset.done $0x0  }
0x81: {  	s25 =	sor.u32 s30, s25;
	s0 =	rddreg [dreg:$0x8];
	[sflag:s19] =	ssyncadd.s32 $0xFFFFC000  }
0x82: {  	[tilespmem:s22], [sflag:$0x2] =	stream.linear.gather [hbm4b:s0+s26], $0x4000, $0x38;
	[tilespmem:$0x1C000] =	vst v63  }
0x83: {  	v0 =	vld [tilespmem:s25+$0xC070]  }
0x84: {  	v1 =	vld [tilespmem:s25+$0x70]  }
0x85: {  	v3 =	vld [tilespmem:s25+$0xC000]  }
0x86: {  	v4 =	vld [tilespmem:s25+$0x0]  }
0x87: {  	v6 =	vld [tilespmem:s25+$0xC010]  }
0x88: {  	v7 =	vld [tilespmem:s25+$0x10]  }
0x89: {  	v2 =	vld [tilespmem:s25+$0xC020]  }
0x8a: {  	v5 =	vld [tilespmem:s25+$0x20]  }
0x8b: {  	v1 =	vadd.f32 v1, v0;
	v0 =	vld [tilespmem:s25+$0xC030]  }
0x8c: {  	v4 =	vadd.f32 v4, v3;
	v3 =	vld [tilespmem:s25+$0x30]  }
0x8d: {  	v6 =	vadd.f32 v7, v6;
	[tilespmem:s25+$0xC070] =	vst v1;
	v1 =	vld [tilespmem:s25+$0xC040]  }
0x8e: {  	s29 =	simm.s32 $0x0;
	[tilespmem:s25+$0xC000] =	vst v4;
	v4 =	vld [tilespmem:s25+$0x40]  }
.LBB2_4:
0x8f: {  	s28 =	sadd.s32 $0x80, s28;
	[tilespmem:s25+$0xC010] =	vst v6;
	v2 =	vadd.f32 v5, v2;
	v5 =	vld [tilespmem:s25+$0xC050];
	s26 =	sadd.s32 $0x400, s26  }
0x90: {  	s29 =	sadd.s32 $0x10, s29;
	s30 =	sand.u32 $0x2000, s28;
	s31 =	sand.u32 $0x1C00, s26;
	v6 =	vld [tilespmem:s25+$0x50]  }
0x91: {  	s0 =	sand.u32 $0x380, s29;
	p0 =	slt.u32 s28, $0x3F80;
	s30 =	sor.u32 s31, s30;
	[tilespmem:s25+$0xC020] =	vst v2;
	v0 =	vadd.f32 v3, v0;
	v2 =	vld [tilespmem:s25+$0xC060]  }
0x92: {  	s0 =	sor.u32 s0, s30;
	v3 =	vld [tilespmem:s25+$0x60]  }
0x93: {  	v7 =	vld [tilespmem:s0+$0xC070];
	[tilespmem:s25+$0xC030] =	vst v0;
	v0 =	vadd.f32 v4, v1  }
0x94: {  	v1 =	vld [tilespmem:s0+$0x70]  }
0x95: {  	v4 =	vld [tilespmem:s0+$0xC000];
	[tilespmem:s25+$0xC040] =	vst v0;
	v0 =	vadd.f32 v6, v5  }
0x96: {  	v6 =	vld [tilespmem:s0+$0x0]  }
0x97: {  	v8 =	vld [tilespmem:s0+$0xC010];
	[tilespmem:s25+$0xC050] =	vst v0;
	v0 =	vadd.f32 v3, v2  }
0x98: {  	v9 =	vld [tilespmem:s0+$0x10]  }
0x99: {  	v2 =	vld [tilespmem:s0+$0xC020];
	v1 =	vadd.f32 v1, v7;
	[tilespmem:s25+$0xC060] =	vst v0;
	s25 =	smov.u32 s0  }
.Ltmp1:
0x9a: {  	v5 =	vld [tilespmem:s25+$0x20];
	(pc) =	sbr.rel @p0 .LBB2_4-.Ltmp1, $4  }
0x9b: {  	v4 =	vadd.f32 v6, v4;
	v0 =	vld [tilespmem:s25+$0xC030];
	[tilespmem:s25+$0xC070] =	vst v1  }
0x9c: {  	v3 =	vld [tilespmem:s25+$0x30]  }
0x9d: {  	[tilespmem:s25+$0xC000] =	vst v4;
	v6 =	vadd.f32 v9, v8;
	v1 =	vld [tilespmem:s25+$0xC040]  }
0x9e: {  	v4 =	vld [tilespmem:s25+$0x40]  }
0x9f: {  	v7 =	vld [tilespmem:s25+$0xC050]  }
0xa0: {  	v8 =	vld [tilespmem:s25+$0x50]  }
0xa1: {  	v9 =	vld [tilespmem:s25+$0xC060]  }
0xa2: {  	v10 =	vld [tilespmem:s25+$0x60]  }
0xa3: {  	v2 =	vadd.f32 v5, v2  }
0xa4: {  	[tilespmem:s25+$0xC010] =	vst v6;
	v0 =	vadd.f32 v3, v0  }
0xa5: {  	[tilespmem:s25+$0xC020] =	vst v2;
	v1 =	vadd.f32 v4, v1  }
0xa6: {  	[tilespmem:s25+$0xC030] =	vst v0;
	v0 =	vadd.f32 v8, v7  }
0xa7: {  	[tilespmem:s25+$0xC040] =	vst v1;
	v1 =	vadd.f32 v10, v9  }
0xa8: {  	[tilespmem:s25+$0xC050] =	vst v0  }
0xa9: {  	[tilespmem:s25+$0xC060] =	vst v1  }
0xaa: {  	s26 =	simm.s32 $0x0;
	s0 =	rddreg [dreg:$0x9]  }
0xab: {  	[hbm4b:s0+s26] =	stream.linear.scatter [tilespmem:s17], [sflag:$0x3], $0x4000, $0x38;
	[tilespmem:$0x1C000] =	vst v63  }
0xac: {  	_ =	swait.ge [sflag:s19], $0x4000  }
0xad: {  	[sflag:s19] =	ssyncset.done $0x0  }
0xae: {  	s28 =	simm.s32 $0x0;
	[sflag:s19] =	ssyncadd.s32 $0xFFFFC000  }
0xaf: {  	s30 =	sand.u32 $0x2000, s28;
	_ =	swait.ge [sflag:s23], $0x4000  }
0xb0: {  	s31 =	sand.u32 $0x1C00, s26;
	s29 =	sand.u32 $0x380, s26;
	[sflag:s23] =	ssyncset.done $0x0  }
0xb1: {  	s0 =	sor.u32 s31, s30;
	s25 =	rddreg [dreg:$0xa];
	[sflag:s23] =	ssyncadd.s32 $0xFFFFC000  }
0xb2: {  	[tilespmem:s16], [sflag:$0x2] =	stream.linear.gather [hbm4b:s25+s26], $0x4000, $0x38;
	[tilespmem:$0x1C000] =	vst v63  }
0xb3: {  	s25 =	sor.u32 s29, s0  }
0xb4: {  	v0 =	vld [tilespmem:s25+$0x10070]  }
0xb5: {  	v1 =	vld [tilespmem:s25+$0x70]  }
0xb6: {  	v3 =	vld [tilespmem:s25+$0x10000]  }
0xb7: {  	v4 =	vld [tilespmem:s25+$0x0]  }
0xb8: {  	v6 =	vld [tilespmem:s25+$0x10010]  }
0xb9: {  	v7 =	vld [tilespmem:s25+$0x10]  }
0xba: {  	v2 =	vld [tilespmem:s25+$0x10020]  }
0xbb: {  	v5 =	vld [tilespmem:s25+$0x20]  }
0xbc: {  	v1 =	vadd.f32 v1, v0;
	v0 =	vld [tilespmem:s25+$0x10030]  }
0xbd: {  	v4 =	vadd.f32 v4, v3;
	v3 =	vld [tilespmem:s25+$0x30]  }
0xbe: {  	v6 =	vadd.f32 v7, v6;
	[tilespmem:s25+$0x10070] =	vst v1;
	v1 =	vld [tilespmem:s25+$0x10040]  }
0xbf: {  	s29 =	simm.s32 $0x0;
	[tilespmem:s25+$0x10000] =	vst v4;
	v4 =	vld [tilespmem:s25+$0x40]  }
.LBB2_6:
0xc0: {  	s28 =	sadd.s32 $0x80, s28;
	[tilespmem:s25+$0x10010] =	vst v6;
	v2 =	vadd.f32 v5, v2;
	v5 =	vld [tilespmem:s25+$0x10050];
	s26 =	sadd.s32 $0x400, s26  }
0xc1: {  	s29 =	sadd.s32 $0x10, s29;
	s0 =	sand.u32 $0x2000, s28;
	s30 =	sand.u32 $0x1C00, s26;
	v6 =	vld [tilespmem:s25+$0x50]  }
0xc2: {  	s31 =	sand.u32 $0x380, s29;
	p0 =	slt.u32 s28, $0x3F80;
	s0 =	sor.u32 s30, s0;
	[tilespmem:s25+$0x10020] =	vst v2;
	v0 =	vadd.f32 v3, v0;
	v2 =	vld [tilespmem:s25+$0x10060]  }
0xc3: {  	s0 =	sor.u32 s31, s0;
	v3 =	vld [tilespmem:s25+$0x60]  }
0xc4: {  	v7 =	vld [tilespmem:s0+$0x10070];
	[tilespmem:s25+$0x10030] =	vst v0;
	v0 =	vadd.f32 v4, v1  }
0xc5: {  	v1 =	vld [tilespmem:s0+$0x70]  }
0xc6: {  	v4 =	vld [tilespmem:s0+$0x10000];
	[tilespmem:s25+$0x10040] =	vst v0;
	v0 =	vadd.f32 v6, v5  }
0xc7: {  	v6 =	vld [tilespmem:s0+$0x0]  }
0xc8: {  	v8 =	vld [tilespmem:s0+$0x10010];
	[tilespmem:s25+$0x10050] =	vst v0;
	v0 =	vadd.f32 v3, v2  }
0xc9: {  	v9 =	vld [tilespmem:s0+$0x10]  }
0xca: {  	v2 =	vld [tilespmem:s0+$0x10020];
	v1 =	vadd.f32 v1, v7;
	[tilespmem:s25+$0x10060] =	vst v0;
	s25 =	smov.u32 s0  }
.Ltmp2:
0xcb: {  	v5 =	vld [tilespmem:s25+$0x20];
	(pc) =	sbr.rel @p0 .LBB2_6-.Ltmp2, $4  }
0xcc: {  	v4 =	vadd.f32 v6, v4;
	v0 =	vld [tilespmem:s25+$0x10030];
	[tilespmem:s25+$0x10070] =	vst v1  }
0xcd: {  	v3 =	vld [tilespmem:s25+$0x30]  }
0xce: {  	[tilespmem:s25+$0x10000] =	vst v4;
	v6 =	vadd.f32 v9, v8;
	v1 =	vld [tilespmem:s25+$0x10040]  }
0xcf: {  	v4 =	vld [tilespmem:s25+$0x40]  }
0xd0: {  	v7 =	vld [tilespmem:s25+$0x10050]  }
0xd1: {  	v8 =	vld [tilespmem:s25+$0x50]  }
0xd2: {  	v9 =	vld [tilespmem:s25+$0x10060]  }
0xd3: {  	v10 =	vld [tilespmem:s25+$0x60]  }
0xd4: {  	v2 =	vadd.f32 v5, v2  }
0xd5: {  	[tilespmem:s25+$0x10010] =	vst v6;
	v0 =	vadd.f32 v3, v0  }
0xd6: {  	[tilespmem:s25+$0x10020] =	vst v2;
	v1 =	vadd.f32 v4, v1  }
0xd7: {  	[tilespmem:s25+$0x10030] =	vst v0;
	v0 =	vadd.f32 v8, v7  }
0xd8: {  	[tilespmem:s25+$0x10040] =	vst v1;
	v1 =	vadd.f32 v10, v9  }
0xd9: {  	[tilespmem:s25+$0x10050] =	vst v0  }
0xda: {  	[tilespmem:s25+$0x10060] =	vst v1  }
0xdb: {  	s26 =	simm.s32 $0x0;
	s0 =	rddreg [dreg:$0xb]  }
0xdc: {  	[hbm4b:s0+s26] =	stream.linear.scatter [tilespmem:s18], [sflag:$0x3], $0x4000, $0x38;
	[tilespmem:$0x1C000] =	vst v63  }
0xdd: {  	_ =	swait.ge [sflag:s19], $0x4000  }
0xde: {  	[sflag:s19] =	ssyncset.done $0x0  }
0xdf: {  	s28 =	simm.s32 $0x0;
	[sflag:s19] =	ssyncadd.s32 $0xFFFFC000  }
0xe0: {  	s30 =	sand.u32 $0x2000, s28;
	_ =	swait.ge [sflag:s23], $0x4000  }
0xe1: {  	s31 =	sand.u32 $0x1C00, s26;
	s29 =	sand.u32 $0x380, s26;
	[sflag:s23] =	ssyncset.done $0x0  }
0xe2: {  	s0 =	sor.u32 s31, s30;
	s25 =	rddreg [dreg:$0xc];
	[sflag:s23] =	ssyncadd.s32 $0xFFFFC000  }
0xe3: {  	[tilespmem:s17], [sflag:$0x2] =	stream.linear.gather [hbm4b:s25+s26], $0x4000, $0x38;
	[tilespmem:$0x1C000] =	vst v63  }
0xe4: {  	s25 =	sor.u32 s29, s0  }
0xe5: {  	v0 =	vld [tilespmem:s25+$0x14070]  }
0xe6: {  	v1 =	vld [tilespmem:s25+$0x70]  }
0xe7: {  	v3 =	vld [tilespmem:s25+$0x14000]  }
0xe8: {  	v4 =	vld [tilespmem:s25+$0x0]  }
0xe9: {  	v6 =	vld [tilespmem:s25+$0x14010]  }
0xea: {  	v7 =	vld [tilespmem:s25+$0x10]  }
0xeb: {  	v2 =	vld [tilespmem:s25+$0x14020]  }
0xec: {  	v5 =	vld [tilespmem:s25+$0x20]  }
0xed: {  	v1 =	vadd.f32 v1, v0;
	v0 =	vld [tilespmem:s25+$0x14030]  }
0xee: {  	v4 =	vadd.f32 v4, v3;
	v3 =	vld [tilespmem:s25+$0x30]  }
0xef: {  	v6 =	vadd.f32 v7, v6;
	[tilespmem:s25+$0x14070] =	vst v1;
	v1 =	vld [tilespmem:s25+$0x14040]  }
0xf0: {  	s29 =	simm.s32 $0x0;
	[tilespmem:s25+$0x14000] =	vst v4;
	v4 =	vld [tilespmem:s25+$0x40]  }
.LBB2_8:
0xf1: {  	s28 =	sadd.s32 $0x80, s28;
	[tilespmem:s25+$0x14010] =	vst v6;
	v2 =	vadd.f32 v5, v2;
	v5 =	vld [tilespmem:s25+$0x14050];
	s26 =	sadd.s32 $0x400, s26  }
0xf2: {  	s29 =	sadd.s32 $0x10, s29;
	s0 =	sand.u32 $0x2000, s28;
	s30 =	sand.u32 $0x1C00, s26;
	v6 =	vld [tilespmem:s25+$0x50]  }
0xf3: {  	s31 =	sand.u32 $0x380, s29;
	p0 =	slt.u32 s28, $0x3F80;
	s0 =	sor.u32 s30, s0;
	[tilespmem:s25+$0x14020] =	vst v2;
	v0 =	vadd.f32 v3, v0;
	v2 =	vld [tilespmem:s25+$0x14060]  }
0xf4: {  	s0 =	sor.u32 s31, s0;
	v3 =	vld [tilespmem:s25+$0x60]  }
0xf5: {  	v7 =	vld [tilespmem:s0+$0x14070];
	[tilespmem:s25+$0x14030] =	vst v0;
	v0 =	vadd.f32 v4, v1  }
0xf6: {  	v1 =	vld [tilespmem:s0+$0x70]  }
0xf7: {  	v4 =	vld [tilespmem:s0+$0x14000];
	[tilespmem:s25+$0x14040] =	vst v0;
	v0 =	vadd.f32 v6, v5  }
0xf8: {  	v6 =	vld [tilespmem:s0+$0x0]  }
0xf9: {  	v8 =	vld [tilespmem:s0+$0x14010];
	[tilespmem:s25+$0x14050] =	vst v0;
	v0 =	vadd.f32 v3, v2  }
0xfa: {  	v9 =	vld [tilespmem:s0+$0x10]  }
0xfb: {  	v2 =	vld [tilespmem:s0+$0x14020];
	v1 =	vadd.f32 v1, v7;
	[tilespmem:s25+$0x14060] =	vst v0;
	s25 =	smov.u32 s0  }
.Ltmp3:
0xfc: {  	v5 =	vld [tilespmem:s25+$0x20];
	(pc) =	sbr.rel @p0 .LBB2_8-.Ltmp3, $4  }
0xfd: {  	v4 =	vadd.f32 v6, v4;
	v0 =	vld [tilespmem:s25+$0x14030];
	[tilespmem:s25+$0x14070] =	vst v1  }
0xfe: {  	v3 =	vld [tilespmem:s25+$0x30]  }
0xff: {  	[tilespmem:s25+$0x14000] =	vst v4;
	v6 =	vadd.f32 v9, v8;
	v1 =	vld [tilespmem:s25+$0x14040]  }
0x100: {  	v4 =	vld [tilespmem:s25+$0x40]  }
0x101: {  	v7 =	vld [tilespmem:s25+$0x14050]  }
0x102: {  	v8 =	vld [tilespmem:s25+$0x50]  }
0x103: {  	v9 =	vld [tilespmem:s25+$0x14060]  }
0x104: {  	v10 =	vld [tilespmem:s25+$0x60]  }
0x105: {  	v2 =	vadd.f32 v5, v2  }
0x106: {  	[tilespmem:s25+$0x14010] =	vst v6;
	v0 =	vadd.f32 v3, v0  }
0x107: {  	[tilespmem:s25+$0x14020] =	vst v2;
	v1 =	vadd.f32 v4, v1  }
0x108: {  	[tilespmem:s25+$0x14030] =	vst v0;
	v0 =	vadd.f32 v8, v7  }
0x109: {  	[tilespmem:s25+$0x14040] =	vst v1;
	v1 =	vadd.f32 v10, v9  }
0x10a: {  	[tilespmem:s25+$0x14050] =	vst v0  }
0x10b: {  	[tilespmem:s25+$0x14060] =	vst v1  }
0x10c: {  	s25 =	simm.s32 $0x0;
	s0 =	rddreg [dreg:$0xd]  }
0x10d: {  	[hbm4b:s0+s25] =	stream.linear.scatter [tilespmem:s21], [sflag:$0x3], $0x4000, $0x38;
	[tilespmem:$0x1C000] =	vst v63  }
0x10e: {  	s26 =	rddreg [dreg:$0xe]  }
0x10f: {  	[tilespmem:s25], [sflag:$0x1] =	stream.linear.gather [hbm4b:s26+s25], $0x4000, $0x38;
	[tilespmem:$0x1C000] =	vst v63  }
0x110: {  	_ =	swait.ge [sflag:s19], $0x4000  }
0x111: {  	[sflag:s19] =	ssyncset.done $0x0  }
0x112: {  	[sflag:s19] =	ssyncadd.s32 $0xFFFFC000  }
0x113: {  	_ =	swait.ge [sflag:s20], $0x4000  }
0x114: {  	[sflag:s20] =	ssyncset.done $0x0  }
0x115: {  	s28 =	simm.s32 $0x0;
	[sflag:s20] =	ssyncadd.s32 $0xFFFFC000  }
0x116: {  	s31 =	sand.u32 $0x2000, s28;
	s26 =	sand.u32 $0x1C00, s25;
	_ =	swait.ge [sflag:s23], $0x4000  }
0x117: {  	s29 =	sand.u32 $0x380, s25;
	s0 =	sor.u32 s26, s31;
	[sflag:s23] =	ssyncset.done $0x0  }
0x118: {  	s26 =	sor.u32 s29, s0;
	s30 =	rddreg [dreg:$0xf];
	[sflag:s23] =	ssyncadd.s32 $0xFFFFC000  }
0x119: {  	[tilespmem:s18], [sflag:$0x2] =	stream.linear.gather [hbm4b:s30+s25], $0x4000, $0x38;
	[tilespmem:$0x1C000] =	vst v63  }
0x11a: {  	v0 =	vld [tilespmem:s26+$0x18070]  }
0x11b: {  	v1 =	vld [tilespmem:s26+$0x4070]  }
0x11c: {  	v3 =	vld [tilespmem:s26+$0x18000]  }
0x11d: {  	v4 =	vld [tilespmem:s26+$0x4000]  }
0x11e: {  	v6 =	vld [tilespmem:s26+$0x18010]  }
0x11f: {  	v7 =	vld [tilespmem:s26+$0x4010]  }
0x120: {  	v2 =	vld [tilespmem:s26+$0x18020]  }
0x121: {  	v5 =	vld [tilespmem:s26+$0x4020]  }
0x122: {  	v1 =	vadd.f32 v1, v0;
	v0 =	vld [tilespmem:s26+$0x18030]  }
0x123: {  	v4 =	vadd.f32 v4, v3;
	v3 =	vld [tilespmem:s26+$0x4030]  }
0x124: {  	v6 =	vadd.f32 v7, v6;
	[tilespmem:s26+$0x18070] =	vst v1;
	v1 =	vld [tilespmem:s26+$0x18040]  }
0x125: {  	s29 =	simm.s32 $0x0;
	[tilespmem:s26+$0x18000] =	vst v4;
	v4 =	vld [tilespmem:s26+$0x4040]  }
.LBB2_10:
0x126: {  	s28 =	sadd.s32 $0x80, s28;
	[tilespmem:s26+$0x18010] =	vst v6;
	v2 =	vadd.f32 v5, v2;
	v5 =	vld [tilespmem:s26+$0x18050];
	s25 =	sadd.s32 $0x400, s25  }
0x127: {  	s29 =	sadd.s32 $0x10, s29;
	s0 =	sand.u32 $0x2000, s28;
	s30 =	sand.u32 $0x1C00, s25;
	v6 =	vld [tilespmem:s26+$0x4050]  }
0x128: {  	s31 =	sand.u32 $0x380, s29;
	p0 =	slt.u32 s28, $0x3F80;
	s0 =	sor.u32 s30, s0;
	[tilespmem:s26+$0x18020] =	vst v2;
	v0 =	vadd.f32 v3, v0;
	v2 =	vld [tilespmem:s26+$0x18060]  }
0x129: {  	s0 =	sor.u32 s31, s0;
	v3 =	vld [tilespmem:s26+$0x4060]  }
0x12a: {  	v7 =	vld [tilespmem:s0+$0x18070];
	[tilespmem:s26+$0x18030] =	vst v0;
	v0 =	vadd.f32 v4, v1  }
0x12b: {  	v1 =	vld [tilespmem:s0+$0x4070]  }
0x12c: {  	v4 =	vld [tilespmem:s0+$0x18000];
	[tilespmem:s26+$0x18040] =	vst v0;
	v0 =	vadd.f32 v6, v5  }
0x12d: {  	v6 =	vld [tilespmem:s0+$0x4000]  }
0x12e: {  	v8 =	vld [tilespmem:s0+$0x18010];
	[tilespmem:s26+$0x18050] =	vst v0;
	v0 =	vadd.f32 v3, v2  }
0x12f: {  	v9 =	vld [tilespmem:s0+$0x4010]  }
0x130: {  	v2 =	vld [tilespmem:s0+$0x18020];
	v1 =	vadd.f32 v1, v7;
	[tilespmem:s26+$0x18060] =	vst v0;
	s26 =	smov.u32 s0  }
.Ltmp4:
0x131: {  	v5 =	vld [tilespmem:s26+$0x4020];
	(pc) =	sbr.rel @p0 .LBB2_10-.Ltmp4, $4  }
0x132: {  	v4 =	vadd.f32 v6, v4;
	v0 =	vld [tilespmem:s26+$0x18030];
	[tilespmem:s26+$0x18070] =	vst v1  }
0x133: {  	v3 =	vld [tilespmem:s26+$0x4030]  }
0x134: {  	[tilespmem:s26+$0x18000] =	vst v4;
	v6 =	vadd.f32 v9, v8;
	v1 =	vld [tilespmem:s26+$0x18040]  }
0x135: {  	v4 =	vld [tilespmem:s26+$0x4040]  }
0x136: {  	v7 =	vld [tilespmem:s26+$0x18050]  }
0x137: {  	v8 =	vld [tilespmem:s26+$0x4050]  }
0x138: {  	v9 =	vld [tilespmem:s26+$0x18060]  }
0x139: {  	v10 =	vld [tilespmem:s26+$0x4060]  }
0x13a: {  	v2 =	vadd.f32 v5, v2  }
0x13b: {  	[tilespmem:s26+$0x18010] =	vst v6;
	v0 =	vadd.f32 v3, v0  }
0x13c: {  	[tilespmem:s26+$0x18020] =	vst v2;
	v1 =	vadd.f32 v4, v1  }
0x13d: {  	[tilespmem:s26+$0x18030] =	vst v0;
	v0 =	vadd.f32 v8, v7  }
0x13e: {  	[tilespmem:s26+$0x18040] =	vst v1;
	v1 =	vadd.f32 v10, v9  }
0x13f: {  	[tilespmem:s26+$0x18050] =	vst v0  }
0x140: {  	[tilespmem:s26+$0x18060] =	vst v1  }
0x141: {  	s26 =	simm.s32 $0x0;
	s0 =	rddreg [dreg:$0x10]  }
0x142: {  	[hbm4b:s0+s26] =	stream.linear.scatter [tilespmem:s22], [sflag:$0x3], $0x4000, $0x38;
	[tilespmem:$0x1C000] =	vst v63  }
0x143: {  	_ =	swait.ge [sflag:s19], $0x4000  }
0x144: {  	[sflag:s19] =	ssyncset.done $0x0  }
0x145: {  	s28 =	simm.s32 $0x0;
	[sflag:s19] =	ssyncadd.s32 $0xFFFFC000  }
0x146: {  	s31 =	sand.u32 $0x2000, s28;
	s25 =	sand.u32 $0x1C00, s26;
	_ =	swait.ge [sflag:s23], $0x4000  }
0x147: {  	s29 =	sand.u32 $0x380, s26;
	s0 =	sor.u32 s25, s31;
	[sflag:s23] =	ssyncset.done $0x0  }
0x148: {  	s25 =	sor.u32 s29, s0;
	s30 =	rddreg [dreg:$0x11];
	[sflag:s23] =	ssyncadd.s32 $0xFFFFC000  }
0x149: {  	[tilespmem:s21], [sflag:$0x2] =	stream.linear.gather [hbm4b:s30+s26], $0x4000, $0x38;
	[tilespmem:$0x1C000] =	vst v63  }
0x14a: {  	v0 =	vld [tilespmem:s25+$0x8070]  }
0x14b: {  	v1 =	vld [tilespmem:s25+$0x4070]  }
0x14c: {  	v3 =	vld [tilespmem:s25+$0x8000]  }
0x14d: {  	v4 =	vld [tilespmem:s25+$0x4000]  }
0x14e: {  	v6 =	vld [tilespmem:s25+$0x8010]  }
0x14f: {  	v7 =	vld [tilespmem:s25+$0x4010]  }
0x150: {  	v2 =	vld [tilespmem:s25+$0x8020]  }
0x151: {  	v5 =	vld [tilespmem:s25+$0x4020]  }
0x152: {  	v1 =	vadd.f32 v1, v0;
	v0 =	vld [tilespmem:s25+$0x8030]  }
0x153: {  	v4 =	vadd.f32 v4, v3;
	v3 =	vld [tilespmem:s25+$0x4030]  }
0x154: {  	v6 =	vadd.f32 v7, v6;
	[tilespmem:s25+$0x8070] =	vst v1;
	v1 =	vld [tilespmem:s25+$0x8040]  }
0x155: {  	s29 =	simm.s32 $0x0;
	[tilespmem:s25+$0x8000] =	vst v4;
	v4 =	vld [tilespmem:s25+$0x4040]  }
.LBB2_12:
0x156: {  	s28 =	sadd.s32 $0x80, s28;
	[tilespmem:s25+$0x8010] =	vst v6;
	v2 =	vadd.f32 v5, v2;
	v5 =	vld [tilespmem:s25+$0x8050];
	s26 =	sadd.s32 $0x400, s26  }
0x157: {  	s29 =	sadd.s32 $0x10, s29;
	s0 =	sand.u32 $0x2000, s28;
	s30 =	sand.u32 $0x1C00, s26;
	v6 =	vld [tilespmem:s25+$0x4050]  }
0x158: {  	s31 =	sand.u32 $0x380, s29;
	p0 =	slt.u32 s28, $0x3F80;
	s0 =	sor.u32 s30, s0;
	[tilespmem:s25+$0x8020] =	vst v2;
	v0 =	vadd.f32 v3, v0;
	v2 =	vld [tilespmem:s25+$0x8060]  }
0x159: {  	s0 =	sor.u32 s31, s0;
	v3 =	vld [tilespmem:s25+$0x4060]  }
0x15a: {  	v7 =	vld [tilespmem:s0+$0x8070];
	[tilespmem:s25+$0x8030] =	vst v0;
	v0 =	vadd.f32 v4, v1  }
0x15b: {  	v1 =	vld [tilespmem:s0+$0x4070]  }
0x15c: {  	v4 =	vld [tilespmem:s0+$0x8000];
	[tilespmem:s25+$0x8040] =	vst v0;
	v0 =	vadd.f32 v6, v5  }
0x15d: {  	v6 =	vld [tilespmem:s0+$0x4000]  }
0x15e: {  	v8 =	vld [tilespmem:s0+$0x8010];
	[tilespmem:s25+$0x8050] =	vst v0;
	v0 =	vadd.f32 v3, v2  }
0x15f: {  	v9 =	vld [tilespmem:s0+$0x4010]  }
0x160: {  	v2 =	vld [tilespmem:s0+$0x8020];
	v1 =	vadd.f32 v1, v7;
	[tilespmem:s25+$0x8060] =	vst v0;
	s25 =	smov.u32 s0  }
.Ltmp5:
0x161: {  	v5 =	vld [tilespmem:s25+$0x4020];
	(pc) =	sbr.rel @p0 .LBB2_12-.Ltmp5, $4  }
0x162: {  	v4 =	vadd.f32 v6, v4;
	v0 =	vld [tilespmem:s25+$0x8030];
	[tilespmem:s25+$0x8070] =	vst v1  }
0x163: {  	v3 =	vld [tilespmem:s25+$0x4030]  }
0x164: {  	[tilespmem:s25+$0x8000] =	vst v4;
	v6 =	vadd.f32 v9, v8;
	v1 =	vld [tilespmem:s25+$0x8040]  }
0x165: {  	v4 =	vld [tilespmem:s25+$0x4040]  }
0x166: {  	v7 =	vld [tilespmem:s25+$0x8050]  }
0x167: {  	v8 =	vld [tilespmem:s25+$0x4050]  }
0x168: {  	v9 =	vld [tilespmem:s25+$0x8060]  }
0x169: {  	v10 =	vld [tilespmem:s25+$0x4060]  }
0x16a: {  	v2 =	vadd.f32 v5, v2  }
0x16b: {  	[tilespmem:s25+$0x8010] =	vst v6;
	v0 =	vadd.f32 v3, v0  }
0x16c: {  	[tilespmem:s25+$0x8020] =	vst v2;
	v1 =	vadd.f32 v4, v1  }
0x16d: {  	[tilespmem:s25+$0x8030] =	vst v0;
	v0 =	vadd.f32 v8, v7  }
0x16e: {  	[tilespmem:s25+$0x8040] =	vst v1;
	v1 =	vadd.f32 v10, v9  }
0x16f: {  	[tilespmem:s25+$0x8050] =	vst v0  }
0x170: {  	[tilespmem:s25+$0x8060] =	vst v1  }
0x171: {  	s26 =	simm.s32 $0x0;
	s0 =	rddreg [dreg:$0x12]  }
0x172: {  	[hbm4b:s0+s26] =	stream.linear.scatter [tilespmem:s16], [sflag:$0x3], $0x4000, $0x38;
	[tilespmem:$0x1C000] =	vst v63  }
0x173: {  	_ =	swait.ge [sflag:s19], $0x4000  }
0x174: {  	[sflag:s19] =	ssyncset.done $0x0  }
0x175: {  	[sflag:s19] =	ssyncadd.s32 $0xFFFFC000  }
0x176: {  	_ =	swait.ge [sflag:s23], $0x4000  }
0x177: {  	s28 =	simm.s32 $0x0;
	s30 =	sand.u32 $0x1C00, s26;
	[sflag:s23] =	ssyncset.done $0x0  }
0x178: {  	s25 =	sand.u32 $0x2000, s28;
	s31 =	rddreg [dreg:$0x16];
	[sflag:s23] =	ssyncadd.s32 $0xFFFFC000  }
0x179: {  	[tilespmem:s22], [sflag:$0x2] =	stream.linear.gather [hbm4b:s31+s26], $0x4000, $0x38;
	[tilespmem:$0x1C000] =	vst v63  }
0x17a: {  	s0 =	sor.u32 s25, s30;
	s31 =	sand.u32 $0x380, s26  }
0x17b: {  	s25 =	sor.u32 s31, s0  }
0x17c: {  	v0 =	vld [tilespmem:s25+$0xC070]  }
0x17d: {  	v1 =	vld [tilespmem:s25+$0x4070]  }
0x17e: {  	v3 =	vld [tilespmem:s25+$0xC000]  }
0x17f: {  	v4 =	vld [tilespmem:s25+$0x4000]  }
0x180: {  	v6 =	vld [tilespmem:s25+$0xC010]  }
0x181: {  	v7 =	vld [tilespmem:s25+$0x4010]  }
0x182: {  	v2 =	vld [tilespmem:s25+$0xC020]  }
0x183: {  	v5 =	vld [tilespmem:s25+$0x4020]  }
0x184: {  	v1 =	vadd.f32 v1, v0;
	v0 =	vld [tilespmem:s25+$0xC030]  }
0x185: {  	v4 =	vadd.f32 v4, v3;
	v3 =	vld [tilespmem:s25+$0x4030]  }
0x186: {  	v6 =	vadd.f32 v7, v6;
	[tilespmem:s25+$0xC070] =	vst v1;
	v1 =	vld [tilespmem:s25+$0xC040]  }
0x187: {  	s29 =	simm.s32 $0x0;
	[tilespmem:s25+$0xC000] =	vst v4;
	v4 =	vld [tilespmem:s25+$0x4040]  }
.LBB2_14:
0x188: {  	s28 =	sadd.s32 $0x80, s28;
	[tilespmem:s25+$0xC010] =	vst v6;
	v2 =	vadd.f32 v5, v2;
	v5 =	vld [tilespmem:s25+$0xC050];
	s26 =	sadd.s32 $0x400, s26  }
0x189: {  	s29 =	sadd.s32 $0x10, s29;
	s0 =	sand.u32 $0x2000, s28;
	s30 =	sand.u32 $0x1C00, s26;
	v6 =	vld [tilespmem:s25+$0x4050]  }
0x18a: {  	p0 =	slt.u32 s28, $0x3F80;
	s0 =	sor.u32 s0, s30;
	s30 =	sand.u32 $0x380, s29;
	[tilespmem:s25+$0xC020] =	vst v2;
	v0 =	vadd.f32 v3, v0;
	v2 =	vld [tilespmem:s25+$0xC060]  }
0x18b: {  	s0 =	sor.u32 s30, s0;
	v3 =	vld [tilespmem:s25+$0x4060]  }
0x18c: {  	v7 =	vld [tilespmem:s0+$0xC070];
	[tilespmem:s25+$0xC030] =	vst v0;
	v0 =	vadd.f32 v4, v1  }
0x18d: {  	v1 =	vld [tilespmem:s0+$0x4070]  }
0x18e: {  	v4 =	vld [tilespmem:s0+$0xC000];
	[tilespmem:s25+$0xC040] =	vst v0;
	v0 =	vadd.f32 v6, v5  }
0x18f: {  	v6 =	vld [tilespmem:s0+$0x4000]  }
0x190: {  	v8 =	vld [tilespmem:s0+$0xC010];
	[tilespmem:s25+$0xC050] =	vst v0;
	v0 =	vadd.f32 v3, v2  }
0x191: {  	v9 =	vld [tilespmem:s0+$0x4010]  }
0x192: {  	v2 =	vld [tilespmem:s0+$0xC020];
	v1 =	vadd.f32 v1, v7;
	[tilespmem:s25+$0xC060] =	vst v0;
	s25 =	smov.u32 s0  }
.Ltmp6:
0x193: {  	v5 =	vld [tilespmem:s25+$0x4020];
	(pc) =	sbr.rel @p0 .LBB2_14-.Ltmp6, $4  }
0x194: {  	v4 =	vadd.f32 v6, v4;
	v0 =	vld [tilespmem:s25+$0xC030];
	[tilespmem:s25+$0xC070] =	vst v1  }
0x195: {  	v3 =	vld [tilespmem:s25+$0x4030]  }
0x196: {  	[tilespmem:s25+$0xC000] =	vst v4;
	v6 =	vadd.f32 v9, v8;
	v1 =	vld [tilespmem:s25+$0xC040]  }
0x197: {  	v4 =	vld [tilespmem:s25+$0x4040]  }
0x198: {  	v7 =	vld [tilespmem:s25+$0xC050]  }
0x199: {  	v8 =	vld [tilespmem:s25+$0x4050]  }
0x19a: {  	v9 =	vld [tilespmem:s25+$0xC060]  }
0x19b: {  	v10 =	vld [tilespmem:s25+$0x4060]  }
0x19c: {  	v2 =	vadd.f32 v5, v2  }
0x19d: {  	[tilespmem:s25+$0xC010] =	vst v6;
	v0 =	vadd.f32 v3, v0  }
0x19e: {  	[tilespmem:s25+$0xC020] =	vst v2;
	v1 =	vadd.f32 v4, v1  }
0x19f: {  	[tilespmem:s25+$0xC030] =	vst v0;
	v0 =	vadd.f32 v8, v7  }
0x1a0: {  	[tilespmem:s25+$0xC040] =	vst v1;
	v1 =	vadd.f32 v10, v9  }
0x1a1: {  	[tilespmem:s25+$0xC050] =	vst v0  }
0x1a2: {  	[tilespmem:s25+$0xC060] =	vst v1  }
0x1a3: {  	s26 =	simm.s32 $0x0;
	s0 =	rddreg [dreg:$0x13]  }
0x1a4: {  	[hbm4b:s0+s26] =	stream.linear.scatter [tilespmem:s17], [sflag:$0x3], $0x4000, $0x38;
	[tilespmem:$0x1C000] =	vst v63  }
0x1a5: {  	_ =	swait.ge [sflag:s19], $0x4000  }
0x1a6: {  	[sflag:s19] =	ssyncset.done $0x0  }
0x1a7: {  	s28 =	simm.s32 $0x0;
	[sflag:s19] =	ssyncadd.s32 $0xFFFFC000  }
0x1a8: {  	s30 =	sand.u32 $0x2000, s28;
	_ =	swait.ge [sflag:s23], $0x4000  }
0x1a9: {  	s31 =	sand.u32 $0x1C00, s26;
	s29 =	sand.u32 $0x380, s26;
	[sflag:s23] =	ssyncset.done $0x0  }
0x1aa: {  	s0 =	sor.u32 s31, s30;
	s25 =	rddreg [dreg:$0x18];
	[sflag:s23] =	ssyncadd.s32 $0xFFFFC000  }
0x1ab: {  	[tilespmem:s16], [sflag:$0x2] =	stream.linear.gather [hbm4b:s25+s26], $0x4000, $0x38;
	[tilespmem:$0x1C000] =	vst v63  }
0x1ac: {  	s25 =	sor.u32 s29, s0  }
0x1ad: {  	v0 =	vld [tilespmem:s25+$0x10070]  }
0x1ae: {  	v1 =	vld [tilespmem:s25+$0x4070]  }
0x1af: {  	v3 =	vld [tilespmem:s25+$0x10000]  }
0x1b0: {  	v4 =	vld [tilespmem:s25+$0x4000]  }
0x1b1: {  	v6 =	vld [tilespmem:s25+$0x10010]  }
0x1b2: {  	v7 =	vld [tilespmem:s25+$0x4010]  }
0x1b3: {  	v2 =	vld [tilespmem:s25+$0x10020]  }
0x1b4: {  	v5 =	vld [tilespmem:s25+$0x4020]  }
0x1b5: {  	v1 =	vadd.f32 v1, v0;
	v0 =	vld [tilespmem:s25+$0x10030]  }
0x1b6: {  	v4 =	vadd.f32 v4, v3;
	v3 =	vld [tilespmem:s25+$0x4030]  }
0x1b7: {  	v6 =	vadd.f32 v7, v6;
	[tilespmem:s25+$0x10070] =	vst v1;
	v1 =	vld [tilespmem:s25+$0x10040]  }
0x1b8: {  	s29 =	simm.s32 $0x0;
	[tilespmem:s25+$0x10000] =	vst v4;
	v4 =	vld [tilespmem:s25+$0x4040]  }
.LBB2_16:
0x1b9: {  	s28 =	sadd.s32 $0x80, s28;
	[tilespmem:s25+$0x10010] =	vst v6;
	v2 =	vadd.f32 v5, v2;
	v5 =	vld [tilespmem:s25+$0x10050];
	s26 =	sadd.s32 $0x400, s26  }
0x1ba: {  	s29 =	sadd.s32 $0x10, s29;
	s0 =	sand.u32 $0x2000, s28;
	s30 =	sand.u32 $0x1C00, s26;
	v6 =	vld [tilespmem:s25+$0x4050]  }
0x1bb: {  	s31 =	sand.u32 $0x380, s29;
	p0 =	slt.u32 s28, $0x3F80;
	s0 =	sor.u32 s30, s0;
	[tilespmem:s25+$0x10020] =	vst v2;
	v0 =	vadd.f32 v3, v0;
	v2 =	vld [tilespmem:s25+$0x10060]  }
0x1bc: {  	s0 =	sor.u32 s31, s0;
	v3 =	vld [tilespmem:s25+$0x4060]  }
0x1bd: {  	v7 =	vld [tilespmem:s0+$0x10070];
	[tilespmem:s25+$0x10030] =	vst v0;
	v0 =	vadd.f32 v4, v1  }
0x1be: {  	v1 =	vld [tilespmem:s0+$0x4070]  }
0x1bf: {  	v4 =	vld [tilespmem:s0+$0x10000];
	[tilespmem:s25+$0x10040] =	vst v0;
	v0 =	vadd.f32 v6, v5  }
0x1c0: {  	v6 =	vld [tilespmem:s0+$0x4000]  }
0x1c1: {  	v8 =	vld [tilespmem:s0+$0x10010];
	[tilespmem:s25+$0x10050] =	vst v0;
	v0 =	vadd.f32 v3, v2  }
0x1c2: {  	v9 =	vld [tilespmem:s0+$0x4010]  }
0x1c3: {  	v2 =	vld [tilespmem:s0+$0x10020];
	v1 =	vadd.f32 v1, v7;
	[tilespmem:s25+$0x10060] =	vst v0;
	s25 =	smov.u32 s0  }
.Ltmp7:
0x1c4: {  	v5 =	vld [tilespmem:s25+$0x4020];
	(pc) =	sbr.rel @p0 .LBB2_16-.Ltmp7, $4  }
0x1c5: {  	v4 =	vadd.f32 v6, v4;
	v0 =	vld [tilespmem:s25+$0x10030];
	[tilespmem:s25+$0x10070] =	vst v1  }
0x1c6: {  	v3 =	vld [tilespmem:s25+$0x4030]  }
0x1c7: {  	[tilespmem:s25+$0x10000] =	vst v4;
	v6 =	vadd.f32 v9, v8;
	v1 =	vld [tilespmem:s25+$0x10040]  }
0x1c8: {  	v4 =	vld [tilespmem:s25+$0x4040]  }
0x1c9: {  	v7 =	vld [tilespmem:s25+$0x10050]  }
0x1ca: {  	v8 =	vld [tilespmem:s25+$0x4050]  }
0x1cb: {  	v9 =	vld [tilespmem:s25+$0x10060]  }
0x1cc: {  	v10 =	vld [tilespmem:s25+$0x4060]  }
0x1cd: {  	v2 =	vadd.f32 v5, v2  }
0x1ce: {  	[tilespmem:s25+$0x10010] =	vst v6;
	v0 =	vadd.f32 v3, v0  }
0x1cf: {  	[tilespmem:s25+$0x10020] =	vst v2;
	v1 =	vadd.f32 v4, v1  }
0x1d0: {  	[tilespmem:s25+$0x10030] =	vst v0;
	v0 =	vadd.f32 v8, v7  }
0x1d1: {  	[tilespmem:s25+$0x10040] =	vst v1;
	v1 =	vadd.f32 v10, v9  }
0x1d2: {  	[tilespmem:s25+$0x10050] =	vst v0  }
0x1d3: {  	[tilespmem:s25+$0x10060] =	vst v1  }
0x1d4: {  	s25 =	simm.s32 $0x0;
	s0 =	rddreg [dreg:$0x14]  }
0x1d5: {  	[hbm4b:s0+s25] =	stream.linear.scatter [tilespmem:s18], [sflag:$0x3], $0x4000, $0x38;
	[tilespmem:$0x1C000] =	vst v63  }
0x1d6: {  	s26 =	rddreg [dreg:$0x1c]  }
0x1d7: {  	[tilespmem:s15], [sflag:$0x1] =	stream.linear.gather [hbm4b:s26+s25], $0x4000, $0x38;
	[tilespmem:$0x1C000] =	vst v63  }
0x1d8: {  	_ =	swait.ge [sflag:s19], $0x4000  }
0x1d9: {  	[sflag:s19] =	ssyncset.done $0x0  }
0x1da: {  	[sflag:s19] =	ssyncadd.s32 $0xFFFFC000  }
0x1db: {  	_ =	swait.ge [sflag:s20], $0x4000  }
0x1dc: {  	[sflag:s20] =	ssyncset.done $0x0  }
0x1dd: {  	s28 =	simm.s32 $0x0;
	[sflag:s20] =	ssyncadd.s32 $0xFFFFC000  }
0x1de: {  	s31 =	sand.u32 $0x2000, s28;
	s26 =	sand.u32 $0x1C00, s25;
	_ =	swait.ge [sflag:s23], $0x4000  }
0x1df: {  	s29 =	sand.u32 $0x380, s25;
	s0 =	sor.u32 s26, s31;
	[sflag:s23] =	ssyncset.done $0x0  }
0x1e0: {  	s26 =	sor.u32 s29, s0;
	s30 =	rddreg [dreg:$0x1a];
	[sflag:s23] =	ssyncadd.s32 $0xFFFFC000  }
0x1e1: {  	[tilespmem:s17], [sflag:$0x2] =	stream.linear.gather [hbm4b:s30+s25], $0x4000, $0x38;
	[tilespmem:$0x1C000] =	vst v63  }
0x1e2: {  	v0 =	vld [tilespmem:s26+$0x14070]  }
0x1e3: {  	v1 =	vld [tilespmem:s26+$0x70]  }
0x1e4: {  	v3 =	vld [tilespmem:s26+$0x14000]  }
0x1e5: {  	v4 =	vld [tilespmem:s26+$0x0]  }
0x1e6: {  	v6 =	vld [tilespmem:s26+$0x14010]  }
0x1e7: {  	v7 =	vld [tilespmem:s26+$0x10]  }
0x1e8: {  	v2 =	vld [tilespmem:s26+$0x14020]  }
0x1e9: {  	v5 =	vld [tilespmem:s26+$0x20]  }
0x1ea: {  	v1 =	vadd.f32 v1, v0;
	v0 =	vld [tilespmem:s26+$0x14030]  }
0x1eb: {  	v4 =	vadd.f32 v4, v3;
	v3 =	vld [tilespmem:s26+$0x30]  }
0x1ec: {  	v6 =	vadd.f32 v7, v6;
	[tilespmem:s26+$0x14070] =	vst v1;
	v1 =	vld [tilespmem:s26+$0x14040]  }
0x1ed: {  	s29 =	simm.s32 $0x0;
	[tilespmem:s26+$0x14000] =	vst v4;
	v4 =	vld [tilespmem:s26+$0x40]  }
.LBB2_18:
0x1ee: {  	s28 =	sadd.s32 $0x80, s28;
	[tilespmem:s26+$0x14010] =	vst v6;
	v2 =	vadd.f32 v5, v2;
	v5 =	vld [tilespmem:s26+$0x14050];
	s25 =	sadd.s32 $0x400, s25  }
0x1ef: {  	s29 =	sadd.s32 $0x10, s29;
	s0 =	sand.u32 $0x2000, s28;
	s30 =	sand.u32 $0x1C00, s25;
	v6 =	vld [tilespmem:s26+$0x50]  }
0x1f0: {  	s31 =	sand.u32 $0x380, s29;
	p0 =	slt.u32 s28, $0x3F80;
	s0 =	sor.u32 s30, s0;
	[tilespmem:s26+$0x14020] =	vst v2;
	v0 =	vadd.f32 v3, v0;
	v2 =	vld [tilespmem:s26+$0x14060]  }
0x1f1: {  	s0 =	sor.u32 s31, s0;
	v3 =	vld [tilespmem:s26+$0x60]  }
0x1f2: {  	v7 =	vld [tilespmem:s0+$0x14070];
	[tilespmem:s26+$0x14030] =	vst v0;
	v0 =	vadd.f32 v4, v1  }
0x1f3: {  	v1 =	vld [tilespmem:s0+$0x70]  }
0x1f4: {  	v4 =	vld [tilespmem:s0+$0x14000];
	[tilespmem:s26+$0x14040] =	vst v0;
	v0 =	vadd.f32 v6, v5  }
0x1f5: {  	v6 =	vld [tilespmem:s0+$0x0]  }
0x1f6: {  	v8 =	vld [tilespmem:s0+$0x14010];
	[tilespmem:s26+$0x14050] =	vst v0;
	v0 =	vadd.f32 v3, v2  }
0x1f7: {  	v9 =	vld [tilespmem:s0+$0x10]  }
0x1f8: {  	v2 =	vld [tilespmem:s0+$0x14020];
	v1 =	vadd.f32 v1, v7;
	[tilespmem:s26+$0x14060] =	vst v0;
	s26 =	smov.u32 s0  }
.Ltmp8:
0x1f9: {  	v5 =	vld [tilespmem:s26+$0x20];
	(pc) =	sbr.rel @p0 .LBB2_18-.Ltmp8, $4  }
0x1fa: {  	v4 =	vadd.f32 v6, v4;
	v0 =	vld [tilespmem:s26+$0x14030];
	[tilespmem:s26+$0x14070] =	vst v1  }
0x1fb: {  	v3 =	vld [tilespmem:s26+$0x30]  }
0x1fc: {  	[tilespmem:s26+$0x14000] =	vst v4;
	v6 =	vadd.f32 v9, v8;
	v1 =	vld [tilespmem:s26+$0x14040]  }
0x1fd: {  	v4 =	vld [tilespmem:s26+$0x40]  }
0x1fe: {  	v7 =	vld [tilespmem:s26+$0x14050]  }
0x1ff: {  	v8 =	vld [tilespmem:s26+$0x50]  }
0x200: {  	v9 =	vld [tilespmem:s26+$0x14060]  }
0x201: {  	v10 =	vld [tilespmem:s26+$0x60]  }
0x202: {  	v2 =	vadd.f32 v5, v2  }
0x203: {  	[tilespmem:s26+$0x14010] =	vst v6;
	v0 =	vadd.f32 v3, v0  }
0x204: {  	[tilespmem:s26+$0x14020] =	vst v2;
	v1 =	vadd.f32 v4, v1  }
0x205: {  	[tilespmem:s26+$0x14030] =	vst v0;
	v0 =	vadd.f32 v8, v7  }
0x206: {  	[tilespmem:s26+$0x14040] =	vst v1;
	v1 =	vadd.f32 v10, v9  }
0x207: {  	[tilespmem:s26+$0x14050] =	vst v0  }
0x208: {  	[tilespmem:s26+$0x14060] =	vst v1  }
0x209: {  	s26 =	simm.s32 $0x0;
	s0 =	rddreg [dreg:$0x15]  }
0x20a: {  	[hbm4b:s0+s26] =	stream.linear.scatter [tilespmem:s21], [sflag:$0x3], $0x4000, $0x38;
	[tilespmem:$0x1C000] =	vst v63  }
0x20b: {  	_ =	swait.ge [sflag:s19], $0x4000  }
0x20c: {  	[sflag:s19] =	ssyncset.done $0x0  }
0x20d: {  	s28 =	simm.s32 $0x0;
	[sflag:s19] =	ssyncadd.s32 $0xFFFFC000  }
0x20e: {  	s31 =	sand.u32 $0x2000, s28;
	s25 =	sand.u32 $0x1C00, s26;
	_ =	swait.ge [sflag:s23], $0x4000  }
0x20f: {  	s29 =	sand.u32 $0x380, s26;
	s0 =	sor.u32 s25, s31;
	[sflag:s23] =	ssyncset.done $0x0  }
0x210: {  	s25 =	sor.u32 s29, s0;
	s30 =	rddreg [dreg:$0x1d];
	[sflag:s23] =	ssyncadd.s32 $0xFFFFC000  }
0x211: {  	[tilespmem:s18], [sflag:$0x2] =	stream.linear.gather [hbm4b:s30+s26], $0x4000, $0x38;
	[tilespmem:$0x1C000] =	vst v63  }
0x212: {  	v0 =	vld [tilespmem:s25+$0x18070]  }
0x213: {  	v1 =	vld [tilespmem:s25+$0x70]  }
0x214: {  	v3 =	vld [tilespmem:s25+$0x18000]  }
0x215: {  	v4 =	vld [tilespmem:s25+$0x0]  }
0x216: {  	v6 =	vld [tilespmem:s25+$0x18010]  }
0x217: {  	v7 =	vld [tilespmem:s25+$0x10]  }
0x218: {  	v2 =	vld [tilespmem:s25+$0x18020]  }
0x219: {  	v5 =	vld [tilespmem:s25+$0x20]  }
0x21a: {  	v1 =	vadd.f32 v1, v0;
	v0 =	vld [tilespmem:s25+$0x18030]  }
0x21b: {  	v4 =	vadd.f32 v4, v3;
	v3 =	vld [tilespmem:s25+$0x30]  }
0x21c: {  	v6 =	vadd.f32 v7, v6;
	[tilespmem:s25+$0x18070] =	vst v1;
	v1 =	vld [tilespmem:s25+$0x18040]  }
0x21d: {  	s29 =	simm.s32 $0x0;
	[tilespmem:s25+$0x18000] =	vst v4;
	v4 =	vld [tilespmem:s25+$0x40]  }
.LBB2_20:
0x21e: {  	s28 =	sadd.s32 $0x80, s28;
	[tilespmem:s25+$0x18010] =	vst v6;
	v2 =	vadd.f32 v5, v2;
	v5 =	vld [tilespmem:s25+$0x18050];
	s26 =	sadd.s32 $0x400, s26  }
0x21f: {  	s29 =	sadd.s32 $0x10, s29;
	s0 =	sand.u32 $0x2000, s28;
	s30 =	sand.u32 $0x1C00, s26;
	v6 =	vld [tilespmem:s25+$0x50]  }
0x220: {  	s31 =	sand.u32 $0x380, s29;
	p0 =	slt.u32 s28, $0x3F80;
	s0 =	sor.u32 s30, s0;
	[tilespmem:s25+$0x18020] =	vst v2;
	v0 =	vadd.f32 v3, v0;
	v2 =	vld [tilespmem:s25+$0x18060]  }
0x221: {  	s0 =	sor.u32 s31, s0;
	v3 =	vld [tilespmem:s25+$0x60]  }
0x222: {  	v7 =	vld [tilespmem:s0+$0x18070];
	[tilespmem:s25+$0x18030] =	vst v0;
	v0 =	vadd.f32 v4, v1  }
0x223: {  	v1 =	vld [tilespmem:s0+$0x70]  }
0x224: {  	v4 =	vld [tilespmem:s0+$0x18000];
	[tilespmem:s25+$0x18040] =	vst v0;
	v0 =	vadd.f32 v6, v5  }
0x225: {  	v6 =	vld [tilespmem:s0+$0x0]  }
0x226: {  	v8 =	vld [tilespmem:s0+$0x18010];
	[tilespmem:s25+$0x18050] =	vst v0;
	v0 =	vadd.f32 v3, v2  }
0x227: {  	v9 =	vld [tilespmem:s0+$0x10]  }
0x228: {  	v2 =	vld [tilespmem:s0+$0x18020];
	v1 =	vadd.f32 v1, v7;
	[tilespmem:s25+$0x18060] =	vst v0;
	s25 =	smov.u32 s0  }
.Ltmp9:
0x229: {  	v5 =	vld [tilespmem:s25+$0x20];
	(pc) =	sbr.rel @p0 .LBB2_20-.Ltmp9, $4  }
0x22a: {  	v4 =	vadd.f32 v6, v4;
	v0 =	vld [tilespmem:s25+$0x18030];
	[tilespmem:s25+$0x18070] =	vst v1  }
0x22b: {  	v3 =	vld [tilespmem:s25+$0x30]  }
0x22c: {  	[tilespmem:s25+$0x18000] =	vst v4;
	v6 =	vadd.f32 v9, v8;
	v1 =	vld [tilespmem:s25+$0x18040]  }
0x22d: {  	v4 =	vld [tilespmem:s25+$0x40]  }
0x22e: {  	v7 =	vld [tilespmem:s25+$0x18050]  }
0x22f: {  	v8 =	vld [tilespmem:s25+$0x50]  }
0x230: {  	v9 =	vld [tilespmem:s25+$0x18060]  }
0x231: {  	v10 =	vld [tilespmem:s25+$0x60]  }
0x232: {  	v2 =	vadd.f32 v5, v2  }
0x233: {  	[tilespmem:s25+$0x18010] =	vst v6;
	v0 =	vadd.f32 v3, v0  }
0x234: {  	[tilespmem:s25+$0x18020] =	vst v2;
	v1 =	vadd.f32 v4, v1  }
0x235: {  	[tilespmem:s25+$0x18030] =	vst v0;
	v0 =	vadd.f32 v8, v7  }
0x236: {  	[tilespmem:s25+$0x18040] =	vst v1;
	v1 =	vadd.f32 v10, v9  }
0x237: {  	[tilespmem:s25+$0x18050] =	vst v0  }
0x238: {  	[tilespmem:s25+$0x18060] =	vst v1  }
0x239: {  	s26 =	simm.s32 $0x0;
	s0 =	rddreg [dreg:$0x17]  }
0x23a: {  	[hbm4b:s0+s26] =	stream.linear.scatter [tilespmem:s22], [sflag:$0x3], $0x4000, $0x38;
	[tilespmem:$0x1C000] =	vst v63  }
0x23b: {  	_ =	swait.ge [sflag:s19], $0x4000  }
0x23c: {  	[sflag:s19] =	ssyncset.done $0x0  }
0x23d: {  	[sflag:s19] =	ssyncadd.s32 $0xFFFFC000  }
0x23e: {  	_ =	swait.ge [sflag:s23], $0x4000  }
0x23f: {  	s28 =	simm.s32 $0x0;
	s30 =	sand.u32 $0x1C00, s26;
	[sflag:s23] =	ssyncset.done $0x0  }
0x240: {  	s25 =	sand.u32 $0x2000, s28;
	s31 =	rddreg [dreg:$0x1f];
	[sflag:s23] =	ssyncadd.s32 $0xFFFFC000  }
0x241: {  	[tilespmem:s21], [sflag:$0x2] =	stream.linear.gather [hbm4b:s31+s26], $0x4000, $0x38;
	[tilespmem:$0x1C000] =	vst v63  }
0x242: {  	s0 =	sor.u32 s25, s30;
	s31 =	sand.u32 $0x380, s26  }
0x243: {  	s25 =	sor.u32 s31, s0  }
0x244: {  	v0 =	vld [tilespmem:s25+$0x8070]  }
0x245: {  	v1 =	vld [tilespmem:s25+$0x70]  }
0x246: {  	v3 =	vld [tilespmem:s25+$0x8000]  }
0x247: {  	v4 =	vld [tilespmem:s25+$0x0]  }
0x248: {  	v6 =	vld [tilespmem:s25+$0x8010]  }
0x249: {  	v7 =	vld [tilespmem:s25+$0x10]  }
0x24a: {  	v2 =	vld [tilespmem:s25+$0x8020]  }
0x24b: {  	v5 =	vld [tilespmem:s25+$0x20]  }
0x24c: {  	v1 =	vadd.f32 v1, v0;
	v0 =	vld [tilespmem:s25+$0x8030]  }
0x24d: {  	v4 =	vadd.f32 v4, v3;
	v3 =	vld [tilespmem:s25+$0x30]  }
0x24e: {  	v6 =	vadd.f32 v7, v6;
	[tilespmem:s25+$0x8070] =	vst v1;
	v1 =	vld [tilespmem:s25+$0x8040]  }
0x24f: {  	s29 =	simm.s32 $0x0;
	[tilespmem:s25+$0x8000] =	vst v4;
	v4 =	vld [tilespmem:s25+$0x40]  }
.LBB2_22:
0x250: {  	s28 =	sadd.s32 $0x80, s28;
	[tilespmem:s25+$0x8010] =	vst v6;
	v2 =	vadd.f32 v5, v2;
	v5 =	vld [tilespmem:s25+$0x8050];
	s26 =	sadd.s32 $0x400, s26  }
0x251: {  	s29 =	sadd.s32 $0x10, s29;
	s0 =	sand.u32 $0x2000, s28;
	s30 =	sand.u32 $0x1C00, s26;
	v6 =	vld [tilespmem:s25+$0x50]  }
0x252: {  	p0 =	slt.u32 s28, $0x3F80;
	s0 =	sor.u32 s0, s30;
	s30 =	sand.u32 $0x380, s29;
	[tilespmem:s25+$0x8020] =	vst v2;
	v0 =	vadd.f32 v3, v0;
	v2 =	vld [tilespmem:s25+$0x8060]  }
0x253: {  	s0 =	sor.u32 s30, s0;
	v3 =	vld [tilespmem:s25+$0x60]  }
0x254: {  	v7 =	vld [tilespmem:s0+$0x8070];
	[tilespmem:s25+$0x8030] =	vst v0;
	v0 =	vadd.f32 v4, v1  }
0x255: {  	v1 =	vld [tilespmem:s0+$0x70]  }
0x256: {  	v4 =	vld [tilespmem:s0+$0x8000];
	[tilespmem:s25+$0x8040] =	vst v0;
	v0 =	vadd.f32 v6, v5  }
0x257: {  	v6 =	vld [tilespmem:s0+$0x0]  }
0x258: {  	v8 =	vld [tilespmem:s0+$0x8010];
	[tilespmem:s25+$0x8050] =	vst v0;
	v0 =	vadd.f32 v3, v2  }
0x259: {  	v9 =	vld [tilespmem:s0+$0x10]  }
0x25a: {  	v2 =	vld [tilespmem:s0+$0x8020];
	v1 =	vadd.f32 v1, v7;
	[tilespmem:s25+$0x8060] =	vst v0;
	s25 =	smov.u32 s0  }
.Ltmp10:
0x25b: {  	v5 =	vld [tilespmem:s25+$0x20];
	(pc) =	sbr.rel @p0 .LBB2_22-.Ltmp10, $4  }
0x25c: {  	v4 =	vadd.f32 v6, v4;
	v0 =	vld [tilespmem:s25+$0x8030];
	[tilespmem:s25+$0x8070] =	vst v1  }
0x25d: {  	v3 =	vld [tilespmem:s25+$0x30]  }
0x25e: {  	[tilespmem:s25+$0x8000] =	vst v4;
	v6 =	vadd.f32 v9, v8;
	v1 =	vld [tilespmem:s25+$0x8040]  }
0x25f: {  	v4 =	vld [tilespmem:s25+$0x40]  }
0x260: {  	v7 =	vld [tilespmem:s25+$0x8050]  }
0x261: {  	v8 =	vld [tilespmem:s25+$0x50]  }
0x262: {  	v9 =	vld [tilespmem:s25+$0x8060]  }
0x263: {  	v10 =	vld [tilespmem:s25+$0x60]  }
0x264: {  	v2 =	vadd.f32 v5, v2  }
0x265: {  	[tilespmem:s25+$0x8010] =	vst v6;
	v0 =	vadd.f32 v3, v0  }
0x266: {  	[tilespmem:s25+$0x8020] =	vst v2;
	v1 =	vadd.f32 v4, v1  }
0x267: {  	[tilespmem:s25+$0x8030] =	vst v0;
	v0 =	vadd.f32 v8, v7  }
0x268: {  	[tilespmem:s25+$0x8040] =	vst v1;
	v1 =	vadd.f32 v10, v9  }
0x269: {  	[tilespmem:s25+$0x8050] =	vst v0  }
0x26a: {  	[tilespmem:s25+$0x8060] =	vst v1  }
0x26b: {  	s26 =	simm.s32 $0x0;
	s0 =	rddreg [dreg:$0x19]  }
0x26c: {  	[hbm4b:s0+s26] =	stream.linear.scatter [tilespmem:s16], [sflag:$0x3], $0x4000, $0x38;
	[tilespmem:$0x1C000] =	vst v63  }
0x26d: {  	_ =	swait.ge [sflag:s19], $0x4000  }
0x26e: {  	[sflag:s19] =	ssyncset.done $0x0  }
0x26f: {  	[sflag:s19] =	ssyncadd.s32 $0xFFFFC000  }
0x270: {  	_ =	swait.ge [sflag:s23], $0x4000  }
0x271: {  	s28 =	simm.s32 $0x0;
	s25 =	sld [smem:$0x7DF]  }
0x272: {  	s30 =	sand.u32 $0x2000, s28;
	s31 =	sand.u32 $0x1C00, s26;
	[sflag:s23] =	ssyncset.done $0x0  }
0x273: {  	s29 =	sand.u32 $0x380, s26;
	s0 =	sor.u32 s31, s30;
	[sflag:s23] =	ssyncadd.s32 $0xFFFFC000  }
0x274: {  	[tilespmem:s22], [sflag:$0x2] =	stream.linear.gather [hbm4b:s25+s26], $0x4000, $0x38;
	[tilespmem:$0x1C000] =	vst v63  }
0x275: {  	s25 =	sor.u32 s29, s0  }
0x276: {  	v0 =	vld [tilespmem:s25+$0xC070]  }
0x277: {  	v1 =	vld [tilespmem:s25+$0x70]  }
0x278: {  	v3 =	vld [tilespmem:s25+$0xC000]  }
0x279: {  	v4 =	vld [tilespmem:s25+$0x0]  }
0x27a: {  	v6 =	vld [tilespmem:s25+$0xC010]  }
0x27b: {  	v7 =	vld [tilespmem:s25+$0x10]  }
0x27c: {  	v2 =	vld [tilespmem:s25+$0xC020]  }
0x27d: {  	v5 =	vld [tilespmem:s25+$0x20]  }
0x27e: {  	v1 =	vadd.f32 v1, v0;
	v0 =	vld [tilespmem:s25+$0xC030]  }
0x27f: {  	v4 =	vadd.f32 v4, v3;
	v3 =	vld [tilespmem:s25+$0x30]  }
0x280: {  	v6 =	vadd.f32 v7, v6;
	[tilespmem:s25+$0xC070] =	vst v1;
	v1 =	vld [tilespmem:s25+$0xC040]  }
0x281: {  	s29 =	simm.s32 $0x0;
	[tilespmem:s25+$0xC000] =	vst v4;
	v4 =	vld [tilespmem:s25+$0x40]  }
.LBB2_24:
0x282: {  	s28 =	sadd.s32 $0x80, s28;
	[tilespmem:s25+$0xC010] =	vst v6;
	v2 =	vadd.f32 v5, v2;
	v5 =	vld [tilespmem:s25+$0xC050];
	s26 =	sadd.s32 $0x400, s26  }
0x283: {  	s29 =	sadd.s32 $0x10, s29;
	s0 =	sand.u32 $0x2000, s28;
	s30 =	sand.u32 $0x1C00, s26;
	v6 =	vld [tilespmem:s25+$0x50]  }
0x284: {  	s31 =	sand.u32 $0x380, s29;
	p0 =	slt.u32 s28, $0x3F80;
	s0 =	sor.u32 s30, s0;
	[tilespmem:s25+$0xC020] =	vst v2;
	v0 =	vadd.f32 v3, v0;
	v2 =	vld [tilespmem:s25+$0xC060]  }
0x285: {  	s0 =	sor.u32 s31, s0;
	v3 =	vld [tilespmem:s25+$0x60]  }
0x286: {  	v7 =	vld [tilespmem:s0+$0xC070];
	[tilespmem:s25+$0xC030] =	vst v0;
	v0 =	vadd.f32 v4, v1  }
0x287: {  	v1 =	vld [tilespmem:s0+$0x70]  }
0x288: {  	v4 =	vld [tilespmem:s0+$0xC000];
	[tilespmem:s25+$0xC040] =	vst v0;
	v0 =	vadd.f32 v6, v5  }
0x289: {  	v6 =	vld [tilespmem:s0+$0x0]  }
0x28a: {  	v8 =	vld [tilespmem:s0+$0xC010];
	[tilespmem:s25+$0xC050] =	vst v0;
	v0 =	vadd.f32 v3, v2  }
0x28b: {  	v9 =	vld [tilespmem:s0+$0x10]  }
0x28c: {  	v2 =	vld [tilespmem:s0+$0xC020];
	v1 =	vadd.f32 v1, v7;
	[tilespmem:s25+$0xC060] =	vst v0;
	s25 =	smov.u32 s0  }
.Ltmp11:
0x28d: {  	v5 =	vld [tilespmem:s25+$0x20];
	(pc) =	sbr.rel @p0 .LBB2_24-.Ltmp11, $4  }
0x28e: {  	v4 =	vadd.f32 v6, v4;
	v0 =	vld [tilespmem:s25+$0xC030];
	[tilespmem:s25+$0xC070] =	vst v1  }
0x28f: {  	v3 =	vld [tilespmem:s25+$0x30]  }
0x290: {  	[tilespmem:s25+$0xC000] =	vst v4;
	v6 =	vadd.f32 v9, v8;
	v1 =	vld [tilespmem:s25+$0xC040]  }
0x291: {  	v4 =	vld [tilespmem:s25+$0x40]  }
0x292: {  	v7 =	vld [tilespmem:s25+$0xC050]  }
0x293: {  	v8 =	vld [tilespmem:s25+$0x50]  }
0x294: {  	v9 =	vld [tilespmem:s25+$0xC060]  }
0x295: {  	v10 =	vld [tilespmem:s25+$0x60]  }
0x296: {  	v2 =	vadd.f32 v5, v2  }
0x297: {  	[tilespmem:s25+$0xC010] =	vst v6;
	v0 =	vadd.f32 v3, v0  }
0x298: {  	[tilespmem:s25+$0xC020] =	vst v2;
	v1 =	vadd.f32 v4, v1  }
0x299: {  	[tilespmem:s25+$0xC030] =	vst v0;
	v0 =	vadd.f32 v8, v7  }
0x29a: {  	[tilespmem:s25+$0xC040] =	vst v1;
	v1 =	vadd.f32 v10, v9  }
0x29b: {  	[tilespmem:s25+$0xC050] =	vst v0  }
0x29c: {  	[tilespmem:s25+$0xC060] =	vst v1  }
0x29d: {  	s0 =	rddreg [dreg:$0x1b]  }
0x29e: {  	s25 =	simm.s32 $0x0;
	s26 =	sld [smem:$0x7E3]  }
0x29f: {  	[hbm4b:s0+s25] =	stream.linear.scatter [tilespmem:s17], [sflag:$0x3], $0x4000, $0x38;
	[tilespmem:$0x1C000] =	vst v63  }
0x2a0: {  	_ = 	snop  }
0x2a1: {  	[tilespmem:s25], [sflag:$0x1] =	stream.linear.gather [hbm4b:s26+s25], $0x4000, $0x38;
	[tilespmem:$0x1C000] =	vst v63  }
0x2a2: {  	_ =	swait.ge [sflag:s19], $0x4000  }
0x2a3: {  	[sflag:s19] =	ssyncset.done $0x0  }
0x2a4: {  	[sflag:s19] =	ssyncadd.s32 $0xFFFFC000  }
0x2a5: {  	_ =	swait.ge [sflag:s20], $0x4000  }
0x2a6: {  	[sflag:s20] =	ssyncset.done $0x0  }
0x2a7: {  	[sflag:s20] =	ssyncadd.s32 $0xFFFFC000  }
0x2a8: {  	s28 =	simm.s32 $0x0;
	_ =	swait.ge [sflag:s23], $0x4000  }
0x2a9: {  	s31 =	sand.u32 $0x2000, s28;
	s26 =	sand.u32 $0x1C00, s25;
	s30 =	sld [smem:$0x7E1]  }
0x2aa: {  	s29 =	sand.u32 $0x380, s25;
	s0 =	sor.u32 s26, s31;
	[sflag:s23] =	ssyncset.done $0x0  }
0x2ab: {  	s26 =	sor.u32 s29, s0;
	[sflag:s23] =	ssyncadd.s32 $0xFFFFC000  }
0x2ac: {  	[tilespmem:s16], [sflag:$0x2] =	stream.linear.gather [hbm4b:s30+s25], $0x4000, $0x38;
	[tilespmem:$0x1C000] =	vst v63  }
0x2ad: {  	v0 =	vld [tilespmem:s26+$0x10070]  }
0x2ae: {  	v1 =	vld [tilespmem:s26+$0x4070]  }
0x2af: {  	v3 =	vld [tilespmem:s26+$0x10000]  }
0x2b0: {  	v4 =	vld [tilespmem:s26+$0x4000]  }
0x2b1: {  	v6 =	vld [tilespmem:s26+$0x10010]  }
0x2b2: {  	v7 =	vld [tilespmem:s26+$0x4010]  }
0x2b3: {  	v2 =	vld [tilespmem:s26+$0x10020]  }
0x2b4: {  	v5 =	vld [tilespmem:s26+$0x4020]  }
0x2b5: {  	v1 =	vadd.f32 v1, v0;
	v0 =	vld [tilespmem:s26+$0x10030]  }
0x2b6: {  	v4 =	vadd.f32 v4, v3;
	v3 =	vld [tilespmem:s26+$0x4030]  }
0x2b7: {  	v6 =	vadd.f32 v7, v6;
	[tilespmem:s26+$0x10070] =	vst v1;
	v1 =	vld [tilespmem:s26+$0x10040]  }
0x2b8: {  	s29 =	simm.s32 $0x0;
	[tilespmem:s26+$0x10000] =	vst v4;
	v4 =	vld [tilespmem:s26+$0x4040]  }
.LBB2_26:
0x2b9: {  	s28 =	sadd.s32 $0x80, s28;
	[tilespmem:s26+$0x10010] =	vst v6;
	v2 =	vadd.f32 v5, v2;
	v5 =	vld [tilespmem:s26+$0x10050];
	s25 =	sadd.s32 $0x400, s25  }
0x2ba: {  	s29 =	sadd.s32 $0x10, s29;
	s0 =	sand.u32 $0x2000, s28;
	s30 =	sand.u32 $0x1C00, s25;
	v6 =	vld [tilespmem:s26+$0x4050]  }
0x2bb: {  	s31 =	sand.u32 $0x380, s29;
	p0 =	slt.u32 s28, $0x3F80;
	s0 =	sor.u32 s30, s0;
	[tilespmem:s26+$0x10020] =	vst v2;
	v0 =	vadd.f32 v3, v0;
	v2 =	vld [tilespmem:s26+$0x10060]  }
0x2bc: {  	s0 =	sor.u32 s31, s0;
	v3 =	vld [tilespmem:s26+$0x4060]  }
0x2bd: {  	v7 =	vld [tilespmem:s0+$0x10070];
	[tilespmem:s26+$0x10030] =	vst v0;
	v0 =	vadd.f32 v4, v1  }
0x2be: {  	v1 =	vld [tilespmem:s0+$0x4070]  }
0x2bf: {  	v4 =	vld [tilespmem:s0+$0x10000];
	[tilespmem:s26+$0x10040] =	vst v0;
	v0 =	vadd.f32 v6, v5  }
0x2c0: {  	v6 =	vld [tilespmem:s0+$0x4000]  }
0x2c1: {  	v8 =	vld [tilespmem:s0+$0x10010];
	[tilespmem:s26+$0x10050] =	vst v0;
	v0 =	vadd.f32 v3, v2  }
0x2c2: {  	v9 =	vld [tilespmem:s0+$0x4010]  }
0x2c3: {  	v2 =	vld [tilespmem:s0+$0x10020];
	v1 =	vadd.f32 v1, v7;
	[tilespmem:s26+$0x10060] =	vst v0;
	s26 =	smov.u32 s0  }
.Ltmp12:
0x2c4: {  	v5 =	vld [tilespmem:s26+$0x4020];
	(pc) =	sbr.rel @p0 .LBB2_26-.Ltmp12, $4  }
0x2c5: {  	v4 =	vadd.f32 v6, v4;
	v0 =	vld [tilespmem:s26+$0x10030];
	[tilespmem:s26+$0x10070] =	vst v1  }
0x2c6: {  	v3 =	vld [tilespmem:s26+$0x4030]  }
0x2c7: {  	[tilespmem:s26+$0x10000] =	vst v4;
	v6 =	vadd.f32 v9, v8;
	v1 =	vld [tilespmem:s26+$0x10040]  }
0x2c8: {  	v4 =	vld [tilespmem:s26+$0x4040]  }
0x2c9: {  	v7 =	vld [tilespmem:s26+$0x10050]  }
0x2ca: {  	v8 =	vld [tilespmem:s26+$0x4050]  }
0x2cb: {  	v9 =	vld [tilespmem:s26+$0x10060]  }
0x2cc: {  	v10 =	vld [tilespmem:s26+$0x4060]  }
0x2cd: {  	v2 =	vadd.f32 v5, v2  }
0x2ce: {  	[tilespmem:s26+$0x10010] =	vst v6;
	v0 =	vadd.f32 v3, v0  }
0x2cf: {  	[tilespmem:s26+$0x10020] =	vst v2;
	v1 =	vadd.f32 v4, v1  }
0x2d0: {  	[tilespmem:s26+$0x10030] =	vst v0;
	v0 =	vadd.f32 v8, v7  }
0x2d1: {  	[tilespmem:s26+$0x10040] =	vst v1;
	v1 =	vadd.f32 v10, v9  }
0x2d2: {  	[tilespmem:s26+$0x10050] =	vst v0  }
0x2d3: {  	[tilespmem:s26+$0x10060] =	vst v1  }
0x2d4: {  	s26 =	simm.s32 $0x0;
	s0 =	rddreg [dreg:$0x1e]  }
0x2d5: {  	[hbm4b:s0+s26] =	stream.linear.scatter [tilespmem:s18], [sflag:$0x3], $0x4000, $0x38;
	[tilespmem:$0x1C000] =	vst v63  }
0x2d6: {  	_ =	swait.ge [sflag:s19], $0x4000  }
0x2d7: {  	[sflag:s19] =	ssyncset.done $0x0  }
0x2d8: {  	[sflag:s19] =	ssyncadd.s32 $0xFFFFC000  }
0x2d9: {  	s28 =	simm.s32 $0x0;
	_ =	swait.ge [sflag:s23], $0x4000  }
0x2da: {  	s31 =	sand.u32 $0x2000, s28;
	s25 =	sand.u32 $0x1C00, s26;
	s30 =	sld [smem:$0x7E4]  }
0x2db: {  	s29 =	sand.u32 $0x380, s26;
	s0 =	sor.u32 s25, s31;
	[sflag:s23] =	ssyncset.done $0x0  }
0x2dc: {  	s25 =	sor.u32 s29, s0;
	[sflag:s23] =	ssyncadd.s32 $0xFFFFC000  }
0x2dd: {  	[tilespmem:s17], [sflag:$0x2] =	stream.linear.gather [hbm4b:s30+s26], $0x4000, $0x38;
	[tilespmem:$0x1C000] =	vst v63  }
0x2de: {  	v0 =	vld [tilespmem:s25+$0x14070]  }
0x2df: {  	v1 =	vld [tilespmem:s25+$0x4070]  }
0x2e0: {  	v3 =	vld [tilespmem:s25+$0x14000]  }
0x2e1: {  	v4 =	vld [tilespmem:s25+$0x4000]  }
0x2e2: {  	v6 =	vld [tilespmem:s25+$0x14010]  }
0x2e3: {  	v7 =	vld [tilespmem:s25+$0x4010]  }
0x2e4: {  	v2 =	vld [tilespmem:s25+$0x14020]  }
0x2e5: {  	v5 =	vld [tilespmem:s25+$0x4020]  }
0x2e6: {  	v1 =	vadd.f32 v1, v0;
	v0 =	vld [tilespmem:s25+$0x14030]  }
0x2e7: {  	v4 =	vadd.f32 v4, v3;
	v3 =	vld [tilespmem:s25+$0x4030]  }
0x2e8: {  	v6 =	vadd.f32 v7, v6;
	[tilespmem:s25+$0x14070] =	vst v1;
	v1 =	vld [tilespmem:s25+$0x14040]  }
0x2e9: {  	s29 =	simm.s32 $0x0;
	[tilespmem:s25+$0x14000] =	vst v4;
	v4 =	vld [tilespmem:s25+$0x4040]  }
.LBB2_28:
0x2ea: {  	s28 =	sadd.s32 $0x80, s28;
	[tilespmem:s25+$0x14010] =	vst v6;
	v2 =	vadd.f32 v5, v2;
	v5 =	vld [tilespmem:s25+$0x14050];
	s26 =	sadd.s32 $0x400, s26  }
0x2eb: {  	s29 =	sadd.s32 $0x10, s29;
	s0 =	sand.u32 $0x2000, s28;
	s30 =	sand.u32 $0x1C00, s26;
	v6 =	vld [tilespmem:s25+$0x4050]  }
0x2ec: {  	s31 =	sand.u32 $0x380, s29;
	p0 =	slt.u32 s28, $0x3F80;
	s0 =	sor.u32 s30, s0;
	[tilespmem:s25+$0x14020] =	vst v2;
	v0 =	vadd.f32 v3, v0;
	v2 =	vld [tilespmem:s25+$0x14060]  }
0x2ed: {  	s0 =	sor.u32 s31, s0;
	v3 =	vld [tilespmem:s25+$0x4060]  }
0x2ee: {  	v7 =	vld [tilespmem:s0+$0x14070];
	[tilespmem:s25+$0x14030] =	vst v0;
	v0 =	vadd.f32 v4, v1  }
0x2ef: {  	v1 =	vld [tilespmem:s0+$0x4070]  }
0x2f0: {  	v4 =	vld [tilespmem:s0+$0x14000];
	[tilespmem:s25+$0x14040] =	vst v0;
	v0 =	vadd.f32 v6, v5  }
0x2f1: {  	v6 =	vld [tilespmem:s0+$0x4000]  }
0x2f2: {  	v8 =	vld [tilespmem:s0+$0x14010];
	[tilespmem:s25+$0x14050] =	vst v0;
	v0 =	vadd.f32 v3, v2  }
0x2f3: {  	v9 =	vld [tilespmem:s0+$0x4010]  }
0x2f4: {  	v2 =	vld [tilespmem:s0+$0x14020];
	v1 =	vadd.f32 v1, v7;
	[tilespmem:s25+$0x14060] =	vst v0;
	s25 =	smov.u32 s0  }
.Ltmp13:
0x2f5: {  	v5 =	vld [tilespmem:s25+$0x4020];
	(pc) =	sbr.rel @p0 .LBB2_28-.Ltmp13, $4  }
0x2f6: {  	v4 =	vadd.f32 v6, v4;
	v0 =	vld [tilespmem:s25+$0x14030];
	[tilespmem:s25+$0x14070] =	vst v1  }
0x2f7: {  	v3 =	vld [tilespmem:s25+$0x4030]  }
0x2f8: {  	[tilespmem:s25+$0x14000] =	vst v4;
	v6 =	vadd.f32 v9, v8;
	v1 =	vld [tilespmem:s25+$0x14040]  }
0x2f9: {  	v4 =	vld [tilespmem:s25+$0x4040]  }
0x2fa: {  	v7 =	vld [tilespmem:s25+$0x14050]  }
0x2fb: {  	v8 =	vld [tilespmem:s25+$0x4050]  }
0x2fc: {  	v9 =	vld [tilespmem:s25+$0x14060]  }
0x2fd: {  	v10 =	vld [tilespmem:s25+$0x4060]  }
0x2fe: {  	v2 =	vadd.f32 v5, v2  }
0x2ff: {  	[tilespmem:s25+$0x14010] =	vst v6;
	v0 =	vadd.f32 v3, v0  }
0x300: {  	[tilespmem:s25+$0x14020] =	vst v2;
	v1 =	vadd.f32 v4, v1  }
0x301: {  	[tilespmem:s25+$0x14030] =	vst v0;
	v0 =	vadd.f32 v8, v7  }
0x302: {  	[tilespmem:s25+$0x14040] =	vst v1;
	v1 =	vadd.f32 v10, v9  }
0x303: {  	[tilespmem:s25+$0x14050] =	vst v0  }
0x304: {  	[tilespmem:s25+$0x14060] =	vst v1  }
0x305: {  	s0 =	sld [smem:$0x7DE];
	_ =	sdelay $0x1  }
0x306: {  	s26 =	simm.s32 $0x0  }
0x307: {  	[hbm4b:s0+s26] =	stream.linear.scatter [tilespmem:s21], [sflag:$0x3], $0x4000, $0x38;
	[tilespmem:$0x1C000] =	vst v63  }
0x308: {  	_ =	swait.ge [sflag:s19], $0x4000  }
0x309: {  	[sflag:s19] =	ssyncset.done $0x0  }
0x30a: {  	[sflag:s19] =	ssyncadd.s32 $0xFFFFC000  }
0x30b: {  	_ =	swait.ge [sflag:s23], $0x4000  }
0x30c: {  	s28 =	simm.s32 $0x0;
	s25 =	sld [smem:$0x7E6]  }
0x30d: {  	s30 =	sand.u32 $0x2000, s28;
	s31 =	sand.u32 $0x1C00, s26;
	[sflag:s23] =	ssyncset.done $0x0  }
0x30e: {  	s29 =	sand.u32 $0x380, s26;
	s0 =	sor.u32 s31, s30;
	[sflag:s23] =	ssyncadd.s32 $0xFFFFC000  }
0x30f: {  	[tilespmem:s18], [sflag:$0x2] =	stream.linear.gather [hbm4b:s25+s26], $0x4000, $0x38;
	[tilespmem:$0x1C000] =	vst v63  }
0x310: {  	s25 =	sor.u32 s29, s0  }
0x311: {  	v0 =	vld [tilespmem:s25+$0x18070]  }
0x312: {  	v1 =	vld [tilespmem:s25+$0x4070]  }
0x313: {  	v3 =	vld [tilespmem:s25+$0x18000]  }
0x314: {  	v4 =	vld [tilespmem:s25+$0x4000]  }
0x315: {  	v6 =	vld [tilespmem:s25+$0x18010]  }
0x316: {  	v7 =	vld [tilespmem:s25+$0x4010]  }
0x317: {  	v2 =	vld [tilespmem:s25+$0x18020]  }
0x318: {  	v5 =	vld [tilespmem:s25+$0x4020]  }
0x319: {  	v1 =	vadd.f32 v1, v0;
	v0 =	vld [tilespmem:s25+$0x18030]  }
0x31a: {  	v4 =	vadd.f32 v4, v3;
	v3 =	vld [tilespmem:s25+$0x4030]  }
0x31b: {  	v6 =	vadd.f32 v7, v6;
	[tilespmem:s25+$0x18070] =	vst v1;
	v1 =	vld [tilespmem:s25+$0x18040]  }
0x31c: {  	s29 =	simm.s32 $0x0;
	[tilespmem:s25+$0x18000] =	vst v4;
	v4 =	vld [tilespmem:s25+$0x4040]  }
.LBB2_30:
0x31d: {  	s28 =	sadd.s32 $0x80, s28;
	[tilespmem:s25+$0x18010] =	vst v6;
	v2 =	vadd.f32 v5, v2;
	v5 =	vld [tilespmem:s25+$0x18050];
	s26 =	sadd.s32 $0x400, s26  }
0x31e: {  	s29 =	sadd.s32 $0x10, s29;
	s0 =	sand.u32 $0x2000, s28;
	s30 =	sand.u32 $0x1C00, s26;
	v6 =	vld [tilespmem:s25+$0x4050]  }
0x31f: {  	s31 =	sand.u32 $0x380, s29;
	p0 =	slt.u32 s28, $0x3F80;
	s0 =	sor.u32 s30, s0;
	[tilespmem:s25+$0x18020] =	vst v2;
	v0 =	vadd.f32 v3, v0;
	v2 =	vld [tilespmem:s25+$0x18060]  }
0x320: {  	s0 =	sor.u32 s31, s0;
	v3 =	vld [tilespmem:s25+$0x4060]  }
0x321: {  	v7 =	vld [tilespmem:s0+$0x18070];
	[tilespmem:s25+$0x18030] =	vst v0;
	v0 =	vadd.f32 v4, v1  }
0x322: {  	v1 =	vld [tilespmem:s0+$0x4070]  }
0x323: {  	v4 =	vld [tilespmem:s0+$0x18000];
	[tilespmem:s25+$0x18040] =	vst v0;
	v0 =	vadd.f32 v6, v5  }
0x324: {  	v6 =	vld [tilespmem:s0+$0x4000]  }
0x325: {  	v8 =	vld [tilespmem:s0+$0x18010];
	[tilespmem:s25+$0x18050] =	vst v0;
	v0 =	vadd.f32 v3, v2  }
0x326: {  	v9 =	vld [tilespmem:s0+$0x4010]  }
0x327: {  	v2 =	vld [tilespmem:s0+$0x18020];
	v1 =	vadd.f32 v1, v7;
	[tilespmem:s25+$0x18060] =	vst v0;
	s25 =	smov.u32 s0  }
.Ltmp14:
0x328: {  	v5 =	vld [tilespmem:s25+$0x4020];
	(pc) =	sbr.rel @p0 .LBB2_30-.Ltmp14, $4  }
0x329: {  	v4 =	vadd.f32 v6, v4;
	v0 =	vld [tilespmem:s25+$0x18030];
	[tilespmem:s25+$0x18070] =	vst v1  }
0x32a: {  	v3 =	vld [tilespmem:s25+$0x4030]  }
0x32b: {  	[tilespmem:s25+$0x18000] =	vst v4;
	v6 =	vadd.f32 v9, v8;
	v1 =	vld [tilespmem:s25+$0x18040]  }
0x32c: {  	v4 =	vld [tilespmem:s25+$0x4040]  }
0x32d: {  	v7 =	vld [tilespmem:s25+$0x18050]  }
0x32e: {  	v8 =	vld [tilespmem:s25+$0x4050]  }
0x32f: {  	v9 =	vld [tilespmem:s25+$0x18060]  }
0x330: {  	v10 =	vld [tilespmem:s25+$0x4060]  }
0x331: {  	v2 =	vadd.f32 v5, v2  }
0x332: {  	[tilespmem:s25+$0x18010] =	vst v6;
	v0 =	vadd.f32 v3, v0  }
0x333: {  	[tilespmem:s25+$0x18020] =	vst v2;
	v1 =	vadd.f32 v4, v1  }
0x334: {  	[tilespmem:s25+$0x18030] =	vst v0;
	v0 =	vadd.f32 v8, v7  }
0x335: {  	[tilespmem:s25+$0x18040] =	vst v1;
	v1 =	vadd.f32 v10, v9  }
0x336: {  	[tilespmem:s25+$0x18050] =	vst v0  }
0x337: {  	[tilespmem:s25+$0x18060] =	vst v1  }
0x338: {  	s0 =	sld [smem:$0x7E0];
	_ =	sdelay $0x1  }
0x339: {  	s26 =	simm.s32 $0x0  }
0x33a: {  	[hbm4b:s0+s26] =	stream.linear.scatter [tilespmem:s22], [sflag:$0x3], $0x4000, $0x38;
	[tilespmem:$0x1C000] =	vst v63  }
0x33b: {  	_ =	swait.ge [sflag:s19], $0x4000  }
0x33c: {  	[sflag:s19] =	ssyncset.done $0x0  }
0x33d: {  	[sflag:s19] =	ssyncadd.s32 $0xFFFFC000  }
0x33e: {  	_ =	swait.ge [sflag:s23], $0x4000  }
0x33f: {  	s28 =	simm.s32 $0x0;
	s25 =	sld [smem:$0x7E8]  }
0x340: {  	s30 =	sand.u32 $0x2000, s28;
	s31 =	sand.u32 $0x1C00, s26;
	[sflag:s23] =	ssyncset.done $0x0  }
0x341: {  	s29 =	sand.u32 $0x380, s26;
	s0 =	sor.u32 s31, s30;
	[sflag:s23] =	ssyncadd.s32 $0xFFFFC000  }
0x342: {  	[tilespmem:s21], [sflag:$0x2] =	stream.linear.gather [hbm4b:s25+s26], $0x4000, $0x38;
	[tilespmem:$0x1C000] =	vst v63  }
0x343: {  	s25 =	sor.u32 s29, s0  }
0x344: {  	v0 =	vld [tilespmem:s25+$0x8070]  }
0x345: {  	v1 =	vld [tilespmem:s25+$0x4070]  }
0x346: {  	v3 =	vld [tilespmem:s25+$0x8000]  }
0x347: {  	v4 =	vld [tilespmem:s25+$0x4000]  }
0x348: {  	v6 =	vld [tilespmem:s25+$0x8010]  }
0x349: {  	v7 =	vld [tilespmem:s25+$0x4010]  }
0x34a: {  	v2 =	vld [tilespmem:s25+$0x8020]  }
0x34b: {  	v5 =	vld [tilespmem:s25+$0x4020]  }
0x34c: {  	v1 =	vadd.f32 v1, v0;
	v0 =	vld [tilespmem:s25+$0x8030]  }
0x34d: {  	v4 =	vadd.f32 v4, v3;
	v3 =	vld [tilespmem:s25+$0x4030]  }
0x34e: {  	v6 =	vadd.f32 v7, v6;
	[tilespmem:s25+$0x8070] =	vst v1;
	v1 =	vld [tilespmem:s25+$0x8040]  }
0x34f: {  	s29 =	simm.s32 $0x0;
	[tilespmem:s25+$0x8000] =	vst v4;
	v4 =	vld [tilespmem:s25+$0x4040]  }
.LBB2_32:
0x350: {  	s28 =	sadd.s32 $0x80, s28;
	[tilespmem:s25+$0x8010] =	vst v6;
	v2 =	vadd.f32 v5, v2;
	v5 =	vld [tilespmem:s25+$0x8050];
	s26 =	sadd.s32 $0x400, s26  }
0x351: {  	s29 =	sadd.s32 $0x10, s29;
	s0 =	sand.u32 $0x2000, s28;
	s30 =	sand.u32 $0x1C00, s26;
	v6 =	vld [tilespmem:s25+$0x4050]  }
0x352: {  	s31 =	sand.u32 $0x380, s29;
	p0 =	slt.u32 s28, $0x3F80;
	s0 =	sor.u32 s30, s0;
	[tilespmem:s25+$0x8020] =	vst v2;
	v0 =	vadd.f32 v3, v0;
	v2 =	vld [tilespmem:s25+$0x8060]  }
0x353: {  	s0 =	sor.u32 s31, s0;
	v3 =	vld [tilespmem:s25+$0x4060]  }
0x354: {  	v7 =	vld [tilespmem:s0+$0x8070];
	[tilespmem:s25+$0x8030] =	vst v0;
	v0 =	vadd.f32 v4, v1  }
0x355: {  	v1 =	vld [tilespmem:s0+$0x4070]  }
0x356: {  	v4 =	vld [tilespmem:s0+$0x8000];
	[tilespmem:s25+$0x8040] =	vst v0;
	v0 =	vadd.f32 v6, v5  }
0x357: {  	v6 =	vld [tilespmem:s0+$0x4000]  }
0x358: {  	v8 =	vld [tilespmem:s0+$0x8010];
	[tilespmem:s25+$0x8050] =	vst v0;
	v0 =	vadd.f32 v3, v2  }
0x359: {  	v9 =	vld [tilespmem:s0+$0x4010]  }
0x35a: {  	v2 =	vld [tilespmem:s0+$0x8020];
	v1 =	vadd.f32 v1, v7;
	[tilespmem:s25+$0x8060] =	vst v0;
	s25 =	smov.u32 s0  }
.Ltmp15:
0x35b: {  	v5 =	vld [tilespmem:s25+$0x4020];
	(pc) =	sbr.rel @p0 .LBB2_32-.Ltmp15, $4  }
0x35c: {  	v4 =	vadd.f32 v6, v4;
	v0 =	vld [tilespmem:s25+$0x8030];
	[tilespmem:s25+$0x8070] =	vst v1  }
0x35d: {  	v3 =	vld [tilespmem:s25+$0x4030]  }
0x35e: {  	[tilespmem:s25+$0x8000] =	vst v4;
	v6 =	vadd.f32 v9, v8;
	v1 =	vld [tilespmem:s25+$0x8040]  }
0x35f: {  	v4 =	vld [tilespmem:s25+$0x4040]  }
0x360: {  	v7 =	vld [tilespmem:s25+$0x8050]  }
0x361: {  	v8 =	vld [tilespmem:s25+$0x4050]  }
0x362: {  	v9 =	vld [tilespmem:s25+$0x8060]  }
0x363: {  	v10 =	vld [tilespmem:s25+$0x4060]  }
0x364: {  	v2 =	vadd.f32 v5, v2  }
0x365: {  	[tilespmem:s25+$0x8010] =	vst v6;
	v0 =	vadd.f32 v3, v0  }
0x366: {  	[tilespmem:s25+$0x8020] =	vst v2;
	v1 =	vadd.f32 v4, v1  }
0x367: {  	[tilespmem:s25+$0x8030] =	vst v0;
	v0 =	vadd.f32 v8, v7  }
0x368: {  	[tilespmem:s25+$0x8040] =	vst v1;
	v1 =	vadd.f32 v10, v9  }
0x369: {  	[tilespmem:s25+$0x8050] =	vst v0  }
0x36a: {  	[tilespmem:s25+$0x8060] =	vst v1  }
0x36b: {  	s0 =	sld [smem:$0x7E2];
	_ =	sdelay $0x1  }
0x36c: {  	s25 =	simm.s32 $0x0;
	s26 =	sld [smem:$0x7EC]  }
0x36d: {  	[hbm4b:s0+s25] =	stream.linear.scatter [tilespmem:s16], [sflag:$0x3], $0x4000, $0x38;
	[tilespmem:$0x1C000] =	vst v63  }
0x36e: {  	_ = 	snop  }
0x36f: {  	[tilespmem:s15], [sflag:$0x1] =	stream.linear.gather [hbm4b:s26+s25], $0x4000, $0x38;
	[tilespmem:$0x1C000] =	vst v63  }
0x370: {  	_ =	swait.ge [sflag:s19], $0x4000  }
0x371: {  	[sflag:s19] =	ssyncset.done $0x0  }
0x372: {  	[sflag:s19] =	ssyncadd.s32 $0xFFFFC000  }
0x373: {  	_ =	swait.ge [sflag:s20], $0x4000  }
0x374: {  	[sflag:s20] =	ssyncset.done $0x0  }
0x375: {  	[sflag:s20] =	ssyncadd.s32 $0xFFFFC000  }
0x376: {  	s28 =	simm.s32 $0x0;
	_ =	swait.ge [sflag:s23], $0x4000  }
0x377: {  	s31 =	sand.u32 $0x2000, s28;
	s26 =	sand.u32 $0x1C00, s25;
	s30 =	sld [smem:$0x7EA]  }
0x378: {  	s29 =	sand.u32 $0x380, s25;
	s0 =	sor.u32 s26, s31;
	[sflag:s23] =	ssyncset.done $0x0  }
0x379: {  	s26 =	sor.u32 s29, s0;
	[sflag:s23] =	ssyncadd.s32 $0xFFFFC000  }
0x37a: {  	[tilespmem:s22], [sflag:$0x2] =	stream.linear.gather [hbm4b:s30+s25], $0x4000, $0x38;
	[tilespmem:$0x1C000] =	vst v63  }
0x37b: {  	v0 =	vld [tilespmem:s26+$0xC070]  }
0x37c: {  	v1 =	vld [tilespmem:s26+$0x70]  }
0x37d: {  	v3 =	vld [tilespmem:s26+$0xC000]  }
0x37e: {  	v4 =	vld [tilespmem:s26+$0x0]  }
0x37f: {  	v6 =	vld [tilespmem:s26+$0xC010]  }
0x380: {  	v7 =	vld [tilespmem:s26+$0x10]  }
0x381: {  	v2 =	vld [tilespmem:s26+$0xC020]  }
0x382: {  	v5 =	vld [tilespmem:s26+$0x20]  }
0x383: {  	v1 =	vadd.f32 v1, v0;
	v0 =	vld [tilespmem:s26+$0xC030]  }
0x384: {  	v4 =	vadd.f32 v4, v3;
	v3 =	vld [tilespmem:s26+$0x30]  }
0x385: {  	v6 =	vadd.f32 v7, v6;
	[tilespmem:s26+$0xC070] =	vst v1;
	v1 =	vld [tilespmem:s26+$0xC040]  }
0x386: {  	s29 =	simm.s32 $0x0;
	[tilespmem:s26+$0xC000] =	vst v4;
	v4 =	vld [tilespmem:s26+$0x40]  }
.LBB2_34:
0x387: {  	s28 =	sadd.s32 $0x80, s28;
	[tilespmem:s26+$0xC010] =	vst v6;
	v2 =	vadd.f32 v5, v2;
	v5 =	vld [tilespmem:s26+$0xC050];
	s25 =	sadd.s32 $0x400, s25  }
0x388: {  	s29 =	sadd.s32 $0x10, s29;
	s0 =	sand.u32 $0x2000, s28;
	s30 =	sand.u32 $0x1C00, s25;
	v6 =	vld [tilespmem:s26+$0x50]  }
0x389: {  	s31 =	sand.u32 $0x380, s29;
	p0 =	slt.u32 s28, $0x3F80;
	s0 =	sor.u32 s30, s0;
	[tilespmem:s26+$0xC020] =	vst v2;
	v0 =	vadd.f32 v3, v0;
	v2 =	vld [tilespmem:s26+$0xC060]  }
0x38a: {  	s0 =	sor.u32 s31, s0;
	v3 =	vld [tilespmem:s26+$0x60]  }
0x38b: {  	v7 =	vld [tilespmem:s0+$0xC070];
	[tilespmem:s26+$0xC030] =	vst v0;
	v0 =	vadd.f32 v4, v1  }
0x38c: {  	v1 =	vld [tilespmem:s0+$0x70]  }
0x38d: {  	v4 =	vld [tilespmem:s0+$0xC000];
	[tilespmem:s26+$0xC040] =	vst v0;
	v0 =	vadd.f32 v6, v5  }
0x38e: {  	v6 =	vld [tilespmem:s0+$0x0]  }
0x38f: {  	v8 =	vld [tilespmem:s0+$0xC010];
	[tilespmem:s26+$0xC050] =	vst v0;
	v0 =	vadd.f32 v3, v2  }
0x390: {  	v9 =	vld [tilespmem:s0+$0x10]  }
0x391: {  	v2 =	vld [tilespmem:s0+$0xC020];
	v1 =	vadd.f32 v1, v7;
	[tilespmem:s26+$0xC060] =	vst v0;
	s26 =	smov.u32 s0  }
.Ltmp16:
0x392: {  	v5 =	vld [tilespmem:s26+$0x20];
	(pc) =	sbr.rel @p0 .LBB2_34-.Ltmp16, $4  }
0x393: {  	v4 =	vadd.f32 v6, v4;
	v0 =	vld [tilespmem:s26+$0xC030];
	[tilespmem:s26+$0xC070] =	vst v1  }
0x394: {  	v3 =	vld [tilespmem:s26+$0x30]  }
0x395: {  	[tilespmem:s26+$0xC000] =	vst v4;
	v6 =	vadd.f32 v9, v8;
	v1 =	vld [tilespmem:s26+$0xC040]  }
0x396: {  	v4 =	vld [tilespmem:s26+$0x40]  }
0x397: {  	v7 =	vld [tilespmem:s26+$0xC050]  }
0x398: {  	v8 =	vld [tilespmem:s26+$0x50]  }
0x399: {  	v9 =	vld [tilespmem:s26+$0xC060]  }
0x39a: {  	v10 =	vld [tilespmem:s26+$0x60]  }
0x39b: {  	v2 =	vadd.f32 v5, v2  }
0x39c: {  	[tilespmem:s26+$0xC010] =	vst v6;
	v0 =	vadd.f32 v3, v0  }
0x39d: {  	[tilespmem:s26+$0xC020] =	vst v2;
	v1 =	vadd.f32 v4, v1  }
0x39e: {  	[tilespmem:s26+$0xC030] =	vst v0;
	v0 =	vadd.f32 v8, v7  }
0x39f: {  	[tilespmem:s26+$0xC040] =	vst v1;
	v1 =	vadd.f32 v10, v9  }
0x3a0: {  	[tilespmem:s26+$0xC050] =	vst v0  }
0x3a1: {  	[tilespmem:s26+$0xC060] =	vst v1  }
0x3a2: {  	s0 =	sld [smem:$0x7E5];
	_ =	sdelay $0x1  }
0x3a3: {  	s26 =	simm.s32 $0x0  }
0x3a4: {  	[hbm4b:s0+s26] =	stream.linear.scatter [tilespmem:s17], [sflag:$0x3], $0x4000, $0x38;
	[tilespmem:$0x1C000] =	vst v63  }
0x3a5: {  	_ =	swait.ge [sflag:s19], $0x4000  }
0x3a6: {  	[sflag:s19] =	ssyncset.done $0x0  }
0x3a7: {  	[sflag:s19] =	ssyncadd.s32 $0xFFFFC000  }
0x3a8: {  	s28 =	simm.s32 $0x0;
	_ =	swait.ge [sflag:s23], $0x4000  }
0x3a9: {  	s31 =	sand.u32 $0x2000, s28;
	s25 =	sand.u32 $0x1C00, s26;
	s30 =	sld [smem:$0x7ED]  }
0x3aa: {  	s29 =	sand.u32 $0x380, s26;
	s0 =	sor.u32 s25, s31;
	[sflag:s23] =	ssyncset.done $0x0  }
0x3ab: {  	s25 =	sor.u32 s29, s0;
	[sflag:s23] =	ssyncadd.s32 $0xFFFFC000  }
0x3ac: {  	[tilespmem:s16], [sflag:$0x2] =	stream.linear.gather [hbm4b:s30+s26], $0x4000, $0x38;
	[tilespmem:$0x1C000] =	vst v63  }
0x3ad: {  	v0 =	vld [tilespmem:s25+$0x10070]  }
0x3ae: {  	v1 =	vld [tilespmem:s25+$0x70]  }
0x3af: {  	v3 =	vld [tilespmem:s25+$0x10000]  }
0x3b0: {  	v4 =	vld [tilespmem:s25+$0x0]  }
0x3b1: {  	v6 =	vld [tilespmem:s25+$0x10010]  }
0x3b2: {  	v7 =	vld [tilespmem:s25+$0x10]  }
0x3b3: {  	v2 =	vld [tilespmem:s25+$0x10020]  }
0x3b4: {  	v5 =	vld [tilespmem:s25+$0x20]  }
0x3b5: {  	v1 =	vadd.f32 v1, v0;
	v0 =	vld [tilespmem:s25+$0x10030]  }
0x3b6: {  	v4 =	vadd.f32 v4, v3;
	v3 =	vld [tilespmem:s25+$0x30]  }
0x3b7: {  	v6 =	vadd.f32 v7, v6;
	[tilespmem:s25+$0x10070] =	vst v1;
	v1 =	vld [tilespmem:s25+$0x10040]  }
0x3b8: {  	s29 =	simm.s32 $0x0;
	[tilespmem:s25+$0x10000] =	vst v4;
	v4 =	vld [tilespmem:s25+$0x40]  }
.LBB2_36:
0x3b9: {  	s28 =	sadd.s32 $0x80, s28;
	[tilespmem:s25+$0x10010] =	vst v6;
	v2 =	vadd.f32 v5, v2;
	v5 =	vld [tilespmem:s25+$0x10050];
	s26 =	sadd.s32 $0x400, s26  }
0x3ba: {  	s29 =	sadd.s32 $0x10, s29;
	s0 =	sand.u32 $0x2000, s28;
	s30 =	sand.u32 $0x1C00, s26;
	v6 =	vld [tilespmem:s25+$0x50]  }
0x3bb: {  	s31 =	sand.u32 $0x380, s29;
	p0 =	slt.u32 s28, $0x3F80;
	s0 =	sor.u32 s30, s0;
	[tilespmem:s25+$0x10020] =	vst v2;
	v0 =	vadd.f32 v3, v0;
	v2 =	vld [tilespmem:s25+$0x10060]  }
0x3bc: {  	s0 =	sor.u32 s31, s0;
	v3 =	vld [tilespmem:s25+$0x60]  }
0x3bd: {  	v7 =	vld [tilespmem:s0+$0x10070];
	[tilespmem:s25+$0x10030] =	vst v0;
	v0 =	vadd.f32 v4, v1  }
0x3be: {  	v1 =	vld [tilespmem:s0+$0x70]  }
0x3bf: {  	v4 =	vld [tilespmem:s0+$0x10000];
	[tilespmem:s25+$0x10040] =	vst v0;
	v0 =	vadd.f32 v6, v5  }
0x3c0: {  	v6 =	vld [tilespmem:s0+$0x0]  }
0x3c1: {  	v8 =	vld [tilespmem:s0+$0x10010];
	[tilespmem:s25+$0x10050] =	vst v0;
	v0 =	vadd.f32 v3, v2  }
0x3c2: {  	v9 =	vld [tilespmem:s0+$0x10]  }
0x3c3: {  	v2 =	vld [tilespmem:s0+$0x10020];
	v1 =	vadd.f32 v1, v7;
	[tilespmem:s25+$0x10060] =	vst v0;
	s25 =	smov.u32 s0  }
.Ltmp17:
0x3c4: {  	v5 =	vld [tilespmem:s25+$0x20];
	(pc) =	sbr.rel @p0 .LBB2_36-.Ltmp17, $4  }
0x3c5: {  	v4 =	vadd.f32 v6, v4;
	v0 =	vld [tilespmem:s25+$0x10030];
	[tilespmem:s25+$0x10070] =	vst v1  }
0x3c6: {  	v3 =	vld [tilespmem:s25+$0x30]  }
0x3c7: {  	[tilespmem:s25+$0x10000] =	vst v4;
	v6 =	vadd.f32 v9, v8;
	v1 =	vld [tilespmem:s25+$0x10040]  }
0x3c8: {  	v4 =	vld [tilespmem:s25+$0x40]  }
0x3c9: {  	v7 =	vld [tilespmem:s25+$0x10050]  }
0x3ca: {  	v8 =	vld [tilespmem:s25+$0x50]  }
0x3cb: {  	v9 =	vld [tilespmem:s25+$0x10060]  }
0x3cc: {  	v10 =	vld [tilespmem:s25+$0x60]  }
0x3cd: {  	v2 =	vadd.f32 v5, v2  }
0x3ce: {  	[tilespmem:s25+$0x10010] =	vst v6;
	v0 =	vadd.f32 v3, v0  }
0x3cf: {  	[tilespmem:s25+$0x10020] =	vst v2;
	v1 =	vadd.f32 v4, v1  }
0x3d0: {  	[tilespmem:s25+$0x10030] =	vst v0;
	v0 =	vadd.f32 v8, v7  }
0x3d1: {  	[tilespmem:s25+$0x10040] =	vst v1;
	v1 =	vadd.f32 v10, v9  }
0x3d2: {  	[tilespmem:s25+$0x10050] =	vst v0  }
0x3d3: {  	[tilespmem:s25+$0x10060] =	vst v1  }
0x3d4: {  	s0 =	sld [smem:$0x7E7];
	_ =	sdelay $0x1  }
0x3d5: {  	s26 =	simm.s32 $0x0  }
0x3d6: {  	[hbm4b:s0+s26] =	stream.linear.scatter [tilespmem:s18], [sflag:$0x3], $0x4000, $0x38;
	[tilespmem:$0x1C000] =	vst v63  }
0x3d7: {  	_ =	swait.ge [sflag:s19], $0x4000  }
0x3d8: {  	[sflag:s19] =	ssyncset.done $0x0  }
0x3d9: {  	[sflag:s19] =	ssyncadd.s32 $0xFFFFC000  }
0x3da: {  	_ =	swait.ge [sflag:s23], $0x4000  }
0x3db: {  	s28 =	simm.s32 $0x0;
	s25 =	sld [smem:$0x7EF]  }
0x3dc: {  	s30 =	sand.u32 $0x2000, s28;
	s31 =	sand.u32 $0x1C00, s26;
	[sflag:s23] =	ssyncset.done $0x0  }
0x3dd: {  	s29 =	sand.u32 $0x380, s26;
	s0 =	sor.u32 s31, s30;
	[sflag:s23] =	ssyncadd.s32 $0xFFFFC000  }
0x3de: {  	[tilespmem:s17], [sflag:$0x2] =	stream.linear.gather [hbm4b:s25+s26], $0x4000, $0x38;
	[tilespmem:$0x1C000] =	vst v63  }
0x3df: {  	s25 =	sor.u32 s29, s0  }
0x3e0: {  	v0 =	vld [tilespmem:s25+$0x14070]  }
0x3e1: {  	v1 =	vld [tilespmem:s25+$0x70]  }
0x3e2: {  	v3 =	vld [tilespmem:s25+$0x14000]  }
0x3e3: {  	v4 =	vld [tilespmem:s25+$0x0]  }
0x3e4: {  	v6 =	vld [tilespmem:s25+$0x14010]  }
0x3e5: {  	v7 =	vld [tilespmem:s25+$0x10]  }
0x3e6: {  	v2 =	vld [tilespmem:s25+$0x14020]  }
0x3e7: {  	v5 =	vld [tilespmem:s25+$0x20]  }
0x3e8: {  	v1 =	vadd.f32 v1, v0;
	v0 =	vld [tilespmem:s25+$0x14030]  }
0x3e9: {  	v4 =	vadd.f32 v4, v3;
	v3 =	vld [tilespmem:s25+$0x30]  }
0x3ea: {  	v6 =	vadd.f32 v7, v6;
	[tilespmem:s25+$0x14070] =	vst v1;
	v1 =	vld [tilespmem:s25+$0x14040]  }
0x3eb: {  	s29 =	simm.s32 $0x0;
	[tilespmem:s25+$0x14000] =	vst v4;
	v4 =	vld [tilespmem:s25+$0x40]  }
.LBB2_38:
0x3ec: {  	s28 =	sadd.s32 $0x80, s28;
	[tilespmem:s25+$0x14010] =	vst v6;
	v2 =	vadd.f32 v5, v2;
	v5 =	vld [tilespmem:s25+$0x14050];
	s26 =	sadd.s32 $0x400, s26  }
0x3ed: {  	s29 =	sadd.s32 $0x10, s29;
	s0 =	sand.u32 $0x2000, s28;
	s30 =	sand.u32 $0x1C00, s26;
	v6 =	vld [tilespmem:s25+$0x50]  }
0x3ee: {  	s31 =	sand.u32 $0x380, s29;
	p0 =	slt.u32 s28, $0x3F80;
	s0 =	sor.u32 s30, s0;
	[tilespmem:s25+$0x14020] =	vst v2;
	v0 =	vadd.f32 v3, v0;
	v2 =	vld [tilespmem:s25+$0x14060]  }
0x3ef: {  	s0 =	sor.u32 s31, s0;
	v3 =	vld [tilespmem:s25+$0x60]  }
0x3f0: {  	v7 =	vld [tilespmem:s0+$0x14070];
	[tilespmem:s25+$0x14030] =	vst v0;
	v0 =	vadd.f32 v4, v1  }
0x3f1: {  	v1 =	vld [tilespmem:s0+$0x70]  }
0x3f2: {  	v4 =	vld [tilespmem:s0+$0x14000];
	[tilespmem:s25+$0x14040] =	vst v0;
	v0 =	vadd.f32 v6, v5  }
0x3f3: {  	v6 =	vld [tilespmem:s0+$0x0]  }
0x3f4: {  	v8 =	vld [tilespmem:s0+$0x14010];
	[tilespmem:s25+$0x14050] =	vst v0;
	v0 =	vadd.f32 v3, v2  }
0x3f5: {  	v9 =	vld [tilespmem:s0+$0x10]  }
0x3f6: {  	v2 =	vld [tilespmem:s0+$0x14020];
	v1 =	vadd.f32 v1, v7;
	[tilespmem:s25+$0x14060] =	vst v0;
	s25 =	smov.u32 s0  }
.Ltmp18:
0x3f7: {  	v5 =	vld [tilespmem:s25+$0x20];
	(pc) =	sbr.rel @p0 .LBB2_38-.Ltmp18, $4  }
0x3f8: {  	v4 =	vadd.f32 v6, v4;
	v0 =	vld [tilespmem:s25+$0x14030];
	[tilespmem:s25+$0x14070] =	vst v1  }
0x3f9: {  	v3 =	vld [tilespmem:s25+$0x30]  }
0x3fa: {  	[tilespmem:s25+$0x14000] =	vst v4;
	v6 =	vadd.f32 v9, v8;
	v1 =	vld [tilespmem:s25+$0x14040]  }
0x3fb: {  	v4 =	vld [tilespmem:s25+$0x40]  }
0x3fc: {  	v7 =	vld [tilespmem:s25+$0x14050]  }
0x3fd: {  	v8 =	vld [tilespmem:s25+$0x50]  }
0x3fe: {  	v9 =	vld [tilespmem:s25+$0x14060]  }
0x3ff: {  	v10 =	vld [tilespmem:s25+$0x60]  }
0x400: {  	v2 =	vadd.f32 v5, v2  }
0x401: {  	[tilespmem:s25+$0x14010] =	vst v6;
	v0 =	vadd.f32 v3, v0  }
0x402: {  	[tilespmem:s25+$0x14020] =	vst v2;
	v1 =	vadd.f32 v4, v1  }
0x403: {  	[tilespmem:s25+$0x14030] =	vst v0;
	v0 =	vadd.f32 v8, v7  }
0x404: {  	[tilespmem:s25+$0x14040] =	vst v1;
	v1 =	vadd.f32 v10, v9  }
0x405: {  	[tilespmem:s25+$0x14050] =	vst v0  }
0x406: {  	[tilespmem:s25+$0x14060] =	vst v1  }
0x407: {  	s0 =	sld [smem:$0x7E9];
	_ =	sdelay $0x1  }
0x408: {  	s26 =	simm.s32 $0x0  }
0x409: {  	[hbm4b:s0+s26] =	stream.linear.scatter [tilespmem:s21], [sflag:$0x3], $0x4000, $0x38;
	[tilespmem:$0x1C000] =	vst v63  }
0x40a: {  	_ =	swait.ge [sflag:s19], $0x4000  }
0x40b: {  	[sflag:s19] =	ssyncset.done $0x0  }
0x40c: {  	[sflag:s19] =	ssyncadd.s32 $0xFFFFC000  }
0x40d: {  	_ =	swait.ge [sflag:s23], $0x4000  }
0x40e: {  	s28 =	simm.s32 $0x0;
	s25 =	sld [smem:$0x7F1]  }
0x40f: {  	s30 =	sand.u32 $0x2000, s28;
	s31 =	sand.u32 $0x1C00, s26;
	[sflag:s23] =	ssyncset.done $0x0  }
0x410: {  	s29 =	sand.u32 $0x380, s26;
	s0 =	sor.u32 s31, s30;
	[sflag:s23] =	ssyncadd.s32 $0xFFFFC000  }
0x411: {  	[tilespmem:s18], [sflag:$0x2] =	stream.linear.gather [hbm4b:s25+s26], $0x4000, $0x38;
	[tilespmem:$0x1C000] =	vst v63  }
0x412: {  	s25 =	sor.u32 s29, s0  }
0x413: {  	v0 =	vld [tilespmem:s25+$0x18070]  }
0x414: {  	v1 =	vld [tilespmem:s25+$0x70]  }
0x415: {  	v3 =	vld [tilespmem:s25+$0x18000]  }
0x416: {  	v4 =	vld [tilespmem:s25+$0x0]  }
0x417: {  	v6 =	vld [tilespmem:s25+$0x18010]  }
0x418: {  	v7 =	vld [tilespmem:s25+$0x10]  }
0x419: {  	v2 =	vld [tilespmem:s25+$0x18020]  }
0x41a: {  	v5 =	vld [tilespmem:s25+$0x20]  }
0x41b: {  	v1 =	vadd.f32 v1, v0;
	v0 =	vld [tilespmem:s25+$0x18030]  }
0x41c: {  	v4 =	vadd.f32 v4, v3;
	v3 =	vld [tilespmem:s25+$0x30]  }
0x41d: {  	v6 =	vadd.f32 v7, v6;
	[tilespmem:s25+$0x18070] =	vst v1;
	v1 =	vld [tilespmem:s25+$0x18040]  }
0x41e: {  	s29 =	simm.s32 $0x0;
	[tilespmem:s25+$0x18000] =	vst v4;
	v4 =	vld [tilespmem:s25+$0x40]  }
.LBB2_40:
0x41f: {  	s28 =	sadd.s32 $0x80, s28;
	[tilespmem:s25+$0x18010] =	vst v6;
	v2 =	vadd.f32 v5, v2;
	v5 =	vld [tilespmem:s25+$0x18050];
	s26 =	sadd.s32 $0x400, s26  }
0x420: {  	s29 =	sadd.s32 $0x10, s29;
	s0 =	sand.u32 $0x2000, s28;
	s30 =	sand.u32 $0x1C00, s26;
	v6 =	vld [tilespmem:s25+$0x50]  }
0x421: {  	s31 =	sand.u32 $0x380, s29;
	p0 =	slt.u32 s28, $0x3F80;
	s0 =	sor.u32 s30, s0;
	[tilespmem:s25+$0x18020] =	vst v2;
	v0 =	vadd.f32 v3, v0;
	v2 =	vld [tilespmem:s25+$0x18060]  }
0x422: {  	s0 =	sor.u32 s31, s0;
	v3 =	vld [tilespmem:s25+$0x60]  }
0x423: {  	v7 =	vld [tilespmem:s0+$0x18070];
	[tilespmem:s25+$0x18030] =	vst v0;
	v0 =	vadd.f32 v4, v1  }
0x424: {  	v1 =	vld [tilespmem:s0+$0x70]  }
0x425: {  	v4 =	vld [tilespmem:s0+$0x18000];
	[tilespmem:s25+$0x18040] =	vst v0;
	v0 =	vadd.f32 v6, v5  }
0x426: {  	v6 =	vld [tilespmem:s0+$0x0]  }
0x427: {  	v8 =	vld [tilespmem:s0+$0x18010];
	[tilespmem:s25+$0x18050] =	vst v0;
	v0 =	vadd.f32 v3, v2  }
0x428: {  	v9 =	vld [tilespmem:s0+$0x10]  }
0x429: {  	v2 =	vld [tilespmem:s0+$0x18020];
	v1 =	vadd.f32 v1, v7;
	[tilespmem:s25+$0x18060] =	vst v0;
	s25 =	smov.u32 s0  }
.Ltmp19:
0x42a: {  	v5 =	vld [tilespmem:s25+$0x20];
	(pc) =	sbr.rel @p0 .LBB2_40-.Ltmp19, $4  }
0x42b: {  	v4 =	vadd.f32 v6, v4;
	v0 =	vld [tilespmem:s25+$0x18030];
	[tilespmem:s25+$0x18070] =	vst v1  }
0x42c: {  	v3 =	vld [tilespmem:s25+$0x30]  }
0x42d: {  	[tilespmem:s25+$0x18000] =	vst v4;
	v6 =	vadd.f32 v9, v8;
	v1 =	vld [tilespmem:s25+$0x18040]  }
0x42e: {  	v4 =	vld [tilespmem:s25+$0x40]  }
0x42f: {  	v7 =	vld [tilespmem:s25+$0x18050]  }
0x430: {  	v8 =	vld [tilespmem:s25+$0x50]  }
0x431: {  	v9 =	vld [tilespmem:s25+$0x18060]  }
0x432: {  	v10 =	vld [tilespmem:s25+$0x60]  }
0x433: {  	v2 =	vadd.f32 v5, v2  }
0x434: {  	[tilespmem:s25+$0x18010] =	vst v6;
	v0 =	vadd.f32 v3, v0  }
0x435: {  	[tilespmem:s25+$0x18020] =	vst v2;
	v1 =	vadd.f32 v4, v1  }
0x436: {  	[tilespmem:s25+$0x18030] =	vst v0;
	v0 =	vadd.f32 v8, v7  }
0x437: {  	[tilespmem:s25+$0x18040] =	vst v1;
	v1 =	vadd.f32 v10, v9  }
0x438: {  	[tilespmem:s25+$0x18050] =	vst v0  }
0x439: {  	[tilespmem:s25+$0x18060] =	vst v1  }
0x43a: {  	s0 =	sld [smem:$0x7EB];
	_ =	sdelay $0x1  }
0x43b: {  	s25 =	simm.s32 $0x0;
	s26 =	sld [smem:$0x7F6]  }
0x43c: {  	[hbm4b:s0+s25] =	stream.linear.scatter [tilespmem:s22], [sflag:$0x3], $0x4000, $0x38;
	[tilespmem:$0x1C000] =	vst v63  }
0x43d: {  	_ = 	snop  }
0x43e: {  	[tilespmem:s25], [sflag:$0x1] =	stream.linear.gather [hbm4b:s26+s25], $0x4000, $0x38;
	[tilespmem:$0x1C000] =	vst v63  }
0x43f: {  	_ =	swait.ge [sflag:s19], $0x4000  }
0x440: {  	[sflag:s19] =	ssyncset.done $0x0  }
0x441: {  	[sflag:s19] =	ssyncadd.s32 $0xFFFFC000  }
0x442: {  	_ =	swait.ge [sflag:s20], $0x4000  }
0x443: {  	[sflag:s20] =	ssyncset.done $0x0  }
0x444: {  	[sflag:s20] =	ssyncadd.s32 $0xFFFFC000  }
0x445: {  	s28 =	simm.s32 $0x0;
	_ =	swait.ge [sflag:s23], $0x4000  }
0x446: {  	s31 =	sand.u32 $0x2000, s28;
	s26 =	sand.u32 $0x1C00, s25;
	s30 =	sld [smem:$0x7F3]  }
0x447: {  	s29 =	sand.u32 $0x380, s25;
	s0 =	sor.u32 s26, s31;
	[sflag:s23] =	ssyncset.done $0x0  }
0x448: {  	s26 =	sor.u32 s29, s0;
	[sflag:s23] =	ssyncadd.s32 $0xFFFFC000  }
0x449: {  	[tilespmem:s21], [sflag:$0x2] =	stream.linear.gather [hbm4b:s30+s25], $0x4000, $0x38;
	[tilespmem:$0x1C000] =	vst v63  }
0x44a: {  	v0 =	vld [tilespmem:s26+$0x8070]  }
0x44b: {  	v1 =	vld [tilespmem:s26+$0x4070]  }
0x44c: {  	v3 =	vld [tilespmem:s26+$0x8000]  }
0x44d: {  	v4 =	vld [tilespmem:s26+$0x4000]  }
0x44e: {  	v6 =	vld [tilespmem:s26+$0x8010]  }
0x44f: {  	v7 =	vld [tilespmem:s26+$0x4010]  }
0x450: {  	v2 =	vld [tilespmem:s26+$0x8020]  }
0x451: {  	v5 =	vld [tilespmem:s26+$0x4020]  }
0x452: {  	v1 =	vadd.f32 v1, v0;
	v0 =	vld [tilespmem:s26+$0x8030]  }
0x453: {  	v4 =	vadd.f32 v4, v3;
	v3 =	vld [tilespmem:s26+$0x4030]  }
0x454: {  	v6 =	vadd.f32 v7, v6;
	[tilespmem:s26+$0x8070] =	vst v1;
	v1 =	vld [tilespmem:s26+$0x8040]  }
0x455: {  	s29 =	simm.s32 $0x0;
	[tilespmem:s26+$0x8000] =	vst v4;
	v4 =	vld [tilespmem:s26+$0x4040]  }
.LBB2_42:
0x456: {  	s28 =	sadd.s32 $0x80, s28;
	[tilespmem:s26+$0x8010] =	vst v6;
	v2 =	vadd.f32 v5, v2;
	v5 =	vld [tilespmem:s26+$0x8050];
	s25 =	sadd.s32 $0x400, s25  }
0x457: {  	s29 =	sadd.s32 $0x10, s29;
	s0 =	sand.u32 $0x2000, s28;
	s30 =	sand.u32 $0x1C00, s25;
	v6 =	vld [tilespmem:s26+$0x4050]  }
0x458: {  	s31 =	sand.u32 $0x380, s29;
	p0 =	slt.u32 s28, $0x3F80;
	s0 =	sor.u32 s30, s0;
	[tilespmem:s26+$0x8020] =	vst v2;
	v0 =	vadd.f32 v3, v0;
	v2 =	vld [tilespmem:s26+$0x8060]  }
0x459: {  	s0 =	sor.u32 s31, s0;
	v3 =	vld [tilespmem:s26+$0x4060]  }
0x45a: {  	v7 =	vld [tilespmem:s0+$0x8070];
	[tilespmem:s26+$0x8030] =	vst v0;
	v0 =	vadd.f32 v4, v1  }
0x45b: {  	v1 =	vld [tilespmem:s0+$0x4070]  }
0x45c: {  	v4 =	vld [tilespmem:s0+$0x8000];
	[tilespmem:s26+$0x8040] =	vst v0;
	v0 =	vadd.f32 v6, v5  }
0x45d: {  	v6 =	vld [tilespmem:s0+$0x4000]  }
0x45e: {  	v8 =	vld [tilespmem:s0+$0x8010];
	[tilespmem:s26+$0x8050] =	vst v0;
	v0 =	vadd.f32 v3, v2  }
0x45f: {  	v9 =	vld [tilespmem:s0+$0x4010]  }
0x460: {  	v2 =	vld [tilespmem:s0+$0x8020];
	v1 =	vadd.f32 v1, v7;
	[tilespmem:s26+$0x8060] =	vst v0;
	s26 =	smov.u32 s0  }
.Ltmp20:
0x461: {  	v5 =	vld [tilespmem:s26+$0x4020];
	(pc) =	sbr.rel @p0 .LBB2_42-.Ltmp20, $4  }
0x462: {  	v4 =	vadd.f32 v6, v4;
	v0 =	vld [tilespmem:s26+$0x8030];
	[tilespmem:s26+$0x8070] =	vst v1  }
0x463: {  	v3 =	vld [tilespmem:s26+$0x4030]  }
0x464: {  	[tilespmem:s26+$0x8000] =	vst v4;
	v6 =	vadd.f32 v9, v8;
	v1 =	vld [tilespmem:s26+$0x8040]  }
0x465: {  	v4 =	vld [tilespmem:s26+$0x4040]  }
0x466: {  	v7 =	vld [tilespmem:s26+$0x8050]  }
0x467: {  	v8 =	vld [tilespmem:s26+$0x4050]  }
0x468: {  	v9 =	vld [tilespmem:s26+$0x8060]  }
0x469: {  	v10 =	vld [tilespmem:s26+$0x4060]  }
0x46a: {  	v2 =	vadd.f32 v5, v2  }
0x46b: {  	[tilespmem:s26+$0x8010] =	vst v6;
	v0 =	vadd.f32 v3, v0  }
0x46c: {  	[tilespmem:s26+$0x8020] =	vst v2;
	v1 =	vadd.f32 v4, v1  }
0x46d: {  	[tilespmem:s26+$0x8030] =	vst v0;
	v0 =	vadd.f32 v8, v7  }
0x46e: {  	[tilespmem:s26+$0x8040] =	vst v1;
	v1 =	vadd.f32 v10, v9  }
0x46f: {  	[tilespmem:s26+$0x8050] =	vst v0  }
0x470: {  	[tilespmem:s26+$0x8060] =	vst v1  }
0x471: {  	s0 =	sld [smem:$0x7EE];
	_ =	sdelay $0x1  }
0x472: {  	s26 =	simm.s32 $0x0  }
0x473: {  	[hbm4b:s0+s26] =	stream.linear.scatter [tilespmem:s16], [sflag:$0x3], $0x4000, $0x38;
	[tilespmem:$0x1C000] =	vst v63  }
0x474: {  	_ =	swait.ge [sflag:s19], $0x4000  }
0x475: {  	[sflag:s19] =	ssyncset.done $0x0  }
0x476: {  	[sflag:s19] =	ssyncadd.s32 $0xFFFFC000  }
0x477: {  	_ =	swait.ge [sflag:s23], $0x4000  }
0x478: {  	s25 =	sld [smem:$0x7F8]  }
0x479: {  	[sflag:s23] =	ssyncset.done $0x0  }
0x47a: {  	s28 =	simm.s32 $0x0;
	[sflag:s23] =	ssyncadd.s32 $0xFFFFC000  }
0x47b: {  	[tilespmem:s22], [sflag:$0x2] =	stream.linear.gather [hbm4b:s25+s26], $0x4000, $0x38;
	[tilespmem:$0x1C000] =	vst v63  }
0x47c: {  	s30 =	sand.u32 $0x2000, s28;
	s25 =	sand.u32 $0x1C00, s26  }
0x47d: {  	s31 =	sand.u32 $0x380, s26;
	s0 =	sor.u32 s30, s25  }
0x47e: {  	s25 =	sor.u32 s31, s0  }
0x47f: {  	v0 =	vld [tilespmem:s25+$0xC070]  }
0x480: {  	v1 =	vld [tilespmem:s25+$0x4070]  }
0x481: {  	v3 =	vld [tilespmem:s25+$0xC000]  }
0x482: {  	v4 =	vld [tilespmem:s25+$0x4000]  }
0x483: {  	v6 =	vld [tilespmem:s25+$0xC010]  }
0x484: {  	v7 =	vld [tilespmem:s25+$0x4010]  }
0x485: {  	v2 =	vld [tilespmem:s25+$0xC020]  }
0x486: {  	v5 =	vld [tilespmem:s25+$0x4020]  }
0x487: {  	v1 =	vadd.f32 v1, v0;
	v0 =	vld [tilespmem:s25+$0xC030]  }
0x488: {  	v4 =	vadd.f32 v4, v3;
	v3 =	vld [tilespmem:s25+$0x4030]  }
0x489: {  	v6 =	vadd.f32 v7, v6;
	[tilespmem:s25+$0xC070] =	vst v1;
	v1 =	vld [tilespmem:s25+$0xC040]  }
0x48a: {  	s29 =	simm.s32 $0x0;
	[tilespmem:s25+$0xC000] =	vst v4;
	v4 =	vld [tilespmem:s25+$0x4040]  }
.LBB2_44:
0x48b: {  	s28 =	sadd.s32 $0x80, s28;
	[tilespmem:s25+$0xC010] =	vst v6;
	v2 =	vadd.f32 v5, v2;
	v5 =	vld [tilespmem:s25+$0xC050];
	s26 =	sadd.s32 $0x400, s26  }
0x48c: {  	s29 =	sadd.s32 $0x10, s29;
	s0 =	sand.u32 $0x2000, s28;
	s30 =	sand.u32 $0x1C00, s26;
	v6 =	vld [tilespmem:s25+$0x4050]  }
0x48d: {  	p0 =	slt.u32 s28, $0x3F80;
	s0 =	sor.u32 s0, s30;
	s30 =	sand.u32 $0x380, s29;
	[tilespmem:s25+$0xC020] =	vst v2;
	v0 =	vadd.f32 v3, v0;
	v2 =	vld [tilespmem:s25+$0xC060]  }
0x48e: {  	s0 =	sor.u32 s30, s0;
	v3 =	vld [tilespmem:s25+$0x4060]  }
0x48f: {  	v7 =	vld [tilespmem:s0+$0xC070];
	[tilespmem:s25+$0xC030] =	vst v0;
	v0 =	vadd.f32 v4, v1  }
0x490: {  	v1 =	vld [tilespmem:s0+$0x4070]  }
0x491: {  	v4 =	vld [tilespmem:s0+$0xC000];
	[tilespmem:s25+$0xC040] =	vst v0;
	v0 =	vadd.f32 v6, v5  }
0x492: {  	v6 =	vld [tilespmem:s0+$0x4000]  }
0x493: {  	v8 =	vld [tilespmem:s0+$0xC010];
	[tilespmem:s25+$0xC050] =	vst v0;
	v0 =	vadd.f32 v3, v2  }
0x494: {  	v9 =	vld [tilespmem:s0+$0x4010]  }
0x495: {  	v2 =	vld [tilespmem:s0+$0xC020];
	v1 =	vadd.f32 v1, v7;
	[tilespmem:s25+$0xC060] =	vst v0;
	s25 =	smov.u32 s0  }
.Ltmp21:
0x496: {  	v5 =	vld [tilespmem:s25+$0x4020];
	(pc) =	sbr.rel @p0 .LBB2_44-.Ltmp21, $4  }
0x497: {  	v4 =	vadd.f32 v6, v4;
	v0 =	vld [tilespmem:s25+$0xC030];
	[tilespmem:s25+$0xC070] =	vst v1  }
0x498: {  	v3 =	vld [tilespmem:s25+$0x4030]  }
0x499: {  	[tilespmem:s25+$0xC000] =	vst v4;
	v6 =	vadd.f32 v9, v8;
	v1 =	vld [tilespmem:s25+$0xC040]  }
0x49a: {  	v4 =	vld [tilespmem:s25+$0x4040]  }
0x49b: {  	v7 =	vld [tilespmem:s25+$0xC050]  }
0x49c: {  	v8 =	vld [tilespmem:s25+$0x4050]  }
0x49d: {  	v9 =	vld [tilespmem:s25+$0xC060]  }
0x49e: {  	v10 =	vld [tilespmem:s25+$0x4060]  }
0x49f: {  	v2 =	vadd.f32 v5, v2  }
0x4a0: {  	[tilespmem:s25+$0xC010] =	vst v6;
	v0 =	vadd.f32 v3, v0  }
0x4a1: {  	[tilespmem:s25+$0xC020] =	vst v2;
	v1 =	vadd.f32 v4, v1  }
0x4a2: {  	[tilespmem:s25+$0xC030] =	vst v0;
	v0 =	vadd.f32 v8, v7  }
0x4a3: {  	[tilespmem:s25+$0xC040] =	vst v1;
	v1 =	vadd.f32 v10, v9  }
0x4a4: {  	[tilespmem:s25+$0xC050] =	vst v0  }
0x4a5: {  	[tilespmem:s25+$0xC060] =	vst v1  }
0x4a6: {  	s0 =	sld [smem:$0x7F0];
	_ =	sdelay $0x1  }
0x4a7: {  	s26 =	simm.s32 $0x0  }
0x4a8: {  	[hbm4b:s0+s26] =	stream.linear.scatter [tilespmem:s17], [sflag:$0x3], $0x4000, $0x38;
	[tilespmem:$0x1C000] =	vst v63  }
0x4a9: {  	_ =	swait.ge [sflag:s19], $0x4000  }
0x4aa: {  	[sflag:s19] =	ssyncset.done $0x0  }
0x4ab: {  	[sflag:s19] =	ssyncadd.s32 $0xFFFFC000  }
0x4ac: {  	_ =	swait.ge [sflag:s23], $0x4000  }
0x4ad: {  	s28 =	simm.s32 $0x0;
	s25 =	sld [smem:$0x7FA]  }
0x4ae: {  	s30 =	sand.u32 $0x2000, s28;
	s31 =	sand.u32 $0x1C00, s26;
	[sflag:s23] =	ssyncset.done $0x0  }
0x4af: {  	s29 =	sand.u32 $0x380, s26;
	s0 =	sor.u32 s31, s30;
	[sflag:s23] =	ssyncadd.s32 $0xFFFFC000  }
0x4b0: {  	[tilespmem:s16], [sflag:$0x2] =	stream.linear.gather [hbm4b:s25+s26], $0x4000, $0x38;
	[tilespmem:$0x1C000] =	vst v63  }
0x4b1: {  	s25 =	sor.u32 s29, s0  }
0x4b2: {  	v0 =	vld [tilespmem:s25+$0x10070]  }
0x4b3: {  	v1 =	vld [tilespmem:s25+$0x4070]  }
0x4b4: {  	v3 =	vld [tilespmem:s25+$0x10000]  }
0x4b5: {  	v4 =	vld [tilespmem:s25+$0x4000]  }
0x4b6: {  	v6 =	vld [tilespmem:s25+$0x10010]  }
0x4b7: {  	v7 =	vld [tilespmem:s25+$0x4010]  }
0x4b8: {  	v2 =	vld [tilespmem:s25+$0x10020]  }
0x4b9: {  	v5 =	vld [tilespmem:s25+$0x4020]  }
0x4ba: {  	v1 =	vadd.f32 v1, v0;
	v0 =	vld [tilespmem:s25+$0x10030]  }
0x4bb: {  	v4 =	vadd.f32 v4, v3;
	v3 =	vld [tilespmem:s25+$0x4030]  }
0x4bc: {  	v6 =	vadd.f32 v7, v6;
	[tilespmem:s25+$0x10070] =	vst v1;
	v1 =	vld [tilespmem:s25+$0x10040]  }
0x4bd: {  	s29 =	simm.s32 $0x0;
	[tilespmem:s25+$0x10000] =	vst v4;
	v4 =	vld [tilespmem:s25+$0x4040]  }
.LBB2_46:
0x4be: {  	s28 =	sadd.s32 $0x80, s28;
	[tilespmem:s25+$0x10010] =	vst v6;
	v2 =	vadd.f32 v5, v2;
	v5 =	vld [tilespmem:s25+$0x10050];
	s26 =	sadd.s32 $0x400, s26  }
0x4bf: {  	s29 =	sadd.s32 $0x10, s29;
	s0 =	sand.u32 $0x2000, s28;
	s30 =	sand.u32 $0x1C00, s26;
	v6 =	vld [tilespmem:s25+$0x4050]  }
0x4c0: {  	s31 =	sand.u32 $0x380, s29;
	p0 =	slt.u32 s28, $0x3F80;
	s0 =	sor.u32 s30, s0;
	[tilespmem:s25+$0x10020] =	vst v2;
	v0 =	vadd.f32 v3, v0;
	v2 =	vld [tilespmem:s25+$0x10060]  }
0x4c1: {  	s0 =	sor.u32 s31, s0;
	v3 =	vld [tilespmem:s25+$0x4060]  }
0x4c2: {  	v7 =	vld [tilespmem:s0+$0x10070];
	[tilespmem:s25+$0x10030] =	vst v0;
	v0 =	vadd.f32 v4, v1  }
0x4c3: {  	v1 =	vld [tilespmem:s0+$0x4070]  }
0x4c4: {  	v4 =	vld [tilespmem:s0+$0x10000];
	[tilespmem:s25+$0x10040] =	vst v0;
	v0 =	vadd.f32 v6, v5  }
0x4c5: {  	v6 =	vld [tilespmem:s0+$0x4000]  }
0x4c6: {  	v8 =	vld [tilespmem:s0+$0x10010];
	[tilespmem:s25+$0x10050] =	vst v0;
	v0 =	vadd.f32 v3, v2  }
0x4c7: {  	v9 =	vld [tilespmem:s0+$0x4010]  }
0x4c8: {  	v2 =	vld [tilespmem:s0+$0x10020];
	v1 =	vadd.f32 v1, v7;
	[tilespmem:s25+$0x10060] =	vst v0;
	s25 =	smov.u32 s0  }
.Ltmp22:
0x4c9: {  	v5 =	vld [tilespmem:s25+$0x4020];
	(pc) =	sbr.rel @p0 .LBB2_46-.Ltmp22, $4  }
0x4ca: {  	v4 =	vadd.f32 v6, v4;
	v0 =	vld [tilespmem:s25+$0x10030];
	[tilespmem:s25+$0x10070] =	vst v1  }
0x4cb: {  	v3 =	vld [tilespmem:s25+$0x4030]  }
0x4cc: {  	[tilespmem:s25+$0x10000] =	vst v4;
	v6 =	vadd.f32 v9, v8;
	v1 =	vld [tilespmem:s25+$0x10040]  }
0x4cd: {  	v4 =	vld [tilespmem:s25+$0x4040]  }
0x4ce: {  	v7 =	vld [tilespmem:s25+$0x10050]  }
0x4cf: {  	v8 =	vld [tilespmem:s25+$0x4050]  }
0x4d0: {  	v9 =	vld [tilespmem:s25+$0x10060]  }
0x4d1: {  	v10 =	vld [tilespmem:s25+$0x4060]  }
0x4d2: {  	v2 =	vadd.f32 v5, v2  }
0x4d3: {  	[tilespmem:s25+$0x10010] =	vst v6;
	v0 =	vadd.f32 v3, v0  }
0x4d4: {  	[tilespmem:s25+$0x10020] =	vst v2;
	v1 =	vadd.f32 v4, v1  }
0x4d5: {  	[tilespmem:s25+$0x10030] =	vst v0;
	v0 =	vadd.f32 v8, v7  }
0x4d6: {  	[tilespmem:s25+$0x10040] =	vst v1;
	v1 =	vadd.f32 v10, v9  }
0x4d7: {  	[tilespmem:s25+$0x10050] =	vst v0  }
0x4d8: {  	[tilespmem:s25+$0x10060] =	vst v1  }
0x4d9: {  	s0 =	sld [smem:$0x7F2];
	_ =	sdelay $0x1  }
0x4da: {  	s26 =	simm.s32 $0x0  }
0x4db: {  	[hbm4b:s0+s26] =	stream.linear.scatter [tilespmem:s18], [sflag:$0x3], $0x4000, $0x38;
	[tilespmem:$0x1C000] =	vst v63  }
0x4dc: {  	_ =	swait.ge [sflag:s19], $0x4000  }
0x4dd: {  	[sflag:s19] =	ssyncset.done $0x0  }
0x4de: {  	[sflag:s19] =	ssyncadd.s32 $0xFFFFC000  }
0x4df: {  	_ =	swait.ge [sflag:s23], $0x4000  }
0x4e0: {  	s28 =	simm.s32 $0x0;
	s25 =	sld [smem:$0x7FC]  }
0x4e1: {  	s30 =	sand.u32 $0x2000, s28;
	s31 =	sand.u32 $0x1C00, s26;
	[sflag:s23] =	ssyncset.done $0x0  }
0x4e2: {  	s29 =	sand.u32 $0x380, s26;
	s0 =	sor.u32 s31, s30;
	[sflag:s23] =	ssyncadd.s32 $0xFFFFC000  }
0x4e3: {  	[tilespmem:s17], [sflag:$0x2] =	stream.linear.gather [hbm4b:s25+s26], $0x4000, $0x38;
	[tilespmem:$0x1C000] =	vst v63  }
0x4e4: {  	s25 =	sor.u32 s29, s0  }
0x4e5: {  	v0 =	vld [tilespmem:s25+$0x14070]  }
0x4e6: {  	v1 =	vld [tilespmem:s25+$0x4070]  }
0x4e7: {  	v3 =	vld [tilespmem:s25+$0x14000]  }
0x4e8: {  	v4 =	vld [tilespmem:s25+$0x4000]  }
0x4e9: {  	v6 =	vld [tilespmem:s25+$0x14010]  }
0x4ea: {  	v7 =	vld [tilespmem:s25+$0x4010]  }
0x4eb: {  	v2 =	vld [tilespmem:s25+$0x14020]  }
0x4ec: {  	v5 =	vld [tilespmem:s25+$0x4020]  }
0x4ed: {  	v1 =	vadd.f32 v1, v0;
	v0 =	vld [tilespmem:s25+$0x14030]  }
0x4ee: {  	v4 =	vadd.f32 v4, v3;
	v3 =	vld [tilespmem:s25+$0x4030]  }
0x4ef: {  	v6 =	vadd.f32 v7, v6;
	[tilespmem:s25+$0x14070] =	vst v1;
	v1 =	vld [tilespmem:s25+$0x14040]  }
0x4f0: {  	s29 =	simm.s32 $0x0;
	[tilespmem:s25+$0x14000] =	vst v4;
	v4 =	vld [tilespmem:s25+$0x4040]  }
.LBB2_48:
0x4f1: {  	s28 =	sadd.s32 $0x80, s28;
	[tilespmem:s25+$0x14010] =	vst v6;
	v2 =	vadd.f32 v5, v2;
	v5 =	vld [tilespmem:s25+$0x14050];
	s26 =	sadd.s32 $0x400, s26  }
0x4f2: {  	s29 =	sadd.s32 $0x10, s29;
	s0 =	sand.u32 $0x2000, s28;
	s30 =	sand.u32 $0x1C00, s26;
	v6 =	vld [tilespmem:s25+$0x4050]  }
0x4f3: {  	s31 =	sand.u32 $0x380, s29;
	p0 =	slt.u32 s28, $0x3F80;
	s0 =	sor.u32 s30, s0;
	[tilespmem:s25+$0x14020] =	vst v2;
	v0 =	vadd.f32 v3, v0;
	v2 =	vld [tilespmem:s25+$0x14060]  }
0x4f4: {  	s0 =	sor.u32 s31, s0;
	v3 =	vld [tilespmem:s25+$0x4060]  }
0x4f5: {  	v7 =	vld [tilespmem:s0+$0x14070];
	[tilespmem:s25+$0x14030] =	vst v0;
	v0 =	vadd.f32 v4, v1  }
0x4f6: {  	v1 =	vld [tilespmem:s0+$0x4070]  }
0x4f7: {  	v4 =	vld [tilespmem:s0+$0x14000];
	[tilespmem:s25+$0x14040] =	vst v0;
	v0 =	vadd.f32 v6, v5  }
0x4f8: {  	v6 =	vld [tilespmem:s0+$0x4000]  }
0x4f9: {  	v8 =	vld [tilespmem:s0+$0x14010];
	[tilespmem:s25+$0x14050] =	vst v0;
	v0 =	vadd.f32 v3, v2  }
0x4fa: {  	v9 =	vld [tilespmem:s0+$0x4010]  }
0x4fb: {  	v2 =	vld [tilespmem:s0+$0x14020];
	v1 =	vadd.f32 v1, v7;
	[tilespmem:s25+$0x14060] =	vst v0;
	s25 =	smov.u32 s0  }
.Ltmp23:
0x4fc: {  	v5 =	vld [tilespmem:s25+$0x4020];
	(pc) =	sbr.rel @p0 .LBB2_48-.Ltmp23, $4  }
0x4fd: {  	v4 =	vadd.f32 v6, v4;
	v0 =	vld [tilespmem:s25+$0x14030];
	[tilespmem:s25+$0x14070] =	vst v1  }
0x4fe: {  	v3 =	vld [tilespmem:s25+$0x4030]  }
0x4ff: {  	[tilespmem:s25+$0x14000] =	vst v4;
	v6 =	vadd.f32 v9, v8;
	v1 =	vld [tilespmem:s25+$0x14040]  }
0x500: {  	v4 =	vld [tilespmem:s25+$0x4040]  }
0x501: {  	v7 =	vld [tilespmem:s25+$0x14050]  }
0x502: {  	v8 =	vld [tilespmem:s25+$0x4050]  }
0x503: {  	v9 =	vld [tilespmem:s25+$0x14060]  }
0x504: {  	v10 =	vld [tilespmem:s25+$0x4060]  }
0x505: {  	v2 =	vadd.f32 v5, v2  }
0x506: {  	[tilespmem:s25+$0x14010] =	vst v6;
	v0 =	vadd.f32 v3, v0  }
0x507: {  	[tilespmem:s25+$0x14020] =	vst v2;
	v1 =	vadd.f32 v4, v1  }
0x508: {  	[tilespmem:s25+$0x14030] =	vst v0;
	v0 =	vadd.f32 v8, v7  }
0x509: {  	[tilespmem:s25+$0x14040] =	vst v1;
	v1 =	vadd.f32 v10, v9  }
0x50a: {  	[tilespmem:s25+$0x14050] =	vst v0  }
0x50b: {  	[tilespmem:s25+$0x14060] =	vst v1  }
0x50c: {  	s0 =	sld [smem:$0x7F4];
	_ =	sdelay $0x1  }
0x50d: {  	s25 =	simm.s32 $0x0;
	s30 =	sld [smem:$0x7F7]  }
0x50e: {  	[hbm4b:s0+s25] =	stream.linear.scatter [tilespmem:s21], [sflag:$0x3], $0x4000, $0x38;
	[tilespmem:$0x1C000] =	vst v63  }
0x50f: {  	_ = 	snop  }
0x510: {  	[tilespmem:s15], [sflag:$0x1] =	stream.linear.gather [hbm4b:s30+s25], $0x4000, $0x38;
	[tilespmem:$0x1C000] =	vst v63  }
0x511: {  	_ =	swait.ge [sflag:s19], $0x4000  }
0x512: {  	[sflag:s19] =	ssyncset.done $0x0  }
0x513: {  	[sflag:s19] =	ssyncadd.s32 $0xFFFFC000  }
0x514: {  	_ =	swait.ge [sflag:s20], $0x4000  }
0x515: {  	[sflag:s20] =	ssyncset.done $0x0  }
0x516: {  	s28 =	simm.s32 $0x0;
	[sflag:s20] =	ssyncadd.s32 $0xFFFFC000  }
0x517: {  	s31 =	sand.u32 $0x2000, s28;
	s26 =	sand.u32 $0x1C00, s25;
	_ =	swait.ge [sflag:s23], $0x4000  }
0x518: {  	s29 =	sand.u32 $0x380, s25;
	s0 =	sor.u32 s26, s31;
	[sflag:s23] =	ssyncset.done $0x0  }
0x519: {  	s26 =	sor.u32 s29, s0;
	[sflag:s23] =	ssyncadd.s32 $0xFFFFC000  }
0x51a: {  	[tilespmem:s18], [sflag:$0x2] =	stream.linear.gather [hbm4b:s2+s25], $0x4000, $0x38;
	[tilespmem:$0x1C000] =	vst v63  }
0x51b: {  	v0 =	vld [tilespmem:s26+$0x18070]  }
0x51c: {  	v1 =	vld [tilespmem:s26+$0x70]  }
0x51d: {  	v3 =	vld [tilespmem:s26+$0x18000]  }
0x51e: {  	v4 =	vld [tilespmem:s26+$0x0]  }
0x51f: {  	v6 =	vld [tilespmem:s26+$0x18010]  }
0x520: {  	v7 =	vld [tilespmem:s26+$0x10]  }
0x521: {  	v2 =	vld [tilespmem:s26+$0x18020]  }
0x522: {  	v5 =	vld [tilespmem:s26+$0x20]  }
0x523: {  	v1 =	vadd.f32 v1, v0;
	v0 =	vld [tilespmem:s26+$0x18030]  }
0x524: {  	v4 =	vadd.f32 v4, v3;
	v3 =	vld [tilespmem:s26+$0x30]  }
0x525: {  	v6 =	vadd.f32 v7, v6;
	[tilespmem:s26+$0x18070] =	vst v1;
	v1 =	vld [tilespmem:s26+$0x18040]  }
0x526: {  	s29 =	simm.s32 $0x0;
	[tilespmem:s26+$0x18000] =	vst v4;
	v4 =	vld [tilespmem:s26+$0x40]  }
.LBB2_50:
0x527: {  	s28 =	sadd.s32 $0x80, s28;
	[tilespmem:s26+$0x18010] =	vst v6;
	v2 =	vadd.f32 v5, v2;
	v5 =	vld [tilespmem:s26+$0x18050];
	s25 =	sadd.s32 $0x400, s25  }
0x528: {  	s29 =	sadd.s32 $0x10, s29;
	s0 =	sand.u32 $0x2000, s28;
	s30 =	sand.u32 $0x1C00, s25;
	v6 =	vld [tilespmem:s26+$0x50]  }
0x529: {  	s31 =	sand.u32 $0x380, s29;
	p0 =	slt.u32 s28, $0x3F80;
	s0 =	sor.u32 s30, s0;
	[tilespmem:s26+$0x18020] =	vst v2;
	v0 =	vadd.f32 v3, v0;
	v2 =	vld [tilespmem:s26+$0x18060]  }
0x52a: {  	s0 =	sor.u32 s31, s0;
	v3 =	vld [tilespmem:s26+$0x60]  }
0x52b: {  	v7 =	vld [tilespmem:s0+$0x18070];
	[tilespmem:s26+$0x18030] =	vst v0;
	v0 =	vadd.f32 v4, v1  }
0x52c: {  	v1 =	vld [tilespmem:s0+$0x70]  }
0x52d: {  	v4 =	vld [tilespmem:s0+$0x18000];
	[tilespmem:s26+$0x18040] =	vst v0;
	v0 =	vadd.f32 v6, v5  }
0x52e: {  	v6 =	vld [tilespmem:s0+$0x0]  }
0x52f: {  	v8 =	vld [tilespmem:s0+$0x18010];
	[tilespmem:s26+$0x18050] =	vst v0;
	v0 =	vadd.f32 v3, v2  }
0x530: {  	v9 =	vld [tilespmem:s0+$0x10]  }
0x531: {  	v2 =	vld [tilespmem:s0+$0x18020];
	v1 =	vadd.f32 v1, v7;
	[tilespmem:s26+$0x18060] =	vst v0;
	s26 =	smov.u32 s0  }
.Ltmp24:
0x532: {  	v5 =	vld [tilespmem:s26+$0x20];
	(pc) =	sbr.rel @p0 .LBB2_50-.Ltmp24, $4  }
0x533: {  	v4 =	vadd.f32 v6, v4;
	v0 =	vld [tilespmem:s26+$0x18030];
	[tilespmem:s26+$0x18070] =	vst v1  }
0x534: {  	v3 =	vld [tilespmem:s26+$0x30]  }
0x535: {  	[tilespmem:s26+$0x18000] =	vst v4;
	v6 =	vadd.f32 v9, v8;
	v1 =	vld [tilespmem:s26+$0x18040]  }
0x536: {  	v4 =	vld [tilespmem:s26+$0x40]  }
0x537: {  	v7 =	vld [tilespmem:s26+$0x18050]  }
0x538: {  	v8 =	vld [tilespmem:s26+$0x50]  }
0x539: {  	v9 =	vld [tilespmem:s26+$0x18060]  }
0x53a: {  	v10 =	vld [tilespmem:s26+$0x60]  }
0x53b: {  	v2 =	vadd.f32 v5, v2  }
0x53c: {  	[tilespmem:s26+$0x18010] =	vst v6;
	v0 =	vadd.f32 v3, v0  }
0x53d: {  	[tilespmem:s26+$0x18020] =	vst v2;
	v1 =	vadd.f32 v4, v1  }
0x53e: {  	[tilespmem:s26+$0x18030] =	vst v0;
	v0 =	vadd.f32 v8, v7  }
0x53f: {  	[tilespmem:s26+$0x18040] =	vst v1;
	v1 =	vadd.f32 v10, v9  }
0x540: {  	[tilespmem:s26+$0x18050] =	vst v0  }
0x541: {  	[tilespmem:s26+$0x18060] =	vst v1  }
0x542: {  	s0 =	sld [smem:$0x7F9];
	_ =	sdelay $0x1  }
0x543: {  	s26 =	simm.s32 $0x0  }
0x544: {  	[hbm4b:s0+s26] =	stream.linear.scatter [tilespmem:s22], [sflag:$0x3], $0x4000, $0x38;
	[tilespmem:$0x1C000] =	vst v63  }
0x545: {  	_ =	swait.ge [sflag:s19], $0x4000  }
0x546: {  	[sflag:s19] =	ssyncset.done $0x0  }
0x547: {  	s28 =	simm.s32 $0x0;
	[sflag:s19] =	ssyncadd.s32 $0xFFFFC000  }
0x548: {  	s30 =	sand.u32 $0x2000, s28;
	s25 =	sand.u32 $0x1C00, s26;
	_ =	swait.ge [sflag:s23], $0x4000  }
0x549: {  	s31 =	sand.u32 $0x380, s26;
	s0 =	sor.u32 s30, s25;
	[sflag:s23] =	ssyncset.done $0x0  }
0x54a: {  	s25 =	sor.u32 s31, s0;
	[sflag:s23] =	ssyncadd.s32 $0xFFFFC000  }
0x54b: {  	[tilespmem:s21], [sflag:$0x2] =	stream.linear.gather [hbm4b:s6+s26], $0x4000, $0x38;
	[tilespmem:$0x1C000] =	vst v63  }
0x54c: {  	v0 =	vld [tilespmem:s25+$0x8070]  }
0x54d: {  	v1 =	vld [tilespmem:s25+$0x70]  }
0x54e: {  	v3 =	vld [tilespmem:s25+$0x8000]  }
0x54f: {  	v4 =	vld [tilespmem:s25+$0x0]  }
0x550: {  	v6 =	vld [tilespmem:s25+$0x8010]  }
0x551: {  	v7 =	vld [tilespmem:s25+$0x10]  }
0x552: {  	v2 =	vld [tilespmem:s25+$0x8020]  }
0x553: {  	v5 =	vld [tilespmem:s25+$0x20]  }
0x554: {  	v1 =	vadd.f32 v1, v0;
	v0 =	vld [tilespmem:s25+$0x8030]  }
0x555: {  	v4 =	vadd.f32 v4, v3;
	v3 =	vld [tilespmem:s25+$0x30]  }
0x556: {  	v6 =	vadd.f32 v7, v6;
	[tilespmem:s25+$0x8070] =	vst v1;
	v1 =	vld [tilespmem:s25+$0x8040]  }
0x557: {  	s29 =	simm.s32 $0x0;
	[tilespmem:s25+$0x8000] =	vst v4;
	v4 =	vld [tilespmem:s25+$0x40]  }
.LBB2_52:
0x558: {  	s28 =	sadd.s32 $0x80, s28;
	[tilespmem:s25+$0x8010] =	vst v6;
	v2 =	vadd.f32 v5, v2;
	v5 =	vld [tilespmem:s25+$0x8050];
	s26 =	sadd.s32 $0x400, s26  }
0x559: {  	s29 =	sadd.s32 $0x10, s29;
	s0 =	sand.u32 $0x2000, s28;
	s30 =	sand.u32 $0x1C00, s26;
	v6 =	vld [tilespmem:s25+$0x50]  }
0x55a: {  	p0 =	slt.u32 s28, $0x3F80;
	s0 =	sor.u32 s0, s30;
	s30 =	sand.u32 $0x380, s29;
	[tilespmem:s25+$0x8020] =	vst v2;
	v0 =	vadd.f32 v3, v0;
	v2 =	vld [tilespmem:s25+$0x8060]  }
0x55b: {  	s0 =	sor.u32 s30, s0;
	v3 =	vld [tilespmem:s25+$0x60]  }
0x55c: {  	v7 =	vld [tilespmem:s0+$0x8070];
	[tilespmem:s25+$0x8030] =	vst v0;
	v0 =	vadd.f32 v4, v1  }
0x55d: {  	v1 =	vld [tilespmem:s0+$0x70]  }
0x55e: {  	v4 =	vld [tilespmem:s0+$0x8000];
	[tilespmem:s25+$0x8040] =	vst v0;
	v0 =	vadd.f32 v6, v5  }
0x55f: {  	v6 =	vld [tilespmem:s0+$0x0]  }
0x560: {  	v8 =	vld [tilespmem:s0+$0x8010];
	[tilespmem:s25+$0x8050] =	vst v0;
	v0 =	vadd.f32 v3, v2  }
0x561: {  	v9 =	vld [tilespmem:s0+$0x10]  }
0x562: {  	v2 =	vld [tilespmem:s0+$0x8020];
	v1 =	vadd.f32 v1, v7;
	[tilespmem:s25+$0x8060] =	vst v0;
	s25 =	smov.u32 s0  }
.Ltmp25:
0x563: {  	v5 =	vld [tilespmem:s25+$0x20];
	(pc) =	sbr.rel @p0 .LBB2_52-.Ltmp25, $4  }
0x564: {  	v4 =	vadd.f32 v6, v4;
	v0 =	vld [tilespmem:s25+$0x8030];
	[tilespmem:s25+$0x8070] =	vst v1  }
0x565: {  	v3 =	vld [tilespmem:s25+$0x30]  }
0x566: {  	[tilespmem:s25+$0x8000] =	vst v4;
	v6 =	vadd.f32 v9, v8;
	v1 =	vld [tilespmem:s25+$0x8040]  }
0x567: {  	v4 =	vld [tilespmem:s25+$0x40]  }
0x568: {  	v7 =	vld [tilespmem:s25+$0x8050]  }
0x569: {  	v8 =	vld [tilespmem:s25+$0x50]  }
0x56a: {  	v9 =	vld [tilespmem:s25+$0x8060]  }
0x56b: {  	v10 =	vld [tilespmem:s25+$0x60]  }
0x56c: {  	v2 =	vadd.f32 v5, v2  }
0x56d: {  	[tilespmem:s25+$0x8010] =	vst v6;
	v0 =	vadd.f32 v3, v0  }
0x56e: {  	[tilespmem:s25+$0x8020] =	vst v2;
	v1 =	vadd.f32 v4, v1  }
0x56f: {  	[tilespmem:s25+$0x8030] =	vst v0;
	v0 =	vadd.f32 v8, v7  }
0x570: {  	[tilespmem:s25+$0x8040] =	vst v1;
	v1 =	vadd.f32 v10, v9  }
0x571: {  	[tilespmem:s25+$0x8050] =	vst v0  }
0x572: {  	[tilespmem:s25+$0x8060] =	vst v1  }
0x573: {  	s0 =	sld [smem:$0x7FB];
	_ =	sdelay $0x1  }
0x574: {  	s26 =	simm.s32 $0x0  }
0x575: {  	[hbm4b:s0+s26] =	stream.linear.scatter [tilespmem:s16], [sflag:$0x3], $0x4000, $0x38;
	[tilespmem:$0x1C000] =	vst v63  }
0x576: {  	_ =	swait.ge [sflag:s19], $0x4000  }
0x577: {  	[sflag:s19] =	ssyncset.done $0x0  }
0x578: {  	s28 =	simm.s32 $0x0;
	[sflag:s19] =	ssyncadd.s32 $0xFFFFC000  }
0x579: {  	s30 =	sand.u32 $0x2000, s28;
	s31 =	sand.u32 $0x1C00, s26;
	_ =	swait.ge [sflag:s23], $0x4000  }
0x57a: {  	s29 =	sand.u32 $0x380, s26;
	s0 =	sor.u32 s31, s30;
	[sflag:s23] =	ssyncset.done $0x0  }
0x57b: {  	s25 =	sor.u32 s29, s0;
	[sflag:s23] =	ssyncadd.s32 $0xFFFFC000  }
0x57c: {  	[tilespmem:s22], [sflag:$0x2] =	stream.linear.gather [hbm4b:s7+s26], $0x4000, $0x38;
	[tilespmem:$0x1C000] =	vst v63  }
0x57d: {  	v0 =	vld [tilespmem:s25+$0xC070]  }
0x57e: {  	v1 =	vld [tilespmem:s25+$0x70]  }
0x57f: {  	v3 =	vld [tilespmem:s25+$0xC000]  }
0x580: {  	v4 =	vld [tilespmem:s25+$0x0]  }
0x581: {  	v6 =	vld [tilespmem:s25+$0xC010]  }
0x582: {  	v7 =	vld [tilespmem:s25+$0x10]  }
0x583: {  	v2 =	vld [tilespmem:s25+$0xC020]  }
0x584: {  	v5 =	vld [tilespmem:s25+$0x20]  }
0x585: {  	v1 =	vadd.f32 v1, v0;
	v0 =	vld [tilespmem:s25+$0xC030]  }
0x586: {  	v4 =	vadd.f32 v4, v3;
	v3 =	vld [tilespmem:s25+$0x30]  }
0x587: {  	v6 =	vadd.f32 v7, v6;
	[tilespmem:s25+$0xC070] =	vst v1;
	v1 =	vld [tilespmem:s25+$0xC040]  }
0x588: {  	s29 =	simm.s32 $0x0;
	[tilespmem:s25+$0xC000] =	vst v4;
	v4 =	vld [tilespmem:s25+$0x40]  }
.LBB2_54:
0x589: {  	s28 =	sadd.s32 $0x80, s28;
	[tilespmem:s25+$0xC010] =	vst v6;
	v2 =	vadd.f32 v5, v2;
	v5 =	vld [tilespmem:s25+$0xC050];
	s26 =	sadd.s32 $0x400, s26  }
0x58a: {  	s29 =	sadd.s32 $0x10, s29;
	s0 =	sand.u32 $0x2000, s28;
	s30 =	sand.u32 $0x1C00, s26;
	v6 =	vld [tilespmem:s25+$0x50]  }
0x58b: {  	s31 =	sand.u32 $0x380, s29;
	p0 =	slt.u32 s28, $0x3F80;
	s0 =	sor.u32 s30, s0;
	[tilespmem:s25+$0xC020] =	vst v2;
	v0 =	vadd.f32 v3, v0;
	v2 =	vld [tilespmem:s25+$0xC060]  }
0x58c: {  	s0 =	sor.u32 s31, s0;
	v3 =	vld [tilespmem:s25+$0x60]  }
0x58d: {  	v7 =	vld [tilespmem:s0+$0xC070];
	[tilespmem:s25+$0xC030] =	vst v0;
	v0 =	vadd.f32 v4, v1  }
0x58e: {  	v1 =	vld [tilespmem:s0+$0x70]  }
0x58f: {  	v4 =	vld [tilespmem:s0+$0xC000];
	[tilespmem:s25+$0xC040] =	vst v0;
	v0 =	vadd.f32 v6, v5  }
0x590: {  	v6 =	vld [tilespmem:s0+$0x0]  }
0x591: {  	v8 =	vld [tilespmem:s0+$0xC010];
	[tilespmem:s25+$0xC050] =	vst v0;
	v0 =	vadd.f32 v3, v2  }
0x592: {  	v9 =	vld [tilespmem:s0+$0x10]  }
0x593: {  	v2 =	vld [tilespmem:s0+$0xC020];
	v1 =	vadd.f32 v1, v7;
	[tilespmem:s25+$0xC060] =	vst v0;
	s25 =	smov.u32 s0  }
.Ltmp26:
0x594: {  	v5 =	vld [tilespmem:s25+$0x20];
	(pc) =	sbr.rel @p0 .LBB2_54-.Ltmp26, $4  }
0x595: {  	v4 =	vadd.f32 v6, v4;
	v0 =	vld [tilespmem:s25+$0xC030];
	[tilespmem:s25+$0xC070] =	vst v1  }
0x596: {  	v3 =	vld [tilespmem:s25+$0x30]  }
0x597: {  	[tilespmem:s25+$0xC000] =	vst v4;
	v6 =	vadd.f32 v9, v8;
	v1 =	vld [tilespmem:s25+$0xC040]  }
0x598: {  	v4 =	vld [tilespmem:s25+$0x40]  }
0x599: {  	v7 =	vld [tilespmem:s25+$0xC050]  }
0x59a: {  	v8 =	vld [tilespmem:s25+$0x50]  }
0x59b: {  	v9 =	vld [tilespmem:s25+$0xC060]  }
0x59c: {  	v10 =	vld [tilespmem:s25+$0x60]  }
0x59d: {  	v2 =	vadd.f32 v5, v2  }
0x59e: {  	[tilespmem:s25+$0xC010] =	vst v6;
	v0 =	vadd.f32 v3, v0  }
0x59f: {  	[tilespmem:s25+$0xC020] =	vst v2;
	v1 =	vadd.f32 v4, v1  }
0x5a0: {  	[tilespmem:s25+$0xC030] =	vst v0;
	v0 =	vadd.f32 v8, v7  }
0x5a1: {  	[tilespmem:s25+$0xC040] =	vst v1;
	v1 =	vadd.f32 v10, v9  }
0x5a2: {  	[tilespmem:s25+$0xC050] =	vst v0  }
0x5a3: {  	[tilespmem:s25+$0xC060] =	vst v1  }
0x5a4: {  	s0 =	sld [smem:$0x7FD];
	_ =	sdelay $0x1  }
0x5a5: {  	s26 =	simm.s32 $0x0  }
0x5a6: {  	[hbm4b:s0+s26] =	stream.linear.scatter [tilespmem:s17], [sflag:$0x3], $0x4000, $0x38;
	[tilespmem:$0x1C000] =	vst v63  }
0x5a7: {  	_ =	swait.ge [sflag:s19], $0x4000  }
0x5a8: {  	[sflag:s19] =	ssyncset.done $0x0  }
0x5a9: {  	s28 =	simm.s32 $0x0;
	[sflag:s19] =	ssyncadd.s32 $0xFFFFC000  }
0x5aa: {  	s30 =	sand.u32 $0x2000, s28;
	s31 =	sand.u32 $0x1C00, s26;
	_ =	swait.ge [sflag:s23], $0x4000  }
0x5ab: {  	s29 =	sand.u32 $0x380, s26;
	s0 =	sor.u32 s31, s30;
	[sflag:s23] =	ssyncset.done $0x0  }
0x5ac: {  	s25 =	sor.u32 s29, s0;
	[sflag:s23] =	ssyncadd.s32 $0xFFFFC000  }
0x5ad: {  	[tilespmem:s16], [sflag:$0x2] =	stream.linear.gather [hbm4b:s8+s26], $0x4000, $0x38;
	[tilespmem:$0x1C000] =	vst v63  }
0x5ae: {  	v0 =	vld [tilespmem:s25+$0x10070]  }
0x5af: {  	v1 =	vld [tilespmem:s25+$0x70]  }
0x5b0: {  	v3 =	vld [tilespmem:s25+$0x10000]  }
0x5b1: {  	v4 =	vld [tilespmem:s25+$0x0]  }
0x5b2: {  	v6 =	vld [tilespmem:s25+$0x10010]  }
0x5b3: {  	v7 =	vld [tilespmem:s25+$0x10]  }
0x5b4: {  	v2 =	vld [tilespmem:s25+$0x10020]  }
0x5b5: {  	v5 =	vld [tilespmem:s25+$0x20]  }
0x5b6: {  	v1 =	vadd.f32 v1, v0;
	v0 =	vld [tilespmem:s25+$0x10030]  }
0x5b7: {  	v4 =	vadd.f32 v4, v3;
	v3 =	vld [tilespmem:s25+$0x30]  }
0x5b8: {  	v6 =	vadd.f32 v7, v6;
	[tilespmem:s25+$0x10070] =	vst v1;
	v1 =	vld [tilespmem:s25+$0x10040]  }
0x5b9: {  	s29 =	simm.s32 $0x0;
	[tilespmem:s25+$0x10000] =	vst v4;
	v4 =	vld [tilespmem:s25+$0x40]  }
.LBB2_56:
0x5ba: {  	s28 =	sadd.s32 $0x80, s28;
	[tilespmem:s25+$0x10010] =	vst v6;
	v2 =	vadd.f32 v5, v2;
	v5 =	vld [tilespmem:s25+$0x10050];
	s26 =	sadd.s32 $0x400, s26  }
0x5bb: {  	s29 =	sadd.s32 $0x10, s29;
	s0 =	sand.u32 $0x2000, s28;
	s30 =	sand.u32 $0x1C00, s26;
	v6 =	vld [tilespmem:s25+$0x50]  }
0x5bc: {  	s31 =	sand.u32 $0x380, s29;
	p0 =	slt.u32 s28, $0x3F80;
	s0 =	sor.u32 s30, s0;
	[tilespmem:s25+$0x10020] =	vst v2;
	v0 =	vadd.f32 v3, v0;
	v2 =	vld [tilespmem:s25+$0x10060]  }
0x5bd: {  	s0 =	sor.u32 s31, s0;
	v3 =	vld [tilespmem:s25+$0x60]  }
0x5be: {  	v7 =	vld [tilespmem:s0+$0x10070];
	[tilespmem:s25+$0x10030] =	vst v0;
	v0 =	vadd.f32 v4, v1  }
0x5bf: {  	v1 =	vld [tilespmem:s0+$0x70]  }
0x5c0: {  	v4 =	vld [tilespmem:s0+$0x10000];
	[tilespmem:s25+$0x10040] =	vst v0;
	v0 =	vadd.f32 v6, v5  }
0x5c1: {  	v6 =	vld [tilespmem:s0+$0x0]  }
0x5c2: {  	v8 =	vld [tilespmem:s0+$0x10010];
	[tilespmem:s25+$0x10050] =	vst v0;
	v0 =	vadd.f32 v3, v2  }
0x5c3: {  	v9 =	vld [tilespmem:s0+$0x10]  }
0x5c4: {  	v2 =	vld [tilespmem:s0+$0x10020];
	v1 =	vadd.f32 v1, v7;
	[tilespmem:s25+$0x10060] =	vst v0;
	s25 =	smov.u32 s0  }
.Ltmp27:
0x5c5: {  	v5 =	vld [tilespmem:s25+$0x20];
	(pc) =	sbr.rel @p0 .LBB2_56-.Ltmp27, $4  }
0x5c6: {  	v4 =	vadd.f32 v6, v4;
	v0 =	vld [tilespmem:s25+$0x10030];
	[tilespmem:s25+$0x10070] =	vst v1  }
0x5c7: {  	v3 =	vld [tilespmem:s25+$0x30]  }
0x5c8: {  	[tilespmem:s25+$0x10000] =	vst v4;
	v6 =	vadd.f32 v9, v8;
	v1 =	vld [tilespmem:s25+$0x10040]  }
0x5c9: {  	v4 =	vld [tilespmem:s25+$0x40]  }
0x5ca: {  	v7 =	vld [tilespmem:s25+$0x10050]  }
0x5cb: {  	v8 =	vld [tilespmem:s25+$0x50]  }
0x5cc: {  	v9 =	vld [tilespmem:s25+$0x10060]  }
0x5cd: {  	v10 =	vld [tilespmem:s25+$0x60]  }
0x5ce: {  	v2 =	vadd.f32 v5, v2  }
0x5cf: {  	[tilespmem:s25+$0x10010] =	vst v6;
	v0 =	vadd.f32 v3, v0  }
0x5d0: {  	[tilespmem:s25+$0x10020] =	vst v2;
	v1 =	vadd.f32 v4, v1  }
0x5d1: {  	[tilespmem:s25+$0x10030] =	vst v0;
	v0 =	vadd.f32 v8, v7  }
0x5d2: {  	[tilespmem:s25+$0x10040] =	vst v1;
	v1 =	vadd.f32 v10, v9  }
0x5d3: {  	[tilespmem:s25+$0x10050] =	vst v0  }
0x5d4: {  	[tilespmem:s25+$0x10060] =	vst v1;
	s25 =	simm.s32 $0x0  }
0x5d5: {  	[hbm4b:s3+s25] =	stream.linear.scatter [tilespmem:s18], [sflag:$0x3], $0x4000, $0x38;
	[tilespmem:$0x1C000] =	vst v63  }
0x5d6: {  	_ =	swait.ge [sflag:s19], $0x4000  }
0x5d7: {  	[sflag:s19] =	ssyncset.done $0x0  }
0x5d8: {  	[sflag:s19] =	ssyncadd.s32 $0xFFFFC000  }
0x5d9: {  	_ =	swait.ge [sflag:s20], $0x4000  }
0x5da: {  	[sflag:s20] =	ssyncset.done $0x0  }
0x5db: {  	s28 =	simm.s32 $0x0;
	[sflag:s20] =	ssyncadd.s32 $0xFFFFC000  }
0x5dc: {  	s0 =	sand.u32 $0x2000, s28;
	s26 =	sand.u32 $0x1C00, s25;
	_ =	swait.ge [sflag:s23], $0x4000  }
0x5dd: {  	s29 =	sand.u32 $0x380, s25;
	s0 =	sor.u32 s26, s0;
	[sflag:s23] =	ssyncset.done $0x0  }
0x5de: {  	s26 =	sor.u32 s29, s0;
	[sflag:s23] =	ssyncadd.s32 $0xFFFFC000  }
0x5df: {  	[tilespmem:s17], [sflag:$0x2] =	stream.linear.gather [hbm4b:s9+s25], $0x4000, $0x38;
	[tilespmem:$0x1C000] =	vst v63  }
0x5e0: {  	v0 =	vld [tilespmem:s26+$0x14070]  }
0x5e1: {  	v1 =	vld [tilespmem:s26+$0x4070]  }
0x5e2: {  	v3 =	vld [tilespmem:s26+$0x14000]  }
0x5e3: {  	v4 =	vld [tilespmem:s26+$0x4000]  }
0x5e4: {  	v6 =	vld [tilespmem:s26+$0x14010]  }
0x5e5: {  	v7 =	vld [tilespmem:s26+$0x4010]  }
0x5e6: {  	v2 =	vld [tilespmem:s26+$0x14020]  }
0x5e7: {  	v5 =	vld [tilespmem:s26+$0x4020]  }
0x5e8: {  	v1 =	vadd.f32 v1, v0;
	v0 =	vld [tilespmem:s26+$0x14030]  }
0x5e9: {  	v4 =	vadd.f32 v4, v3;
	v3 =	vld [tilespmem:s26+$0x4030]  }
0x5ea: {  	v6 =	vadd.f32 v7, v6;
	[tilespmem:s26+$0x14070] =	vst v1;
	v1 =	vld [tilespmem:s26+$0x14040]  }
0x5eb: {  	s29 =	simm.s32 $0x0;
	[tilespmem:s26+$0x14000] =	vst v4;
	v4 =	vld [tilespmem:s26+$0x4040]  }
.LBB2_58:
0x5ec: {  	s28 =	sadd.s32 $0x80, s28;
	[tilespmem:s26+$0x14010] =	vst v6;
	v2 =	vadd.f32 v5, v2;
	v5 =	vld [tilespmem:s26+$0x14050];
	s25 =	sadd.s32 $0x400, s25  }
0x5ed: {  	s29 =	sadd.s32 $0x10, s29;
	s0 =	sand.u32 $0x2000, s28;
	s30 =	sand.u32 $0x1C00, s25;
	v6 =	vld [tilespmem:s26+$0x4050]  }
0x5ee: {  	s31 =	sand.u32 $0x380, s29;
	p0 =	slt.u32 s28, $0x3F80;
	s0 =	sor.u32 s30, s0;
	[tilespmem:s26+$0x14020] =	vst v2;
	v0 =	vadd.f32 v3, v0;
	v2 =	vld [tilespmem:s26+$0x14060]  }
0x5ef: {  	s0 =	sor.u32 s31, s0;
	v3 =	vld [tilespmem:s26+$0x4060]  }
0x5f0: {  	v7 =	vld [tilespmem:s0+$0x14070];
	[tilespmem:s26+$0x14030] =	vst v0;
	v0 =	vadd.f32 v4, v1  }
0x5f1: {  	v1 =	vld [tilespmem:s0+$0x4070]  }
0x5f2: {  	v4 =	vld [tilespmem:s0+$0x14000];
	[tilespmem:s26+$0x14040] =	vst v0;
	v0 =	vadd.f32 v6, v5  }
0x5f3: {  	v6 =	vld [tilespmem:s0+$0x4000]  }
0x5f4: {  	v8 =	vld [tilespmem:s0+$0x14010];
	[tilespmem:s26+$0x14050] =	vst v0;
	v0 =	vadd.f32 v3, v2  }
0x5f5: {  	v9 =	vld [tilespmem:s0+$0x4010]  }
0x5f6: {  	v2 =	vld [tilespmem:s0+$0x14020];
	v1 =	vadd.f32 v1, v7;
	[tilespmem:s26+$0x14060] =	vst v0;
	s26 =	smov.u32 s0  }
.Ltmp28:
0x5f7: {  	v5 =	vld [tilespmem:s26+$0x4020];
	(pc) =	sbr.rel @p0 .LBB2_58-.Ltmp28, $4  }
0x5f8: {  	v4 =	vadd.f32 v6, v4;
	v0 =	vld [tilespmem:s26+$0x14030];
	[tilespmem:s26+$0x14070] =	vst v1  }
0x5f9: {  	v3 =	vld [tilespmem:s26+$0x4030]  }
0x5fa: {  	[tilespmem:s26+$0x14000] =	vst v4;
	v6 =	vadd.f32 v9, v8;
	v1 =	vld [tilespmem:s26+$0x14040]  }
0x5fb: {  	v4 =	vld [tilespmem:s26+$0x4040]  }
0x5fc: {  	v7 =	vld [tilespmem:s26+$0x14050]  }
0x5fd: {  	v8 =	vld [tilespmem:s26+$0x4050]  }
0x5fe: {  	v9 =	vld [tilespmem:s26+$0x14060]  }
0x5ff: {  	v10 =	vld [tilespmem:s26+$0x4060]  }
0x600: {  	v2 =	vadd.f32 v5, v2  }
0x601: {  	[tilespmem:s26+$0x14010] =	vst v6;
	v0 =	vadd.f32 v3, v0  }
0x602: {  	[tilespmem:s26+$0x14020] =	vst v2;
	v1 =	vadd.f32 v4, v1  }
0x603: {  	[tilespmem:s26+$0x14030] =	vst v0;
	v0 =	vadd.f32 v8, v7  }
0x604: {  	[tilespmem:s26+$0x14040] =	vst v1;
	v1 =	vadd.f32 v10, v9  }
0x605: {  	[tilespmem:s26+$0x14050] =	vst v0  }
0x606: {  	s28 =	simm.s32 $0x0;
	[tilespmem:s26+$0x14060] =	vst v1;
	s26 =	simm.s32 $0x0  }
0x607: {  	[hbm4b:s10+s26] =	stream.linear.scatter [tilespmem:s21], [sflag:$0x3], $0x4000, $0x38;
	[tilespmem:$0x1C000] =	vst v63  }
0x608: {  	s0 =	sand.u32 $0x2000, s28;
	s25 =	sand.u32 $0x1C00, s26;
	_ =	swait.ge [sflag:s19], $0x4000  }
0x609: {  	s29 =	sand.u32 $0x380, s26;
	s0 =	sor.u32 s25, s0;
	[sflag:s19] =	ssyncset.done $0x0  }
0x60a: {  	s25 =	sor.u32 s29, s0;
	[sflag:s19] =	ssyncadd.s32 $0xFFFFC000  }
0x60b: {  	v0 =	vld [tilespmem:s25+$0x18070]  }
0x60c: {  	v1 =	vld [tilespmem:s25+$0x4070]  }
0x60d: {  	v3 =	vld [tilespmem:s25+$0x18000]  }
0x60e: {  	v4 =	vld [tilespmem:s25+$0x4000]  }
0x60f: {  	v6 =	vld [tilespmem:s25+$0x18010]  }
0x610: {  	v7 =	vld [tilespmem:s25+$0x4010]  }
0x611: {  	v2 =	vld [tilespmem:s25+$0x18020]  }
0x612: {  	v5 =	vld [tilespmem:s25+$0x4020]  }
0x613: {  	v1 =	vadd.f32 v1, v0;
	v0 =	vld [tilespmem:s25+$0x18030]  }
0x614: {  	v4 =	vadd.f32 v4, v3;
	v3 =	vld [tilespmem:s25+$0x4030]  }
0x615: {  	v6 =	vadd.f32 v7, v6;
	[tilespmem:s25+$0x18070] =	vst v1;
	v1 =	vld [tilespmem:s25+$0x18040]  }
0x616: {  	s29 =	simm.s32 $0x0;
	[tilespmem:s25+$0x18000] =	vst v4;
	v4 =	vld [tilespmem:s25+$0x4040]  }
.LBB2_60:
0x617: {  	s28 =	sadd.s32 $0x80, s28;
	[tilespmem:s25+$0x18010] =	vst v6;
	v2 =	vadd.f32 v5, v2;
	v5 =	vld [tilespmem:s25+$0x18050];
	s26 =	sadd.s32 $0x400, s26  }
0x618: {  	s29 =	sadd.s32 $0x10, s29;
	s0 =	sand.u32 $0x2000, s28;
	s30 =	sand.u32 $0x1C00, s26;
	v6 =	vld [tilespmem:s25+$0x4050]  }
0x619: {  	s31 =	sand.u32 $0x380, s29;
	p0 =	slt.u32 s28, $0x3F80;
	s0 =	sor.u32 s30, s0;
	[tilespmem:s25+$0x18020] =	vst v2;
	v0 =	vadd.f32 v3, v0;
	v2 =	vld [tilespmem:s25+$0x18060]  }
0x61a: {  	s0 =	sor.u32 s31, s0;
	v3 =	vld [tilespmem:s25+$0x4060]  }
0x61b: {  	v7 =	vld [tilespmem:s0+$0x18070];
	[tilespmem:s25+$0x18030] =	vst v0;
	v0 =	vadd.f32 v4, v1  }
0x61c: {  	v1 =	vld [tilespmem:s0+$0x4070]  }
0x61d: {  	v4 =	vld [tilespmem:s0+$0x18000];
	[tilespmem:s25+$0x18040] =	vst v0;
	v0 =	vadd.f32 v6, v5  }
0x61e: {  	v6 =	vld [tilespmem:s0+$0x4000]  }
0x61f: {  	v8 =	vld [tilespmem:s0+$0x18010];
	[tilespmem:s25+$0x18050] =	vst v0;
	v0 =	vadd.f32 v3, v2  }
0x620: {  	v9 =	vld [tilespmem:s0+$0x4010]  }
0x621: {  	v2 =	vld [tilespmem:s0+$0x18020];
	v1 =	vadd.f32 v1, v7;
	[tilespmem:s25+$0x18060] =	vst v0;
	s25 =	smov.u32 s0  }
.Ltmp29:
0x622: {  	v5 =	vld [tilespmem:s25+$0x4020];
	(pc) =	sbr.rel @p0 .LBB2_60-.Ltmp29, $4  }
0x623: {  	v4 =	vadd.f32 v6, v4;
	v0 =	vld [tilespmem:s25+$0x18030];
	[tilespmem:s25+$0x18070] =	vst v1  }
0x624: {  	v3 =	vld [tilespmem:s25+$0x4030]  }
0x625: {  	[tilespmem:s25+$0x18000] =	vst v4;
	v6 =	vadd.f32 v9, v8;
	v1 =	vld [tilespmem:s25+$0x18040]  }
0x626: {  	v4 =	vld [tilespmem:s25+$0x4040]  }
0x627: {  	v7 =	vld [tilespmem:s25+$0x18050]  }
0x628: {  	v8 =	vld [tilespmem:s25+$0x4050]  }
0x629: {  	v9 =	vld [tilespmem:s25+$0x18060]  }
0x62a: {  	v10 =	vld [tilespmem:s25+$0x4060]  }
0x62b: {  	v2 =	vadd.f32 v5, v2  }
0x62c: {  	[tilespmem:s25+$0x18010] =	vst v6;
	v0 =	vadd.f32 v3, v0  }
0x62d: {  	[tilespmem:s25+$0x18020] =	vst v2;
	v1 =	vadd.f32 v4, v1  }
0x62e: {  	[tilespmem:s25+$0x18030] =	vst v0;
	v0 =	vadd.f32 v8, v7  }
0x62f: {  	[tilespmem:s25+$0x18040] =	vst v1;
	v1 =	vadd.f32 v10, v9  }
0x630: {  	[tilespmem:s25+$0x18050] =	vst v0  }
0x631: {  	s26 =	simm.s32 $0x0;
	s28 =	simm.s32 $0x0;
	[tilespmem:s25+$0x18060] =	vst v1  }
0x632: {  	[hbm4b:s11+s26] =	stream.linear.scatter [tilespmem:s22], [sflag:$0x3], $0x4000, $0x38;
	[tilespmem:$0x1C000] =	vst v63  }
0x633: {  	s0 =	sand.u32 $0x2000, s28;
	s31 =	sand.u32 $0x1C00, s26;
	_ =	swait.ge [sflag:s19], $0x4000  }
0x634: {  	s29 =	sand.u32 $0x380, s26;
	s0 =	sor.u32 s31, s0;
	[sflag:s19] =	ssyncset.done $0x0  }
0x635: {  	s25 =	sor.u32 s29, s0;
	[sflag:s19] =	ssyncadd.s32 $0xFFFFC000  }
0x636: {  	v0 =	vld [tilespmem:s25+$0x8070]  }
0x637: {  	v1 =	vld [tilespmem:s25+$0x4070]  }
0x638: {  	v3 =	vld [tilespmem:s25+$0x8000]  }
0x639: {  	v4 =	vld [tilespmem:s25+$0x4000]  }
0x63a: {  	v6 =	vld [tilespmem:s25+$0x8010]  }
0x63b: {  	v7 =	vld [tilespmem:s25+$0x4010]  }
0x63c: {  	v2 =	vld [tilespmem:s25+$0x8020]  }
0x63d: {  	v5 =	vld [tilespmem:s25+$0x4020]  }
0x63e: {  	v1 =	vadd.f32 v1, v0;
	v0 =	vld [tilespmem:s25+$0x8030]  }
0x63f: {  	v4 =	vadd.f32 v4, v3;
	v3 =	vld [tilespmem:s25+$0x4030]  }
0x640: {  	v6 =	vadd.f32 v7, v6;
	[tilespmem:s25+$0x8070] =	vst v1;
	v1 =	vld [tilespmem:s25+$0x8040]  }
0x641: {  	s29 =	simm.s32 $0x0;
	[tilespmem:s25+$0x8000] =	vst v4;
	v4 =	vld [tilespmem:s25+$0x4040]  }
.LBB2_62:
0x642: {  	s28 =	sadd.s32 $0x80, s28;
	[tilespmem:s25+$0x8010] =	vst v6;
	v2 =	vadd.f32 v5, v2;
	v5 =	vld [tilespmem:s25+$0x8050];
	s26 =	sadd.s32 $0x400, s26  }
0x643: {  	s29 =	sadd.s32 $0x10, s29;
	s0 =	sand.u32 $0x2000, s28;
	s30 =	sand.u32 $0x1C00, s26;
	v6 =	vld [tilespmem:s25+$0x4050]  }
0x644: {  	s31 =	sand.u32 $0x380, s29;
	p0 =	slt.u32 s28, $0x3F80;
	s0 =	sor.u32 s30, s0;
	[tilespmem:s25+$0x8020] =	vst v2;
	v0 =	vadd.f32 v3, v0;
	v2 =	vld [tilespmem:s25+$0x8060]  }
0x645: {  	s0 =	sor.u32 s31, s0;
	v3 =	vld [tilespmem:s25+$0x4060]  }
0x646: {  	v7 =	vld [tilespmem:s0+$0x8070];
	[tilespmem:s25+$0x8030] =	vst v0;
	v0 =	vadd.f32 v4, v1  }
0x647: {  	v1 =	vld [tilespmem:s0+$0x4070]  }
0x648: {  	v4 =	vld [tilespmem:s0+$0x8000];
	[tilespmem:s25+$0x8040] =	vst v0;
	v0 =	vadd.f32 v6, v5  }
0x649: {  	v6 =	vld [tilespmem:s0+$0x4000]  }
0x64a: {  	v8 =	vld [tilespmem:s0+$0x8010];
	[tilespmem:s25+$0x8050] =	vst v0;
	v0 =	vadd.f32 v3, v2  }
0x64b: {  	v9 =	vld [tilespmem:s0+$0x4010]  }
0x64c: {  	v2 =	vld [tilespmem:s0+$0x8020];
	v1 =	vadd.f32 v1, v7;
	[tilespmem:s25+$0x8060] =	vst v0;
	s25 =	smov.u32 s0  }
.Ltmp30:
0x64d: {  	v5 =	vld [tilespmem:s25+$0x4020];
	(pc) =	sbr.rel @p0 .LBB2_62-.Ltmp30, $4  }
0x64e: {  	v4 =	vadd.f32 v6, v4;
	v0 =	vld [tilespmem:s25+$0x8030];
	[tilespmem:s25+$0x8070] =	vst v1  }
0x64f: {  	v3 =	vld [tilespmem:s25+$0x4030]  }
0x650: {  	[tilespmem:s25+$0x8000] =	vst v4;
	v6 =	vadd.f32 v9, v8;
	v1 =	vld [tilespmem:s25+$0x8040]  }
0x651: {  	v4 =	vld [tilespmem:s25+$0x4040]  }
0x652: {  	v7 =	vld [tilespmem:s25+$0x8050]  }
0x653: {  	v8 =	vld [tilespmem:s25+$0x4050]  }
0x654: {  	v9 =	vld [tilespmem:s25+$0x8060]  }
0x655: {  	v10 =	vld [tilespmem:s25+$0x4060]  }
0x656: {  	v2 =	vadd.f32 v5, v2  }
0x657: {  	[tilespmem:s25+$0x8010] =	vst v6;
	v0 =	vadd.f32 v3, v0  }
0x658: {  	[tilespmem:s25+$0x8020] =	vst v2;
	v1 =	vadd.f32 v4, v1  }
0x659: {  	[tilespmem:s25+$0x8030] =	vst v0;
	v0 =	vadd.f32 v8, v7  }
0x65a: {  	[tilespmem:s25+$0x8040] =	vst v1;
	v1 =	vadd.f32 v10, v9  }
0x65b: {  	[tilespmem:s25+$0x8050] =	vst v0  }
0x65c: {  	s26 =	simm.s32 $0x0;
	s28 =	simm.s32 $0x0;
	[tilespmem:s25+$0x8060] =	vst v1  }
0x65d: {  	[hbm4b:s12+s26] =	stream.linear.scatter [tilespmem:s16], [sflag:$0x3], $0x4000, $0x38;
	[tilespmem:$0x1C000] =	vst v63  }
0x65e: {  	s0 =	sand.u32 $0x2000, s28;
	s30 =	sand.u32 $0x1C00, s26;
	_ =	swait.ge [sflag:s19], $0x4000  }
0x65f: {  	s31 =	sand.u32 $0x380, s26;
	s0 =	sor.u32 s0, s30;
	[sflag:s19] =	ssyncset.done $0x0  }
0x660: {  	s25 =	sor.u32 s31, s0;
	[sflag:s19] =	ssyncadd.s32 $0xFFFFC000  }
0x661: {  	v0 =	vld [tilespmem:s25+$0xC070]  }
0x662: {  	v1 =	vld [tilespmem:s25+$0x4070]  }
0x663: {  	v3 =	vld [tilespmem:s25+$0xC000]  }
0x664: {  	v4 =	vld [tilespmem:s25+$0x4000]  }
0x665: {  	v6 =	vld [tilespmem:s25+$0xC010]  }
0x666: {  	v7 =	vld [tilespmem:s25+$0x4010]  }
0x667: {  	v2 =	vld [tilespmem:s25+$0xC020]  }
0x668: {  	v5 =	vld [tilespmem:s25+$0x4020]  }
0x669: {  	v1 =	vadd.f32 v1, v0;
	v0 =	vld [tilespmem:s25+$0xC030]  }
0x66a: {  	v4 =	vadd.f32 v4, v3;
	v3 =	vld [tilespmem:s25+$0x4030]  }
0x66b: {  	v6 =	vadd.f32 v7, v6;
	[tilespmem:s25+$0xC070] =	vst v1;
	v1 =	vld [tilespmem:s25+$0xC040]  }
0x66c: {  	s29 =	simm.s32 $0x0;
	[tilespmem:s25+$0xC000] =	vst v4;
	v4 =	vld [tilespmem:s25+$0x4040]  }
.LBB2_64:
0x66d: {  	s28 =	sadd.s32 $0x80, s28;
	[tilespmem:s25+$0xC010] =	vst v6;
	v2 =	vadd.f32 v5, v2;
	v5 =	vld [tilespmem:s25+$0xC050];
	s26 =	sadd.s32 $0x400, s26  }
0x66e: {  	s29 =	sadd.s32 $0x10, s29;
	s0 =	sand.u32 $0x2000, s28;
	s30 =	sand.u32 $0x1C00, s26;
	v6 =	vld [tilespmem:s25+$0x4050]  }
0x66f: {  	p0 =	slt.u32 s28, $0x3F80;
	s0 =	sor.u32 s0, s30;
	s30 =	sand.u32 $0x380, s29;
	[tilespmem:s25+$0xC020] =	vst v2;
	v0 =	vadd.f32 v3, v0;
	v2 =	vld [tilespmem:s25+$0xC060]  }
0x670: {  	s0 =	sor.u32 s30, s0;
	v3 =	vld [tilespmem:s25+$0x4060]  }
0x671: {  	v7 =	vld [tilespmem:s0+$0xC070];
	[tilespmem:s25+$0xC030] =	vst v0;
	v0 =	vadd.f32 v4, v1  }
0x672: {  	v1 =	vld [tilespmem:s0+$0x4070]  }
0x673: {  	v4 =	vld [tilespmem:s0+$0xC000];
	[tilespmem:s25+$0xC040] =	vst v0;
	v0 =	vadd.f32 v6, v5  }
0x674: {  	v6 =	vld [tilespmem:s0+$0x4000]  }
0x675: {  	v8 =	vld [tilespmem:s0+$0xC010];
	[tilespmem:s25+$0xC050] =	vst v0;
	v0 =	vadd.f32 v3, v2  }
0x676: {  	v9 =	vld [tilespmem:s0+$0x4010]  }
0x677: {  	v2 =	vld [tilespmem:s0+$0xC020];
	v1 =	vadd.f32 v1, v7;
	[tilespmem:s25+$0xC060] =	vst v0;
	s25 =	smov.u32 s0  }
.Ltmp31:
0x678: {  	v5 =	vld [tilespmem:s25+$0x4020];
	(pc) =	sbr.rel @p0 .LBB2_64-.Ltmp31, $4  }
0x679: {  	v4 =	vadd.f32 v6, v4;
	v0 =	vld [tilespmem:s25+$0xC030];
	[tilespmem:s25+$0xC070] =	vst v1  }
0x67a: {  	v3 =	vld [tilespmem:s25+$0x4030]  }
0x67b: {  	[tilespmem:s25+$0xC000] =	vst v4;
	v6 =	vadd.f32 v9, v8;
	v1 =	vld [tilespmem:s25+$0xC040]  }
0x67c: {  	v4 =	vld [tilespmem:s25+$0x4040]  }
0x67d: {  	v7 =	vld [tilespmem:s25+$0xC050]  }
0x67e: {  	v8 =	vld [tilespmem:s25+$0x4050]  }
0x67f: {  	v9 =	vld [tilespmem:s25+$0xC060]  }
0x680: {  	v10 =	vld [tilespmem:s25+$0x4060]  }
0x681: {  	v2 =	vadd.f32 v5, v2  }
0x682: {  	[tilespmem:s25+$0xC010] =	vst v6;
	v0 =	vadd.f32 v3, v0  }
0x683: {  	[tilespmem:s25+$0xC020] =	vst v2;
	v1 =	vadd.f32 v4, v1  }
0x684: {  	[tilespmem:s25+$0xC030] =	vst v0;
	v62 =	vadd.f32 v8, v7  }
0x685: {  	v63 =	vadd.f32 v10, v9;
	[tilespmem:s25+$0xC040] =	vst v1  }
0x686: {  	[tilespmem:s25+$0xC050] =	vst v62  }
0x687: {  	[tilespmem:s25+$0xC060] =	vst v63  }
0x688: {  	[hbm4b:s13+s1] =	stream.linear.scatter [tilespmem:s17], [sflag:$0x3], $0x4000, $0x38;
	[tilespmem:$0x1C000] =	vst v63  }
0x689: {  	_ =	swait.ge [sflag:s23], $0x4000  }
0x68a: {  	[sflag:s23] =	ssyncset.done $0x0  }
0x68b: {  	[sflag:s23] =	ssyncadd.s32 $0xFFFFC000  }
0x68c: {  	_ =	swait.ge [sflag:s23], $0x4000  }
0x68d: {  	[sflag:s23] =	ssyncset.done $0x0  }
0x68e: {  	[sflag:s23] =	ssyncadd.s32 $0xFFFFC000  }
0x68f: {  	_ =	swait.ge [sflag:s23], $0x4000  }
0x690: {  	[sflag:s23] =	ssyncset.done $0x0  }
0x691: {  	s24 =	sadd.s32 $0x1, s24;
	[sflag:s23] =	ssyncadd.s32 $0xFFFFC000  }
0x692: {  	p0 =	sne.s32 s24, s14;
	_ =	swait.ge [sflag:s23], $0x4000  }
.Ltmp32:
0x693: {  	[sflag:s23] =	ssyncset.done $0x0;
	(pc) =	sbr.rel @p0 .LBB2_1-.Ltmp32, $4  }
0x694: {  	[sflag:s23] =	ssyncadd.s32 $0xFFFFC000  }
0x695: {  	_ =	swait.ge [sflag:s23], $0x4000  }
0x696: {  	[sflag:s23] =	ssyncset.done $0x0  }
0x697: {  	[sflag:s23] =	ssyncadd.s32 $0xFFFFC000  }
0x698: {  	_ =	sfence.sel $0x180000  }
0x699: {  	[bflag:$0x0] =	sbarrier.arrive $0xFFFF  }
0x69a: {  	_ =	strace $0x90000047  }
0x69b: {  	s0 =	stileid.u32;
	[bflag:$0x2] =	sbarrier.arrive $0xFFFF  }
0x69c: {  	p0 =	sne.s32 s0, $0x0;
	s0 =	rddreg [dreg:$0x3]  }
0x69d: {  	s0 =	sadd.s32 @!p0 $0x100000, s0  }
0x69e: {  	[sflag:s0] =	ssyncadd.tile.s32 @!p0 $0x1;
	_ =	shalt  }
.Lfunc_end2:
_tile_overlayer_lowered:
.L_overlay_start_2:
0x69f: {  	(tag) =	ssettag $0x2  }
0x6a0: {  	s0 =	rddreg [dreg:$0x0];
	s2 =	stileid.u32  }
0x6a1: {  	s1 =	rddreg [dreg:$0x1];
	p0 =	sne.s32 s2, $0x0  }
0x6a2: {  	s3 =	rddreg [dreg:$0x2];
	[bflag:$0x3] =	sbarrier.arrive $0xFFFF;
	s2 =	simm.s32 @!p0 $0x1C04  }
0x6a3: {  	[timem:s3], [sflag:s2] =	dma.local @!p0 [hbm:s0], s1  }
0x6a4: {  	s0 =	simm.s32 @!p0 $0x4  }
0x6a5: {  	_ =	swait.ge @!p0 [sflag:s0], s1  }
0x6a6: {  	s1 =	ssub.s32 @!p0 $0x0, s1;
	[sflag:s0] =	ssyncset.done @!p0 $0x0  }
0x6a7: {  	[sflag:s0] =	ssyncadd.s32 @!p0 s1  }
0x6a8: {  	[bflag:$0x3] =	sbarrier.arrive $0xFFFF  }
0x6a9: {  	_ =	shalt  }

</sc_bundles>
